<compile_context>
chip_gen: v7x
topology: tpu7x:2x2x1
jax: 0.10.2.dev20260603
libtpu: 0.0.44.dev20260713+nightly
codegen_flags: <defaults>
</compile_context>

<pallas_src>
import functools

import jax
import jax.numpy as jnp
from jax import lax
from jax.experimental import pallas as pl
from jax.experimental.pallas import tpu as pltpu
from jax.experimental.pallas import tpu_sc as plsc

N = 10000
NP = 10240
E = 160000
E2 = 170000
EPa = 172032
EC = 512
TN = 128
NT = NP // TN
B = 512
SIDE_N = 994
SIDE_NP = 1024
SIDE_D = 1024
Z1P = 1664
NW = 32
RPW = EPa // NW

LAYERS = ((128, 768, 8, 96), (768, 1024, 8, 128), (1024, 1024, 8, 128),
          (1024, 128, 1, 128))

_f32 = jnp.float32
_i32 = jnp.int32
_bf16 = jnp.bfloat16


def _att_mats(a_s, a_d, F, heads, ocw):
    rows = jnp.arange(F, dtype=_i32) // ocw
    As = jnp.zeros((F, 16), _f32).at[jnp.arange(F), rows].set(a_s.reshape(F))
    Ad = jnp.zeros((F, 16), _f32).at[jnp.arange(F), rows].set(a_d.reshape(F))
    return As, Ad


def _packed(F):
    return F >= 256


def _gw(F):
    return F // 2 if _packed(F) else F


def _gdt(F):
    return _i32 if _packed(F) else _f32


def _pack(h, F):
    if not _packed(F):
        return h
    au = lax.bitcast_convert_type(
        h[:, :F // 2].astype(jnp.bfloat16).astype(_f32), jnp.uint32)
    bu = lax.bitcast_convert_type(
        h[:, F // 2:].astype(jnp.bfloat16).astype(_f32), jnp.uint32)
    return lax.bitcast_convert_type((au >> 16) | bu, _i32)


def _unpack(vv, F):
    vu = lax.bitcast_convert_type(vv, jnp.uint32)
    af = lax.bitcast_convert_type(vu << 16, _f32)
    bf = lax.bitcast_convert_type(vu & jnp.uint32(0xFFFF0000), _f32)
    return jnp.concatenate([af, bf], axis=1)


def _rep_mat(F, ocw):
    return (jnp.arange(F, dtype=_i32)[None, :] // ocw
            == jnp.arange(16, dtype=_i32)[:, None]).astype(_f32)


def _make_mm_first(K, F, interpret=False):
    def body(x_ref, w_ref, ad_ref, hb_ref, ald_ref):
        h = jnp.dot(x_ref[...].astype(_bf16), w_ref[...].astype(_bf16),
                    preferred_element_type=_f32)
        hb_ref[...] = _pack(h, F)
        ald_ref[...] = jnp.dot(h, ad_ref[...], preferred_element_type=_f32)

    return pl.pallas_call(
        body,
        grid=(NP // 256,),
        in_specs=[
            pl.BlockSpec((256, K), lambda i: (i, 0)),
            pl.BlockSpec((K, F), lambda i: (0, 0)),
            pl.BlockSpec((F, 16), lambda i: (0, 0)),
        ],
        out_specs=[
            pl.BlockSpec((256, _gw(F)), lambda i: (i, 0)),
            pl.BlockSpec((256, 16), lambda i: (i, 0)),
        ],
        out_shape=[
            jax.ShapeDtypeStruct((NP, _gw(F)), _gdt(F)),
            jax.ShapeDtypeStruct((NP, 16), _f32),
        ],
        interpret=interpret,
    )


def _make_mm_next(K, F, interpret=False):
    def body(u_ref, s_ref, r_ref, b_ref, w_ref, ad_ref, hb_ref, ald_ref):
        sexp = jnp.dot(s_ref[...], r_ref[...],
                       preferred_element_type=_f32) + 1e-16
        xv = jnp.maximum(u_ref[...] / sexp + b_ref[...], 0.0)
        h = jnp.dot(xv.astype(_bf16), w_ref[...].astype(_bf16),
                    preferred_element_type=_f32)
        hb_ref[...] = _pack(h, F)
        ald_ref[...] = jnp.dot(h, ad_ref[...], preferred_element_type=_f32)

    return pl.pallas_call(
        body,
        grid=(NP // 256,),
        in_specs=[
            pl.BlockSpec((256, K), lambda i: (i, 0)),
            pl.BlockSpec((256, 16), lambda i: (i, 0)),
            pl.BlockSpec((16, K), lambda i: (0, 0)),
            pl.BlockSpec((1, K), lambda i: (0, 0)),
            pl.BlockSpec((K, F), lambda i: (0, 0)),
            pl.BlockSpec((F, 16), lambda i: (0, 0)),
        ],
        out_specs=[
            pl.BlockSpec((256, _gw(F)), lambda i: (i, 0)),
            pl.BlockSpec((256, 16), lambda i: (i, 0)),
        ],
        out_shape=[
            jax.ShapeDtypeStruct((NP, _gw(F)), _gdt(F)),
            jax.ShapeDtypeStruct((NP, 16), _f32),
        ],
        interpret=interpret,
    )


def _sc_mesh():
    return plsc.VectorSubcoreMesh(core_axis_name="c", subcore_axis_name="s",
                                  num_cores=2, num_subcores=16)


def _sc_gather_rows(table, srcs, F, G, dtype=_f32, n_edges=EPa):
    rpw = n_edges // NW
    nch = rpw // G
    assert rpw % G == 0 and nch % 2 == 0
    npairs = nch // 2

    def body(tab_hbm, src_hbm, out_hbm, idx0, idx1, rows0, rows1, sem0, sem1):
        wid = lax.axis_index("s") * 2 + lax.axis_index("c")
        base = wid * rpw

        pltpu.sync_copy(src_hbm.at[pl.ds(base, G)], idx0)
        pltpu.async_copy(tab_hbm.at[idx0], rows0, sem0)

        def pair(cc, carry):
            c = cc * 2
            b0 = base + c * G
            b1 = b0 + G
            pltpu.make_async_copy(tab_hbm.at[idx0], rows0, sem0).wait()
            pltpu.sync_copy(src_hbm.at[pl.ds(b1, G)], idx1)
            pltpu.async_copy(tab_hbm.at[idx1], rows1, sem1)
            pltpu.sync_copy(rows0, out_hbm.at[pl.ds(b0, G)])
            pltpu.make_async_copy(tab_hbm.at[idx1], rows1, sem1).wait()

            @pl.when(cc + 1 < npairs)
            def _():
                b2 = b0 + 2 * G
                pltpu.sync_copy(src_hbm.at[pl.ds(b2, G)], idx0)
                pltpu.async_copy(tab_hbm.at[idx0], rows0, sem0)

            pltpu.sync_copy(rows1, out_hbm.at[pl.ds(b1, G)])
            return carry

        lax.fori_loop(0, npairs, pair, 0)

    f = pl.kernel(
        body,
        out_type=jax.ShapeDtypeStruct((n_edges, F), dtype),
        mesh=_sc_mesh(),
        scratch_types=[
            pltpu.VMEM((G,), _i32),
            pltpu.VMEM((G,), _i32),
            pltpu.VMEM((G, F), dtype),
            pltpu.VMEM((G, F), dtype),
            pltpu.SemaphoreType.DMA,
            pltpu.SemaphoreType.DMA,
        ],
    )
    return f(table, srcs)


def _make_seg(F, lo=0, hi=EPa, interpret=False):
    assert lo % EC == 0
    def body(off_ref, dst_hbm, v_hbm, ald_ref, as_ref, r_ref, u_ref, s_ref,
             dstv0, dstv1, vv0, vv1, uacc, sacc, sd0, sv0, sd1, sv1):
        t = pl.program_id(0)
        start = jnp.maximum((off_ref[t] // EC) * EC, lo)
        end = jnp.minimum(off_ref[t + 1], hi)
        nch = jnp.maximum((end - start + EC - 1) // EC, 0)
        rowids = t * TN + lax.broadcasted_iota(_i32, (TN, EC), 0)
        uacc[...] = jnp.zeros((TN, F), _f32)
        sacc[...] = jnp.zeros((TN, 16), _f32)
        rmat = r_ref[...].astype(_bf16)
        aldt = ald_ref[...].astype(_bf16)
        asm = as_ref[...].astype(_bf16)

        def copies(c, dbuf, vbuf, sd, sv):
            base = pl.multiple_of(start + c * EC, EC)
            vbase = pl.multiple_of(base - lo, EC)
            return (pltpu.make_async_copy(dst_hbm.at[:, pl.ds(base, EC)],
                                          dbuf, sd),
                    pltpu.make_async_copy(v_hbm.at[pl.ds(vbase, EC), :],
                                          vbuf, sv))

        def load(c, dbuf, vbuf, sd, sv):
            cd, cv = copies(c, dbuf, vbuf, sd, sv)
            cd.start()
            cv.start()

        def waitb(c, dbuf, vbuf, sd, sv):
            cd, cv = copies(c, dbuf, vbuf, sd, sv)
            cd.wait()
            cv.wait()

        def compute(dbuf, vbuf):
            vf = _unpack(vbuf[...], F) if _packed(F) else vbuf[...]
            vb = vf.astype(_bf16)
            maskb = (rowids == dbuf[...]).astype(_bf16)
            als_e = jnp.dot(vb, asm, preferred_element_type=_f32)
            ald_e = lax.dot_general(maskb, aldt, (((0,), (0,)), ((), ())),
                                    preferred_element_type=_f32)
            alpha = als_e + ald_e
            alpha = jnp.where(alpha >= 0, alpha, 0.2 * alpha)
            e = jnp.exp(alpha)
            eb = e.astype(_bf16)
            sacc[...] += jnp.dot(maskb, eb, preferred_element_type=_f32)
            eexp = jnp.dot(eb, rmat, preferred_element_type=_f32)
            vw = (vf * eexp).astype(_bf16)
            uacc[...] += jnp.dot(maskb, vw, preferred_element_type=_f32)

        @pl.when(nch > 0)
        def _():
            load(0, dstv0, vv0, sd0, sv0)

        def pair(cc, carry):
            c0 = 2 * cc
            waitb(c0, dstv0, vv0, sd0, sv0)

            @pl.when(c0 + 1 < nch)
            def _():
                load(c0 + 1, dstv1, vv1, sd1, sv1)

            compute(dstv0, vv0)

            @pl.when(c0 + 1 < nch)
            def _():
                waitb(c0 + 1, dstv1, vv1, sd1, sv1)

                @pl.when(c0 + 2 < nch)
                def _():
                    load(c0 + 2, dstv0, vv0, sd0, sv0)

                compute(dstv1, vv1)

            return carry

        lax.fori_loop(0, (nch + 1) // 2, pair, 0)
        u_ref[...] = uacc[...]
        s_ref[...] = sacc[...]

    grid_spec = pltpu.PrefetchScalarGridSpec(
        num_scalar_prefetch=1,
        grid=(NT,),
        in_specs=[
            pl.BlockSpec(memory_space=pltpu.MemorySpace.HBM),
            pl.BlockSpec(memory_space=pltpu.MemorySpace.HBM),
            pl.BlockSpec((TN, 16), lambda i, *_: (i, 0)),
            pl.BlockSpec((F, 16), lambda i, *_: (0, 0)),
            pl.BlockSpec((16, F), lambda i, *_: (0, 0)),
        ],
        out_specs=[
            pl.BlockSpec((TN, F), lambda i, *_: (i, 0)),
            pl.BlockSpec((TN, 16), lambda i, *_: (i, 0)),
        ],
        scratch_shapes=[
            pltpu.VMEM((1, EC), _i32),
            pltpu.VMEM((1, EC), _i32),
            pltpu.VMEM((EC, _gw(F)), _gdt(F)),
            pltpu.VMEM((EC, _gw(F)), _gdt(F)),
            pltpu.VMEM((TN, F), _f32),
            pltpu.VMEM((TN, 16), _f32),
            pltpu.SemaphoreType.DMA,
            pltpu.SemaphoreType.DMA,
            pltpu.SemaphoreType.DMA,
            pltpu.SemaphoreType.DMA,
        ],
    )
    return pl.pallas_call(
        body,
        grid_spec=grid_spec,
        out_shape=[
            jax.ShapeDtypeStruct((NP, F), _f32),
            jax.ShapeDtypeStruct((NP, 16), _f32),
        ],
        interpret=interpret,
    )


def _make_pool(interpret=False):
    def body(boff_ref, u_ref, s_ref, b_ref, g_ref, xs):
        sden = s_ref[:, 0:1] + 1e-16
        xs[...] = jnp.maximum(u_ref[...] / sden + b_ref[...], 0.0)
        iota8 = lax.broadcasted_iota(_i32, (8, 128), 0)

        def g_body(g, carry):
            st = boff_ref[g]
            en = boff_ref[g + 1]
            nch = (en - st + 7) // 8

            def c_body(c, acc):
                r0 = st + c * 8
                rows = xs[pl.ds(r0, 8), :]
                valid = (r0 + iota8) < en
                return jnp.maximum(acc, jnp.where(valid, rows, -1e30))

            acc = lax.fori_loop(0, nch, c_body,
                                jnp.full((8, 128), -1e30, _f32))
            g_ref[pl.ds(g, 1), :] = jnp.max(acc, axis=0, keepdims=True)
            return carry

        lax.fori_loop(0, B, g_body, 0)

    grid_spec = pltpu.PrefetchScalarGridSpec(
        num_scalar_prefetch=1,
        grid=(1,),
        in_specs=[
            pl.BlockSpec((NP, 128), lambda i, *_: (0, 0)),
            pl.BlockSpec((NP, 16), lambda i, *_: (0, 0)),
            pl.BlockSpec((1, 128), lambda i, *_: (0, 0)),
        ],
        out_specs=[pl.BlockSpec((B, 128), lambda i, *_: (0, 0))],
        scratch_shapes=[pltpu.VMEM((NP, 128), _f32)],
    )
    return pl.pallas_call(
        body,
        grid_spec=grid_spec,
        out_shape=[jax.ShapeDtypeStruct((B, 128), _f32)],
        interpret=interpret,
    )


def _make_mlp(interpret=False):
    def body(g_ref, w_ref, z_ref, se_ref, W5, b5, W6, b6, Ww1, bw1, Ww2, bw2,
             Wz1, bz1, Wz2, bz2, Ws1, bs1, Ws2, bs2, freq_ref, dv_ref,
             sv_ref):
        dot = lambda a, bb: jnp.dot(a, bb, preferred_element_type=_f32)
        relu = lambda v: jnp.maximum(v, 0.0)
        g2 = relu(dot(relu(dot(g_ref[...], W5[...]) + b5[...]), W6[...])
                  + b6[...])
        wv = relu(dot(relu(dot(w_ref[...], Ww1[...]) + bw1[...]), Ww2[...])
                  + bw2[...])
        zv = relu(dot(relu(dot(z_ref[...], Wz1[...]) + bz1[...]), Wz2[...])
                  + bz2[...])
        xwz = jnp.tanh(jnp.maximum(jnp.maximum(g2, wv), zv))
        dv = xwz / jnp.maximum(
            jnp.sqrt(jnp.sum(xwz * xwz, axis=1, keepdims=True)), 1e-12)
        sd = jnp.tanh(dot(relu(dot(se_ref[...], Ws1[...]) + bs1[...]),
                          Ws2[...]) + bs2[...])
        sv = sd / jnp.maximum(
            jnp.sqrt(jnp.sum(sd * sd, axis=1, keepdims=True)), 1e-12)
        freq_ref[...] = 5.0 * lax.dot_general(
            dv, sv, (((1,), (1,)), ((), ())), preferred_element_type=_f32)
        dv_ref[...] = dv
        sv_ref[...] = sv

    full = lambda shape: pl.BlockSpec(shape, lambda: tuple(0 for _ in shape))
    in_shapes = [(B, 128), (B, 256), (B, 512), (SIDE_NP, SIDE_D),
                 (128, 64), (1, 64), (64, 64), (1, 64),
                 (256, 256), (1, 256), (256, 64), (1, 64),
                 (512, Z1P), (1, Z1P), (Z1P, 64), (1, 64),
                 (SIDE_D, 64), (1, 64), (64, 64), (1, 64)]
    return pl.pallas_call(
        body,
        in_specs=[full(s) for s in in_shapes],
        out_specs=[full((B, SIDE_NP)), full((B, 64)), full((SIDE_NP, 64))],
        out_shape=[
            jax.ShapeDtypeStruct((B, SIDE_NP), _f32),
            jax.ShapeDtypeStruct((B, 64), _f32),
            jax.ShapeDtypeStruct((SIDE_NP, 64), _f32),
        ],
        interpret=interpret,
    )


def kernel(x, edge_index, batch, w, z, side_effects, params):
    p = params
    loop = jnp.arange(N, dtype=_i32)
    src = jnp.concatenate([edge_index[0].astype(_i32), loop])
    dst = jnp.concatenate([edge_index[1].astype(_i32), loop])
    order = jnp.argsort(dst)
    srcs = src[order]
    dsts = dst[order]
    pad = jnp.full((EPa - E2,), NP - 1, _i32)
    srcs_p = jnp.concatenate([srcs, pad])
    dsts_p = jnp.concatenate([dsts, pad])
    off = jnp.searchsorted(dsts, jnp.arange(NT + 1) * TN).astype(_i32)
    dst2d = dsts_p.reshape(1, EPa)
    boff = jnp.searchsorted(batch, jnp.arange(B + 1)).astype(_i32)
    xp = jnp.zeros((NP, 128), _f32).at[:N].set(x)

    Wl = (p['W1'], p['W2'], p['W3'], p['W4'])
    Al = ((p['a1s'], p['a1d']), (p['a2s'], p['a2d']), (p['a3s'], p['a3d']),
          (p['a4s'], p['a4d']))
    bl = (p['b1'], p['b2'], p['b3'], p['b4'])

    u = s = None
    for li, (K, F, heads, ocw) in enumerate(LAYERS):
        As, Ad = _att_mats(Al[li][0], Al[li][1], F, heads, ocw)
        R = _rep_mat(F, ocw)
        if li == 0:
            hb, ald = _make_mm_first(K, F)(xp, Wl[0], Ad)
        else:
            Rprev = _rep_mat(K, LAYERS[li - 1][3])
            hb, ald = _make_mm_next(K, F)(
                u, s, Rprev, bl[li - 1].reshape(1, K), Wl[li], Ad)
        G = 112 if F >= 1024 else (168 if F >= 512 else 448)
        V = _sc_gather_rows(hb, srcs_p, _gw(F), G, _gdt(F))
        u, s = _make_seg(F)(off, dst2d, V, ald, As, R)

    g = _make_pool()(boff, u, s, bl[3].reshape(1, 128))[0]

    Wz1p = jnp.zeros((512, Z1P), _f32).at[:, :1600].set(p['Wz1'])
    bz1p = jnp.zeros((1, Z1P), _f32).at[:, :1600].set(p['bz1'][None])
    Wz2p = jnp.zeros((Z1P, 64), _f32).at[:1600].set(p['Wz2'])
    sep = jnp.zeros((SIDE_NP, SIDE_D), _f32).at[:SIDE_N].set(side_effects)

    freq_p, dv, sv_p = _make_mlp()(
        g, w, z, sep,
        p['W5'], p['b5'].reshape(1, 64), p['W6'], p['b6'].reshape(1, 64),
        p['Ww1'], p['bw1'].reshape(1, 256), p['Ww2'], p['bw2'].reshape(1, 64),
        Wz1p, bz1p, Wz2p, p['bz2'].reshape(1, 64),
        p['Ws1'], p['bs1'].reshape(1, 64), p['Ws2'], p['bs2'].reshape(1, 64))
    return freq_p[:, :SIDE_N], dv, sv_p[:SIDE_N]

# --- scband reference (transcript-rebuilt; emitter-appended) ---
"""Pipeline reference for scband-model-18889266168402 (READ-ONLY COPY).

The authoritative reference and input builder live on the scoring server;
editing this copy changes nothing except your own understanding.
"""

import jax, jax.numpy as jnp
import numpy as np

N = 10000
E = 160000
B = 512
SIDE_N = 994
SIDE_D = 1024

def _lin(x, W, b):
    return x @ W + b

def _gat(x, src, dst, W, a_s, a_d, b, heads, out_ch, n):
    # PyG GATConv semantics (eval mode, self-loops already appended to src/dst)
    h = (x @ W).reshape(n, heads, out_ch)
    als = jnp.sum(h * a_s[None, :, :], axis=-1)  # [n, heads]
    ald = jnp.sum(h * a_d[None, :, :], axis=-1)
    alpha = jax.nn.leaky_relu(als[src] + ald[dst], 0.2)  # [e, heads]
    m = jax.ops.segment_max(alpha, dst, num_segments=n)
    e = jnp.exp(alpha - m[dst])
    s = jax.ops.segment_sum(e, dst, num_segments=n)
    coef = e / (s[dst] + 1e-16)
    out = jax.ops.segment_sum(h[src] * coef[:, :, None], dst, num_segments=n)
    return out.reshape(n, heads * out_ch) + b

def _forward(x, w, z, side_effects, params, edge_index, batch):
    loop = jnp.arange(N)
    src = jnp.concatenate([edge_index[0], loop])
    dst = jnp.concatenate([edge_index[1], loop])
    p = params
    h = jax.nn.relu(_gat(x, src, dst, p['W1'], p['a1s'], p['a1d'], p['b1'], 8, 96, N))
    h = jax.nn.relu(_gat(h, src, dst, p['W2'], p['a2s'], p['a2d'], p['b2'], 8, 128, N))
    h = jax.nn.relu(_gat(h, src, dst, p['W3'], p['a3s'], p['a3d'], p['b3'], 8, 128, N))
    h = jax.nn.relu(_gat(h, src, dst, p['W4'], p['a4s'], p['a4d'], p['b4'], 1, 128, N))
    g = jax.ops.segment_max(h, batch, num_segments=B)  # global_max_pool
    g = jax.nn.relu(_lin(g, p['W5'], p['b5']))
    # dropout is identity in eval mode
    g = jax.nn.relu(_lin(g, p['W6'], p['b6']))
    wv = jax.nn.relu(_lin(w, p['Ww1'], p['bw1']))
    wv = jax.nn.relu(_lin(wv, p['Ww2'], p['bw2']))
    zv = jax.nn.relu(_lin(z, p['Wz1'], p['bz1']))
    zv = jax.nn.relu(_lin(zv, p['Wz2'], p['bz2']))
    xwz = jnp.tanh(jnp.max(jnp.stack([g, wv, zv]), axis=0))
    side = jnp.tanh(_lin(jax.nn.relu(_lin(side_effects, p['Ws1'], p['bs1'])), p['Ws2'], p['bs2']))
    dv = xwz / jnp.clip(jnp.linalg.norm(xwz, axis=1, keepdims=True), 1e-12)
    sv = side / jnp.clip(jnp.linalg.norm(side, axis=1, keepdims=True), 1e-12)
    freq = 5.0 * (dv @ sv.T)
    return freq, dv, sv

def setup_inputs(seed: int = 0):
    key = jax.random.key(seed)
    ks = jax.random.split(key, 30)
    x = jax.random.normal(ks[0], (N, 128), jnp.float32)
    edge_index = jax.random.randint(ks[1], (2, E), 0, N, dtype=jnp.int32)
    # sorted segment ids covering all B graphs
    batch = jnp.sort(jnp.concatenate([jnp.arange(B, dtype=jnp.int32), jax.random.randint(ks[2], (N - B,), 0, B, dtype=jnp.int32)]))
    w = jax.random.normal(ks[3], (B, 256), jnp.float32)
    z = jax.random.normal(ks[4], (B, 512), jnp.float32)
    side_effects = jax.random.normal(ks[5], (SIDE_N, SIDE_D), jnp.float32)
    def p(k, shape):
        return jax.random.normal(k, shape, jnp.float32) * 0.05
    params = {
        'W1': p(ks[6], (128, 768)), 'a1s': p(ks[7], (8, 96)), 'a1d': p(ks[8], (8, 96)), 'b1': jnp.zeros((768,), jnp.float32),
        'W2': p(ks[9], (768, 1024)), 'a2s': p(ks[10], (8, 128)), 'a2d': p(ks[11], (8, 128)), 'b2': jnp.zeros((1024,), jnp.float32),
        'W3': p(ks[12], (1024, 1024)), 'a3s': p(ks[13], (8, 128)), 'a3d': p(ks[14], (8, 128)), 'b3': jnp.zeros((1024,), jnp.float32),
        'W4': p(ks[15], (1024, 128)), 'a4s': p(ks[16], (1, 128)), 'a4d': p(ks[17], (1, 128)), 'b4': jnp.zeros((128,), jnp.float32),
        'W5': p(ks[18], (128, 64)), 'b5': jnp.zeros((64,), jnp.float32),
        'W6': p(ks[19], (64, 64)), 'b6': jnp.zeros((64,), jnp.float32),
        'Ww1': p(ks[20], (256, 256)), 'bw1': jnp.zeros((256,), jnp.float32),
        'Ww2': p(ks[21], (256, 64)), 'bw2': jnp.zeros((64,), jnp.float32),
        'Wz1': p(ks[22], (512, 1600)), 'bz1': jnp.zeros((1600,), jnp.float32),
        'Wz2': p(ks[23], (1600, 64)), 'bz2': jnp.zeros((64,), jnp.float32),
        'Ws1': p(ks[24], (SIDE_D, 64)), 'bs1': jnp.zeros((64,), jnp.float32),
        'Ws2': p(ks[25], (64, 64)), 'bs2': jnp.zeros((64,), jnp.float32),
    }
    return {'x': x, 'edge_index': edge_index, 'batch': batch, 'w': w, 'z': z, 'side_effects': side_effects, 'params': params}

def reference(x, edge_index, batch, w, z, side_effects, params):
    return _forward(x, w, z, side_effects, params, edge_index, batch)

if __name__ == "__main__":
    import jax
    _d = setup_inputs()
    print(jax.jit(kernel)(*tuple(_d.values())))

</pallas_src>

<mosaic_0001>
#map = affine_map<(d0, d1) -> (0, 0)>
#map1 = affine_map<(d0, d1) -> (0)>
module attributes {stable_mosaic.version = 14 : i64} {
  func.func @body(%arg0: i32, %arg1: i32, %arg2: memref<10240x512xi32, #tpu.memory_space<hbm>>, %arg3: memref<172032xi32, #tpu.memory_space<hbm>>, %arg4: memref<172032x512xi32, #tpu.memory_space<hbm>>, %arg5: memref<112xi32, #tpu.memory_space<vmem>>, %arg6: memref<112xi32, #tpu.memory_space<vmem>>, %arg7: memref<112x512xi32, #tpu.memory_space<vmem>>, %arg8: memref<112x512xi32, #tpu.memory_space<vmem>>, %arg9: memref<!tpu.dma_semaphore, #tpu.memory_space<semaphore_mem>>, %arg10: memref<!tpu.dma_semaphore, #tpu.memory_space<semaphore_mem>>) attributes {dimension_semantics = [#tpu.dimension_semantics<core_parallel>, #tpu.dimension_semantics<subcore_parallel>], iteration_bounds = array<i64: 2, 16>, scalar_prefetch = 0 : i64, scratch_operands = 6 : i64, tpu.core_type = #tpu.core_type<sc_vector_subcore>, window_params = [{transform_indices = #map}, {transform_indices = #map1}, {transform_indices = #map}]} {
    %mul3A = arith.constant 2 : i32
    %mul3A_0 = arith.muli %arg1, %mul3A : i32
    %add3A = arith.addi %mul3A_0, %arg0 : i32
    %mul3A_1 = arith.constant 5376 : i32
    %mul3A_2 = arith.muli %add3A, %mul3A_1 : i32
    "tpu.region"() ({
      %run_scoped3A = tpu.sem_alloc : memref<!tpu.dma_semaphore, #tpu.memory_space<semaphore_mem>>
      %dma_start3A_10 = tpu.memref_slice %arg3[%mul3A_2] : memref<172032xi32, #tpu.memory_space<hbm>> -> memref<112xi32, #tpu.memory_space<hbm>>
      %dma_start3A_11 = tpu.memref_slice %arg3[%mul3A_2] : memref<172032xi32, #tpu.memory_space<hbm>> -> memref<112xi32, #tpu.memory_space<hbm>>
      tpu.enqueue_dma source(%dma_start3A_11 : memref<112xi32, #tpu.memory_space<hbm>>) target(%arg5 : memref<112xi32, #tpu.memory_space<vmem>>) target_semaphore(%run_scoped3A : memref<!tpu.dma_semaphore, #tpu.memory_space<semaphore_mem>>)
      %dma_wait3A = tpu.memref_slice %arg3[%mul3A_2] : memref<172032xi32, #tpu.memory_space<hbm>> -> memref<112xi32, #tpu.memory_space<hbm>>
      %dma_wait3A_12 = tpu.memref_slice %arg3[%mul3A_2] : memref<172032xi32, #tpu.memory_space<hbm>> -> memref<112xi32, #tpu.memory_space<hbm>>
      tpu.wait_dma2 semaphore(%run_scoped3A : memref<!tpu.dma_semaphore, #tpu.memory_space<semaphore_mem>>) src(%dma_wait3A_12 : memref<112xi32, #tpu.memory_space<hbm>>) dst(%arg5 : memref<112xi32, #tpu.memory_space<vmem>>)
      tpu.yield
    }) : () -> ()
    %dma_start3A = arith.constant 0 : i32
    %dma_start3A_3 = arith.constant 0 : i32
    %dma_start3A_4 = tpu.memref_slice %arg2[%dma_start3A, %dma_start3A_3] : memref<10240x512xi32, #tpu.memory_space<hbm>> -> memref<10240x512xi32, #tpu.memory_space<hbm>>
    tpu.enqueue_indirect_dma source(%dma_start3A_4 : memref<10240x512xi32, #tpu.memory_space<hbm>>) target(%arg7 : memref<112x512xi32, #tpu.memory_space<vmem>>) offsets(%arg5 : memref<112xi32, #tpu.memory_space<vmem>>) semaphore(%arg9 : memref<!tpu.dma_semaphore, #tpu.memory_space<semaphore_mem>>)
    %scan3A = arith.constant 0 : i32
    %scan3A_5 = arith.constant 0 : i32
    %scan3A_6 = arith.constant 24 : i32
    %scan3A_7 = arith.addi %scan3A_5, %scan3A_6 : i32
    %scan3A_8 = arith.constant 1 : i32
    scf.for %scan3A_10 = %scan3A_5 to %scan3A_7 step %scan3A_8  : i32 {
      %mul3A_11 = arith.constant 2 : i32
      %mul3A_12 = arith.muli %scan3A_10, %mul3A_11 : i32
      %mul3A_13 = arith.constant 112 : i32
      %mul3A_14 = arith.muli %mul3A_12, %mul3A_13 : i32
      %add3A_15 = arith.addi %mul3A_2, %mul3A_14 : i32
      %add3A_16 = arith.constant 112 : i32
      %add3A_17 = arith.addi %add3A_15, %add3A_16 : i32
      %dma_wait3A = arith.constant 0 : i32
      %dma_wait3A_18 = arith.constant 0 : i32
      %dma_wait3A_19 = tpu.memref_slice %arg2[%dma_wait3A, %dma_wait3A_18] : memref<10240x512xi32, #tpu.memory_space<hbm>> -> memref<10240x512xi32, #tpu.memory_space<hbm>>
      tpu.wait_indirect_dma semaphore(%arg9 : memref<!tpu.dma_semaphore, #tpu.memory_space<semaphore_mem>>) src(%dma_wait3A_19 : memref<10240x512xi32, #tpu.memory_space<hbm>>) dst(%arg7 : memref<112x512xi32, #tpu.memory_space<vmem>>)
      "tpu.region"() ({
        %run_scoped3A = tpu.sem_alloc : memref<!tpu.dma_semaphore, #tpu.memory_space<semaphore_mem>>
        %dma_start3A_30 = tpu.memref_slice %arg3[%add3A_17] : memref<172032xi32, #tpu.memory_space<hbm>> -> memref<112xi32, #tpu.memory_space<hbm>>
        %dma_start3A_31 = tpu.memref_slice %arg3[%add3A_17] : memref<172032xi32, #tpu.memory_space<hbm>> -> memref<112xi32, #tpu.memory_space<hbm>>
        tpu.enqueue_dma source(%dma_start3A_31 : memref<112xi32, #tpu.memory_space<hbm>>) target(%arg6 : memref<112xi32, #tpu.memory_space<vmem>>) target_semaphore(%run_scoped3A : memref<!tpu.dma_semaphore, #tpu.memory_space<semaphore_mem>>)
        %dma_wait3A_32 = tpu.memref_slice %arg3[%add3A_17] : memref<172032xi32, #tpu.memory_space<hbm>> -> memref<112xi32, #tpu.memory_space<hbm>>
        %dma_wait3A_33 = tpu.memref_slice %arg3[%add3A_17] : memref<172032xi32, #tpu.memory_space<hbm>> -> memref<112xi32, #tpu.memory_space<hbm>>
        tpu.wait_dma2 semaphore(%run_scoped3A : memref<!tpu.dma_semaphore, #tpu.memory_space<semaphore_mem>>) src(%dma_wait3A_33 : memref<112xi32, #tpu.memory_space<hbm>>) dst(%arg6 : memref<112xi32, #tpu.memory_space<vmem>>)
        tpu.yield
      }) : () -> ()
      %dma_start3A_20 = arith.constant 0 : i32
      %dma_start3A_21 = arith.constant 0 : i32
      %dma_start3A_22 = tpu.memref_slice %arg2[%dma_start3A_20, %dma_start3A_21] : memref<10240x512xi32, #tpu.memory_space<hbm>> -> memref<10240x512xi32, #tpu.memory_space<hbm>>
      tpu.enqueue_indirect_dma source(%dma_start3A_22 : memref<10240x512xi32, #tpu.memory_space<hbm>>) target(%arg8 : memref<112x512xi32, #tpu.memory_space<vmem>>) offsets(%arg6 : memref<112xi32, #tpu.memory_space<vmem>>) semaphore(%arg10 : memref<!tpu.dma_semaphore, #tpu.memory_space<semaphore_mem>>)
      "tpu.region"() ({
        %run_scoped3A = tpu.sem_alloc : memref<!tpu.dma_semaphore, #tpu.memory_space<semaphore_mem>>
        %dma_start3A_30 = arith.constant 0 : i32
        %dma_start3A_31 = tpu.memref_slice %arg4[%add3A_15, %dma_start3A_30] : memref<172032x512xi32, #tpu.memory_space<hbm>> -> memref<112x512xi32, #tpu.memory_space<hbm>>
        %dma_start3A_32 = arith.constant 0 : i32
        %dma_start3A_33 = tpu.memref_slice %arg4[%add3A_15, %dma_start3A_32] : memref<172032x512xi32, #tpu.memory_space<hbm>> -> memref<112x512xi32, #tpu.memory_space<hbm>>
        tpu.enqueue_dma source(%arg7 : memref<112x512xi32, #tpu.memory_space<vmem>>) target(%dma_start3A_33 : memref<112x512xi32, #tpu.memory_space<hbm>>) target_semaphore(%run_scoped3A : memref<!tpu.dma_semaphore, #tpu.memory_space<semaphore_mem>>)
        %dma_wait3A_34 = arith.constant 0 : i32
        %dma_wait3A_35 = tpu.memref_slice %arg4[%add3A_15, %dma_wait3A_34] : memref<172032x512xi32, #tpu.memory_space<hbm>> -> memref<112x512xi32, #tpu.memory_space<hbm>>
        %dma_wait3A_36 = arith.constant 0 : i32
        %dma_wait3A_37 = tpu.memref_slice %arg4[%add3A_15, %dma_wait3A_36] : memref<172032x512xi32, #tpu.memory_space<hbm>> -> memref<112x512xi32, #tpu.memory_space<hbm>>
        tpu.wait_dma2 semaphore(%run_scoped3A : memref<!tpu.dma_semaphore, #tpu.memory_space<semaphore_mem>>) src(%arg7 : memref<112x512xi32, #tpu.memory_space<vmem>>) dst(%dma_wait3A_37 : memref<112x512xi32, #tpu.memory_space<hbm>>)
        tpu.yield
      }) : () -> ()
      %dma_wait3A_23 = arith.constant 0 : i32
      %dma_wait3A_24 = arith.constant 0 : i32
      %dma_wait3A_25 = tpu.memref_slice %arg2[%dma_wait3A_23, %dma_wait3A_24] : memref<10240x512xi32, #tpu.memory_space<hbm>> -> memref<10240x512xi32, #tpu.memory_space<hbm>>
      tpu.wait_indirect_dma semaphore(%arg10 : memref<!tpu.dma_semaphore, #tpu.memory_space<semaphore_mem>>) src(%dma_wait3A_25 : memref<10240x512xi32, #tpu.memory_space<hbm>>) dst(%arg8 : memref<112x512xi32, #tpu.memory_space<vmem>>)
      %add3A_26 = arith.constant 1 : i32
      %add3A_27 = arith.addi %scan3A_10, %add3A_26 : i32
      %lt3A = arith.constant 24 : i32
      %lt3A_28 = arith.cmpi slt, %add3A_27, %lt3A : i32
      %convert_element_type3A = arith.extui %lt3A_28 : i1 to i32
      %cond3A = arith.constant 0 : i32
      %cond3A_29 = arith.cmpi ne, %convert_element_type3A, %cond3A : i32
      scf.if %cond3A_29 {
        %add3A_30 = arith.constant 224 : i32
        %add3A_31 = arith.addi %add3A_15, %add3A_30 : i32
        "tpu.region"() ({
          %run_scoped3A = tpu.sem_alloc : memref<!tpu.dma_semaphore, #tpu.memory_space<semaphore_mem>>
          %dma_start3A_35 = tpu.memref_slice %arg3[%add3A_31] : memref<172032xi32, #tpu.memory_space<hbm>> -> memref<112xi32, #tpu.memory_space<hbm>>
          %dma_start3A_36 = tpu.memref_slice %arg3[%add3A_31] : memref<172032xi32, #tpu.memory_space<hbm>> -> memref<112xi32, #tpu.memory_space<hbm>>
          tpu.enqueue_dma source(%dma_start3A_36 : memref<112xi32, #tpu.memory_space<hbm>>) target(%arg5 : memref<112xi32, #tpu.memory_space<vmem>>) target_semaphore(%run_scoped3A : memref<!tpu.dma_semaphore, #tpu.memory_space<semaphore_mem>>)
          %dma_wait3A_37 = tpu.memref_slice %arg3[%add3A_31] : memref<172032xi32, #tpu.memory_space<hbm>> -> memref<112xi32, #tpu.memory_space<hbm>>
          %dma_wait3A_38 = tpu.memref_slice %arg3[%add3A_31] : memref<172032xi32, #tpu.memory_space<hbm>> -> memref<112xi32, #tpu.memory_space<hbm>>
          tpu.wait_dma2 semaphore(%run_scoped3A : memref<!tpu.dma_semaphore, #tpu.memory_space<semaphore_mem>>) src(%dma_wait3A_38 : memref<112xi32, #tpu.memory_space<hbm>>) dst(%arg5 : memref<112xi32, #tpu.memory_space<vmem>>)
          tpu.yield
        }) : () -> ()
        %dma_start3A_32 = arith.constant 0 : i32
        %dma_start3A_33 = arith.constant 0 : i32
        %dma_start3A_34 = tpu.memref_slice %arg2[%dma_start3A_32, %dma_start3A_33] : memref<10240x512xi32, #tpu.memory_space<hbm>> -> memref<10240x512xi32, #tpu.memory_space<hbm>>
        tpu.enqueue_indirect_dma source(%dma_start3A_34 : memref<10240x512xi32, #tpu.memory_space<hbm>>) target(%arg7 : memref<112x512xi32, #tpu.memory_space<vmem>>) offsets(%arg5 : memref<112xi32, #tpu.memory_space<vmem>>) semaphore(%arg9 : memref<!tpu.dma_semaphore, #tpu.memory_space<semaphore_mem>>)
      } else {
      }
      "tpu.region"() ({
        %run_scoped3A = tpu.sem_alloc : memref<!tpu.dma_semaphore, #tpu.memory_space<semaphore_mem>>
        %dma_start3A_30 = arith.constant 0 : i32
        %dma_start3A_31 = tpu.memref_slice %arg4[%add3A_17, %dma_start3A_30] : memref<172032x512xi32, #tpu.memory_space<hbm>> -> memref<112x512xi32, #tpu.memory_space<hbm>>
        %dma_start3A_32 = arith.constant 0 : i32
        %dma_start3A_33 = tpu.memref_slice %arg4[%add3A_17, %dma_start3A_32] : memref<172032x512xi32, #tpu.memory_space<hbm>> -> memref<112x512xi32, #tpu.memory_space<hbm>>
        tpu.enqueue_dma source(%arg8 : memref<112x512xi32, #tpu.memory_space<vmem>>) target(%dma_start3A_33 : memref<112x512xi32, #tpu.memory_space<hbm>>) target_semaphore(%run_scoped3A : memref<!tpu.dma_semaphore, #tpu.memory_space<semaphore_mem>>)
        %dma_wait3A_34 = arith.constant 0 : i32
        %dma_wait3A_35 = tpu.memref_slice %arg4[%add3A_17, %dma_wait3A_34] : memref<172032x512xi32, #tpu.memory_space<hbm>> -> memref<112x512xi32, #tpu.memory_space<hbm>>
        %dma_wait3A_36 = arith.constant 0 : i32
        %dma_wait3A_37 = tpu.memref_slice %arg4[%add3A_17, %dma_wait3A_36] : memref<172032x512xi32, #tpu.memory_space<hbm>> -> memref<112x512xi32, #tpu.memory_space<hbm>>
        tpu.wait_dma2 semaphore(%run_scoped3A : memref<!tpu.dma_semaphore, #tpu.memory_space<semaphore_mem>>) src(%arg8 : memref<112x512xi32, #tpu.memory_space<vmem>>) dst(%dma_wait3A_37 : memref<112x512xi32, #tpu.memory_space<hbm>>)
        tpu.yield
      }) : () -> ()
    }
    %scan3A_9 = arith.constant 24 : i32
    return
  }
}

#map = affine_map<(d0, d1) -> (0, 0)>
#map1 = affine_map<(d0, d1) -> (0)>
module attributes {stable_mosaic.version = 14 : i64} {
  func.func @body(%arg0: i32, %arg1: i32, %arg2: memref<10240x512xi32, #tpu.memory_space<hbm>>, %arg3: memref<172032xi32, #tpu.memory_space<hbm>>, %arg4: memref<172032x512xi32, #tpu.memory_space<hbm>>, %arg5: memref<112xi32, #tpu.memory_space<vmem>>, %arg6: memref<112xi32, #tpu.memory_space<vmem>>, %arg7: memref<112x512xi32, #tpu.memory_space<vmem>>, %arg8: memref<112x512xi32, #tpu.memory_space<vmem>>, %arg9: memref<!tpu.dma_semaphore, #tpu.memory_space<semaphore_mem>>, %arg10: memref<!tpu.dma_semaphore, #tpu.memory_space<semaphore_mem>>) attributes {dimension_semantics = [#tpu.dimension_semantics<core_parallel>, #tpu.dimension_semantics<subcore_parallel>], iteration_bounds = array<i64: 2, 16>, scalar_prefetch = 0 : i64, scratch_operands = 6 : i64, tpu.core_type = #tpu.core_type<sc_vector_subcore>, window_params = [{transform_indices = #map}, {transform_indices = #map1}, {transform_indices = #map}]} {
    %mul3A = arith.constant 2 : i32
    %mul3A_0 = arith.muli %arg1, %mul3A : i32
    %add3A = arith.addi %mul3A_0, %arg0 : i32
    %mul3A_1 = arith.constant 5376 : i32
    %mul3A_2 = arith.muli %add3A, %mul3A_1 : i32
    "tpu.region"() ({
      %run_scoped3A = tpu.sem_alloc : memref<!tpu.dma_semaphore, #tpu.memory_space<semaphore_mem>>
      %dma_start3A_10 = tpu.memref_slice %arg3[%mul3A_2] : memref<172032xi32, #tpu.memory_space<hbm>> -> memref<112xi32, #tpu.memory_space<hbm>>
      %dma_start3A_11 = tpu.memref_slice %arg3[%mul3A_2] : memref<172032xi32, #tpu.memory_space<hbm>> -> memref<112xi32, #tpu.memory_space<hbm>>
      tpu.enqueue_dma source(%dma_start3A_11 : memref<112xi32, #tpu.memory_space<hbm>>) target(%arg5 : memref<112xi32, #tpu.memory_space<vmem>>) target_semaphore(%run_scoped3A : memref<!tpu.dma_semaphore, #tpu.memory_space<semaphore_mem>>)
      %dma_wait3A = tpu.memref_slice %arg3[%mul3A_2] : memref<172032xi32, #tpu.memory_space<hbm>> -> memref<112xi32, #tpu.memory_space<hbm>>
      %dma_wait3A_12 = tpu.memref_slice %arg3[%mul3A_2] : memref<172032xi32, #tpu.memory_space<hbm>> -> memref<112xi32, #tpu.memory_space<hbm>>
      tpu.wait_dma2 semaphore(%run_scoped3A : memref<!tpu.dma_semaphore, #tpu.memory_space<semaphore_mem>>) src(%dma_wait3A_12 : memref<112xi32, #tpu.memory_space<hbm>>) dst(%arg5 : memref<112xi32, #tpu.memory_space<vmem>>)
      tpu.yield
    }) : () -> ()
    %dma_start3A = arith.constant 0 : i32
    %dma_start3A_3 = arith.constant 0 : i32
    %dma_start3A_4 = tpu.memref_slice %arg2[%dma_start3A, %dma_start3A_3] : memref<10240x512xi32, #tpu.memory_space<hbm>> -> memref<10240x512xi32, #tpu.memory_space<hbm>>
    tpu.enqueue_indirect_dma source(%dma_start3A_4 : memref<10240x512xi32, #tpu.memory_space<hbm>>) target(%arg7 : memref<112x512xi32, #tpu.memory_space<vmem>>) offsets(%arg5 : memref<112xi32, #tpu.memory_space<vmem>>) semaphore(%arg9 : memref<!tpu.dma_semaphore, #tpu.memory_space<semaphore_mem>>)
    %scan3A = arith.constant 0 : i32
    %scan3A_5 = arith.constant 0 : i32
    %scan3A_6 = arith.constant 24 : i32
    %scan3A_7 = arith.addi %scan3A_5, %scan3A_6 : i32
    %scan3A_8 = arith.constant 1 : i32
    scf.for %scan3A_10 = %scan3A_5 to %scan3A_7 step %scan3A_8  : i32 {
      %mul3A_11 = arith.constant 2 : i32
      %mul3A_12 = arith.muli %scan3A_10, %mul3A_11 : i32
      %mul3A_13 = arith.constant 112 : i32
      %mul3A_14 = arith.muli %mul3A_12, %mul3A_13 : i32
      %add3A_15 = arith.addi %mul3A_2, %mul3A_14 : i32
      %add3A_16 = arith.constant 112 : i32
      %add3A_17 = arith.addi %add3A_15, %add3A_16 : i32
      %dma_wait3A = arith.constant 0 : i32
      %dma_wait3A_18 = arith.constant 0 : i32
      %dma_wait3A_19 = tpu.memref_slice %arg2[%dma_wait3A, %dma_wait3A_18] : memref<10240x512xi32, #tpu.memory_space<hbm>> -> memref<10240x512xi32, #tpu.memory_space<hbm>>
      tpu.wait_indirect_dma semaphore(%arg9 : memref<!tpu.dma_semaphore, #tpu.memory_space<semaphore_mem>>) src(%dma_wait3A_19 : memref<10240x512xi32, #tpu.memory_space<hbm>>) dst(%arg7 : memref<112x512xi32, #tpu.memory_space<vmem>>)
      "tpu.region"() ({
        %run_scoped3A = tpu.sem_alloc : memref<!tpu.dma_semaphore, #tpu.memory_space<semaphore_mem>>
        %dma_start3A_30 = tpu.memref_slice %arg3[%add3A_17] : memref<172032xi32, #tpu.memory_space<hbm>> -> memref<112xi32, #tpu.memory_space<hbm>>
        %dma_start3A_31 = tpu.memref_slice %arg3[%add3A_17] : memref<172032xi32, #tpu.memory_space<hbm>> -> memref<112xi32, #tpu.memory_space<hbm>>
        tpu.enqueue_dma source(%dma_start3A_31 : memref<112xi32, #tpu.memory_space<hbm>>) target(%arg6 : memref<112xi32, #tpu.memory_space<vmem>>) target_semaphore(%run_scoped3A : memref<!tpu.dma_semaphore, #tpu.memory_space<semaphore_mem>>)
        %dma_wait3A_32 = tpu.memref_slice %arg3[%add3A_17] : memref<172032xi32, #tpu.memory_space<hbm>> -> memref<112xi32, #tpu.memory_space<hbm>>
        %dma_wait3A_33 = tpu.memref_slice %arg3[%add3A_17] : memref<172032xi32, #tpu.memory_space<hbm>> -> memref<112xi32, #tpu.memory_space<hbm>>
        tpu.wait_dma2 semaphore(%run_scoped3A : memref<!tpu.dma_semaphore, #tpu.memory_space<semaphore_mem>>) src(%dma_wait3A_33 : memref<112xi32, #tpu.memory_space<hbm>>) dst(%arg6 : memref<112xi32, #tpu.memory_space<vmem>>)
        tpu.yield
      }) : () -> ()
      %dma_start3A_20 = arith.constant 0 : i32
      %dma_start3A_21 = arith.constant 0 : i32
      %dma_start3A_22 = tpu.memref_slice %arg2[%dma_start3A_20, %dma_start3A_21] : memref<10240x512xi32, #tpu.memory_space<hbm>> -> memref<10240x512xi32, #tpu.memory_space<hbm>>
      tpu.enqueue_indirect_dma source(%dma_start3A_22 : memref<10240x512xi32, #tpu.memory_space<hbm>>) target(%arg8 : memref<112x512xi32, #tpu.memory_space<vmem>>) offsets(%arg6 : memref<112xi32, #tpu.memory_space<vmem>>) semaphore(%arg10 : memref<!tpu.dma_semaphore, #tpu.memory_space<semaphore_mem>>)
      "tpu.region"() ({
        %run_scoped3A = tpu.sem_alloc : memref<!tpu.dma_semaphore, #tpu.memory_space<semaphore_mem>>
        %dma_start3A_30 = arith.constant 0 : i32
        %dma_start3A_31 = tpu.memref_slice %arg4[%add3A_15, %dma_start3A_30] : memref<172032x512xi32, #tpu.memory_space<hbm>> -> memref<112x512xi32, #tpu.memory_space<hbm>>
        %dma_start3A_32 = arith.constant 0 : i32
        %dma_start3A_33 = tpu.memref_slice %arg4[%add3A_15, %dma_start3A_32] : memref<172032x512xi32, #tpu.memory_space<hbm>> -> memref<112x512xi32, #tpu.memory_space<hbm>>
        tpu.enqueue_dma source(%arg7 : memref<112x512xi32, #tpu.memory_space<vmem>>) target(%dma_start3A_33 : memref<112x512xi32, #tpu.memory_space<hbm>>) target_semaphore(%run_scoped3A : memref<!tpu.dma_semaphore, #tpu.memory_space<semaphore_mem>>)
        %dma_wait3A_34 = arith.constant 0 : i32
        %dma_wait3A_35 = tpu.memref_slice %arg4[%add3A_15, %dma_wait3A_34] : memref<172032x512xi32, #tpu.memory_space<hbm>> -> memref<112x512xi32, #tpu.memory_space<hbm>>
        %dma_wait3A_36 = arith.constant 0 : i32
        %dma_wait3A_37 = tpu.memref_slice %arg4[%add3A_15, %dma_wait3A_36] : memref<172032x512xi32, #tpu.memory_space<hbm>> -> memref<112x512xi32, #tpu.memory_space<hbm>>
        tpu.wait_dma2 semaphore(%run_scoped3A : memref<!tpu.dma_semaphore, #tpu.memory_space<semaphore_mem>>) src(%arg7 : memref<112x512xi32, #tpu.memory_space<vmem>>) dst(%dma_wait3A_37 : memref<112x512xi32, #tpu.memory_space<hbm>>)
        tpu.yield
      }) : () -> ()
      %dma_wait3A_23 = arith.constant 0 : i32
      %dma_wait3A_24 = arith.constant 0 : i32
      %dma_wait3A_25 = tpu.memref_slice %arg2[%dma_wait3A_23, %dma_wait3A_24] : memref<10240x512xi32, #tpu.memory_space<hbm>> -> memref<10240x512xi32, #tpu.memory_space<hbm>>
      tpu.wait_indirect_dma semaphore(%arg10 : memref<!tpu.dma_semaphore, #tpu.memory_space<semaphore_mem>>) src(%dma_wait3A_25 : memref<10240x512xi32, #tpu.memory_space<hbm>>) dst(%arg8 : memref<112x512xi32, #tpu.memory_space<vmem>>)
      %add3A_26 = arith.constant 1 : i32
      %add3A_27 = arith.addi %scan3A_10, %add3A_26 : i32
      %lt3A = arith.constant 24 : i32
      %lt3A_28 = arith.cmpi slt, %add3A_27, %lt3A : i32
      %convert_element_type3A = arith.extui %lt3A_28 : i1 to i32
      %cond3A = arith.constant 0 : i32
      %cond3A_29 = arith.cmpi ne, %convert_element_type3A, %cond3A : i32
      scf.if %cond3A_29 {
        %add3A_30 = arith.constant 224 : i32
        %add3A_31 = arith.addi %add3A_15, %add3A_30 : i32
        "tpu.region"() ({
          %run_scoped3A = tpu.sem_alloc : memref<!tpu.dma_semaphore, #tpu.memory_space<semaphore_mem>>
          %dma_start3A_35 = tpu.memref_slice %arg3[%add3A_31] : memref<172032xi32, #tpu.memory_space<hbm>> -> memref<112xi32, #tpu.memory_space<hbm>>
          %dma_start3A_36 = tpu.memref_slice %arg3[%add3A_31] : memref<172032xi32, #tpu.memory_space<hbm>> -> memref<112xi32, #tpu.memory_space<hbm>>
          tpu.enqueue_dma source(%dma_start3A_36 : memref<112xi32, #tpu.memory_space<hbm>>) target(%arg5 : memref<112xi32, #tpu.memory_space<vmem>>) target_semaphore(%run_scoped3A : memref<!tpu.dma_semaphore, #tpu.memory_space<semaphore_mem>>)
          %dma_wait3A_37 = tpu.memref_slice %arg3[%add3A_31] : memref<172032xi32, #tpu.memory_space<hbm>> -> memref<112xi32, #tpu.memory_space<hbm>>
          %dma_wait3A_38 = tpu.memref_slice %arg3[%add3A_31] : memref<172032xi32, #tpu.memory_space<hbm>> -> memref<112xi32, #tpu.memory_space<hbm>>
          tpu.wait_dma2 semaphore(%run_scoped3A : memref<!tpu.dma_semaphore, #tpu.memory_space<semaphore_mem>>) src(%dma_wait3A_38 : memref<112xi32, #tpu.memory_space<hbm>>) dst(%arg5 : memref<112xi32, #tpu.memory_space<vmem>>)
          tpu.yield
        }) : () -> ()
        %dma_start3A_32 = arith.constant 0 : i32
        %dma_start3A_33 = arith.constant 0 : i32
        %dma_start3A_34 = tpu.memref_slice %arg2[%dma_start3A_32, %dma_start3A_33] : memref<10240x512xi32, #tpu.memory_space<hbm>> -> memref<10240x512xi32, #tpu.memory_space<hbm>>
        tpu.enqueue_indirect_dma source(%dma_start3A_34 : memref<10240x512xi32, #tpu.memory_space<hbm>>) target(%arg7 : memref<112x512xi32, #tpu.memory_space<vmem>>) offsets(%arg5 : memref<112xi32, #tpu.memory_space<vmem>>) semaphore(%arg9 : memref<!tpu.dma_semaphore, #tpu.memory_space<semaphore_mem>>)
      } else {
      }
      "tpu.region"() ({
        %run_scoped3A = tpu.sem_alloc : memref<!tpu.dma_semaphore, #tpu.memory_space<semaphore_mem>>
        %dma_start3A_30 = arith.constant 0 : i32
        %dma_start3A_31 = tpu.memref_slice %arg4[%add3A_17, %dma_start3A_30] : memref<172032x512xi32, #tpu.memory_space<hbm>> -> memref<112x512xi32, #tpu.memory_space<hbm>>
        %dma_start3A_32 = arith.constant 0 : i32
        %dma_start3A_33 = tpu.memref_slice %arg4[%add3A_17, %dma_start3A_32] : memref<172032x512xi32, #tpu.memory_space<hbm>> -> memref<112x512xi32, #tpu.memory_space<hbm>>
        tpu.enqueue_dma source(%arg8 : memref<112x512xi32, #tpu.memory_space<vmem>>) target(%dma_start3A_33 : memref<112x512xi32, #tpu.memory_space<hbm>>) target_semaphore(%run_scoped3A : memref<!tpu.dma_semaphore, #tpu.memory_space<semaphore_mem>>)
        %dma_wait3A_34 = arith.constant 0 : i32
        %dma_wait3A_35 = tpu.memref_slice %arg4[%add3A_17, %dma_wait3A_34] : memref<172032x512xi32, #tpu.memory_space<hbm>> -> memref<112x512xi32, #tpu.memory_space<hbm>>
        %dma_wait3A_36 = arith.constant 0 : i32
        %dma_wait3A_37 = tpu.memref_slice %arg4[%add3A_17, %dma_wait3A_36] : memref<172032x512xi32, #tpu.memory_space<hbm>> -> memref<112x512xi32, #tpu.memory_space<hbm>>
        tpu.wait_dma2 semaphore(%run_scoped3A : memref<!tpu.dma_semaphore, #tpu.memory_space<semaphore_mem>>) src(%arg8 : memref<112x512xi32, #tpu.memory_space<vmem>>) dst(%dma_wait3A_37 : memref<112x512xi32, #tpu.memory_space<hbm>>)
        tpu.yield
      }) : () -> ()
    }
    %scan3A_9 = arith.constant 24 : i32
    return
  }
}

#map = affine_map<(d0, d1) -> (0, 0)>
#map1 = affine_map<(d0, d1) -> (0)>
module attributes {stable_mosaic.version = 14 : i64} {
  func.func @body(%arg0: i32, %arg1: i32, %arg2: memref<10240x128xf32, #tpu.memory_space<hbm>>, %arg3: memref<172032xi32, #tpu.memory_space<hbm>>, %arg4: memref<172032x128xf32, #tpu.memory_space<hbm>>, %arg5: memref<448xi32, #tpu.memory_space<vmem>>, %arg6: memref<448xi32, #tpu.memory_space<vmem>>, %arg7: memref<448x128xf32, #tpu.memory_space<vmem>>, %arg8: memref<448x128xf32, #tpu.memory_space<vmem>>, %arg9: memref<!tpu.dma_semaphore, #tpu.memory_space<semaphore_mem>>, %arg10: memref<!tpu.dma_semaphore, #tpu.memory_space<semaphore_mem>>) attributes {dimension_semantics = [#tpu.dimension_semantics<core_parallel>, #tpu.dimension_semantics<subcore_parallel>], iteration_bounds = array<i64: 2, 16>, scalar_prefetch = 0 : i64, scratch_operands = 6 : i64, tpu.core_type = #tpu.core_type<sc_vector_subcore>, window_params = [{transform_indices = #map}, {transform_indices = #map1}, {transform_indices = #map}]} {
    %mul3A = arith.constant 2 : i32
    %mul3A_0 = arith.muli %arg1, %mul3A : i32
    %add3A = arith.addi %mul3A_0, %arg0 : i32
    %mul3A_1 = arith.constant 5376 : i32
    %mul3A_2 = arith.muli %add3A, %mul3A_1 : i32
    "tpu.region"() ({
      %run_scoped3A = tpu.sem_alloc : memref<!tpu.dma_semaphore, #tpu.memory_space<semaphore_mem>>
      %dma_start3A_10 = tpu.memref_slice %arg3[%mul3A_2] : memref<172032xi32, #tpu.memory_space<hbm>> -> memref<448xi32, #tpu.memory_space<hbm>>
      %dma_start3A_11 = tpu.memref_slice %arg3[%mul3A_2] : memref<172032xi32, #tpu.memory_space<hbm>> -> memref<448xi32, #tpu.memory_space<hbm>>
      tpu.enqueue_dma source(%dma_start3A_11 : memref<448xi32, #tpu.memory_space<hbm>>) target(%arg5 : memref<448xi32, #tpu.memory_space<vmem>>) target_semaphore(%run_scoped3A : memref<!tpu.dma_semaphore, #tpu.memory_space<semaphore_mem>>)
      %dma_wait3A = tpu.memref_slice %arg3[%mul3A_2] : memref<172032xi32, #tpu.memory_space<hbm>> -> memref<448xi32, #tpu.memory_space<hbm>>
      %dma_wait3A_12 = tpu.memref_slice %arg3[%mul3A_2] : memref<172032xi32, #tpu.memory_space<hbm>> -> memref<448xi32, #tpu.memory_space<hbm>>
      tpu.wait_dma2 semaphore(%run_scoped3A : memref<!tpu.dma_semaphore, #tpu.memory_space<semaphore_mem>>) src(%dma_wait3A_12 : memref<448xi32, #tpu.memory_space<hbm>>) dst(%arg5 : memref<448xi32, #tpu.memory_space<vmem>>)
      tpu.yield
    }) : () -> ()
    %dma_start3A = arith.constant 0 : i32
    %dma_start3A_3 = arith.constant 0 : i32
    %dma_start3A_4 = tpu.memref_slice %arg2[%dma_start3A, %dma_start3A_3] : memref<10240x128xf32, #tpu.memory_space<hbm>> -> memref<10240x128xf32, #tpu.memory_space<hbm>>
    tpu.enqueue_indirect_dma source(%dma_start3A_4 : memref<10240x128xf32, #tpu.memory_space<hbm>>) target(%arg7 : memref<448x128xf32, #tpu.memory_space<vmem>>) offsets(%arg5 : memref<448xi32, #tpu.memory_space<vmem>>) semaphore(%arg9 : memref<!tpu.dma_semaphore, #tpu.memory_space<semaphore_mem>>)
    %scan3A = arith.constant 0 : i32
    %scan3A_5 = arith.constant 0 : i32
    %scan3A_6 = arith.constant 6 : i32
    %scan3A_7 = arith.addi %scan3A_5, %scan3A_6 : i32
    %scan3A_8 = arith.constant 1 : i32
    scf.for %scan3A_10 = %scan3A_5 to %scan3A_7 step %scan3A_8  : i32 {
      %mul3A_11 = arith.constant 2 : i32
      %mul3A_12 = arith.muli %scan3A_10, %mul3A_11 : i32
      %mul3A_13 = arith.constant 448 : i32
      %mul3A_14 = arith.muli %mul3A_12, %mul3A_13 : i32
      %add3A_15 = arith.addi %mul3A_2, %mul3A_14 : i32
      %add3A_16 = arith.constant 448 : i32
      %add3A_17 = arith.addi %add3A_15, %add3A_16 : i32
      %dma_wait3A = arith.constant 0 : i32
      %dma_wait3A_18 = arith.constant 0 : i32
      %dma_wait3A_19 = tpu.memref_slice %arg2[%dma_wait3A, %dma_wait3A_18] : memref<10240x128xf32, #tpu.memory_space<hbm>> -> memref<10240x128xf32, #tpu.memory_space<hbm>>
      tpu.wait_indirect_dma semaphore(%arg9 : memref<!tpu.dma_semaphore, #tpu.memory_space<semaphore_mem>>) src(%dma_wait3A_19 : memref<10240x128xf32, #tpu.memory_space<hbm>>) dst(%arg7 : memref<448x128xf32, #tpu.memory_space<vmem>>)
      "tpu.region"() ({
        %run_scoped3A = tpu.sem_alloc : memref<!tpu.dma_semaphore, #tpu.memory_space<semaphore_mem>>
        %dma_start3A_30 = tpu.memref_slice %arg3[%add3A_17] : memref<172032xi32, #tpu.memory_space<hbm>> -> memref<448xi32, #tpu.memory_space<hbm>>
        %dma_start3A_31 = tpu.memref_slice %arg3[%add3A_17] : memref<172032xi32, #tpu.memory_space<hbm>> -> memref<448xi32, #tpu.memory_space<hbm>>
        tpu.enqueue_dma source(%dma_start3A_31 : memref<448xi32, #tpu.memory_space<hbm>>) target(%arg6 : memref<448xi32, #tpu.memory_space<vmem>>) target_semaphore(%run_scoped3A : memref<!tpu.dma_semaphore, #tpu.memory_space<semaphore_mem>>)
        %dma_wait3A_32 = tpu.memref_slice %arg3[%add3A_17] : memref<172032xi32, #tpu.memory_space<hbm>> -> memref<448xi32, #tpu.memory_space<hbm>>
        %dma_wait3A_33 = tpu.memref_slice %arg3[%add3A_17] : memref<172032xi32, #tpu.memory_space<hbm>> -> memref<448xi32, #tpu.memory_space<hbm>>
        tpu.wait_dma2 semaphore(%run_scoped3A : memref<!tpu.dma_semaphore, #tpu.memory_space<semaphore_mem>>) src(%dma_wait3A_33 : memref<448xi32, #tpu.memory_space<hbm>>) dst(%arg6 : memref<448xi32, #tpu.memory_space<vmem>>)
        tpu.yield
      }) : () -> ()
      %dma_start3A_20 = arith.constant 0 : i32
      %dma_start3A_21 = arith.constant 0 : i32
      %dma_start3A_22 = tpu.memref_slice %arg2[%dma_start3A_20, %dma_start3A_21] : memref<10240x128xf32, #tpu.memory_space<hbm>> -> memref<10240x128xf32, #tpu.memory_space<hbm>>
      tpu.enqueue_indirect_dma source(%dma_start3A_22 : memref<10240x128xf32, #tpu.memory_space<hbm>>) target(%arg8 : memref<448x128xf32, #tpu.memory_space<vmem>>) offsets(%arg6 : memref<448xi32, #tpu.memory_space<vmem>>) semaphore(%arg10 : memref<!tpu.dma_semaphore, #tpu.memory_space<semaphore_mem>>)
      "tpu.region"() ({
        %run_scoped3A = tpu.sem_alloc : memref<!tpu.dma_semaphore, #tpu.memory_space<semaphore_mem>>
        %dma_start3A_30 = arith.constant 0 : i32
        %dma_start3A_31 = tpu.memref_slice %arg4[%add3A_15, %dma_start3A_30] : memref<172032x128xf32, #tpu.memory_space<hbm>> -> memref<448x128xf32, #tpu.memory_space<hbm>>
        %dma_start3A_32 = arith.constant 0 : i32
        %dma_start3A_33 = tpu.memref_slice %arg4[%add3A_15, %dma_start3A_32] : memref<172032x128xf32, #tpu.memory_space<hbm>> -> memref<448x128xf32, #tpu.memory_space<hbm>>
        tpu.enqueue_dma source(%arg7 : memref<448x128xf32, #tpu.memory_space<vmem>>) target(%dma_start3A_33 : memref<448x128xf32, #tpu.memory_space<hbm>>) target_semaphore(%run_scoped3A : memref<!tpu.dma_semaphore, #tpu.memory_space<semaphore_mem>>)
        %dma_wait3A_34 = arith.constant 0 : i32
        %dma_wait3A_35 = tpu.memref_slice %arg4[%add3A_15, %dma_wait3A_34] : memref<172032x128xf32, #tpu.memory_space<hbm>> -> memref<448x128xf32, #tpu.memory_space<hbm>>
        %dma_wait3A_36 = arith.constant 0 : i32
        %dma_wait3A_37 = tpu.memref_slice %arg4[%add3A_15, %dma_wait3A_36] : memref<172032x128xf32, #tpu.memory_space<hbm>> -> memref<448x128xf32, #tpu.memory_space<hbm>>
        tpu.wait_dma2 semaphore(%run_scoped3A : memref<!tpu.dma_semaphore, #tpu.memory_space<semaphore_mem>>) src(%arg7 : memref<448x128xf32, #tpu.memory_space<vmem>>) dst(%dma_wait3A_37 : memref<448x128xf32, #tpu.memory_space<hbm>>)
        tpu.yield
      }) : () -> ()
      %dma_wait3A_23 = arith.constant 0 : i32
      %dma_wait3A_24 = arith.constant 0 : i32
      %dma_wait3A_25 = tpu.memref_slice %arg2[%dma_wait3A_23, %dma_wait3A_24] : memref<10240x128xf32, #tpu.memory_space<hbm>> -> memref<10240x128xf32, #tpu.memory_space<hbm>>
      tpu.wait_indirect_dma semaphore(%arg10 : memref<!tpu.dma_semaphore, #tpu.memory_space<semaphore_mem>>) src(%dma_wait3A_25 : memref<10240x128xf32, #tpu.memory_space<hbm>>) dst(%arg8 : memref<448x128xf32, #tpu.memory_space<vmem>>)
      %add3A_26 = arith.constant 1 : i32
      %add3A_27 = arith.addi %scan3A_10, %add3A_26 : i32
      %lt3A = arith.constant 6 : i32
      %lt3A_28 = arith.cmpi slt, %add3A_27, %lt3A : i32
      %convert_element_type3A = arith.extui %lt3A_28 : i1 to i32
      %cond3A = arith.constant 0 : i32
      %cond3A_29 = arith.cmpi ne, %convert_element_type3A, %cond3A : i32
      scf.if %cond3A_29 {
        %add3A_30 = arith.constant 896 : i32
        %add3A_31 = arith.addi %add3A_15, %add3A_30 : i32
        "tpu.region"() ({
          %run_scoped3A = tpu.sem_alloc : memref<!tpu.dma_semaphore, #tpu.memory_space<semaphore_mem>>
          %dma_start3A_35 = tpu.memref_slice %arg3[%add3A_31] : memref<172032xi32, #tpu.memory_space<hbm>> -> memref<448xi32, #tpu.memory_space<hbm>>
          %dma_start3A_36 = tpu.memref_slice %arg3[%add3A_31] : memref<172032xi32, #tpu.memory_space<hbm>> -> memref<448xi32, #tpu.memory_space<hbm>>
          tpu.enqueue_dma source(%dma_start3A_36 : memref<448xi32, #tpu.memory_space<hbm>>) target(%arg5 : memref<448xi32, #tpu.memory_space<vmem>>) target_semaphore(%run_scoped3A : memref<!tpu.dma_semaphore, #tpu.memory_space<semaphore_mem>>)
          %dma_wait3A_37 = tpu.memref_slice %arg3[%add3A_31] : memref<172032xi32, #tpu.memory_space<hbm>> -> memref<448xi32, #tpu.memory_space<hbm>>
          %dma_wait3A_38 = tpu.memref_slice %arg3[%add3A_31] : memref<172032xi32, #tpu.memory_space<hbm>> -> memref<448xi32, #tpu.memory_space<hbm>>
          tpu.wait_dma2 semaphore(%run_scoped3A : memref<!tpu.dma_semaphore, #tpu.memory_space<semaphore_mem>>) src(%dma_wait3A_38 : memref<448xi32, #tpu.memory_space<hbm>>) dst(%arg5 : memref<448xi32, #tpu.memory_space<vmem>>)
          tpu.yield
        }) : () -> ()
        %dma_start3A_32 = arith.constant 0 : i32
        %dma_start3A_33 = arith.constant 0 : i32
        %dma_start3A_34 = tpu.memref_slice %arg2[%dma_start3A_32, %dma_start3A_33] : memref<10240x128xf32, #tpu.memory_space<hbm>> -> memref<10240x128xf32, #tpu.memory_space<hbm>>
        tpu.enqueue_indirect_dma source(%dma_start3A_34 : memref<10240x128xf32, #tpu.memory_space<hbm>>) target(%arg7 : memref<448x128xf32, #tpu.memory_space<vmem>>) offsets(%arg5 : memref<448xi32, #tpu.memory_space<vmem>>) semaphore(%arg9 : memref<!tpu.dma_semaphore, #tpu.memory_space<semaphore_mem>>)
      } else {
      }
      "tpu.region"() ({
        %run_scoped3A = tpu.sem_alloc : memref<!tpu.dma_semaphore, #tpu.memory_space<semaphore_mem>>
        %dma_start3A_30 = arith.constant 0 : i32
        %dma_start3A_31 = tpu.memref_slice %arg4[%add3A_17, %dma_start3A_30] : memref<172032x128xf32, #tpu.memory_space<hbm>> -> memref<448x128xf32, #tpu.memory_space<hbm>>
        %dma_start3A_32 = arith.constant 0 : i32
        %dma_start3A_33 = tpu.memref_slice %arg4[%add3A_17, %dma_start3A_32] : memref<172032x128xf32, #tpu.memory_space<hbm>> -> memref<448x128xf32, #tpu.memory_space<hbm>>
        tpu.enqueue_dma source(%arg8 : memref<448x128xf32, #tpu.memory_space<vmem>>) target(%dma_start3A_33 : memref<448x128xf32, #tpu.memory_space<hbm>>) target_semaphore(%run_scoped3A : memref<!tpu.dma_semaphore, #tpu.memory_space<semaphore_mem>>)
        %dma_wait3A_34 = arith.constant 0 : i32
        %dma_wait3A_35 = tpu.memref_slice %arg4[%add3A_17, %dma_wait3A_34] : memref<172032x128xf32, #tpu.memory_space<hbm>> -> memref<448x128xf32, #tpu.memory_space<hbm>>
        %dma_wait3A_36 = arith.constant 0 : i32
        %dma_wait3A_37 = tpu.memref_slice %arg4[%add3A_17, %dma_wait3A_36] : memref<172032x128xf32, #tpu.memory_space<hbm>> -> memref<448x128xf32, #tpu.memory_space<hbm>>
        tpu.wait_dma2 semaphore(%run_scoped3A : memref<!tpu.dma_semaphore, #tpu.memory_space<semaphore_mem>>) src(%arg8 : memref<448x128xf32, #tpu.memory_space<vmem>>) dst(%dma_wait3A_37 : memref<448x128xf32, #tpu.memory_space<hbm>>)
        tpu.yield
      }) : () -> ()
    }
    %scan3A_9 = arith.constant 6 : i32
    return
  }
}

#map = affine_map<(d0, d1) -> (0, 0)>
#map1 = affine_map<(d0, d1) -> (0)>
module attributes {stable_mosaic.version = 14 : i64} {
  func.func @body(%arg0: i32, %arg1: i32, %arg2: memref<10240x384xi32, #tpu.memory_space<hbm>>, %arg3: memref<172032xi32, #tpu.memory_space<hbm>>, %arg4: memref<172032x384xi32, #tpu.memory_space<hbm>>, %arg5: memref<168xi32, #tpu.memory_space<vmem>>, %arg6: memref<168xi32, #tpu.memory_space<vmem>>, %arg7: memref<168x384xi32, #tpu.memory_space<vmem>>, %arg8: memref<168x384xi32, #tpu.memory_space<vmem>>, %arg9: memref<!tpu.dma_semaphore, #tpu.memory_space<semaphore_mem>>, %arg10: memref<!tpu.dma_semaphore, #tpu.memory_space<semaphore_mem>>) attributes {dimension_semantics = [#tpu.dimension_semantics<core_parallel>, #tpu.dimension_semantics<subcore_parallel>], iteration_bounds = array<i64: 2, 16>, scalar_prefetch = 0 : i64, scratch_operands = 6 : i64, tpu.core_type = #tpu.core_type<sc_vector_subcore>, window_params = [{transform_indices = #map}, {transform_indices = #map1}, {transform_indices = #map}]} {
    %mul3A = arith.constant 2 : i32
    %mul3A_0 = arith.muli %arg1, %mul3A : i32
    %add3A = arith.addi %mul3A_0, %arg0 : i32
    %mul3A_1 = arith.constant 5376 : i32
    %mul3A_2 = arith.muli %add3A, %mul3A_1 : i32
    "tpu.region"() ({
      %run_scoped3A = tpu.sem_alloc : memref<!tpu.dma_semaphore, #tpu.memory_space<semaphore_mem>>
      %dma_start3A_10 = tpu.memref_slice %arg3[%mul3A_2] : memref<172032xi32, #tpu.memory_space<hbm>> -> memref<168xi32, #tpu.memory_space<hbm>>
      %dma_start3A_11 = tpu.memref_slice %arg3[%mul3A_2] : memref<172032xi32, #tpu.memory_space<hbm>> -> memref<168xi32, #tpu.memory_space<hbm>>
      tpu.enqueue_dma source(%dma_start3A_11 : memref<168xi32, #tpu.memory_space<hbm>>) target(%arg5 : memref<168xi32, #tpu.memory_space<vmem>>) target_semaphore(%run_scoped3A : memref<!tpu.dma_semaphore, #tpu.memory_space<semaphore_mem>>)
      %dma_wait3A = tpu.memref_slice %arg3[%mul3A_2] : memref<172032xi32, #tpu.memory_space<hbm>> -> memref<168xi32, #tpu.memory_space<hbm>>
      %dma_wait3A_12 = tpu.memref_slice %arg3[%mul3A_2] : memref<172032xi32, #tpu.memory_space<hbm>> -> memref<168xi32, #tpu.memory_space<hbm>>
      tpu.wait_dma2 semaphore(%run_scoped3A : memref<!tpu.dma_semaphore, #tpu.memory_space<semaphore_mem>>) src(%dma_wait3A_12 : memref<168xi32, #tpu.memory_space<hbm>>) dst(%arg5 : memref<168xi32, #tpu.memory_space<vmem>>)
      tpu.yield
    }) : () -> ()
    %dma_start3A = arith.constant 0 : i32
    %dma_start3A_3 = arith.constant 0 : i32
    %dma_start3A_4 = tpu.memref_slice %arg2[%dma_start3A, %dma_start3A_3] : memref<10240x384xi32, #tpu.memory_space<hbm>> -> memref<10240x384xi32, #tpu.memory_space<hbm>>
    tpu.enqueue_indirect_dma source(%dma_start3A_4 : memref<10240x384xi32, #tpu.memory_space<hbm>>) target(%arg7 : memref<168x384xi32, #tpu.memory_space<vmem>>) offsets(%arg5 : memref<168xi32, #tpu.memory_space<vmem>>) semaphore(%arg9 : memref<!tpu.dma_semaphore, #tpu.memory_space<semaphore_mem>>)
    %scan3A = arith.constant 0 : i32
    %scan3A_5 = arith.constant 0 : i32
    %scan3A_6 = arith.constant 16 : i32
    %scan3A_7 = arith.addi %scan3A_5, %scan3A_6 : i32
    %scan3A_8 = arith.constant 1 : i32
    scf.for %scan3A_10 = %scan3A_5 to %scan3A_7 step %scan3A_8  : i32 {
      %mul3A_11 = arith.constant 2 : i32
      %mul3A_12 = arith.muli %scan3A_10, %mul3A_11 : i32
      %mul3A_13 = arith.constant 168 : i32
      %mul3A_14 = arith.muli %mul3A_12, %mul3A_13 : i32
      %add3A_15 = arith.addi %mul3A_2, %mul3A_14 : i32
      %add3A_16 = arith.constant 168 : i32
      %add3A_17 = arith.addi %add3A_15, %add3A_16 : i32
      %dma_wait3A = arith.constant 0 : i32
      %dma_wait3A_18 = arith.constant 0 : i32
      %dma_wait3A_19 = tpu.memref_slice %arg2[%dma_wait3A, %dma_wait3A_18] : memref<10240x384xi32, #tpu.memory_space<hbm>> -> memref<10240x384xi32, #tpu.memory_space<hbm>>
      tpu.wait_indirect_dma semaphore(%arg9 : memref<!tpu.dma_semaphore, #tpu.memory_space<semaphore_mem>>) src(%dma_wait3A_19 : memref<10240x384xi32, #tpu.memory_space<hbm>>) dst(%arg7 : memref<168x384xi32, #tpu.memory_space<vmem>>)
      "tpu.region"() ({
        %run_scoped3A = tpu.sem_alloc : memref<!tpu.dma_semaphore, #tpu.memory_space<semaphore_mem>>
        %dma_start3A_30 = tpu.memref_slice %arg3[%add3A_17] : memref<172032xi32, #tpu.memory_space<hbm>> -> memref<168xi32, #tpu.memory_space<hbm>>
        %dma_start3A_31 = tpu.memref_slice %arg3[%add3A_17] : memref<172032xi32, #tpu.memory_space<hbm>> -> memref<168xi32, #tpu.memory_space<hbm>>
        tpu.enqueue_dma source(%dma_start3A_31 : memref<168xi32, #tpu.memory_space<hbm>>) target(%arg6 : memref<168xi32, #tpu.memory_space<vmem>>) target_semaphore(%run_scoped3A : memref<!tpu.dma_semaphore, #tpu.memory_space<semaphore_mem>>)
        %dma_wait3A_32 = tpu.memref_slice %arg3[%add3A_17] : memref<172032xi32, #tpu.memory_space<hbm>> -> memref<168xi32, #tpu.memory_space<hbm>>
        %dma_wait3A_33 = tpu.memref_slice %arg3[%add3A_17] : memref<172032xi32, #tpu.memory_space<hbm>> -> memref<168xi32, #tpu.memory_space<hbm>>
        tpu.wait_dma2 semaphore(%run_scoped3A : memref<!tpu.dma_semaphore, #tpu.memory_space<semaphore_mem>>) src(%dma_wait3A_33 : memref<168xi32, #tpu.memory_space<hbm>>) dst(%arg6 : memref<168xi32, #tpu.memory_space<vmem>>)
        tpu.yield
      }) : () -> ()
      %dma_start3A_20 = arith.constant 0 : i32
      %dma_start3A_21 = arith.constant 0 : i32
      %dma_start3A_22 = tpu.memref_slice %arg2[%dma_start3A_20, %dma_start3A_21] : memref<10240x384xi32, #tpu.memory_space<hbm>> -> memref<10240x384xi32, #tpu.memory_space<hbm>>
      tpu.enqueue_indirect_dma source(%dma_start3A_22 : memref<10240x384xi32, #tpu.memory_space<hbm>>) target(%arg8 : memref<168x384xi32, #tpu.memory_space<vmem>>) offsets(%arg6 : memref<168xi32, #tpu.memory_space<vmem>>) semaphore(%arg10 : memref<!tpu.dma_semaphore, #tpu.memory_space<semaphore_mem>>)
      "tpu.region"() ({
        %run_scoped3A = tpu.sem_alloc : memref<!tpu.dma_semaphore, #tpu.memory_space<semaphore_mem>>
        %dma_start3A_30 = arith.constant 0 : i32
        %dma_start3A_31 = tpu.memref_slice %arg4[%add3A_15, %dma_start3A_30] : memref<172032x384xi32, #tpu.memory_space<hbm>> -> memref<168x384xi32, #tpu.memory_space<hbm>>
        %dma_start3A_32 = arith.constant 0 : i32
        %dma_start3A_33 = tpu.memref_slice %arg4[%add3A_15, %dma_start3A_32] : memref<172032x384xi32, #tpu.memory_space<hbm>> -> memref<168x384xi32, #tpu.memory_space<hbm>>
        tpu.enqueue_dma source(%arg7 : memref<168x384xi32, #tpu.memory_space<vmem>>) target(%dma_start3A_33 : memref<168x384xi32, #tpu.memory_space<hbm>>) target_semaphore(%run_scoped3A : memref<!tpu.dma_semaphore, #tpu.memory_space<semaphore_mem>>)
        %dma_wait3A_34 = arith.constant 0 : i32
        %dma_wait3A_35 = tpu.memref_slice %arg4[%add3A_15, %dma_wait3A_34] : memref<172032x384xi32, #tpu.memory_space<hbm>> -> memref<168x384xi32, #tpu.memory_space<hbm>>
        %dma_wait3A_36 = arith.constant 0 : i32
        %dma_wait3A_37 = tpu.memref_slice %arg4[%add3A_15, %dma_wait3A_36] : memref<172032x384xi32, #tpu.memory_space<hbm>> -> memref<168x384xi32, #tpu.memory_space<hbm>>
        tpu.wait_dma2 semaphore(%run_scoped3A : memref<!tpu.dma_semaphore, #tpu.memory_space<semaphore_mem>>) src(%arg7 : memref<168x384xi32, #tpu.memory_space<vmem>>) dst(%dma_wait3A_37 : memref<168x384xi32, #tpu.memory_space<hbm>>)
        tpu.yield
      }) : () -> ()
      %dma_wait3A_23 = arith.constant 0 : i32
      %dma_wait3A_24 = arith.constant 0 : i32
      %dma_wait3A_25 = tpu.memref_slice %arg2[%dma_wait3A_23, %dma_wait3A_24] : memref<10240x384xi32, #tpu.memory_space<hbm>> -> memref<10240x384xi32, #tpu.memory_space<hbm>>
      tpu.wait_indirect_dma semaphore(%arg10 : memref<!tpu.dma_semaphore, #tpu.memory_space<semaphore_mem>>) src(%dma_wait3A_25 : memref<10240x384xi32, #tpu.memory_space<hbm>>) dst(%arg8 : memref<168x384xi32, #tpu.memory_space<vmem>>)
      %add3A_26 = arith.constant 1 : i32
      %add3A_27 = arith.addi %scan3A_10, %add3A_26 : i32
      %lt3A = arith.constant 16 : i32
      %lt3A_28 = arith.cmpi slt, %add3A_27, %lt3A : i32
      %convert_element_type3A = arith.extui %lt3A_28 : i1 to i32
      %cond3A = arith.constant 0 : i32
      %cond3A_29 = arith.cmpi ne, %convert_element_type3A, %cond3A : i32
      scf.if %cond3A_29 {
        %add3A_30 = arith.constant 336 : i32
        %add3A_31 = arith.addi %add3A_15, %add3A_30 : i32
        "tpu.region"() ({
          %run_scoped3A = tpu.sem_alloc : memref<!tpu.dma_semaphore, #tpu.memory_space<semaphore_mem>>
          %dma_start3A_35 = tpu.memref_slice %arg3[%add3A_31] : memref<172032xi32, #tpu.memory_space<hbm>> -> memref<168xi32, #tpu.memory_space<hbm>>
          %dma_start3A_36 = tpu.memref_slice %arg3[%add3A_31] : memref<172032xi32, #tpu.memory_space<hbm>> -> memref<168xi32, #tpu.memory_space<hbm>>
          tpu.enqueue_dma source(%dma_start3A_36 : memref<168xi32, #tpu.memory_space<hbm>>) target(%arg5 : memref<168xi32, #tpu.memory_space<vmem>>) target_semaphore(%run_scoped3A : memref<!tpu.dma_semaphore, #tpu.memory_space<semaphore_mem>>)
          %dma_wait3A_37 = tpu.memref_slice %arg3[%add3A_31] : memref<172032xi32, #tpu.memory_space<hbm>> -> memref<168xi32, #tpu.memory_space<hbm>>
          %dma_wait3A_38 = tpu.memref_slice %arg3[%add3A_31] : memref<172032xi32, #tpu.memory_space<hbm>> -> memref<168xi32, #tpu.memory_space<hbm>>
          tpu.wait_dma2 semaphore(%run_scoped3A : memref<!tpu.dma_semaphore, #tpu.memory_space<semaphore_mem>>) src(%dma_wait3A_38 : memref<168xi32, #tpu.memory_space<hbm>>) dst(%arg5 : memref<168xi32, #tpu.memory_space<vmem>>)
          tpu.yield
        }) : () -> ()
        %dma_start3A_32 = arith.constant 0 : i32
        %dma_start3A_33 = arith.constant 0 : i32
        %dma_start3A_34 = tpu.memref_slice %arg2[%dma_start3A_32, %dma_start3A_33] : memref<10240x384xi32, #tpu.memory_space<hbm>> -> memref<10240x384xi32, #tpu.memory_space<hbm>>
        tpu.enqueue_indirect_dma source(%dma_start3A_34 : memref<10240x384xi32, #tpu.memory_space<hbm>>) target(%arg7 : memref<168x384xi32, #tpu.memory_space<vmem>>) offsets(%arg5 : memref<168xi32, #tpu.memory_space<vmem>>) semaphore(%arg9 : memref<!tpu.dma_semaphore, #tpu.memory_space<semaphore_mem>>)
      } else {
      }
      "tpu.region"() ({
        %run_scoped3A = tpu.sem_alloc : memref<!tpu.dma_semaphore, #tpu.memory_space<semaphore_mem>>
        %dma_start3A_30 = arith.constant 0 : i32
        %dma_start3A_31 = tpu.memref_slice %arg4[%add3A_17, %dma_start3A_30] : memref<172032x384xi32, #tpu.memory_space<hbm>> -> memref<168x384xi32, #tpu.memory_space<hbm>>
        %dma_start3A_32 = arith.constant 0 : i32
        %dma_start3A_33 = tpu.memref_slice %arg4[%add3A_17, %dma_start3A_32] : memref<172032x384xi32, #tpu.memory_space<hbm>> -> memref<168x384xi32, #tpu.memory_space<hbm>>
        tpu.enqueue_dma source(%arg8 : memref<168x384xi32, #tpu.memory_space<vmem>>) target(%dma_start3A_33 : memref<168x384xi32, #tpu.memory_space<hbm>>) target_semaphore(%run_scoped3A : memref<!tpu.dma_semaphore, #tpu.memory_space<semaphore_mem>>)
        %dma_wait3A_34 = arith.constant 0 : i32
        %dma_wait3A_35 = tpu.memref_slice %arg4[%add3A_17, %dma_wait3A_34] : memref<172032x384xi32, #tpu.memory_space<hbm>> -> memref<168x384xi32, #tpu.memory_space<hbm>>
        %dma_wait3A_36 = arith.constant 0 : i32
        %dma_wait3A_37 = tpu.memref_slice %arg4[%add3A_17, %dma_wait3A_36] : memref<172032x384xi32, #tpu.memory_space<hbm>> -> memref<168x384xi32, #tpu.memory_space<hbm>>
        tpu.wait_dma2 semaphore(%run_scoped3A : memref<!tpu.dma_semaphore, #tpu.memory_space<semaphore_mem>>) src(%arg8 : memref<168x384xi32, #tpu.memory_space<vmem>>) dst(%dma_wait3A_37 : memref<168x384xi32, #tpu.memory_space<hbm>>)
        tpu.yield
      }) : () -> ()
    }
    %scan3A_9 = arith.constant 16 : i32
    return
  }
}

module attributes {stable_mosaic.version = 14 : i64} {
  func.func @body(%arg0: i32, %arg1: memref<256x128xf32, #tpu.memory_space<vmem>>, %arg2: memref<128x768xf32, #tpu.memory_space<vmem>>, %arg3: memref<768x16xf32, #tpu.memory_space<vmem>>, %arg4: memref<256x384xi32, #tpu.memory_space<vmem>>, %arg5: memref<256x16xf32, #tpu.memory_space<vmem>>) attributes {dimension_semantics = [#tpu.dimension_semantics<arbitrary>], iteration_bounds = array<i64: 40>, scalar_prefetch = 0 : i64, scratch_operands = 0 : i64, tpu.core_type = #tpu.core_type<tc>, window_params = [{transform_indices = @transform_0, window_bounds = array<i64: 256, 128>}, {pipeline_mode = #tpu.pipeline_mode<synchronous>, transform_indices = @transform_1, window_bounds = array<i64: 128, 768>}, {pipeline_mode = #tpu.pipeline_mode<synchronous>, transform_indices = @transform_2, window_bounds = array<i64: 768, 16>}, {transform_indices = @transform_3, window_bounds = array<i64: 256, 384>}, {transform_indices = @transform_4, window_bounds = array<i64: 256, 16>}]} {
    %get3A = arith.constant 0 : index
    %get3A_0 = arith.constant 0 : index
    %get3A_1 = vector.load %arg1[%get3A, %get3A_0] : memref<256x128xf32, #tpu.memory_space<vmem>>, vector<256x128xf32>
    %convert_element_type3A = arith.truncf %get3A_1 : vector<256x128xf32> to vector<256x128xbf16>
    %get3A_2 = arith.constant 0 : index
    %get3A_3 = arith.constant 0 : index
    %get3A_4 = vector.load %arg2[%get3A_2, %get3A_3] : memref<128x768xf32, #tpu.memory_space<vmem>>, vector<128x768xf32>
    %convert_element_type3A_5 = arith.truncf %get3A_4 : vector<128x768xf32> to vector<128x768xbf16>
    %dot_general3A = arith.constant dense<0.000000e+00> : vector<256x768xf32>
    %dot_general3A_6 = tpu.matmul %convert_element_type3A, %convert_element_type3A_5, %dot_general3A {dimension_numbers = #tpu.dot_dimension_numbers<[1], [0], [0], [1], [0, 0, 1, 1], [], []>, transpose_lhs_hint = false} : vector<256x128xbf16>, vector<128x768xbf16>, vector<256x768xf32> -> vector<256x768xf32>
    %slice3A = vector.extract_strided_slice %dot_general3A_6 {offsets = [0, 0], sizes = [256, 384], strides = [1, 1]} : vector<256x768xf32> to vector<256x384xf32>
    %convert_element_type3A_7 = arith.truncf %slice3A : vector<256x384xf32> to vector<256x384xbf16>
    %convert_element_type3A_8 = arith.extf %convert_element_type3A_7 : vector<256x384xbf16> to vector<256x384xf32>
    %bitcast_convert_type3A = tpu.bitcast %convert_element_type3A_8 : vector<256x384xf32> -> vector<256x384xi32>
    %slice3A_9 = vector.extract_strided_slice %dot_general3A_6 {offsets = [0, 384], sizes = [256, 384], strides = [1, 1]} : vector<256x768xf32> to vector<256x384xf32>
    %convert_element_type3A_10 = arith.truncf %slice3A_9 : vector<256x384xf32> to vector<256x384xbf16>
    %convert_element_type3A_11 = arith.extf %convert_element_type3A_10 : vector<256x384xbf16> to vector<256x384xf32>
    %bitcast_convert_type3A_12 = tpu.bitcast %convert_element_type3A_11 : vector<256x384xf32> -> vector<256x384xi32>
    %shift_right_logical3A = arith.constant 16 : i32
    %shift_right_logical3A_13 = vector.broadcast %shift_right_logical3A : i32 to vector<256x384xi32>
    %shift_right_logical3A_14 = arith.shrui %bitcast_convert_type3A, %shift_right_logical3A_13 : vector<256x384xi32>
    %or3A = arith.ori %shift_right_logical3A_14, %bitcast_convert_type3A_12 : vector<256x384xi32>
    %bitcast_convert_type3A_15 = tpu.bitcast %or3A : vector<256x384xi32> -> vector<256x384xi32>
    %swap3A = arith.constant 0 : index
    %swap3A_16 = arith.constant 0 : index
    %swap3A_17 = vector.load %arg4[%swap3A, %swap3A_16] : memref<256x384xi32, #tpu.memory_space<vmem>>, vector<256x384xi32>
    tpu.vector_store %arg4[%swap3A, %swap3A_16], %bitcast_convert_type3A_15 {strides = array<i32>} : memref<256x384xi32, #tpu.memory_space<vmem>>, vector<256x384xi32>,
    %get3A_18 = arith.constant 0 : index
    %get3A_19 = arith.constant 0 : index
    %get3A_20 = vector.load %arg3[%get3A_18, %get3A_19] : memref<768x16xf32, #tpu.memory_space<vmem>>, vector<768x16xf32>
    %dot_general3A_21 = arith.constant dense<0.000000e+00> : vector<256x16xf32>
    %dot_general3A_22 = tpu.matmul %dot_general3A_6, %get3A_20, %dot_general3A_21 {dimension_numbers = #tpu.dot_dimension_numbers<[1], [0], [0], [1], [0, 0, 1, 1], [], []>, transpose_lhs_hint = false} : vector<256x768xf32>, vector<768x16xf32>, vector<256x16xf32> -> vector<256x16xf32>
    %swap3A_23 = arith.constant 0 : index
    %swap3A_24 = arith.constant 0 : index
    %swap3A_25 = vector.load %arg5[%swap3A_23, %swap3A_24] : memref<256x16xf32, #tpu.memory_space<vmem>>, vector<256x16xf32>
    tpu.vector_store %arg5[%swap3A_23, %swap3A_24], %dot_general3A_22 {strides = array<i32>} : memref<256x16xf32, #tpu.memory_space<vmem>>, vector<256x16xf32>,
    return
  }
  func.func @transform_0(%arg0: i32) -> (i32, i32) {
    %c0_i32 = arith.constant 0 : i32
    %c0_i32_0 = arith.constant 0 : i32
    return %arg0, %c0_i32 : i32, i32
  }
  func.func @transform_1(%arg0: i32) -> (i32, i32) {
    %c0_i32 = arith.constant 0 : i32
    %c0_i32_0 = arith.constant 0 : i32
    %c0_i32_1 = arith.constant 0 : i32
    return %c0_i32, %c0_i32_0 : i32, i32
  }
  func.func @transform_2(%arg0: i32) -> (i32, i32) {
    %c0_i32 = arith.constant 0 : i32
    %c0_i32_0 = arith.constant 0 : i32
    %c0_i32_1 = arith.constant 0 : i32
    return %c0_i32, %c0_i32_0 : i32, i32
  }
  func.func @transform_3(%arg0: i32) -> (i32, i32) {
    %c0_i32 = arith.constant 0 : i32
    %c0_i32_0 = arith.constant 0 : i32
    return %arg0, %c0_i32 : i32, i32
  }
  func.func @transform_4(%arg0: i32) -> (i32, i32) {
    %c0_i32 = arith.constant 0 : i32
    %c0_i32_0 = arith.constant 0 : i32
    return %arg0, %c0_i32 : i32, i32
  }
}

module attributes {stable_mosaic.version = 14 : i64} {
  func.func @body(%arg0: i32, %arg1: memref<81xi32, #tpu.memory_space<smem>>, %arg2: memref<1x172032xi32, #tpu.memory_space<hbm>>, %arg3: memref<172032x384xi32, #tpu.memory_space<hbm>>, %arg4: memref<128x16xf32, #tpu.memory_space<vmem>>, %arg5: memref<768x16xf32, #tpu.memory_space<vmem>>, %arg6: memref<16x768xf32, #tpu.memory_space<vmem>>, %arg7: memref<128x768xf32, #tpu.memory_space<vmem>>, %arg8: memref<128x16xf32, #tpu.memory_space<vmem>>, %arg9: memref<1x512xi32, #tpu.memory_space<vmem>>, %arg10: memref<1x512xi32, #tpu.memory_space<vmem>>, %arg11: memref<512x384xi32, #tpu.memory_space<vmem>>, %arg12: memref<512x384xi32, #tpu.memory_space<vmem>>, %arg13: memref<128x768xf32, #tpu.memory_space<vmem>>, %arg14: memref<128x16xf32, #tpu.memory_space<vmem>>, %arg15: memref<!tpu.dma_semaphore, #tpu.memory_space<semaphore_mem>>, %arg16: memref<!tpu.dma_semaphore, #tpu.memory_space<semaphore_mem>>, %arg17: memref<!tpu.dma_semaphore, #tpu.memory_space<semaphore_mem>>, %arg18: memref<!tpu.dma_semaphore, #tpu.memory_space<semaphore_mem>>) attributes {dimension_semantics = [#tpu.dimension_semantics<arbitrary>], iteration_bounds = array<i64: 80>, scalar_prefetch = 1 : i64, scratch_operands = 10 : i64, tpu.core_type = #tpu.core_type<tc>, window_params = [{}, {}, {transform_indices = @transform_2, window_bounds = array<i64: 128, 16>}, {pipeline_mode = #tpu.pipeline_mode<synchronous>, transform_indices = @transform_3, window_bounds = array<i64: 768, 16>}, {pipeline_mode = #tpu.pipeline_mode<synchronous>, transform_indices = @transform_4, window_bounds = array<i64: 16, 768>}, {transform_indices = @transform_5, window_bounds = array<i64: 128, 768>}, {transform_indices = @transform_6, window_bounds = array<i64: 128, 16>}]} {
    %get3A = arith.index_cast %arg0 : i32 to index
    %get3A_0 = memref.load %arg1[%get3A] : memref<81xi32, #tpu.memory_space<smem>>
    %jit3A = arith.constant 512 : i32
    %div3A = arith.divsi %get3A_0, %jit3A : i32
    %sign3A = arith.constant 0 : i32
    %sign3A_1 = arith.cmpi sgt, %get3A_0, %sign3A : i32
    %sign3A_2 = arith.extui %sign3A_1 : i1 to i32
    %sign3A_3 = arith.constant 0 : i32
    %sign3A_4 = arith.cmpi slt, %get3A_0, %sign3A_3 : i32
    %sign3A_5 = arith.extui %sign3A_4 : i1 to i32
    %sign3A_6 = arith.subi %sign3A_2, %sign3A_5 : i32
    %sign3A_7 = arith.constant 0 : i32
    %sign3A_8 = arith.cmpi sgt, %jit3A, %sign3A_7 : i32
    %sign3A_9 = arith.extui %sign3A_8 : i1 to i32
    %sign3A_10 = arith.constant 0 : i32
    %sign3A_11 = arith.cmpi slt, %jit3A, %sign3A_10 : i32
    %sign3A_12 = arith.extui %sign3A_11 : i1 to i32
    %sign3A_13 = arith.subi %sign3A_9, %sign3A_12 : i32
    %ne3A = arith.cmpi ne, %sign3A_6, %sign3A_13 : i32
    %rem3A = arith.remsi %get3A_0, %jit3A : i32
    %ne3A_14 = arith.constant 0 : i32
    %ne3A_15 = arith.cmpi ne, %rem3A, %ne3A_14 : i32
    %and3A = arith.andi %ne3A, %ne3A_15 : i1
    %sub3A = arith.constant 1 : i32
    %sub3A_16 = arith.subi %div3A, %sub3A : i32
    %select_n3A = arith.select %and3A, %sub3A_16, %div3A : i32
    %mul3A = arith.constant 512 : i32
    %mul3A_17 = arith.muli %select_n3A, %mul3A : i32
    %max3A = arith.constant 0 : i32
    %max3A_18 = arith.maxsi %mul3A_17, %max3A : i32
    %add3A = arith.constant 1 : i32
    %add3A_19 = arith.addi %arg0, %add3A : i32
    %get3A_20 = arith.index_cast %add3A_19 : i32 to index
    %get3A_21 = memref.load %arg1[%get3A_20] : memref<81xi32, #tpu.memory_space<smem>>
    %min3A = arith.constant 172032 : i32
    %min3A_22 = arith.minsi %get3A_21, %min3A : i32
    %sub3A_23 = arith.subi %min3A_22, %max3A_18 : i32
    %add3A_24 = arith.constant 512 : i32
    %add3A_25 = arith.addi %sub3A_23, %add3A_24 : i32
    %sub3A_26 = arith.constant 1 : i32
    %sub3A_27 = arith.subi %add3A_25, %sub3A_26 : i32
    %jit3A_28 = arith.constant 512 : i32
    %div3A_29 = arith.divsi %sub3A_27, %jit3A_28 : i32
    %sign3A_30 = arith.constant 0 : i32
    %sign3A_31 = arith.cmpi sgt, %sub3A_27, %sign3A_30 : i32
    %sign3A_32 = arith.extui %sign3A_31 : i1 to i32
    %sign3A_33 = arith.constant 0 : i32
    %sign3A_34 = arith.cmpi slt, %sub3A_27, %sign3A_33 : i32
    %sign3A_35 = arith.extui %sign3A_34 : i1 to i32
    %sign3A_36 = arith.subi %sign3A_32, %sign3A_35 : i32
    %sign3A_37 = arith.constant 0 : i32
    %sign3A_38 = arith.cmpi sgt, %jit3A_28, %sign3A_37 : i32
    %sign3A_39 = arith.extui %sign3A_38 : i1 to i32
    %sign3A_40 = arith.constant 0 : i32
    %sign3A_41 = arith.cmpi slt, %jit3A_28, %sign3A_40 : i32
    %sign3A_42 = arith.extui %sign3A_41 : i1 to i32
    %sign3A_43 = arith.subi %sign3A_39, %sign3A_42 : i32
    %ne3A_44 = arith.cmpi ne, %sign3A_36, %sign3A_43 : i32
    %rem3A_45 = arith.remsi %sub3A_27, %jit3A_28 : i32
    %ne3A_46 = arith.constant 0 : i32
    %ne3A_47 = arith.cmpi ne, %rem3A_45, %ne3A_46 : i32
    %and3A_48 = arith.andi %ne3A_44, %ne3A_47 : i1
    %sub3A_49 = arith.constant 1 : i32
    %sub3A_50 = arith.subi %div3A_29, %sub3A_49 : i32
    %select_n3A_51 = arith.select %and3A_48, %sub3A_50, %div3A_29 : i32
    %max3A_52 = arith.constant 0 : i32
    %max3A_53 = arith.maxsi %select_n3A_51, %max3A_52 : i32
    %mul3A_54 = arith.constant 128 : i32
    %mul3A_55 = arith.muli %arg0, %mul3A_54 : i32
    %iota3A = tpu.iota {dimensions = array<i32: 0>} : vector<128x512xi32>
    %add3A_56 = vector.broadcast %mul3A_55 : i32 to vector<128x512xi32>
    %add3A_57 = arith.addi %add3A_56, %iota3A : vector<128x512xi32>
    %broadcast_in_dim3A = arith.constant 0.000000e+00 : f32
    %broadcast_in_dim3A_58 = vector.broadcast %broadcast_in_dim3A : f32 to vector<128x768xf32>
    %swap3A = arith.constant 0 : index
    %swap3A_59 = arith.constant 0 : index
    %swap3A_60 = vector.load %arg13[%swap3A, %swap3A_59] : memref<128x768xf32, #tpu.memory_space<vmem>>, vector<128x768xf32>
    tpu.vector_store %arg13[%swap3A, %swap3A_59], %broadcast_in_dim3A_58 {strides = array<i32>} : memref<128x768xf32, #tpu.memory_space<vmem>>, vector<128x768xf32>,
    %broadcast_in_dim3A_61 = arith.constant 0.000000e+00 : f32
    %broadcast_in_dim3A_62 = vector.broadcast %broadcast_in_dim3A_61 : f32 to vector<128x16xf32>
    %swap3A_63 = arith.constant 0 : index
    %swap3A_64 = arith.constant 0 : index
    %swap3A_65 = vector.load %arg14[%swap3A_63, %swap3A_64] : memref<128x16xf32, #tpu.memory_space<vmem>>, vector<128x16xf32>
    tpu.vector_store %arg14[%swap3A_63, %swap3A_64], %broadcast_in_dim3A_62 {strides = array<i32>} : memref<128x16xf32, #tpu.memory_space<vmem>>, vector<128x16xf32>,
    %get3A_66 = arith.constant 0 : index
    %get3A_67 = arith.constant 0 : index
    %get3A_68 = vector.load %arg6[%get3A_66, %get3A_67] : memref<16x768xf32, #tpu.memory_space<vmem>>, vector<16x768xf32>
    %convert_element_type3A = arith.truncf %get3A_68 : vector<16x768xf32> to vector<16x768xbf16>
    %get3A_69 = arith.constant 0 : index
    %get3A_70 = arith.constant 0 : index
    %get3A_71 = vector.load %arg4[%get3A_69, %get3A_70] : memref<128x16xf32, #tpu.memory_space<vmem>>, vector<128x16xf32>
    %convert_element_type3A_72 = arith.truncf %get3A_71 : vector<128x16xf32> to vector<128x16xbf16>
    %get3A_73 = arith.constant 0 : index
    %get3A_74 = arith.constant 0 : index
    %get3A_75 = vector.load %arg5[%get3A_73, %get3A_74] : memref<768x16xf32, #tpu.memory_space<vmem>>, vector<768x16xf32>
    %convert_element_type3A_76 = arith.truncf %get3A_75 : vector<768x16xf32> to vector<768x16xbf16>
    %gt3A = arith.constant 0 : i32
    %gt3A_77 = arith.cmpi sgt, %max3A_53, %gt3A : i32
    %convert_element_type3A_78 = arith.extui %gt3A_77 : i1 to i32
    %cond3A = arith.constant 0 : i32
    %cond3A_79 = arith.cmpi ne, %convert_element_type3A_78, %cond3A : i32
    scf.if %cond3A_79 {
      %add3A_127 = arith.constant 0 : i32
      %add3A_128 = arith.addi %max3A_18, %add3A_127 : i32
      %multiple_of3A = tpu.assume_multiple %add3A_128, 512 : i32
      %sub3A_129 = arith.constant 0 : i32
      %sub3A_130 = arith.subi %multiple_of3A, %sub3A_129 : i32
      %multiple_of3A_131 = tpu.assume_multiple %sub3A_130, 512 : i32
      %dma_start3A = arith.constant 0 : i32
      %dma_start3A_132 = tpu.memref_slice %arg2[%dma_start3A, %multiple_of3A] : memref<1x172032xi32, #tpu.memory_space<hbm>> -> memref<1x512xi32, #tpu.memory_space<hbm>>
      tpu.enqueue_dma source(%dma_start3A_132 : memref<1x512xi32, #tpu.memory_space<hbm>>) target(%arg9 : memref<1x512xi32, #tpu.memory_space<vmem>>) target_semaphore(%arg15 : memref<!tpu.dma_semaphore, #tpu.memory_space<semaphore_mem>>)
      %dma_start3A_133 = arith.constant 0 : i32
      %dma_start3A_134 = tpu.memref_slice %arg3[%multiple_of3A_131, %dma_start3A_133] : memref<172032x384xi32, #tpu.memory_space<hbm>> -> memref<512x384xi32, #tpu.memory_space<hbm>>
      tpu.enqueue_dma source(%dma_start3A_134 : memref<512x384xi32, #tpu.memory_space<hbm>>) target(%arg11 : memref<512x384xi32, #tpu.memory_space<vmem>>) target_semaphore(%arg16 : memref<!tpu.dma_semaphore, #tpu.memory_space<semaphore_mem>>)
    } else {
    }
    %add3A_80 = arith.constant 1 : i32
    %add3A_81 = arith.addi %max3A_53, %add3A_80 : i32
    %jit3A_82 = arith.constant 2 : i32
    %div3A_83 = arith.divsi %add3A_81, %jit3A_82 : i32
    %sign3A_84 = arith.constant 0 : i32
    %sign3A_85 = arith.cmpi sgt, %add3A_81, %sign3A_84 : i32
    %sign3A_86 = arith.extui %sign3A_85 : i1 to i32
    %sign3A_87 = arith.constant 0 : i32
    %sign3A_88 = arith.cmpi slt, %add3A_81, %sign3A_87 : i32
    %sign3A_89 = arith.extui %sign3A_88 : i1 to i32
    %sign3A_90 = arith.subi %sign3A_86, %sign3A_89 : i32
    %sign3A_91 = arith.constant 0 : i32
    %sign3A_92 = arith.cmpi sgt, %jit3A_82, %sign3A_91 : i32
    %sign3A_93 = arith.extui %sign3A_92 : i1 to i32
    %sign3A_94 = arith.constant 0 : i32
    %sign3A_95 = arith.cmpi slt, %jit3A_82, %sign3A_94 : i32
    %sign3A_96 = arith.extui %sign3A_95 : i1 to i32
    %sign3A_97 = arith.subi %sign3A_93, %sign3A_96 : i32
    %ne3A_98 = arith.cmpi ne, %sign3A_90, %sign3A_97 : i32
    %rem3A_99 = arith.remsi %add3A_81, %jit3A_82 : i32
    %ne3A_100 = arith.constant 0 : i32
    %ne3A_101 = arith.cmpi ne, %rem3A_99, %ne3A_100 : i32
    %and3A_102 = arith.andi %ne3A_98, %ne3A_101 : i1
    %sub3A_103 = arith.constant 1 : i32
    %sub3A_104 = arith.subi %div3A_83, %sub3A_103 : i32
    %select_n3A_105 = arith.select %and3A_102, %sub3A_104, %div3A_83 : i32
    %while3A = arith.constant 0 : i32
    %while3A_106 = arith.constant 0 : i32
    %while3A_107 = arith.subi %select_n3A_105, %while3A_106 : i32
    %while3A_108 = arith.addi %while3A_106, %while3A_107 : i32
    %while3A_109 = arith.constant 1 : i32
    %while3A_110 = arith.divsi %while3A_107, %while3A_109 : i32
    %while3A_111 = arith.muli %while3A_110, %while3A_109 : i32
    %while3A_112 = arith.addi %while3A_106, %while3A_111 : i32
    %while3A_113 = arith.constant 1 : i32
    scf.for %while3A_127 = %while3A_106 to %while3A_112 step %while3A_113  : i32 {
      %mul3A_128 = arith.constant 2 : i32
      %mul3A_129 = arith.muli %mul3A_128, %while3A_127 : i32
      %mul3A_130 = arith.constant 512 : i32
      %mul3A_131 = arith.muli %mul3A_129, %mul3A_130 : i32
      %add3A_132 = arith.addi %max3A_18, %mul3A_131 : i32
      %multiple_of3A = tpu.assume_multiple %add3A_132, 512 : i32
      %sub3A_133 = arith.constant 0 : i32
      %sub3A_134 = arith.subi %multiple_of3A, %sub3A_133 : i32
      %multiple_of3A_135 = tpu.assume_multiple %sub3A_134, 512 : i32
      %dma_wait3A = arith.constant 0 : i32
      %dma_wait3A_136 = tpu.memref_slice %arg2[%dma_wait3A, %multiple_of3A] : memref<1x172032xi32, #tpu.memory_space<hbm>> -> memref<1x512xi32, #tpu.memory_space<hbm>>
      tpu.wait_dma2 semaphore(%arg15 : memref<!tpu.dma_semaphore, #tpu.memory_space<semaphore_mem>>) src(%dma_wait3A_136 : memref<1x512xi32, #tpu.memory_space<hbm>>) dst(%arg9 : memref<1x512xi32, #tpu.memory_space<vmem>>)
      %dma_wait3A_137 = arith.constant 0 : i32
      %dma_wait3A_138 = tpu.memref_slice %arg3[%multiple_of3A_135, %dma_wait3A_137] : memref<172032x384xi32, #tpu.memory_space<hbm>> -> memref<512x384xi32, #tpu.memory_space<hbm>>
      tpu.wait_dma2 semaphore(%arg16 : memref<!tpu.dma_semaphore, #tpu.memory_space<semaphore_mem>>) src(%dma_wait3A_138 : memref<512x384xi32, #tpu.memory_space<hbm>>) dst(%arg11 : memref<512x384xi32, #tpu.memory_space<vmem>>)
      %add3A_139 = arith.constant 1 : i32
      %add3A_140 = arith.addi %mul3A_129, %add3A_139 : i32
      %lt3A = arith.cmpi slt, %add3A_140, %max3A_53 : i32
      %convert_element_type3A_141 = arith.extui %lt3A : i1 to i32
      %cond3A_142 = arith.constant 0 : i32
      %cond3A_143 = arith.cmpi ne, %convert_element_type3A_141, %cond3A_142 : i32
      scf.if %cond3A_143 {
        %add3A_201 = arith.constant 1 : i32
        %add3A_202 = arith.addi %mul3A_129, %add3A_201 : i32
        %mul3A_203 = arith.constant 512 : i32
        %mul3A_204 = arith.muli %add3A_202, %mul3A_203 : i32
        %add3A_205 = arith.addi %max3A_18, %mul3A_204 : i32
        %multiple_of3A_206 = tpu.assume_multiple %add3A_205, 512 : i32
        %sub3A_207 = arith.constant 0 : i32
        %sub3A_208 = arith.subi %multiple_of3A_206, %sub3A_207 : i32
        %multiple_of3A_209 = tpu.assume_multiple %sub3A_208, 512 : i32
        %dma_start3A = arith.constant 0 : i32
        %dma_start3A_210 = tpu.memref_slice %arg2[%dma_start3A, %multiple_of3A_206] : memref<1x172032xi32, #tpu.memory_space<hbm>> -> memref<1x512xi32, #tpu.memory_space<hbm>>
        tpu.enqueue_dma source(%dma_start3A_210 : memref<1x512xi32, #tpu.memory_space<hbm>>) target(%arg10 : memref<1x512xi32, #tpu.memory_space<vmem>>) target_semaphore(%arg17 : memref<!tpu.dma_semaphore, #tpu.memory_space<semaphore_mem>>)
        %dma_start3A_211 = arith.constant 0 : i32
        %dma_start3A_212 = tpu.memref_slice %arg3[%multiple_of3A_209, %dma_start3A_211] : memref<172032x384xi32, #tpu.memory_space<hbm>> -> memref<512x384xi32, #tpu.memory_space<hbm>>
        tpu.enqueue_dma source(%dma_start3A_212 : memref<512x384xi32, #tpu.memory_space<hbm>>) target(%arg12 : memref<512x384xi32, #tpu.memory_space<vmem>>) target_semaphore(%arg18 : memref<!tpu.dma_semaphore, #tpu.memory_space<semaphore_mem>>)
      } else {
      }
      %get3A_144 = arith.constant 0 : index
      %get3A_145 = arith.constant 0 : index
      %get3A_146 = vector.load %arg11[%get3A_144, %get3A_145] : memref<512x384xi32, #tpu.memory_space<vmem>>, vector<512x384xi32>
      %bitcast_convert_type3A = tpu.bitcast %get3A_146 : vector<512x384xi32> -> vector<512x384xi32>
      %shift_left3A = arith.constant 16 : i32
      %shift_left3A_147 = vector.broadcast %shift_left3A : i32 to vector<512x384xi32>
      %shift_left3A_148 = arith.shli %bitcast_convert_type3A, %shift_left3A_147 : vector<512x384xi32>
      %bitcast_convert_type3A_149 = tpu.bitcast %shift_left3A_148 : vector<512x384xi32> -> vector<512x384xf32>
      %and3A_150 = arith.constant -65536 : i32
      %and3A_151 = vector.broadcast %and3A_150 : i32 to vector<512x384xi32>
      %and3A_152 = arith.andi %bitcast_convert_type3A, %and3A_151 : vector<512x384xi32>
      %bitcast_convert_type3A_153 = tpu.bitcast %and3A_152 : vector<512x384xi32> -> vector<512x384xf32>
      %concatenate3A = tpu.concatenate %bitcast_convert_type3A_149, %bitcast_convert_type3A_153 in 1 : vector<512x384xf32>, vector<512x384xf32> -> vector<512x768xf32>
      %convert_element_type3A_154 = arith.truncf %concatenate3A : vector<512x768xf32> to vector<512x768xbf16>
      %get3A_155 = arith.constant 0 : index
      %get3A_156 = arith.constant 0 : index
      %get3A_157 = vector.load %arg9[%get3A_155, %get3A_156] : memref<1x512xi32, #tpu.memory_space<vmem>>, vector<1x512xi32>
      %eq3A = vector.broadcast %get3A_157 : vector<1x512xi32> to vector<128x512xi32>
      %eq3A_158 = arith.cmpi eq, %add3A_57, %eq3A : vector<128x512xi32>
      %convert_element_type3A_159 = arith.extui %eq3A_158 : vector<128x512xi1> to vector<128x512xi32>
      %convert_element_type3A_160 = arith.sitofp %convert_element_type3A_159 : vector<128x512xi32> to vector<128x512xf32>
      %convert_element_type3A_161 = arith.truncf %convert_element_type3A_160 : vector<128x512xf32> to vector<128x512xbf16>
      %dot_general3A = arith.constant dense<0.000000e+00> : vector<512x16xf32>
      %dot_general3A_162 = tpu.matmul %convert_element_type3A_154, %convert_element_type3A_76, %dot_general3A {dimension_numbers = #tpu.dot_dimension_numbers<[1], [0], [0], [1], [0, 0, 1, 1], [], []>, transpose_lhs_hint = false} : vector<512x768xbf16>, vector<768x16xbf16>, vector<512x16xf32> -> vector<512x16xf32>
      %dot_general3A_163 = arith.constant dense<0.000000e+00> : vector<512x16xf32>
      %dot_general3A_164 = tpu.matmul %convert_element_type3A_161, %convert_element_type3A_72, %dot_general3A_163 {dimension_numbers = #tpu.dot_dimension_numbers<[0], [0], [1], [1], [0, 1, 1, 1], [], []>, transpose_lhs_hint = false} : vector<128x512xbf16>, vector<128x16xbf16>, vector<512x16xf32> -> vector<512x16xf32>
      %add3A_165 = arith.addf %dot_general3A_162, %dot_general3A_164 : vector<512x16xf32>
      %ge3A = arith.constant 0.000000e+00 : f32
      %ge3A_166 = vector.broadcast %ge3A : f32 to vector<512x16xf32>
      %ge3A_167 = arith.cmpf oge, %add3A_165, %ge3A_166 : vector<512x16xf32>
      %mul3A_168 = arith.constant 2.000000e-01 : f32
      %mul3A_169 = vector.broadcast %mul3A_168 : f32 to vector<512x16xf32>
      %mul3A_170 = arith.mulf %mul3A_169, %add3A_165 : vector<512x16xf32>
      %select_n3A_171 = arith.select %ge3A_167, %add3A_165, %mul3A_170 : vector<512x16xi1>, vector<512x16xf32>
      %exp3A = math.exp %select_n3A_171 : vector<512x16xf32>
      %convert_element_type3A_172 = arith.truncf %exp3A : vector<512x16xf32> to vector<512x16xbf16>
      %get3A_173 = arith.constant 0 : index
      %get3A_174 = arith.constant 0 : index
      %get3A_175 = vector.load %arg14[%get3A_173, %get3A_174] : memref<128x16xf32, #tpu.memory_space<vmem>>, vector<128x16xf32>
      %dot_general3A_176 = arith.constant dense<0.000000e+00> : vector<128x16xf32>
      %dot_general3A_177 = tpu.matmul %convert_element_type3A_161, %convert_element_type3A_172, %dot_general3A_176 {dimension_numbers = #tpu.dot_dimension_numbers<[1], [0], [0], [1], [0, 0, 1, 1], [], []>, transpose_lhs_hint = false} : vector<128x512xbf16>, vector<512x16xbf16>, vector<128x16xf32> -> vector<128x16xf32>
      %add3A_178 = arith.addf %get3A_175, %dot_general3A_177 : vector<128x16xf32>
      %swap3A_179 = arith.constant 0 : index
      %swap3A_180 = arith.constant 0 : index
      %swap3A_181 = vector.load %arg14[%swap3A_179, %swap3A_180] : memref<128x16xf32, #tpu.memory_space<vmem>>, vector<128x16xf32>
      tpu.vector_store %arg14[%swap3A_179, %swap3A_180], %add3A_178 {strides = array<i32>} : memref<128x16xf32, #tpu.memory_space<vmem>>, vector<128x16xf32>,
      %dot_general3A_182 = arith.constant dense<0.000000e+00> : vector<512x768xf32>
      %dot_general3A_183 = tpu.matmul %convert_element_type3A_172, %convert_element_type3A, %dot_general3A_182 {dimension_numbers = #tpu.dot_dimension_numbers<[1], [0], [0], [1], [0, 0, 1, 1], [], []>, transpose_lhs_hint = false} : vector<512x16xbf16>, vector<16x768xbf16>, vector<512x768xf32> -> vector<512x768xf32>
      %mul3A_184 = arith.mulf %concatenate3A, %dot_general3A_183 : vector<512x768xf32>
      %convert_element_type3A_185 = arith.truncf %mul3A_184 : vector<512x768xf32> to vector<512x768xbf16>
      %get3A_186 = arith.constant 0 : index
      %get3A_187 = arith.constant 0 : index
      %get3A_188 = vector.load %arg13[%get3A_186, %get3A_187] : memref<128x768xf32, #tpu.memory_space<vmem>>, vector<128x768xf32>
      %dot_general3A_189 = arith.constant dense<0.000000e+00> : vector<128x768xf32>
      %dot_general3A_190 = tpu.matmul %convert_element_type3A_161, %convert_element_type3A_185, %dot_general3A_189 {dimension_numbers = #tpu.dot_dimension_numbers<[1], [0], [0], [1], [0, 0, 1, 1], [], []>, transpose_lhs_hint = false} : vector<128x512xbf16>, vector<512x768xbf16>, vector<128x768xf32> -> vector<128x768xf32>
      %add3A_191 = arith.addf %get3A_188, %dot_general3A_190 : vector<128x768xf32>
      %swap3A_192 = arith.constant 0 : index
      %swap3A_193 = arith.constant 0 : index
      %swap3A_194 = vector.load %arg13[%swap3A_192, %swap3A_193] : memref<128x768xf32, #tpu.memory_space<vmem>>, vector<128x768xf32>
      tpu.vector_store %arg13[%swap3A_192, %swap3A_193], %add3A_191 {strides = array<i32>} : memref<128x768xf32, #tpu.memory_space<vmem>>, vector<128x768xf32>,
      %add3A_195 = arith.constant 1 : i32
      %add3A_196 = arith.addi %mul3A_129, %add3A_195 : i32
      %lt3A_197 = arith.cmpi slt, %add3A_196, %max3A_53 : i32
      %convert_element_type3A_198 = arith.extui %lt3A_197 : i1 to i32
      %cond3A_199 = arith.constant 0 : i32
      %cond3A_200 = arith.cmpi ne, %convert_element_type3A_198, %cond3A_199 : i32
      scf.if %cond3A_200 {
        %add3A_201 = arith.constant 1 : i32
        %add3A_202 = arith.addi %mul3A_129, %add3A_201 : i32
        %mul3A_203 = arith.constant 512 : i32
        %mul3A_204 = arith.muli %add3A_202, %mul3A_203 : i32
        %add3A_205 = arith.addi %max3A_18, %mul3A_204 : i32
        %multiple_of3A_206 = tpu.assume_multiple %add3A_205, 512 : i32
        %sub3A_207 = arith.constant 0 : i32
        %sub3A_208 = arith.subi %multiple_of3A_206, %sub3A_207 : i32
        %multiple_of3A_209 = tpu.assume_multiple %sub3A_208, 512 : i32
        %dma_wait3A_210 = arith.constant 0 : i32
        %dma_wait3A_211 = tpu.memref_slice %arg2[%dma_wait3A_210, %multiple_of3A_206] : memref<1x172032xi32, #tpu.memory_space<hbm>> -> memref<1x512xi32, #tpu.memory_space<hbm>>
        tpu.wait_dma2 semaphore(%arg17 : memref<!tpu.dma_semaphore, #tpu.memory_space<semaphore_mem>>) src(%dma_wait3A_211 : memref<1x512xi32, #tpu.memory_space<hbm>>) dst(%arg10 : memref<1x512xi32, #tpu.memory_space<vmem>>)
        %dma_wait3A_212 = arith.constant 0 : i32
        %dma_wait3A_213 = tpu.memref_slice %arg3[%multiple_of3A_209, %dma_wait3A_212] : memref<172032x384xi32, #tpu.memory_space<hbm>> -> memref<512x384xi32, #tpu.memory_space<hbm>>
        tpu.wait_dma2 semaphore(%arg18 : memref<!tpu.dma_semaphore, #tpu.memory_space<semaphore_mem>>) src(%dma_wait3A_213 : memref<512x384xi32, #tpu.memory_space<hbm>>) dst(%arg12 : memref<512x384xi32, #tpu.memory_space<vmem>>)
        %add3A_214 = arith.constant 2 : i32
        %add3A_215 = arith.addi %mul3A_129, %add3A_214 : i32
        %lt3A_216 = arith.cmpi slt, %add3A_215, %max3A_53 : i32
        %convert_element_type3A_217 = arith.extui %lt3A_216 : i1 to i32
        %cond3A_218 = arith.constant 0 : i32
        %cond3A_219 = arith.cmpi ne, %convert_element_type3A_217, %cond3A_218 : i32
        scf.if %cond3A_219 {
          %add3A_278 = arith.constant 2 : i32
          %add3A_279 = arith.addi %mul3A_129, %add3A_278 : i32
          %mul3A_280 = arith.constant 512 : i32
          %mul3A_281 = arith.muli %add3A_279, %mul3A_280 : i32
          %add3A_282 = arith.addi %max3A_18, %mul3A_281 : i32
          %multiple_of3A_283 = tpu.assume_multiple %add3A_282, 512 : i32
          %sub3A_284 = arith.constant 0 : i32
          %sub3A_285 = arith.subi %multiple_of3A_283, %sub3A_284 : i32
          %multiple_of3A_286 = tpu.assume_multiple %sub3A_285, 512 : i32
          %dma_start3A = arith.constant 0 : i32
          %dma_start3A_287 = tpu.memref_slice %arg2[%dma_start3A, %multiple_of3A_283] : memref<1x172032xi32, #tpu.memory_space<hbm>> -> memref<1x512xi32, #tpu.memory_space<hbm>>
          tpu.enqueue_dma source(%dma_start3A_287 : memref<1x512xi32, #tpu.memory_space<hbm>>) target(%arg9 : memref<1x512xi32, #tpu.memory_space<vmem>>) target_semaphore(%arg15 : memref<!tpu.dma_semaphore, #tpu.memory_space<semaphore_mem>>)
          %dma_start3A_288 = arith.constant 0 : i32
          %dma_start3A_289 = tpu.memref_slice %arg3[%multiple_of3A_286, %dma_start3A_288] : memref<172032x384xi32, #tpu.memory_space<hbm>> -> memref<512x384xi32, #tpu.memory_space<hbm>>
          tpu.enqueue_dma source(%dma_start3A_289 : memref<512x384xi32, #tpu.memory_space<hbm>>) target(%arg11 : memref<512x384xi32, #tpu.memory_space<vmem>>) target_semaphore(%arg16 : memref<!tpu.dma_semaphore, #tpu.memory_space<semaphore_mem>>)
        } else {
        }
        %get3A_220 = arith.constant 0 : index
        %get3A_221 = arith.constant 0 : index
        %get3A_222 = vector.load %arg12[%get3A_220, %get3A_221] : memref<512x384xi32, #tpu.memory_space<vmem>>, vector<512x384xi32>
        %bitcast_convert_type3A_223 = tpu.bitcast %get3A_222 : vector<512x384xi32> -> vector<512x384xi32>
        %shift_left3A_224 = arith.constant 16 : i32
        %shift_left3A_225 = vector.broadcast %shift_left3A_224 : i32 to vector<512x384xi32>
        %shift_left3A_226 = arith.shli %bitcast_convert_type3A_223, %shift_left3A_225 : vector<512x384xi32>
        %bitcast_convert_type3A_227 = tpu.bitcast %shift_left3A_226 : vector<512x384xi32> -> vector<512x384xf32>
        %and3A_228 = arith.constant -65536 : i32
        %and3A_229 = vector.broadcast %and3A_228 : i32 to vector<512x384xi32>
        %and3A_230 = arith.andi %bitcast_convert_type3A_223, %and3A_229 : vector<512x384xi32>
        %bitcast_convert_type3A_231 = tpu.bitcast %and3A_230 : vector<512x384xi32> -> vector<512x384xf32>
        %concatenate3A_232 = tpu.concatenate %bitcast_convert_type3A_227, %bitcast_convert_type3A_231 in 1 : vector<512x384xf32>, vector<512x384xf32> -> vector<512x768xf32>
        %convert_element_type3A_233 = arith.truncf %concatenate3A_232 : vector<512x768xf32> to vector<512x768xbf16>
        %get3A_234 = arith.constant 0 : index
        %get3A_235 = arith.constant 0 : index
        %get3A_236 = vector.load %arg10[%get3A_234, %get3A_235] : memref<1x512xi32, #tpu.memory_space<vmem>>, vector<1x512xi32>
        %eq3A_237 = vector.broadcast %get3A_236 : vector<1x512xi32> to vector<128x512xi32>
        %eq3A_238 = arith.cmpi eq, %add3A_57, %eq3A_237 : vector<128x512xi32>
        %convert_element_type3A_239 = arith.extui %eq3A_238 : vector<128x512xi1> to vector<128x512xi32>
        %convert_element_type3A_240 = arith.sitofp %convert_element_type3A_239 : vector<128x512xi32> to vector<128x512xf32>
        %convert_element_type3A_241 = arith.truncf %convert_element_type3A_240 : vector<128x512xf32> to vector<128x512xbf16>
        %dot_general3A_242 = arith.constant dense<0.000000e+00> : vector<512x16xf32>
        %dot_general3A_243 = tpu.matmul %convert_element_type3A_233, %convert_element_type3A_76, %dot_general3A_242 {dimension_numbers = #tpu.dot_dimension_numbers<[1], [0], [0], [1], [0, 0, 1, 1], [], []>, transpose_lhs_hint = false} : vector<512x768xbf16>, vector<768x16xbf16>, vector<512x16xf32> -> vector<512x16xf32>
        %dot_general3A_244 = arith.constant dense<0.000000e+00> : vector<512x16xf32>
        %dot_general3A_245 = tpu.matmul %convert_element_type3A_241, %convert_element_type3A_72, %dot_general3A_244 {dimension_numbers = #tpu.dot_dimension_numbers<[0], [0], [1], [1], [0, 1, 1, 1], [], []>, transpose_lhs_hint = false} : vector<128x512xbf16>, vector<128x16xbf16>, vector<512x16xf32> -> vector<512x16xf32>
        %add3A_246 = arith.addf %dot_general3A_243, %dot_general3A_245 : vector<512x16xf32>
        %ge3A_247 = arith.constant 0.000000e+00 : f32
        %ge3A_248 = vector.broadcast %ge3A_247 : f32 to vector<512x16xf32>
        %ge3A_249 = arith.cmpf oge, %add3A_246, %ge3A_248 : vector<512x16xf32>
        %mul3A_250 = arith.constant 2.000000e-01 : f32
        %mul3A_251 = vector.broadcast %mul3A_250 : f32 to vector<512x16xf32>
        %mul3A_252 = arith.mulf %mul3A_251, %add3A_246 : vector<512x16xf32>
        %select_n3A_253 = arith.select %ge3A_249, %add3A_246, %mul3A_252 : vector<512x16xi1>, vector<512x16xf32>
        %exp3A_254 = math.exp %select_n3A_253 : vector<512x16xf32>
        %convert_element_type3A_255 = arith.truncf %exp3A_254 : vector<512x16xf32> to vector<512x16xbf16>
        %get3A_256 = arith.constant 0 : index
        %get3A_257 = arith.constant 0 : index
        %get3A_258 = vector.load %arg14[%get3A_256, %get3A_257] : memref<128x16xf32, #tpu.memory_space<vmem>>, vector<128x16xf32>
        %dot_general3A_259 = arith.constant dense<0.000000e+00> : vector<128x16xf32>
        %dot_general3A_260 = tpu.matmul %convert_element_type3A_241, %convert_element_type3A_255, %dot_general3A_259 {dimension_numbers = #tpu.dot_dimension_numbers<[1], [0], [0], [1], [0, 0, 1, 1], [], []>, transpose_lhs_hint = false} : vector<128x512xbf16>, vector<512x16xbf16>, vector<128x16xf32> -> vector<128x16xf32>
        %add3A_261 = arith.addf %get3A_258, %dot_general3A_260 : vector<128x16xf32>
        %swap3A_262 = arith.constant 0 : index
        %swap3A_263 = arith.constant 0 : index
        %swap3A_264 = vector.load %arg14[%swap3A_262, %swap3A_263] : memref<128x16xf32, #tpu.memory_space<vmem>>, vector<128x16xf32>
        tpu.vector_store %arg14[%swap3A_262, %swap3A_263], %add3A_261 {strides = array<i32>} : memref<128x16xf32, #tpu.memory_space<vmem>>, vector<128x16xf32>,
        %dot_general3A_265 = arith.constant dense<0.000000e+00> : vector<512x768xf32>
        %dot_general3A_266 = tpu.matmul %convert_element_type3A_255, %convert_element_type3A, %dot_general3A_265 {dimension_numbers = #tpu.dot_dimension_numbers<[1], [0], [0], [1], [0, 0, 1, 1], [], []>, transpose_lhs_hint = false} : vector<512x16xbf16>, vector<16x768xbf16>, vector<512x768xf32> -> vector<512x768xf32>
        %mul3A_267 = arith.mulf %concatenate3A_232, %dot_general3A_266 : vector<512x768xf32>
        %convert_element_type3A_268 = arith.truncf %mul3A_267 : vector<512x768xf32> to vector<512x768xbf16>
        %get3A_269 = arith.constant 0 : index
        %get3A_270 = arith.constant 0 : index
        %get3A_271 = vector.load %arg13[%get3A_269, %get3A_270] : memref<128x768xf32, #tpu.memory_space<vmem>>, vector<128x768xf32>
        %dot_general3A_272 = arith.constant dense<0.000000e+00> : vector<128x768xf32>
        %dot_general3A_273 = tpu.matmul %convert_element_type3A_241, %convert_element_type3A_268, %dot_general3A_272 {dimension_numbers = #tpu.dot_dimension_numbers<[1], [0], [0], [1], [0, 0, 1, 1], [], []>, transpose_lhs_hint = false} : vector<128x512xbf16>, vector<512x768xbf16>, vector<128x768xf32> -> vector<128x768xf32>
        %add3A_274 = arith.addf %get3A_271, %dot_general3A_273 : vector<128x768xf32>
        %swap3A_275 = arith.constant 0 : index
        %swap3A_276 = arith.constant 0 : index
        %swap3A_277 = vector.load %arg13[%swap3A_275, %swap3A_276] : memref<128x768xf32, #tpu.memory_space<vmem>>, vector<128x768xf32>
        tpu.vector_store %arg13[%swap3A_275, %swap3A_276], %add3A_274 {strides = array<i32>} : memref<128x768xf32, #tpu.memory_space<vmem>>, vector<128x768xf32>,
      } else {
      }
    }
    %while3A_114 = arith.constant 1 : i32
    scf.for %while3A_127 = %while3A_112 to %while3A_108 step %while3A_114  : i32 {
      %mul3A_128 = arith.constant 2 : i32
      %mul3A_129 = arith.muli %mul3A_128, %while3A_127 : i32
      %mul3A_130 = arith.constant 512 : i32
      %mul3A_131 = arith.muli %mul3A_129, %mul3A_130 : i32
      %add3A_132 = arith.addi %max3A_18, %mul3A_131 : i32
      %multiple_of3A = tpu.assume_multiple %add3A_132, 512 : i32
      %sub3A_133 = arith.constant 0 : i32
      %sub3A_134 = arith.subi %multiple_of3A, %sub3A_133 : i32
      %multiple_of3A_135 = tpu.assume_multiple %sub3A_134, 512 : i32
      %dma_wait3A = arith.constant 0 : i32
      %dma_wait3A_136 = tpu.memref_slice %arg2[%dma_wait3A, %multiple_of3A] : memref<1x172032xi32, #tpu.memory_space<hbm>> -> memref<1x512xi32, #tpu.memory_space<hbm>>
      tpu.wait_dma2 semaphore(%arg15 : memref<!tpu.dma_semaphore, #tpu.memory_space<semaphore_mem>>) src(%dma_wait3A_136 : memref<1x512xi32, #tpu.memory_space<hbm>>) dst(%arg9 : memref<1x512xi32, #tpu.memory_space<vmem>>)
      %dma_wait3A_137 = arith.constant 0 : i32
      %dma_wait3A_138 = tpu.memref_slice %arg3[%multiple_of3A_135, %dma_wait3A_137] : memref<172032x384xi32, #tpu.memory_space<hbm>> -> memref<512x384xi32, #tpu.memory_space<hbm>>
      tpu.wait_dma2 semaphore(%arg16 : memref<!tpu.dma_semaphore, #tpu.memory_space<semaphore_mem>>) src(%dma_wait3A_138 : memref<512x384xi32, #tpu.memory_space<hbm>>) dst(%arg11 : memref<512x384xi32, #tpu.memory_space<vmem>>)
      %add3A_139 = arith.constant 1 : i32
      %add3A_140 = arith.addi %mul3A_129, %add3A_139 : i32
      %lt3A = arith.cmpi slt, %add3A_140, %max3A_53 : i32
      %convert_element_type3A_141 = arith.extui %lt3A : i1 to i32
      %cond3A_142 = arith.constant 0 : i32
      %cond3A_143 = arith.cmpi ne, %convert_element_type3A_141, %cond3A_142 : i32
      scf.if %cond3A_143 {
        %add3A_201 = arith.constant 1 : i32
        %add3A_202 = arith.addi %mul3A_129, %add3A_201 : i32
        %mul3A_203 = arith.constant 512 : i32
        %mul3A_204 = arith.muli %add3A_202, %mul3A_203 : i32
        %add3A_205 = arith.addi %max3A_18, %mul3A_204 : i32
        %multiple_of3A_206 = tpu.assume_multiple %add3A_205, 512 : i32
        %sub3A_207 = arith.constant 0 : i32
        %sub3A_208 = arith.subi %multiple_of3A_206, %sub3A_207 : i32
        %multiple_of3A_209 = tpu.assume_multiple %sub3A_208, 512 : i32
        %dma_start3A = arith.constant 0 : i32
        %dma_start3A_210 = tpu.memref_slice %arg2[%dma_start3A, %multiple_of3A_206] : memref<1x172032xi32, #tpu.memory_space<hbm>> -> memref<1x512xi32, #tpu.memory_space<hbm>>
        tpu.enqueue_dma source(%dma_start3A_210 : memref<1x512xi32, #tpu.memory_space<hbm>>) target(%arg10 : memref<1x512xi32, #tpu.memory_space<vmem>>) target_semaphore(%arg17 : memref<!tpu.dma_semaphore, #tpu.memory_space<semaphore_mem>>)
        %dma_start3A_211 = arith.constant 0 : i32
        %dma_start3A_212 = tpu.memref_slice %arg3[%multiple_of3A_209, %dma_start3A_211] : memref<172032x384xi32, #tpu.memory_space<hbm>> -> memref<512x384xi32, #tpu.memory_space<hbm>>
        tpu.enqueue_dma source(%dma_start3A_212 : memref<512x384xi32, #tpu.memory_space<hbm>>) target(%arg12 : memref<512x384xi32, #tpu.memory_space<vmem>>) target_semaphore(%arg18 : memref<!tpu.dma_semaphore, #tpu.memory_space<semaphore_mem>>)
      } else {
      }
      %get3A_144 = arith.constant 0 : index
      %get3A_145 = arith.constant 0 : index
      %get3A_146 = vector.load %arg11[%get3A_144, %get3A_145] : memref<512x384xi32, #tpu.memory_space<vmem>>, vector<512x384xi32>
      %bitcast_convert_type3A = tpu.bitcast %get3A_146 : vector<512x384xi32> -> vector<512x384xi32>
      %shift_left3A = arith.constant 16 : i32
      %shift_left3A_147 = vector.broadcast %shift_left3A : i32 to vector<512x384xi32>
      %shift_left3A_148 = arith.shli %bitcast_convert_type3A, %shift_left3A_147 : vector<512x384xi32>
      %bitcast_convert_type3A_149 = tpu.bitcast %shift_left3A_148 : vector<512x384xi32> -> vector<512x384xf32>
      %and3A_150 = arith.constant -65536 : i32
      %and3A_151 = vector.broadcast %and3A_150 : i32 to vector<512x384xi32>
      %and3A_152 = arith.andi %bitcast_convert_type3A, %and3A_151 : vector<512x384xi32>
      %bitcast_convert_type3A_153 = tpu.bitcast %and3A_152 : vector<512x384xi32> -> vector<512x384xf32>
      %concatenate3A = tpu.concatenate %bitcast_convert_type3A_149, %bitcast_convert_type3A_153 in 1 : vector<512x384xf32>, vector<512x384xf32> -> vector<512x768xf32>
      %convert_element_type3A_154 = arith.truncf %concatenate3A : vector<512x768xf32> to vector<512x768xbf16>
      %get3A_155 = arith.constant 0 : index
      %get3A_156 = arith.constant 0 : index
      %get3A_157 = vector.load %arg9[%get3A_155, %get3A_156] : memref<1x512xi32, #tpu.memory_space<vmem>>, vector<1x512xi32>
      %eq3A = vector.broadcast %get3A_157 : vector<1x512xi32> to vector<128x512xi32>
      %eq3A_158 = arith.cmpi eq, %add3A_57, %eq3A : vector<128x512xi32>
      %convert_element_type3A_159 = arith.extui %eq3A_158 : vector<128x512xi1> to vector<128x512xi32>
      %convert_element_type3A_160 = arith.sitofp %convert_element_type3A_159 : vector<128x512xi32> to vector<128x512xf32>
      %convert_element_type3A_161 = arith.truncf %convert_element_type3A_160 : vector<128x512xf32> to vector<128x512xbf16>
      %dot_general3A = arith.constant dense<0.000000e+00> : vector<512x16xf32>
      %dot_general3A_162 = tpu.matmul %convert_element_type3A_154, %convert_element_type3A_76, %dot_general3A {dimension_numbers = #tpu.dot_dimension_numbers<[1], [0], [0], [1], [0, 0, 1, 1], [], []>, transpose_lhs_hint = false} : vector<512x768xbf16>, vector<768x16xbf16>, vector<512x16xf32> -> vector<512x16xf32>
      %dot_general3A_163 = arith.constant dense<0.000000e+00> : vector<512x16xf32>
      %dot_general3A_164 = tpu.matmul %convert_element_type3A_161, %convert_element_type3A_72, %dot_general3A_163 {dimension_numbers = #tpu.dot_dimension_numbers<[0], [0], [1], [1], [0, 1, 1, 1], [], []>, transpose_lhs_hint = false} : vector<128x512xbf16>, vector<128x16xbf16>, vector<512x16xf32> -> vector<512x16xf32>
      %add3A_165 = arith.addf %dot_general3A_162, %dot_general3A_164 : vector<512x16xf32>
      %ge3A = arith.constant 0.000000e+00 : f32
      %ge3A_166 = vector.broadcast %ge3A : f32 to vector<512x16xf32>
      %ge3A_167 = arith.cmpf oge, %add3A_165, %ge3A_166 : vector<512x16xf32>
      %mul3A_168 = arith.constant 2.000000e-01 : f32
      %mul3A_169 = vector.broadcast %mul3A_168 : f32 to vector<512x16xf32>
      %mul3A_170 = arith.mulf %mul3A_169, %add3A_165 : vector<512x16xf32>
      %select_n3A_171 = arith.select %ge3A_167, %add3A_165, %mul3A_170 : vector<512x16xi1>, vector<512x16xf32>
      %exp3A = math.exp %select_n3A_171 : vector<512x16xf32>
      %convert_element_type3A_172 = arith.truncf %exp3A : vector<512x16xf32> to vector<512x16xbf16>
      %get3A_173 = arith.constant 0 : index
      %get3A_174 = arith.constant 0 : index
      %get3A_175 = vector.load %arg14[%get3A_173, %get3A_174] : memref<128x16xf32, #tpu.memory_space<vmem>>, vector<128x16xf32>
      %dot_general3A_176 = arith.constant dense<0.000000e+00> : vector<128x16xf32>
      %dot_general3A_177 = tpu.matmul %convert_element_type3A_161, %convert_element_type3A_172, %dot_general3A_176 {dimension_numbers = #tpu.dot_dimension_numbers<[1], [0], [0], [1], [0, 0, 1, 1], [], []>, transpose_lhs_hint = false} : vector<128x512xbf16>, vector<512x16xbf16>, vector<128x16xf32> -> vector<128x16xf32>
      %add3A_178 = arith.addf %get3A_175, %dot_general3A_177 : vector<128x16xf32>
      %swap3A_179 = arith.constant 0 : index
      %swap3A_180 = arith.constant 0 : index
      %swap3A_181 = vector.load %arg14[%swap3A_179, %swap3A_180] : memref<128x16xf32, #tpu.memory_space<vmem>>, vector<128x16xf32>
      tpu.vector_store %arg14[%swap3A_179, %swap3A_180], %add3A_178 {strides = array<i32>} : memref<128x16xf32, #tpu.memory_space<vmem>>, vector<128x16xf32>,
      %dot_general3A_182 = arith.constant dense<0.000000e+00> : vector<512x768xf32>
      %dot_general3A_183 = tpu.matmul %convert_element_type3A_172, %convert_element_type3A, %dot_general3A_182 {dimension_numbers = #tpu.dot_dimension_numbers<[1], [0], [0], [1], [0, 0, 1, 1], [], []>, transpose_lhs_hint = false} : vector<512x16xbf16>, vector<16x768xbf16>, vector<512x768xf32> -> vector<512x768xf32>
      %mul3A_184 = arith.mulf %concatenate3A, %dot_general3A_183 : vector<512x768xf32>
      %convert_element_type3A_185 = arith.truncf %mul3A_184 : vector<512x768xf32> to vector<512x768xbf16>
      %get3A_186 = arith.constant 0 : index
      %get3A_187 = arith.constant 0 : index
      %get3A_188 = vector.load %arg13[%get3A_186, %get3A_187] : memref<128x768xf32, #tpu.memory_space<vmem>>, vector<128x768xf32>
      %dot_general3A_189 = arith.constant dense<0.000000e+00> : vector<128x768xf32>
      %dot_general3A_190 = tpu.matmul %convert_element_type3A_161, %convert_element_type3A_185, %dot_general3A_189 {dimension_numbers = #tpu.dot_dimension_numbers<[1], [0], [0], [1], [0, 0, 1, 1], [], []>, transpose_lhs_hint = false} : vector<128x512xbf16>, vector<512x768xbf16>, vector<128x768xf32> -> vector<128x768xf32>
      %add3A_191 = arith.addf %get3A_188, %dot_general3A_190 : vector<128x768xf32>
      %swap3A_192 = arith.constant 0 : index
      %swap3A_193 = arith.constant 0 : index
      %swap3A_194 = vector.load %arg13[%swap3A_192, %swap3A_193] : memref<128x768xf32, #tpu.memory_space<vmem>>, vector<128x768xf32>
      tpu.vector_store %arg13[%swap3A_192, %swap3A_193], %add3A_191 {strides = array<i32>} : memref<128x768xf32, #tpu.memory_space<vmem>>, vector<128x768xf32>,
      %add3A_195 = arith.constant 1 : i32
      %add3A_196 = arith.addi %mul3A_129, %add3A_195 : i32
      %lt3A_197 = arith.cmpi slt, %add3A_196, %max3A_53 : i32
      %convert_element_type3A_198 = arith.extui %lt3A_197 : i1 to i32
      %cond3A_199 = arith.constant 0 : i32
      %cond3A_200 = arith.cmpi ne, %convert_element_type3A_198, %cond3A_199 : i32
      scf.if %cond3A_200 {
        %add3A_201 = arith.constant 1 : i32
        %add3A_202 = arith.addi %mul3A_129, %add3A_201 : i32
        %mul3A_203 = arith.constant 512 : i32
        %mul3A_204 = arith.muli %add3A_202, %mul3A_203 : i32
        %add3A_205 = arith.addi %max3A_18, %mul3A_204 : i32
        %multiple_of3A_206 = tpu.assume_multiple %add3A_205, 512 : i32
        %sub3A_207 = arith.constant 0 : i32
        %sub3A_208 = arith.subi %multiple_of3A_206, %sub3A_207 : i32
        %multiple_of3A_209 = tpu.assume_multiple %sub3A_208, 512 : i32
        %dma_wait3A_210 = arith.constant 0 : i32
        %dma_wait3A_211 = tpu.memref_slice %arg2[%dma_wait3A_210, %multiple_of3A_206] : memref<1x172032xi32, #tpu.memory_space<hbm>> -> memref<1x512xi32, #tpu.memory_space<hbm>>
        tpu.wait_dma2 semaphore(%arg17 : memref<!tpu.dma_semaphore, #tpu.memory_space<semaphore_mem>>) src(%dma_wait3A_211 : memref<1x512xi32, #tpu.memory_space<hbm>>) dst(%arg10 : memref<1x512xi32, #tpu.memory_space<vmem>>)
        %dma_wait3A_212 = arith.constant 0 : i32
        %dma_wait3A_213 = tpu.memref_slice %arg3[%multiple_of3A_209, %dma_wait3A_212] : memref<172032x384xi32, #tpu.memory_space<hbm>> -> memref<512x384xi32, #tpu.memory_space<hbm>>
        tpu.wait_dma2 semaphore(%arg18 : memref<!tpu.dma_semaphore, #tpu.memory_space<semaphore_mem>>) src(%dma_wait3A_213 : memref<512x384xi32, #tpu.memory_space<hbm>>) dst(%arg12 : memref<512x384xi32, #tpu.memory_space<vmem>>)
        %add3A_214 = arith.constant 2 : i32
        %add3A_215 = arith.addi %mul3A_129, %add3A_214 : i32
        %lt3A_216 = arith.cmpi slt, %add3A_215, %max3A_53 : i32
        %convert_element_type3A_217 = arith.extui %lt3A_216 : i1 to i32
        %cond3A_218 = arith.constant 0 : i32
        %cond3A_219 = arith.cmpi ne, %convert_element_type3A_217, %cond3A_218 : i32
        scf.if %cond3A_219 {
          %add3A_278 = arith.constant 2 : i32
          %add3A_279 = arith.addi %mul3A_129, %add3A_278 : i32
          %mul3A_280 = arith.constant 512 : i32
          %mul3A_281 = arith.muli %add3A_279, %mul3A_280 : i32
          %add3A_282 = arith.addi %max3A_18, %mul3A_281 : i32
          %multiple_of3A_283 = tpu.assume_multiple %add3A_282, 512 : i32
          %sub3A_284 = arith.constant 0 : i32
          %sub3A_285 = arith.subi %multiple_of3A_283, %sub3A_284 : i32
          %multiple_of3A_286 = tpu.assume_multiple %sub3A_285, 512 : i32
          %dma_start3A = arith.constant 0 : i32
          %dma_start3A_287 = tpu.memref_slice %arg2[%dma_start3A, %multiple_of3A_283] : memref<1x172032xi32, #tpu.memory_space<hbm>> -> memref<1x512xi32, #tpu.memory_space<hbm>>
          tpu.enqueue_dma source(%dma_start3A_287 : memref<1x512xi32, #tpu.memory_space<hbm>>) target(%arg9 : memref<1x512xi32, #tpu.memory_space<vmem>>) target_semaphore(%arg15 : memref<!tpu.dma_semaphore, #tpu.memory_space<semaphore_mem>>)
          %dma_start3A_288 = arith.constant 0 : i32
          %dma_start3A_289 = tpu.memref_slice %arg3[%multiple_of3A_286, %dma_start3A_288] : memref<172032x384xi32, #tpu.memory_space<hbm>> -> memref<512x384xi32, #tpu.memory_space<hbm>>
          tpu.enqueue_dma source(%dma_start3A_289 : memref<512x384xi32, #tpu.memory_space<hbm>>) target(%arg11 : memref<512x384xi32, #tpu.memory_space<vmem>>) target_semaphore(%arg16 : memref<!tpu.dma_semaphore, #tpu.memory_space<semaphore_mem>>)
        } else {
        }
        %get3A_220 = arith.constant 0 : index
        %get3A_221 = arith.constant 0 : index
        %get3A_222 = vector.load %arg12[%get3A_220, %get3A_221] : memref<512x384xi32, #tpu.memory_space<vmem>>, vector<512x384xi32>
        %bitcast_convert_type3A_223 = tpu.bitcast %get3A_222 : vector<512x384xi32> -> vector<512x384xi32>
        %shift_left3A_224 = arith.constant 16 : i32
        %shift_left3A_225 = vector.broadcast %shift_left3A_224 : i32 to vector<512x384xi32>
        %shift_left3A_226 = arith.shli %bitcast_convert_type3A_223, %shift_left3A_225 : vector<512x384xi32>
        %bitcast_convert_type3A_227 = tpu.bitcast %shift_left3A_226 : vector<512x384xi32> -> vector<512x384xf32>
        %and3A_228 = arith.constant -65536 : i32
        %and3A_229 = vector.broadcast %and3A_228 : i32 to vector<512x384xi32>
        %and3A_230 = arith.andi %bitcast_convert_type3A_223, %and3A_229 : vector<512x384xi32>
        %bitcast_convert_type3A_231 = tpu.bitcast %and3A_230 : vector<512x384xi32> -> vector<512x384xf32>
        %concatenate3A_232 = tpu.concatenate %bitcast_convert_type3A_227, %bitcast_convert_type3A_231 in 1 : vector<512x384xf32>, vector<512x384xf32> -> vector<512x768xf32>
        %convert_element_type3A_233 = arith.truncf %concatenate3A_232 : vector<512x768xf32> to vector<512x768xbf16>
        %get3A_234 = arith.constant 0 : index
        %get3A_235 = arith.constant 0 : index
        %get3A_236 = vector.load %arg10[%get3A_234, %get3A_235] : memref<1x512xi32, #tpu.memory_space<vmem>>, vector<1x512xi32>
        %eq3A_237 = vector.broadcast %get3A_236 : vector<1x512xi32> to vector<128x512xi32>
        %eq3A_238 = arith.cmpi eq, %add3A_57, %eq3A_237 : vector<128x512xi32>
        %convert_element_type3A_239 = arith.extui %eq3A_238 : vector<128x512xi1> to vector<128x512xi32>
        %convert_element_type3A_240 = arith.sitofp %convert_element_type3A_239 : vector<128x512xi32> to vector<128x512xf32>
        %convert_element_type3A_241 = arith.truncf %convert_element_type3A_240 : vector<128x512xf32> to vector<128x512xbf16>
        %dot_general3A_242 = arith.constant dense<0.000000e+00> : vector<512x16xf32>
        %dot_general3A_243 = tpu.matmul %convert_element_type3A_233, %convert_element_type3A_76, %dot_general3A_242 {dimension_numbers = #tpu.dot_dimension_numbers<[1], [0], [0], [1], [0, 0, 1, 1], [], []>, transpose_lhs_hint = false} : vector<512x768xbf16>, vector<768x16xbf16>, vector<512x16xf32> -> vector<512x16xf32>
        %dot_general3A_244 = arith.constant dense<0.000000e+00> : vector<512x16xf32>
        %dot_general3A_245 = tpu.matmul %convert_element_type3A_241, %convert_element_type3A_72, %dot_general3A_244 {dimension_numbers = #tpu.dot_dimension_numbers<[0], [0], [1], [1], [0, 1, 1, 1], [], []>, transpose_lhs_hint = false} : vector<128x512xbf16>, vector<128x16xbf16>, vector<512x16xf32> -> vector<512x16xf32>
        %add3A_246 = arith.addf %dot_general3A_243, %dot_general3A_245 : vector<512x16xf32>
        %ge3A_247 = arith.constant 0.000000e+00 : f32
        %ge3A_248 = vector.broadcast %ge3A_247 : f32 to vector<512x16xf32>
        %ge3A_249 = arith.cmpf oge, %add3A_246, %ge3A_248 : vector<512x16xf32>
        %mul3A_250 = arith.constant 2.000000e-01 : f32
        %mul3A_251 = vector.broadcast %mul3A_250 : f32 to vector<512x16xf32>
        %mul3A_252 = arith.mulf %mul3A_251, %add3A_246 : vector<512x16xf32>
        %select_n3A_253 = arith.select %ge3A_249, %add3A_246, %mul3A_252 : vector<512x16xi1>, vector<512x16xf32>
        %exp3A_254 = math.exp %select_n3A_253 : vector<512x16xf32>
        %convert_element_type3A_255 = arith.truncf %exp3A_254 : vector<512x16xf32> to vector<512x16xbf16>
        %get3A_256 = arith.constant 0 : index
        %get3A_257 = arith.constant 0 : index
        %get3A_258 = vector.load %arg14[%get3A_256, %get3A_257] : memref<128x16xf32, #tpu.memory_space<vmem>>, vector<128x16xf32>
        %dot_general3A_259 = arith.constant dense<0.000000e+00> : vector<128x16xf32>
        %dot_general3A_260 = tpu.matmul %convert_element_type3A_241, %convert_element_type3A_255, %dot_general3A_259 {dimension_numbers = #tpu.dot_dimension_numbers<[1], [0], [0], [1], [0, 0, 1, 1], [], []>, transpose_lhs_hint = false} : vector<128x512xbf16>, vector<512x16xbf16>, vector<128x16xf32> -> vector<128x16xf32>
        %add3A_261 = arith.addf %get3A_258, %dot_general3A_260 : vector<128x16xf32>
        %swap3A_262 = arith.constant 0 : index
        %swap3A_263 = arith.constant 0 : index
        %swap3A_264 = vector.load %arg14[%swap3A_262, %swap3A_263] : memref<128x16xf32, #tpu.memory_space<vmem>>, vector<128x16xf32>
        tpu.vector_store %arg14[%swap3A_262, %swap3A_263], %add3A_261 {strides = array<i32>} : memref<128x16xf32, #tpu.memory_space<vmem>>, vector<128x16xf32>,
        %dot_general3A_265 = arith.constant dense<0.000000e+00> : vector<512x768xf32>
        %dot_general3A_266 = tpu.matmul %convert_element_type3A_255, %convert_element_type3A, %dot_general3A_265 {dimension_numbers = #tpu.dot_dimension_numbers<[1], [0], [0], [1], [0, 0, 1, 1], [], []>, transpose_lhs_hint = false} : vector<512x16xbf16>, vector<16x768xbf16>, vector<512x768xf32> -> vector<512x768xf32>
        %mul3A_267 = arith.mulf %concatenate3A_232, %dot_general3A_266 : vector<512x768xf32>
        %convert_element_type3A_268 = arith.truncf %mul3A_267 : vector<512x768xf32> to vector<512x768xbf16>
        %get3A_269 = arith.constant 0 : index
        %get3A_270 = arith.constant 0 : index
        %get3A_271 = vector.load %arg13[%get3A_269, %get3A_270] : memref<128x768xf32, #tpu.memory_space<vmem>>, vector<128x768xf32>
        %dot_general3A_272 = arith.constant dense<0.000000e+00> : vector<128x768xf32>
        %dot_general3A_273 = tpu.matmul %convert_element_type3A_241, %convert_element_type3A_268, %dot_general3A_272 {dimension_numbers = #tpu.dot_dimension_numbers<[1], [0], [0], [1], [0, 0, 1, 1], [], []>, transpose_lhs_hint = false} : vector<128x512xbf16>, vector<512x768xbf16>, vector<128x768xf32> -> vector<128x768xf32>
        %add3A_274 = arith.addf %get3A_271, %dot_general3A_273 : vector<128x768xf32>
        %swap3A_275 = arith.constant 0 : index
        %swap3A_276 = arith.constant 0 : index
        %swap3A_277 = vector.load %arg13[%swap3A_275, %swap3A_276] : memref<128x768xf32, #tpu.memory_space<vmem>>, vector<128x768xf32>
        tpu.vector_store %arg13[%swap3A_275, %swap3A_276], %add3A_274 {strides = array<i32>} : memref<128x768xf32, #tpu.memory_space<vmem>>, vector<128x768xf32>,
      } else {
      }
    }
    %get3A_115 = arith.constant 0 : index
    %get3A_116 = arith.constant 0 : index
    %get3A_117 = vector.load %arg13[%get3A_115, %get3A_116] : memref<128x768xf32, #tpu.memory_space<vmem>>, vector<128x768xf32>
    %swap3A_118 = arith.constant 0 : index
    %swap3A_119 = arith.constant 0 : index
    %swap3A_120 = vector.load %arg7[%swap3A_118, %swap3A_119] : memref<128x768xf32, #tpu.memory_space<vmem>>, vector<128x768xf32>
    tpu.vector_store %arg7[%swap3A_118, %swap3A_119], %get3A_117 {strides = array<i32>} : memref<128x768xf32, #tpu.memory_space<vmem>>, vector<128x768xf32>,
    %get3A_121 = arith.constant 0 : index
    %get3A_122 = arith.constant 0 : index
    %get3A_123 = vector.load %arg14[%get3A_121, %get3A_122] : memref<128x16xf32, #tpu.memory_space<vmem>>, vector<128x16xf32>
    %swap3A_124 = arith.constant 0 : index
    %swap3A_125 = arith.constant 0 : index
    %swap3A_126 = vector.load %arg8[%swap3A_124, %swap3A_125] : memref<128x16xf32, #tpu.memory_space<vmem>>, vector<128x16xf32>
    tpu.vector_store %arg8[%swap3A_124, %swap3A_125], %get3A_123 {strides = array<i32>} : memref<128x16xf32, #tpu.memory_space<vmem>>, vector<128x16xf32>,
    return
  }
  func.func @transform_2(%arg0: i32, %arg1: memref<81xi32, #tpu.memory_space<smem>>) -> (i32, i32) {
    %c0_i32 = arith.constant 0 : i32
    %c0_i32_0 = arith.constant 0 : i32
    return %arg0, %c0_i32 : i32, i32
  }
  func.func @transform_3(%arg0: i32, %arg1: memref<81xi32, #tpu.memory_space<smem>>) -> (i32, i32) {
    %c0_i32 = arith.constant 0 : i32
    %c0_i32_0 = arith.constant 0 : i32
    %c0_i32_1 = arith.constant 0 : i32
    return %c0_i32, %c0_i32_0 : i32, i32
  }
  func.func @transform_4(%arg0: i32, %arg1: memref<81xi32, #tpu.memory_space<smem>>) -> (i32, i32) {
    %c0_i32 = arith.constant 0 : i32
    %c0_i32_0 = arith.constant 0 : i32
    %c0_i32_1 = arith.constant 0 : i32
    return %c0_i32, %c0_i32_0 : i32, i32
  }
  func.func @transform_5(%arg0: i32, %arg1: memref<81xi32, #tpu.memory_space<smem>>) -> (i32, i32) {
    %c0_i32 = arith.constant 0 : i32
    %c0_i32_0 = arith.constant 0 : i32
    return %arg0, %c0_i32 : i32, i32
  }
  func.func @transform_6(%arg0: i32, %arg1: memref<81xi32, #tpu.memory_space<smem>>) -> (i32, i32) {
    %c0_i32 = arith.constant 0 : i32
    %c0_i32_0 = arith.constant 0 : i32
    return %arg0, %c0_i32 : i32, i32
  }
}

module attributes {stable_mosaic.version = 14 : i64} {
  func.func @body(%arg0: i32, %arg1: memref<256x768xf32, #tpu.memory_space<vmem>>, %arg2: memref<256x16xf32, #tpu.memory_space<vmem>>, %arg3: memref<16x768xf32, #tpu.memory_space<vmem>>, %arg4: memref<1x768xf32, #tpu.memory_space<vmem>>, %arg5: memref<768x1024xf32, #tpu.memory_space<vmem>>, %arg6: memref<1024x16xf32, #tpu.memory_space<vmem>>, %arg7: memref<256x512xi32, #tpu.memory_space<vmem>>, %arg8: memref<256x16xf32, #tpu.memory_space<vmem>>) attributes {dimension_semantics = [#tpu.dimension_semantics<arbitrary>], iteration_bounds = array<i64: 40>, scalar_prefetch = 0 : i64, scratch_operands = 0 : i64, tpu.core_type = #tpu.core_type<tc>, window_params = [{transform_indices = @transform_0, window_bounds = array<i64: 256, 768>}, {transform_indices = @transform_1, window_bounds = array<i64: 256, 16>}, {pipeline_mode = #tpu.pipeline_mode<synchronous>, transform_indices = @transform_2, window_bounds = array<i64: 16, 768>}, {pipeline_mode = #tpu.pipeline_mode<synchronous>, transform_indices = @transform_3, window_bounds = array<i64: 1, 768>}, {pipeline_mode = #tpu.pipeline_mode<synchronous>, transform_indices = @transform_4, window_bounds = array<i64: 768, 1024>}, {pipeline_mode = #tpu.pipeline_mode<synchronous>, transform_indices = @transform_5, window_bounds = array<i64: 1024, 16>}, {transform_indices = @transform_6, window_bounds = array<i64: 256, 512>}, {transform_indices = @transform_7, window_bounds = array<i64: 256, 16>}]} {
    %get3A = arith.constant 0 : index
    %get3A_0 = arith.constant 0 : index
    %get3A_1 = vector.load %arg2[%get3A, %get3A_0] : memref<256x16xf32, #tpu.memory_space<vmem>>, vector<256x16xf32>
    %get3A_2 = arith.constant 0 : index
    %get3A_3 = arith.constant 0 : index
    %get3A_4 = vector.load %arg3[%get3A_2, %get3A_3] : memref<16x768xf32, #tpu.memory_space<vmem>>, vector<16x768xf32>
    %dot_general3A = arith.constant dense<0.000000e+00> : vector<256x768xf32>
    %dot_general3A_5 = tpu.matmul %get3A_1, %get3A_4, %dot_general3A {dimension_numbers = #tpu.dot_dimension_numbers<[1], [0], [0], [1], [0, 0, 1, 1], [], []>, transpose_lhs_hint = false} : vector<256x16xf32>, vector<16x768xf32>, vector<256x768xf32> -> vector<256x768xf32>
    %add3A = arith.constant 1.000000e-16 : f32
    %add3A_6 = vector.broadcast %add3A : f32 to vector<256x768xf32>
    %add3A_7 = arith.addf %dot_general3A_5, %add3A_6 : vector<256x768xf32>
    %get3A_8 = arith.constant 0 : index
    %get3A_9 = arith.constant 0 : index
    %get3A_10 = vector.load %arg1[%get3A_8, %get3A_9] : memref<256x768xf32, #tpu.memory_space<vmem>>, vector<256x768xf32>
    %div3A = arith.divf %get3A_10, %add3A_7 : vector<256x768xf32>
    %get3A_11 = arith.constant 0 : index
    %get3A_12 = arith.constant 0 : index
    %get3A_13 = vector.load %arg4[%get3A_11, %get3A_12] : memref<1x768xf32, #tpu.memory_space<vmem>>, vector<1x768xf32>
    %add3A_14 = vector.broadcast %get3A_13 : vector<1x768xf32> to vector<256x768xf32>
    %add3A_15 = arith.addf %div3A, %add3A_14 : vector<256x768xf32>
    %max3A = arith.constant 0.000000e+00 : f32
    %max3A_16 = vector.broadcast %max3A : f32 to vector<256x768xf32>
    %max3A_17 = arith.maximumf %add3A_15, %max3A_16 : vector<256x768xf32>
    %convert_element_type3A = arith.truncf %max3A_17 : vector<256x768xf32> to vector<256x768xbf16>
    %get3A_18 = arith.constant 0 : index
    %get3A_19 = arith.constant 0 : index
    %get3A_20 = vector.load %arg5[%get3A_18, %get3A_19] : memref<768x1024xf32, #tpu.memory_space<vmem>>, vector<768x1024xf32>
    %convert_element_type3A_21 = arith.truncf %get3A_20 : vector<768x1024xf32> to vector<768x1024xbf16>
    %dot_general3A_22 = arith.constant dense<0.000000e+00> : vector<256x1024xf32>
    %dot_general3A_23 = tpu.matmul %convert_element_type3A, %convert_element_type3A_21, %dot_general3A_22 {dimension_numbers = #tpu.dot_dimension_numbers<[1], [0], [0], [1], [0, 0, 1, 1], [], []>, transpose_lhs_hint = false} : vector<256x768xbf16>, vector<768x1024xbf16>, vector<256x1024xf32> -> vector<256x1024xf32>
    %slice3A = vector.extract_strided_slice %dot_general3A_23 {offsets = [0, 0], sizes = [256, 512], strides = [1, 1]} : vector<256x1024xf32> to vector<256x512xf32>
    %convert_element_type3A_24 = arith.truncf %slice3A : vector<256x512xf32> to vector<256x512xbf16>
    %convert_element_type3A_25 = arith.extf %convert_element_type3A_24 : vector<256x512xbf16> to vector<256x512xf32>
    %bitcast_convert_type3A = tpu.bitcast %convert_element_type3A_25 : vector<256x512xf32> -> vector<256x512xi32>
    %slice3A_26 = vector.extract_strided_slice %dot_general3A_23 {offsets = [0, 512], sizes = [256, 512], strides = [1, 1]} : vector<256x1024xf32> to vector<256x512xf32>
    %convert_element_type3A_27 = arith.truncf %slice3A_26 : vector<256x512xf32> to vector<256x512xbf16>
    %convert_element_type3A_28 = arith.extf %convert_element_type3A_27 : vector<256x512xbf16> to vector<256x512xf32>
    %bitcast_convert_type3A_29 = tpu.bitcast %convert_element_type3A_28 : vector<256x512xf32> -> vector<256x512xi32>
    %shift_right_logical3A = arith.constant 16 : i32
    %shift_right_logical3A_30 = vector.broadcast %shift_right_logical3A : i32 to vector<256x512xi32>
    %shift_right_logical3A_31 = arith.shrui %bitcast_convert_type3A, %shift_right_logical3A_30 : vector<256x512xi32>
    %or3A = arith.ori %shift_right_logical3A_31, %bitcast_convert_type3A_29 : vector<256x512xi32>
    %bitcast_convert_type3A_32 = tpu.bitcast %or3A : vector<256x512xi32> -> vector<256x512xi32>
    %swap3A = arith.constant 0 : index
    %swap3A_33 = arith.constant 0 : index
    %swap3A_34 = vector.load %arg7[%swap3A, %swap3A_33] : memref<256x512xi32, #tpu.memory_space<vmem>>, vector<256x512xi32>
    tpu.vector_store %arg7[%swap3A, %swap3A_33], %bitcast_convert_type3A_32 {strides = array<i32>} : memref<256x512xi32, #tpu.memory_space<vmem>>, vector<256x512xi32>,
    %get3A_35 = arith.constant 0 : index
    %get3A_36 = arith.constant 0 : index
    %get3A_37 = vector.load %arg6[%get3A_35, %get3A_36] : memref<1024x16xf32, #tpu.memory_space<vmem>>, vector<1024x16xf32>
    %dot_general3A_38 = arith.constant dense<0.000000e+00> : vector<256x16xf32>
    %dot_general3A_39 = tpu.matmul %dot_general3A_23, %get3A_37, %dot_general3A_38 {dimension_numbers = #tpu.dot_dimension_numbers<[1], [0], [0], [1], [0, 0, 1, 1], [], []>, transpose_lhs_hint = false} : vector<256x1024xf32>, vector<1024x16xf32>, vector<256x16xf32> -> vector<256x16xf32>
    %swap3A_40 = arith.constant 0 : index
    %swap3A_41 = arith.constant 0 : index
    %swap3A_42 = vector.load %arg8[%swap3A_40, %swap3A_41] : memref<256x16xf32, #tpu.memory_space<vmem>>, vector<256x16xf32>
    tpu.vector_store %arg8[%swap3A_40, %swap3A_41], %dot_general3A_39 {strides = array<i32>} : memref<256x16xf32, #tpu.memory_space<vmem>>, vector<256x16xf32>,
    return
  }
  func.func @transform_0(%arg0: i32) -> (i32, i32) {
    %c0_i32 = arith.constant 0 : i32
    %c0_i32_0 = arith.constant 0 : i32
    return %arg0, %c0_i32 : i32, i32
  }
  func.func @transform_1(%arg0: i32) -> (i32, i32) {
    %c0_i32 = arith.constant 0 : i32
    %c0_i32_0 = arith.constant 0 : i32
    return %arg0, %c0_i32 : i32, i32
  }
  func.func @transform_2(%arg0: i32) -> (i32, i32) {
    %c0_i32 = arith.constant 0 : i32
    %c0_i32_0 = arith.constant 0 : i32
    %c0_i32_1 = arith.constant 0 : i32
    return %c0_i32, %c0_i32_0 : i32, i32
  }
  func.func @transform_3(%arg0: i32) -> (i32, i32) {
    %c0_i32 = arith.constant 0 : i32
    %c0_i32_0 = arith.constant 0 : i32
    %c0_i32_1 = arith.constant 0 : i32
    return %c0_i32, %c0_i32_0 : i32, i32
  }
  func.func @transform_4(%arg0: i32) -> (i32, i32) {
    %c0_i32 = arith.constant 0 : i32
    %c0_i32_0 = arith.constant 0 : i32
    %c0_i32_1 = arith.constant 0 : i32
    return %c0_i32, %c0_i32_0 : i32, i32
  }
  func.func @transform_5(%arg0: i32) -> (i32, i32) {
    %c0_i32 = arith.constant 0 : i32
    %c0_i32_0 = arith.constant 0 : i32
    %c0_i32_1 = arith.constant 0 : i32
    return %c0_i32, %c0_i32_0 : i32, i32
  }
  func.func @transform_6(%arg0: i32) -> (i32, i32) {
    %c0_i32 = arith.constant 0 : i32
    %c0_i32_0 = arith.constant 0 : i32
    return %arg0, %c0_i32 : i32, i32
  }
  func.func @transform_7(%arg0: i32) -> (i32, i32) {
    %c0_i32 = arith.constant 0 : i32
    %c0_i32_0 = arith.constant 0 : i32
    return %arg0, %c0_i32 : i32, i32
  }
}

module attributes {stable_mosaic.version = 14 : i64} {
  func.func @body(%arg0: i32, %arg1: memref<81xi32, #tpu.memory_space<smem>>, %arg2: memref<1x172032xi32, #tpu.memory_space<hbm>>, %arg3: memref<172032x512xi32, #tpu.memory_space<hbm>>, %arg4: memref<128x16xf32, #tpu.memory_space<vmem>>, %arg5: memref<1024x16xf32, #tpu.memory_space<vmem>>, %arg6: memref<16x1024xf32, #tpu.memory_space<vmem>>, %arg7: memref<128x1024xf32, #tpu.memory_space<vmem>>, %arg8: memref<128x16xf32, #tpu.memory_space<vmem>>, %arg9: memref<1x512xi32, #tpu.memory_space<vmem>>, %arg10: memref<1x512xi32, #tpu.memory_space<vmem>>, %arg11: memref<512x512xi32, #tpu.memory_space<vmem>>, %arg12: memref<512x512xi32, #tpu.memory_space<vmem>>, %arg13: memref<128x1024xf32, #tpu.memory_space<vmem>>, %arg14: memref<128x16xf32, #tpu.memory_space<vmem>>, %arg15: memref<!tpu.dma_semaphore, #tpu.memory_space<semaphore_mem>>, %arg16: memref<!tpu.dma_semaphore, #tpu.memory_space<semaphore_mem>>, %arg17: memref<!tpu.dma_semaphore, #tpu.memory_space<semaphore_mem>>, %arg18: memref<!tpu.dma_semaphore, #tpu.memory_space<semaphore_mem>>) attributes {dimension_semantics = [#tpu.dimension_semantics<arbitrary>], iteration_bounds = array<i64: 80>, scalar_prefetch = 1 : i64, scratch_operands = 10 : i64, tpu.core_type = #tpu.core_type<tc>, window_params = [{}, {}, {transform_indices = @transform_2, window_bounds = array<i64: 128, 16>}, {pipeline_mode = #tpu.pipeline_mode<synchronous>, transform_indices = @transform_3, window_bounds = array<i64: 1024, 16>}, {pipeline_mode = #tpu.pipeline_mode<synchronous>, transform_indices = @transform_4, window_bounds = array<i64: 16, 1024>}, {transform_indices = @transform_5, window_bounds = array<i64: 128, 1024>}, {transform_indices = @transform_6, window_bounds = array<i64: 128, 16>}]} {
    %get3A = arith.index_cast %arg0 : i32 to index
    %get3A_0 = memref.load %arg1[%get3A] : memref<81xi32, #tpu.memory_space<smem>>
    %jit3A = arith.constant 512 : i32
    %div3A = arith.divsi %get3A_0, %jit3A : i32
    %sign3A = arith.constant 0 : i32
    %sign3A_1 = arith.cmpi sgt, %get3A_0, %sign3A : i32
    %sign3A_2 = arith.extui %sign3A_1 : i1 to i32
    %sign3A_3 = arith.constant 0 : i32
    %sign3A_4 = arith.cmpi slt, %get3A_0, %sign3A_3 : i32
    %sign3A_5 = arith.extui %sign3A_4 : i1 to i32
    %sign3A_6 = arith.subi %sign3A_2, %sign3A_5 : i32
    %sign3A_7 = arith.constant 0 : i32
    %sign3A_8 = arith.cmpi sgt, %jit3A, %sign3A_7 : i32
    %sign3A_9 = arith.extui %sign3A_8 : i1 to i32
    %sign3A_10 = arith.constant 0 : i32
    %sign3A_11 = arith.cmpi slt, %jit3A, %sign3A_10 : i32
    %sign3A_12 = arith.extui %sign3A_11 : i1 to i32
    %sign3A_13 = arith.subi %sign3A_9, %sign3A_12 : i32
    %ne3A = arith.cmpi ne, %sign3A_6, %sign3A_13 : i32
    %rem3A = arith.remsi %get3A_0, %jit3A : i32
    %ne3A_14 = arith.constant 0 : i32
    %ne3A_15 = arith.cmpi ne, %rem3A, %ne3A_14 : i32
    %and3A = arith.andi %ne3A, %ne3A_15 : i1
    %sub3A = arith.constant 1 : i32
    %sub3A_16 = arith.subi %div3A, %sub3A : i32
    %select_n3A = arith.select %and3A, %sub3A_16, %div3A : i32
    %mul3A = arith.constant 512 : i32
    %mul3A_17 = arith.muli %select_n3A, %mul3A : i32
    %max3A = arith.constant 0 : i32
    %max3A_18 = arith.maxsi %mul3A_17, %max3A : i32
    %add3A = arith.constant 1 : i32
    %add3A_19 = arith.addi %arg0, %add3A : i32
    %get3A_20 = arith.index_cast %add3A_19 : i32 to index
    %get3A_21 = memref.load %arg1[%get3A_20] : memref<81xi32, #tpu.memory_space<smem>>
    %min3A = arith.constant 172032 : i32
    %min3A_22 = arith.minsi %get3A_21, %min3A : i32
    %sub3A_23 = arith.subi %min3A_22, %max3A_18 : i32
    %add3A_24 = arith.constant 512 : i32
    %add3A_25 = arith.addi %sub3A_23, %add3A_24 : i32
    %sub3A_26 = arith.constant 1 : i32
    %sub3A_27 = arith.subi %add3A_25, %sub3A_26 : i32
    %jit3A_28 = arith.constant 512 : i32
    %div3A_29 = arith.divsi %sub3A_27, %jit3A_28 : i32
    %sign3A_30 = arith.constant 0 : i32
    %sign3A_31 = arith.cmpi sgt, %sub3A_27, %sign3A_30 : i32
    %sign3A_32 = arith.extui %sign3A_31 : i1 to i32
    %sign3A_33 = arith.constant 0 : i32
    %sign3A_34 = arith.cmpi slt, %sub3A_27, %sign3A_33 : i32
    %sign3A_35 = arith.extui %sign3A_34 : i1 to i32
    %sign3A_36 = arith.subi %sign3A_32, %sign3A_35 : i32
    %sign3A_37 = arith.constant 0 : i32
    %sign3A_38 = arith.cmpi sgt, %jit3A_28, %sign3A_37 : i32
    %sign3A_39 = arith.extui %sign3A_38 : i1 to i32
    %sign3A_40 = arith.constant 0 : i32
    %sign3A_41 = arith.cmpi slt, %jit3A_28, %sign3A_40 : i32
    %sign3A_42 = arith.extui %sign3A_41 : i1 to i32
    %sign3A_43 = arith.subi %sign3A_39, %sign3A_42 : i32
    %ne3A_44 = arith.cmpi ne, %sign3A_36, %sign3A_43 : i32
    %rem3A_45 = arith.remsi %sub3A_27, %jit3A_28 : i32
    %ne3A_46 = arith.constant 0 : i32
    %ne3A_47 = arith.cmpi ne, %rem3A_45, %ne3A_46 : i32
    %and3A_48 = arith.andi %ne3A_44, %ne3A_47 : i1
    %sub3A_49 = arith.constant 1 : i32
    %sub3A_50 = arith.subi %div3A_29, %sub3A_49 : i32
    %select_n3A_51 = arith.select %and3A_48, %sub3A_50, %div3A_29 : i32
    %max3A_52 = arith.constant 0 : i32
    %max3A_53 = arith.maxsi %select_n3A_51, %max3A_52 : i32
    %mul3A_54 = arith.constant 128 : i32
    %mul3A_55 = arith.muli %arg0, %mul3A_54 : i32
    %iota3A = tpu.iota {dimensions = array<i32: 0>} : vector<128x512xi32>
    %add3A_56 = vector.broadcast %mul3A_55 : i32 to vector<128x512xi32>
    %add3A_57 = arith.addi %add3A_56, %iota3A : vector<128x512xi32>
    %broadcast_in_dim3A = arith.constant 0.000000e+00 : f32
    %broadcast_in_dim3A_58 = vector.broadcast %broadcast_in_dim3A : f32 to vector<128x1024xf32>
    %swap3A = arith.constant 0 : index
    %swap3A_59 = arith.constant 0 : index
    %swap3A_60 = vector.load %arg13[%swap3A, %swap3A_59] : memref<128x1024xf32, #tpu.memory_space<vmem>>, vector<128x1024xf32>
    tpu.vector_store %arg13[%swap3A, %swap3A_59], %broadcast_in_dim3A_58 {strides = array<i32>} : memref<128x1024xf32, #tpu.memory_space<vmem>>, vector<128x1024xf32>,
    %broadcast_in_dim3A_61 = arith.constant 0.000000e+00 : f32
    %broadcast_in_dim3A_62 = vector.broadcast %broadcast_in_dim3A_61 : f32 to vector<128x16xf32>
    %swap3A_63 = arith.constant 0 : index
    %swap3A_64 = arith.constant 0 : index
    %swap3A_65 = vector.load %arg14[%swap3A_63, %swap3A_64] : memref<128x16xf32, #tpu.memory_space<vmem>>, vector<128x16xf32>
    tpu.vector_store %arg14[%swap3A_63, %swap3A_64], %broadcast_in_dim3A_62 {strides = array<i32>} : memref<128x16xf32, #tpu.memory_space<vmem>>, vector<128x16xf32>,
    %get3A_66 = arith.constant 0 : index
    %get3A_67 = arith.constant 0 : index
    %get3A_68 = vector.load %arg6[%get3A_66, %get3A_67] : memref<16x1024xf32, #tpu.memory_space<vmem>>, vector<16x1024xf32>
    %convert_element_type3A = arith.truncf %get3A_68 : vector<16x1024xf32> to vector<16x1024xbf16>
    %get3A_69 = arith.constant 0 : index
    %get3A_70 = arith.constant 0 : index
    %get3A_71 = vector.load %arg4[%get3A_69, %get3A_70] : memref<128x16xf32, #tpu.memory_space<vmem>>, vector<128x16xf32>
    %convert_element_type3A_72 = arith.truncf %get3A_71 : vector<128x16xf32> to vector<128x16xbf16>
    %get3A_73 = arith.constant 0 : index
    %get3A_74 = arith.constant 0 : index
    %get3A_75 = vector.load %arg5[%get3A_73, %get3A_74] : memref<1024x16xf32, #tpu.memory_space<vmem>>, vector<1024x16xf32>
    %convert_element_type3A_76 = arith.truncf %get3A_75 : vector<1024x16xf32> to vector<1024x16xbf16>
    %gt3A = arith.constant 0 : i32
    %gt3A_77 = arith.cmpi sgt, %max3A_53, %gt3A : i32
    %convert_element_type3A_78 = arith.extui %gt3A_77 : i1 to i32
    %cond3A = arith.constant 0 : i32
    %cond3A_79 = arith.cmpi ne, %convert_element_type3A_78, %cond3A : i32
    scf.if %cond3A_79 {
      %add3A_127 = arith.constant 0 : i32
      %add3A_128 = arith.addi %max3A_18, %add3A_127 : i32
      %multiple_of3A = tpu.assume_multiple %add3A_128, 512 : i32
      %sub3A_129 = arith.constant 0 : i32
      %sub3A_130 = arith.subi %multiple_of3A, %sub3A_129 : i32
      %multiple_of3A_131 = tpu.assume_multiple %sub3A_130, 512 : i32
      %dma_start3A = arith.constant 0 : i32
      %dma_start3A_132 = tpu.memref_slice %arg2[%dma_start3A, %multiple_of3A] : memref<1x172032xi32, #tpu.memory_space<hbm>> -> memref<1x512xi32, #tpu.memory_space<hbm>>
      tpu.enqueue_dma source(%dma_start3A_132 : memref<1x512xi32, #tpu.memory_space<hbm>>) target(%arg9 : memref<1x512xi32, #tpu.memory_space<vmem>>) target_semaphore(%arg15 : memref<!tpu.dma_semaphore, #tpu.memory_space<semaphore_mem>>)
      %dma_start3A_133 = arith.constant 0 : i32
      %dma_start3A_134 = tpu.memref_slice %arg3[%multiple_of3A_131, %dma_start3A_133] : memref<172032x512xi32, #tpu.memory_space<hbm>> -> memref<512x512xi32, #tpu.memory_space<hbm>>
      tpu.enqueue_dma source(%dma_start3A_134 : memref<512x512xi32, #tpu.memory_space<hbm>>) target(%arg11 : memref<512x512xi32, #tpu.memory_space<vmem>>) target_semaphore(%arg16 : memref<!tpu.dma_semaphore, #tpu.memory_space<semaphore_mem>>)
    } else {
    }
    %add3A_80 = arith.constant 1 : i32
    %add3A_81 = arith.addi %max3A_53, %add3A_80 : i32
    %jit3A_82 = arith.constant 2 : i32
    %div3A_83 = arith.divsi %add3A_81, %jit3A_82 : i32
    %sign3A_84 = arith.constant 0 : i32
    %sign3A_85 = arith.cmpi sgt, %add3A_81, %sign3A_84 : i32
    %sign3A_86 = arith.extui %sign3A_85 : i1 to i32
    %sign3A_87 = arith.constant 0 : i32
    %sign3A_88 = arith.cmpi slt, %add3A_81, %sign3A_87 : i32
    %sign3A_89 = arith.extui %sign3A_88 : i1 to i32
    %sign3A_90 = arith.subi %sign3A_86, %sign3A_89 : i32
    %sign3A_91 = arith.constant 0 : i32
    %sign3A_92 = arith.cmpi sgt, %jit3A_82, %sign3A_91 : i32
    %sign3A_93 = arith.extui %sign3A_92 : i1 to i32
    %sign3A_94 = arith.constant 0 : i32
    %sign3A_95 = arith.cmpi slt, %jit3A_82, %sign3A_94 : i32
    %sign3A_96 = arith.extui %sign3A_95 : i1 to i32
    %sign3A_97 = arith.subi %sign3A_93, %sign3A_96 : i32
    %ne3A_98 = arith.cmpi ne, %sign3A_90, %sign3A_97 : i32
    %rem3A_99 = arith.remsi %add3A_81, %jit3A_82 : i32
    %ne3A_100 = arith.constant 0 : i32
    %ne3A_101 = arith.cmpi ne, %rem3A_99, %ne3A_100 : i32
    %and3A_102 = arith.andi %ne3A_98, %ne3A_101 : i1
    %sub3A_103 = arith.constant 1 : i32
    %sub3A_104 = arith.subi %div3A_83, %sub3A_103 : i32
    %select_n3A_105 = arith.select %and3A_102, %sub3A_104, %div3A_83 : i32
    %while3A = arith.constant 0 : i32
    %while3A_106 = arith.constant 0 : i32
    %while3A_107 = arith.subi %select_n3A_105, %while3A_106 : i32
    %while3A_108 = arith.addi %while3A_106, %while3A_107 : i32
    %while3A_109 = arith.constant 1 : i32
    %while3A_110 = arith.divsi %while3A_107, %while3A_109 : i32
    %while3A_111 = arith.muli %while3A_110, %while3A_109 : i32
    %while3A_112 = arith.addi %while3A_106, %while3A_111 : i32
    %while3A_113 = arith.constant 1 : i32
    scf.for %while3A_127 = %while3A_106 to %while3A_112 step %while3A_113  : i32 {
      %mul3A_128 = arith.constant 2 : i32
      %mul3A_129 = arith.muli %mul3A_128, %while3A_127 : i32
      %mul3A_130 = arith.constant 512 : i32
      %mul3A_131 = arith.muli %mul3A_129, %mul3A_130 : i32
      %add3A_132 = arith.addi %max3A_18, %mul3A_131 : i32
      %multiple_of3A = tpu.assume_multiple %add3A_132, 512 : i32
      %sub3A_133 = arith.constant 0 : i32
      %sub3A_134 = arith.subi %multiple_of3A, %sub3A_133 : i32
      %multiple_of3A_135 = tpu.assume_multiple %sub3A_134, 512 : i32
      %dma_wait3A = arith.constant 0 : i32
      %dma_wait3A_136 = tpu.memref_slice %arg2[%dma_wait3A, %multiple_of3A] : memref<1x172032xi32, #tpu.memory_space<hbm>> -> memref<1x512xi32, #tpu.memory_space<hbm>>
      tpu.wait_dma2 semaphore(%arg15 : memref<!tpu.dma_semaphore, #tpu.memory_space<semaphore_mem>>) src(%dma_wait3A_136 : memref<1x512xi32, #tpu.memory_space<hbm>>) dst(%arg9 : memref<1x512xi32, #tpu.memory_space<vmem>>)
      %dma_wait3A_137 = arith.constant 0 : i32
      %dma_wait3A_138 = tpu.memref_slice %arg3[%multiple_of3A_135, %dma_wait3A_137] : memref<172032x512xi32, #tpu.memory_space<hbm>> -> memref<512x512xi32, #tpu.memory_space<hbm>>
      tpu.wait_dma2 semaphore(%arg16 : memref<!tpu.dma_semaphore, #tpu.memory_space<semaphore_mem>>) src(%dma_wait3A_138 : memref<512x512xi32, #tpu.memory_space<hbm>>) dst(%arg11 : memref<512x512xi32, #tpu.memory_space<vmem>>)
      %add3A_139 = arith.constant 1 : i32
      %add3A_140 = arith.addi %mul3A_129, %add3A_139 : i32
      %lt3A = arith.cmpi slt, %add3A_140, %max3A_53 : i32
      %convert_element_type3A_141 = arith.extui %lt3A : i1 to i32
      %cond3A_142 = arith.constant 0 : i32
      %cond3A_143 = arith.cmpi ne, %convert_element_type3A_141, %cond3A_142 : i32
      scf.if %cond3A_143 {
        %add3A_201 = arith.constant 1 : i32
        %add3A_202 = arith.addi %mul3A_129, %add3A_201 : i32
        %mul3A_203 = arith.constant 512 : i32
        %mul3A_204 = arith.muli %add3A_202, %mul3A_203 : i32
        %add3A_205 = arith.addi %max3A_18, %mul3A_204 : i32
        %multiple_of3A_206 = tpu.assume_multiple %add3A_205, 512 : i32
        %sub3A_207 = arith.constant 0 : i32
        %sub3A_208 = arith.subi %multiple_of3A_206, %sub3A_207 : i32
        %multiple_of3A_209 = tpu.assume_multiple %sub3A_208, 512 : i32
        %dma_start3A = arith.constant 0 : i32
        %dma_start3A_210 = tpu.memref_slice %arg2[%dma_start3A, %multiple_of3A_206] : memref<1x172032xi32, #tpu.memory_space<hbm>> -> memref<1x512xi32, #tpu.memory_space<hbm>>
        tpu.enqueue_dma source(%dma_start3A_210 : memref<1x512xi32, #tpu.memory_space<hbm>>) target(%arg10 : memref<1x512xi32, #tpu.memory_space<vmem>>) target_semaphore(%arg17 : memref<!tpu.dma_semaphore, #tpu.memory_space<semaphore_mem>>)
        %dma_start3A_211 = arith.constant 0 : i32
        %dma_start3A_212 = tpu.memref_slice %arg3[%multiple_of3A_209, %dma_start3A_211] : memref<172032x512xi32, #tpu.memory_space<hbm>> -> memref<512x512xi32, #tpu.memory_space<hbm>>
        tpu.enqueue_dma source(%dma_start3A_212 : memref<512x512xi32, #tpu.memory_space<hbm>>) target(%arg12 : memref<512x512xi32, #tpu.memory_space<vmem>>) target_semaphore(%arg18 : memref<!tpu.dma_semaphore, #tpu.memory_space<semaphore_mem>>)
      } else {
      }
      %get3A_144 = arith.constant 0 : index
      %get3A_145 = arith.constant 0 : index
      %get3A_146 = vector.load %arg11[%get3A_144, %get3A_145] : memref<512x512xi32, #tpu.memory_space<vmem>>, vector<512x512xi32>
      %bitcast_convert_type3A = tpu.bitcast %get3A_146 : vector<512x512xi32> -> vector<512x512xi32>
      %shift_left3A = arith.constant 16 : i32
      %shift_left3A_147 = vector.broadcast %shift_left3A : i32 to vector<512x512xi32>
      %shift_left3A_148 = arith.shli %bitcast_convert_type3A, %shift_left3A_147 : vector<512x512xi32>
      %bitcast_convert_type3A_149 = tpu.bitcast %shift_left3A_148 : vector<512x512xi32> -> vector<512x512xf32>
      %and3A_150 = arith.constant -65536 : i32
      %and3A_151 = vector.broadcast %and3A_150 : i32 to vector<512x512xi32>
      %and3A_152 = arith.andi %bitcast_convert_type3A, %and3A_151 : vector<512x512xi32>
      %bitcast_convert_type3A_153 = tpu.bitcast %and3A_152 : vector<512x512xi32> -> vector<512x512xf32>
      %concatenate3A = tpu.concatenate %bitcast_convert_type3A_149, %bitcast_convert_type3A_153 in 1 : vector<512x512xf32>, vector<512x512xf32> -> vector<512x1024xf32>
      %convert_element_type3A_154 = arith.truncf %concatenate3A : vector<512x1024xf32> to vector<512x1024xbf16>
      %get3A_155 = arith.constant 0 : index
      %get3A_156 = arith.constant 0 : index
      %get3A_157 = vector.load %arg9[%get3A_155, %get3A_156] : memref<1x512xi32, #tpu.memory_space<vmem>>, vector<1x512xi32>
      %eq3A = vector.broadcast %get3A_157 : vector<1x512xi32> to vector<128x512xi32>
      %eq3A_158 = arith.cmpi eq, %add3A_57, %eq3A : vector<128x512xi32>
      %convert_element_type3A_159 = arith.extui %eq3A_158 : vector<128x512xi1> to vector<128x512xi32>
      %convert_element_type3A_160 = arith.sitofp %convert_element_type3A_159 : vector<128x512xi32> to vector<128x512xf32>
      %convert_element_type3A_161 = arith.truncf %convert_element_type3A_160 : vector<128x512xf32> to vector<128x512xbf16>
      %dot_general3A = arith.constant dense<0.000000e+00> : vector<512x16xf32>
      %dot_general3A_162 = tpu.matmul %convert_element_type3A_154, %convert_element_type3A_76, %dot_general3A {dimension_numbers = #tpu.dot_dimension_numbers<[1], [0], [0], [1], [0, 0, 1, 1], [], []>, transpose_lhs_hint = false} : vector<512x1024xbf16>, vector<1024x16xbf16>, vector<512x16xf32> -> vector<512x16xf32>
      %dot_general3A_163 = arith.constant dense<0.000000e+00> : vector<512x16xf32>
      %dot_general3A_164 = tpu.matmul %convert_element_type3A_161, %convert_element_type3A_72, %dot_general3A_163 {dimension_numbers = #tpu.dot_dimension_numbers<[0], [0], [1], [1], [0, 1, 1, 1], [], []>, transpose_lhs_hint = false} : vector<128x512xbf16>, vector<128x16xbf16>, vector<512x16xf32> -> vector<512x16xf32>
      %add3A_165 = arith.addf %dot_general3A_162, %dot_general3A_164 : vector<512x16xf32>
      %ge3A = arith.constant 0.000000e+00 : f32
      %ge3A_166 = vector.broadcast %ge3A : f32 to vector<512x16xf32>
      %ge3A_167 = arith.cmpf oge, %add3A_165, %ge3A_166 : vector<512x16xf32>
      %mul3A_168 = arith.constant 2.000000e-01 : f32
      %mul3A_169 = vector.broadcast %mul3A_168 : f32 to vector<512x16xf32>
      %mul3A_170 = arith.mulf %mul3A_169, %add3A_165 : vector<512x16xf32>
      %select_n3A_171 = arith.select %ge3A_167, %add3A_165, %mul3A_170 : vector<512x16xi1>, vector<512x16xf32>
      %exp3A = math.exp %select_n3A_171 : vector<512x16xf32>
      %convert_element_type3A_172 = arith.truncf %exp3A : vector<512x16xf32> to vector<512x16xbf16>
      %get3A_173 = arith.constant 0 : index
      %get3A_174 = arith.constant 0 : index
      %get3A_175 = vector.load %arg14[%get3A_173, %get3A_174] : memref<128x16xf32, #tpu.memory_space<vmem>>, vector<128x16xf32>
      %dot_general3A_176 = arith.constant dense<0.000000e+00> : vector<128x16xf32>
      %dot_general3A_177 = tpu.matmul %convert_element_type3A_161, %convert_element_type3A_172, %dot_general3A_176 {dimension_numbers = #tpu.dot_dimension_numbers<[1], [0], [0], [1], [0, 0, 1, 1], [], []>, transpose_lhs_hint = false} : vector<128x512xbf16>, vector<512x16xbf16>, vector<128x16xf32> -> vector<128x16xf32>
      %add3A_178 = arith.addf %get3A_175, %dot_general3A_177 : vector<128x16xf32>
      %swap3A_179 = arith.constant 0 : index
      %swap3A_180 = arith.constant 0 : index
      %swap3A_181 = vector.load %arg14[%swap3A_179, %swap3A_180] : memref<128x16xf32, #tpu.memory_space<vmem>>, vector<128x16xf32>
      tpu.vector_store %arg14[%swap3A_179, %swap3A_180], %add3A_178 {strides = array<i32>} : memref<128x16xf32, #tpu.memory_space<vmem>>, vector<128x16xf32>,
      %dot_general3A_182 = arith.constant dense<0.000000e+00> : vector<512x1024xf32>
      %dot_general3A_183 = tpu.matmul %convert_element_type3A_172, %convert_element_type3A, %dot_general3A_182 {dimension_numbers = #tpu.dot_dimension_numbers<[1], [0], [0], [1], [0, 0, 1, 1], [], []>, transpose_lhs_hint = false} : vector<512x16xbf16>, vector<16x1024xbf16>, vector<512x1024xf32> -> vector<512x1024xf32>
      %mul3A_184 = arith.mulf %concatenate3A, %dot_general3A_183 : vector<512x1024xf32>
      %convert_element_type3A_185 = arith.truncf %mul3A_184 : vector<512x1024xf32> to vector<512x1024xbf16>
      %get3A_186 = arith.constant 0 : index
      %get3A_187 = arith.constant 0 : index
      %get3A_188 = vector.load %arg13[%get3A_186, %get3A_187] : memref<128x1024xf32, #tpu.memory_space<vmem>>, vector<128x1024xf32>
      %dot_general3A_189 = arith.constant dense<0.000000e+00> : vector<128x1024xf32>
      %dot_general3A_190 = tpu.matmul %convert_element_type3A_161, %convert_element_type3A_185, %dot_general3A_189 {dimension_numbers = #tpu.dot_dimension_numbers<[1], [0], [0], [1], [0, 0, 1, 1], [], []>, transpose_lhs_hint = false} : vector<128x512xbf16>, vector<512x1024xbf16>, vector<128x1024xf32> -> vector<128x1024xf32>
      %add3A_191 = arith.addf %get3A_188, %dot_general3A_190 : vector<128x1024xf32>
      %swap3A_192 = arith.constant 0 : index
      %swap3A_193 = arith.constant 0 : index
      %swap3A_194 = vector.load %arg13[%swap3A_192, %swap3A_193] : memref<128x1024xf32, #tpu.memory_space<vmem>>, vector<128x1024xf32>
      tpu.vector_store %arg13[%swap3A_192, %swap3A_193], %add3A_191 {strides = array<i32>} : memref<128x1024xf32, #tpu.memory_space<vmem>>, vector<128x1024xf32>,
      %add3A_195 = arith.constant 1 : i32
      %add3A_196 = arith.addi %mul3A_129, %add3A_195 : i32
      %lt3A_197 = arith.cmpi slt, %add3A_196, %max3A_53 : i32
      %convert_element_type3A_198 = arith.extui %lt3A_197 : i1 to i32
      %cond3A_199 = arith.constant 0 : i32
      %cond3A_200 = arith.cmpi ne, %convert_element_type3A_198, %cond3A_199 : i32
      scf.if %cond3A_200 {
        %add3A_201 = arith.constant 1 : i32
        %add3A_202 = arith.addi %mul3A_129, %add3A_201 : i32
        %mul3A_203 = arith.constant 512 : i32
        %mul3A_204 = arith.muli %add3A_202, %mul3A_203 : i32
        %add3A_205 = arith.addi %max3A_18, %mul3A_204 : i32
        %multiple_of3A_206 = tpu.assume_multiple %add3A_205, 512 : i32
        %sub3A_207 = arith.constant 0 : i32
        %sub3A_208 = arith.subi %multiple_of3A_206, %sub3A_207 : i32
        %multiple_of3A_209 = tpu.assume_multiple %sub3A_208, 512 : i32
        %dma_wait3A_210 = arith.constant 0 : i32
        %dma_wait3A_211 = tpu.memref_slice %arg2[%dma_wait3A_210, %multiple_of3A_206] : memref<1x172032xi32, #tpu.memory_space<hbm>> -> memref<1x512xi32, #tpu.memory_space<hbm>>
        tpu.wait_dma2 semaphore(%arg17 : memref<!tpu.dma_semaphore, #tpu.memory_space<semaphore_mem>>) src(%dma_wait3A_211 : memref<1x512xi32, #tpu.memory_space<hbm>>) dst(%arg10 : memref<1x512xi32, #tpu.memory_space<vmem>>)
        %dma_wait3A_212 = arith.constant 0 : i32
        %dma_wait3A_213 = tpu.memref_slice %arg3[%multiple_of3A_209, %dma_wait3A_212] : memref<172032x512xi32, #tpu.memory_space<hbm>> -> memref<512x512xi32, #tpu.memory_space<hbm>>
        tpu.wait_dma2 semaphore(%arg18 : memref<!tpu.dma_semaphore, #tpu.memory_space<semaphore_mem>>) src(%dma_wait3A_213 : memref<512x512xi32, #tpu.memory_space<hbm>>) dst(%arg12 : memref<512x512xi32, #tpu.memory_space<vmem>>)
        %add3A_214 = arith.constant 2 : i32
        %add3A_215 = arith.addi %mul3A_129, %add3A_214 : i32
        %lt3A_216 = arith.cmpi slt, %add3A_215, %max3A_53 : i32
        %convert_element_type3A_217 = arith.extui %lt3A_216 : i1 to i32
        %cond3A_218 = arith.constant 0 : i32
        %cond3A_219 = arith.cmpi ne, %convert_element_type3A_217, %cond3A_218 : i32
        scf.if %cond3A_219 {
          %add3A_278 = arith.constant 2 : i32
          %add3A_279 = arith.addi %mul3A_129, %add3A_278 : i32
          %mul3A_280 = arith.constant 512 : i32
          %mul3A_281 = arith.muli %add3A_279, %mul3A_280 : i32
          %add3A_282 = arith.addi %max3A_18, %mul3A_281 : i32
          %multiple_of3A_283 = tpu.assume_multiple %add3A_282, 512 : i32
          %sub3A_284 = arith.constant 0 : i32
          %sub3A_285 = arith.subi %multiple_of3A_283, %sub3A_284 : i32
          %multiple_of3A_286 = tpu.assume_multiple %sub3A_285, 512 : i32
          %dma_start3A = arith.constant 0 : i32
          %dma_start3A_287 = tpu.memref_slice %arg2[%dma_start3A, %multiple_of3A_283] : memref<1x172032xi32, #tpu.memory_space<hbm>> -> memref<1x512xi32, #tpu.memory_space<hbm>>
          tpu.enqueue_dma source(%dma_start3A_287 : memref<1x512xi32, #tpu.memory_space<hbm>>) target(%arg9 : memref<1x512xi32, #tpu.memory_space<vmem>>) target_semaphore(%arg15 : memref<!tpu.dma_semaphore, #tpu.memory_space<semaphore_mem>>)
          %dma_start3A_288 = arith.constant 0 : i32
          %dma_start3A_289 = tpu.memref_slice %arg3[%multiple_of3A_286, %dma_start3A_288] : memref<172032x512xi32, #tpu.memory_space<hbm>> -> memref<512x512xi32, #tpu.memory_space<hbm>>
          tpu.enqueue_dma source(%dma_start3A_289 : memref<512x512xi32, #tpu.memory_space<hbm>>) target(%arg11 : memref<512x512xi32, #tpu.memory_space<vmem>>) target_semaphore(%arg16 : memref<!tpu.dma_semaphore, #tpu.memory_space<semaphore_mem>>)
        } else {
        }
        %get3A_220 = arith.constant 0 : index
        %get3A_221 = arith.constant 0 : index
        %get3A_222 = vector.load %arg12[%get3A_220, %get3A_221] : memref<512x512xi32, #tpu.memory_space<vmem>>, vector<512x512xi32>
        %bitcast_convert_type3A_223 = tpu.bitcast %get3A_222 : vector<512x512xi32> -> vector<512x512xi32>
        %shift_left3A_224 = arith.constant 16 : i32
        %shift_left3A_225 = vector.broadcast %shift_left3A_224 : i32 to vector<512x512xi32>
        %shift_left3A_226 = arith.shli %bitcast_convert_type3A_223, %shift_left3A_225 : vector<512x512xi32>
        %bitcast_convert_type3A_227 = tpu.bitcast %shift_left3A_226 : vector<512x512xi32> -> vector<512x512xf32>
        %and3A_228 = arith.constant -65536 : i32
        %and3A_229 = vector.broadcast %and3A_228 : i32 to vector<512x512xi32>
        %and3A_230 = arith.andi %bitcast_convert_type3A_223, %and3A_229 : vector<512x512xi32>
        %bitcast_convert_type3A_231 = tpu.bitcast %and3A_230 : vector<512x512xi32> -> vector<512x512xf32>
        %concatenate3A_232 = tpu.concatenate %bitcast_convert_type3A_227, %bitcast_convert_type3A_231 in 1 : vector<512x512xf32>, vector<512x512xf32> -> vector<512x1024xf32>
        %convert_element_type3A_233 = arith.truncf %concatenate3A_232 : vector<512x1024xf32> to vector<512x1024xbf16>
        %get3A_234 = arith.constant 0 : index
        %get3A_235 = arith.constant 0 : index
        %get3A_236 = vector.load %arg10[%get3A_234, %get3A_235] : memref<1x512xi32, #tpu.memory_space<vmem>>, vector<1x512xi32>
        %eq3A_237 = vector.broadcast %get3A_236 : vector<1x512xi32> to vector<128x512xi32>
        %eq3A_238 = arith.cmpi eq, %add3A_57, %eq3A_237 : vector<128x512xi32>
        %convert_element_type3A_239 = arith.extui %eq3A_238 : vector<128x512xi1> to vector<128x512xi32>
        %convert_element_type3A_240 = arith.sitofp %convert_element_type3A_239 : vector<128x512xi32> to vector<128x512xf32>
        %convert_element_type3A_241 = arith.truncf %convert_element_type3A_240 : vector<128x512xf32> to vector<128x512xbf16>
        %dot_general3A_242 = arith.constant dense<0.000000e+00> : vector<512x16xf32>
        %dot_general3A_243 = tpu.matmul %convert_element_type3A_233, %convert_element_type3A_76, %dot_general3A_242 {dimension_numbers = #tpu.dot_dimension_numbers<[1], [0], [0], [1], [0, 0, 1, 1], [], []>, transpose_lhs_hint = false} : vector<512x1024xbf16>, vector<1024x16xbf16>, vector<512x16xf32> -> vector<512x16xf32>
        %dot_general3A_244 = arith.constant dense<0.000000e+00> : vector<512x16xf32>
        %dot_general3A_245 = tpu.matmul %convert_element_type3A_241, %convert_element_type3A_72, %dot_general3A_244 {dimension_numbers = #tpu.dot_dimension_numbers<[0], [0], [1], [1], [0, 1, 1, 1], [], []>, transpose_lhs_hint = false} : vector<128x512xbf16>, vector<128x16xbf16>, vector<512x16xf32> -> vector<512x16xf32>
        %add3A_246 = arith.addf %dot_general3A_243, %dot_general3A_245 : vector<512x16xf32>
        %ge3A_247 = arith.constant 0.000000e+00 : f32
        %ge3A_248 = vector.broadcast %ge3A_247 : f32 to vector<512x16xf32>
        %ge3A_249 = arith.cmpf oge, %add3A_246, %ge3A_248 : vector<512x16xf32>
        %mul3A_250 = arith.constant 2.000000e-01 : f32
        %mul3A_251 = vector.broadcast %mul3A_250 : f32 to vector<512x16xf32>
        %mul3A_252 = arith.mulf %mul3A_251, %add3A_246 : vector<512x16xf32>
        %select_n3A_253 = arith.select %ge3A_249, %add3A_246, %mul3A_252 : vector<512x16xi1>, vector<512x16xf32>
        %exp3A_254 = math.exp %select_n3A_253 : vector<512x16xf32>
        %convert_element_type3A_255 = arith.truncf %exp3A_254 : vector<512x16xf32> to vector<512x16xbf16>
        %get3A_256 = arith.constant 0 : index
        %get3A_257 = arith.constant 0 : index
        %get3A_258 = vector.load %arg14[%get3A_256, %get3A_257] : memref<128x16xf32, #tpu.memory_space<vmem>>, vector<128x16xf32>
        %dot_general3A_259 = arith.constant dense<0.000000e+00> : vector<128x16xf32>
        %dot_general3A_260 = tpu.matmul %convert_element_type3A_241, %convert_element_type3A_255, %dot_general3A_259 {dimension_numbers = #tpu.dot_dimension_numbers<[1], [0], [0], [1], [0, 0, 1, 1], [], []>, transpose_lhs_hint = false} : vector<128x512xbf16>, vector<512x16xbf16>, vector<128x16xf32> -> vector<128x16xf32>
        %add3A_261 = arith.addf %get3A_258, %dot_general3A_260 : vector<128x16xf32>
        %swap3A_262 = arith.constant 0 : index
        %swap3A_263 = arith.constant 0 : index
        %swap3A_264 = vector.load %arg14[%swap3A_262, %swap3A_263] : memref<128x16xf32, #tpu.memory_space<vmem>>, vector<128x16xf32>
        tpu.vector_store %arg14[%swap3A_262, %swap3A_263], %add3A_261 {strides = array<i32>} : memref<128x16xf32, #tpu.memory_space<vmem>>, vector<128x16xf32>,
        %dot_general3A_265 = arith.constant dense<0.000000e+00> : vector<512x1024xf32>
        %dot_general3A_266 = tpu.matmul %convert_element_type3A_255, %convert_element_type3A, %dot_general3A_265 {dimension_numbers = #tpu.dot_dimension_numbers<[1], [0], [0], [1], [0, 0, 1, 1], [], []>, transpose_lhs_hint = false} : vector<512x16xbf16>, vector<16x1024xbf16>, vector<512x1024xf32> -> vector<512x1024xf32>
        %mul3A_267 = arith.mulf %concatenate3A_232, %dot_general3A_266 : vector<512x1024xf32>
        %convert_element_type3A_268 = arith.truncf %mul3A_267 : vector<512x1024xf32> to vector<512x1024xbf16>
        %get3A_269 = arith.constant 0 : index
        %get3A_270 = arith.constant 0 : index
        %get3A_271 = vector.load %arg13[%get3A_269, %get3A_270] : memref<128x1024xf32, #tpu.memory_space<vmem>>, vector<128x1024xf32>
        %dot_general3A_272 = arith.constant dense<0.000000e+00> : vector<128x1024xf32>
        %dot_general3A_273 = tpu.matmul %convert_element_type3A_241, %convert_element_type3A_268, %dot_general3A_272 {dimension_numbers = #tpu.dot_dimension_numbers<[1], [0], [0], [1], [0, 0, 1, 1], [], []>, transpose_lhs_hint = false} : vector<128x512xbf16>, vector<512x1024xbf16>, vector<128x1024xf32> -> vector<128x1024xf32>
        %add3A_274 = arith.addf %get3A_271, %dot_general3A_273 : vector<128x1024xf32>
        %swap3A_275 = arith.constant 0 : index
        %swap3A_276 = arith.constant 0 : index
        %swap3A_277 = vector.load %arg13[%swap3A_275, %swap3A_276] : memref<128x1024xf32, #tpu.memory_space<vmem>>, vector<128x1024xf32>
        tpu.vector_store %arg13[%swap3A_275, %swap3A_276], %add3A_274 {strides = array<i32>} : memref<128x1024xf32, #tpu.memory_space<vmem>>, vector<128x1024xf32>,
      } else {
      }
    }
    %while3A_114 = arith.constant 1 : i32
    scf.for %while3A_127 = %while3A_112 to %while3A_108 step %while3A_114  : i32 {
      %mul3A_128 = arith.constant 2 : i32
      %mul3A_129 = arith.muli %mul3A_128, %while3A_127 : i32
      %mul3A_130 = arith.constant 512 : i32
      %mul3A_131 = arith.muli %mul3A_129, %mul3A_130 : i32
      %add3A_132 = arith.addi %max3A_18, %mul3A_131 : i32
      %multiple_of3A = tpu.assume_multiple %add3A_132, 512 : i32
      %sub3A_133 = arith.constant 0 : i32
      %sub3A_134 = arith.subi %multiple_of3A, %sub3A_133 : i32
      %multiple_of3A_135 = tpu.assume_multiple %sub3A_134, 512 : i32
      %dma_wait3A = arith.constant 0 : i32
      %dma_wait3A_136 = tpu.memref_slice %arg2[%dma_wait3A, %multiple_of3A] : memref<1x172032xi32, #tpu.memory_space<hbm>> -> memref<1x512xi32, #tpu.memory_space<hbm>>
      tpu.wait_dma2 semaphore(%arg15 : memref<!tpu.dma_semaphore, #tpu.memory_space<semaphore_mem>>) src(%dma_wait3A_136 : memref<1x512xi32, #tpu.memory_space<hbm>>) dst(%arg9 : memref<1x512xi32, #tpu.memory_space<vmem>>)
      %dma_wait3A_137 = arith.constant 0 : i32
      %dma_wait3A_138 = tpu.memref_slice %arg3[%multiple_of3A_135, %dma_wait3A_137] : memref<172032x512xi32, #tpu.memory_space<hbm>> -> memref<512x512xi32, #tpu.memory_space<hbm>>
      tpu.wait_dma2 semaphore(%arg16 : memref<!tpu.dma_semaphore, #tpu.memory_space<semaphore_mem>>) src(%dma_wait3A_138 : memref<512x512xi32, #tpu.memory_space<hbm>>) dst(%arg11 : memref<512x512xi32, #tpu.memory_space<vmem>>)
      %add3A_139 = arith.constant 1 : i32
      %add3A_140 = arith.addi %mul3A_129, %add3A_139 : i32
      %lt3A = arith.cmpi slt, %add3A_140, %max3A_53 : i32
      %convert_element_type3A_141 = arith.extui %lt3A : i1 to i32
      %cond3A_142 = arith.constant 0 : i32
      %cond3A_143 = arith.cmpi ne, %convert_element_type3A_141, %cond3A_142 : i32
      scf.if %cond3A_143 {
        %add3A_201 = arith.constant 1 : i32
        %add3A_202 = arith.addi %mul3A_129, %add3A_201 : i32
        %mul3A_203 = arith.constant 512 : i32
        %mul3A_204 = arith.muli %add3A_202, %mul3A_203 : i32
        %add3A_205 = arith.addi %max3A_18, %mul3A_204 : i32
        %multiple_of3A_206 = tpu.assume_multiple %add3A_205, 512 : i32
        %sub3A_207 = arith.constant 0 : i32
        %sub3A_208 = arith.subi %multiple_of3A_206, %sub3A_207 : i32
        %multiple_of3A_209 = tpu.assume_multiple %sub3A_208, 512 : i32
        %dma_start3A = arith.constant 0 : i32
        %dma_start3A_210 = tpu.memref_slice %arg2[%dma_start3A, %multiple_of3A_206] : memref<1x172032xi32, #tpu.memory_space<hbm>> -> memref<1x512xi32, #tpu.memory_space<hbm>>
        tpu.enqueue_dma source(%dma_start3A_210 : memref<1x512xi32, #tpu.memory_space<hbm>>) target(%arg10 : memref<1x512xi32, #tpu.memory_space<vmem>>) target_semaphore(%arg17 : memref<!tpu.dma_semaphore, #tpu.memory_space<semaphore_mem>>)
        %dma_start3A_211 = arith.constant 0 : i32
        %dma_start3A_212 = tpu.memref_slice %arg3[%multiple_of3A_209, %dma_start3A_211] : memref<172032x512xi32, #tpu.memory_space<hbm>> -> memref<512x512xi32, #tpu.memory_space<hbm>>
        tpu.enqueue_dma source(%dma_start3A_212 : memref<512x512xi32, #tpu.memory_space<hbm>>) target(%arg12 : memref<512x512xi32, #tpu.memory_space<vmem>>) target_semaphore(%arg18 : memref<!tpu.dma_semaphore, #tpu.memory_space<semaphore_mem>>)
      } else {
      }
      %get3A_144 = arith.constant 0 : index
      %get3A_145 = arith.constant 0 : index
      %get3A_146 = vector.load %arg11[%get3A_144, %get3A_145] : memref<512x512xi32, #tpu.memory_space<vmem>>, vector<512x512xi32>
      %bitcast_convert_type3A = tpu.bitcast %get3A_146 : vector<512x512xi32> -> vector<512x512xi32>
      %shift_left3A = arith.constant 16 : i32
      %shift_left3A_147 = vector.broadcast %shift_left3A : i32 to vector<512x512xi32>
      %shift_left3A_148 = arith.shli %bitcast_convert_type3A, %shift_left3A_147 : vector<512x512xi32>
      %bitcast_convert_type3A_149 = tpu.bitcast %shift_left3A_148 : vector<512x512xi32> -> vector<512x512xf32>
      %and3A_150 = arith.constant -65536 : i32
      %and3A_151 = vector.broadcast %and3A_150 : i32 to vector<512x512xi32>
      %and3A_152 = arith.andi %bitcast_convert_type3A, %and3A_151 : vector<512x512xi32>
      %bitcast_convert_type3A_153 = tpu.bitcast %and3A_152 : vector<512x512xi32> -> vector<512x512xf32>
      %concatenate3A = tpu.concatenate %bitcast_convert_type3A_149, %bitcast_convert_type3A_153 in 1 : vector<512x512xf32>, vector<512x512xf32> -> vector<512x1024xf32>
      %convert_element_type3A_154 = arith.truncf %concatenate3A : vector<512x1024xf32> to vector<512x1024xbf16>
      %get3A_155 = arith.constant 0 : index
      %get3A_156 = arith.constant 0 : index
      %get3A_157 = vector.load %arg9[%get3A_155, %get3A_156] : memref<1x512xi32, #tpu.memory_space<vmem>>, vector<1x512xi32>
      %eq3A = vector.broadcast %get3A_157 : vector<1x512xi32> to vector<128x512xi32>
      %eq3A_158 = arith.cmpi eq, %add3A_57, %eq3A : vector<128x512xi32>
      %convert_element_type3A_159 = arith.extui %eq3A_158 : vector<128x512xi1> to vector<128x512xi32>
      %convert_element_type3A_160 = arith.sitofp %convert_element_type3A_159 : vector<128x512xi32> to vector<128x512xf32>
      %convert_element_type3A_161 = arith.truncf %convert_element_type3A_160 : vector<128x512xf32> to vector<128x512xbf16>
      %dot_general3A = arith.constant dense<0.000000e+00> : vector<512x16xf32>
      %dot_general3A_162 = tpu.matmul %convert_element_type3A_154, %convert_element_type3A_76, %dot_general3A {dimension_numbers = #tpu.dot_dimension_numbers<[1], [0], [0], [1], [0, 0, 1, 1], [], []>, transpose_lhs_hint = false} : vector<512x1024xbf16>, vector<1024x16xbf16>, vector<512x16xf32> -> vector<512x16xf32>
      %dot_general3A_163 = arith.constant dense<0.000000e+00> : vector<512x16xf32>
      %dot_general3A_164 = tpu.matmul %convert_element_type3A_161, %convert_element_type3A_72, %dot_general3A_163 {dimension_numbers = #tpu.dot_dimension_numbers<[0], [0], [1], [1], [0, 1, 1, 1], [], []>, transpose_lhs_hint = false} : vector<128x512xbf16>, vector<128x16xbf16>, vector<512x16xf32> -> vector<512x16xf32>
      %add3A_165 = arith.addf %dot_general3A_162, %dot_general3A_164 : vector<512x16xf32>
      %ge3A = arith.constant 0.000000e+00 : f32
      %ge3A_166 = vector.broadcast %ge3A : f32 to vector<512x16xf32>
      %ge3A_167 = arith.cmpf oge, %add3A_165, %ge3A_166 : vector<512x16xf32>
      %mul3A_168 = arith.constant 2.000000e-01 : f32
      %mul3A_169 = vector.broadcast %mul3A_168 : f32 to vector<512x16xf32>
      %mul3A_170 = arith.mulf %mul3A_169, %add3A_165 : vector<512x16xf32>
      %select_n3A_171 = arith.select %ge3A_167, %add3A_165, %mul3A_170 : vector<512x16xi1>, vector<512x16xf32>
      %exp3A = math.exp %select_n3A_171 : vector<512x16xf32>
      %convert_element_type3A_172 = arith.truncf %exp3A : vector<512x16xf32> to vector<512x16xbf16>
      %get3A_173 = arith.constant 0 : index
      %get3A_174 = arith.constant 0 : index
      %get3A_175 = vector.load %arg14[%get3A_173, %get3A_174] : memref<128x16xf32, #tpu.memory_space<vmem>>, vector<128x16xf32>
      %dot_general3A_176 = arith.constant dense<0.000000e+00> : vector<128x16xf32>
      %dot_general3A_177 = tpu.matmul %convert_element_type3A_161, %convert_element_type3A_172, %dot_general3A_176 {dimension_numbers = #tpu.dot_dimension_numbers<[1], [0], [0], [1], [0, 0, 1, 1], [], []>, transpose_lhs_hint = false} : vector<128x512xbf16>, vector<512x16xbf16>, vector<128x16xf32> -> vector<128x16xf32>
      %add3A_178 = arith.addf %get3A_175, %dot_general3A_177 : vector<128x16xf32>
      %swap3A_179 = arith.constant 0 : index
      %swap3A_180 = arith.constant 0 : index
      %swap3A_181 = vector.load %arg14[%swap3A_179, %swap3A_180] : memref<128x16xf32, #tpu.memory_space<vmem>>, vector<128x16xf32>
      tpu.vector_store %arg14[%swap3A_179, %swap3A_180], %add3A_178 {strides = array<i32>} : memref<128x16xf32, #tpu.memory_space<vmem>>, vector<128x16xf32>,
      %dot_general3A_182 = arith.constant dense<0.000000e+00> : vector<512x1024xf32>
      %dot_general3A_183 = tpu.matmul %convert_element_type3A_172, %convert_element_type3A, %dot_general3A_182 {dimension_numbers = #tpu.dot_dimension_numbers<[1], [0], [0], [1], [0, 0, 1, 1], [], []>, transpose_lhs_hint = false} : vector<512x16xbf16>, vector<16x1024xbf16>, vector<512x1024xf32> -> vector<512x1024xf32>
      %mul3A_184 = arith.mulf %concatenate3A, %dot_general3A_183 : vector<512x1024xf32>
      %convert_element_type3A_185 = arith.truncf %mul3A_184 : vector<512x1024xf32> to vector<512x1024xbf16>
      %get3A_186 = arith.constant 0 : index
      %get3A_187 = arith.constant 0 : index
      %get3A_188 = vector.load %arg13[%get3A_186, %get3A_187] : memref<128x1024xf32, #tpu.memory_space<vmem>>, vector<128x1024xf32>
      %dot_general3A_189 = arith.constant dense<0.000000e+00> : vector<128x1024xf32>
      %dot_general3A_190 = tpu.matmul %convert_element_type3A_161, %convert_element_type3A_185, %dot_general3A_189 {dimension_numbers = #tpu.dot_dimension_numbers<[1], [0], [0], [1], [0, 0, 1, 1], [], []>, transpose_lhs_hint = false} : vector<128x512xbf16>, vector<512x1024xbf16>, vector<128x1024xf32> -> vector<128x1024xf32>
      %add3A_191 = arith.addf %get3A_188, %dot_general3A_190 : vector<128x1024xf32>
      %swap3A_192 = arith.constant 0 : index
      %swap3A_193 = arith.constant 0 : index
      %swap3A_194 = vector.load %arg13[%swap3A_192, %swap3A_193] : memref<128x1024xf32, #tpu.memory_space<vmem>>, vector<128x1024xf32>
      tpu.vector_store %arg13[%swap3A_192, %swap3A_193], %add3A_191 {strides = array<i32>} : memref<128x1024xf32, #tpu.memory_space<vmem>>, vector<128x1024xf32>,
      %add3A_195 = arith.constant 1 : i32
      %add3A_196 = arith.addi %mul3A_129, %add3A_195 : i32
      %lt3A_197 = arith.cmpi slt, %add3A_196, %max3A_53 : i32
      %convert_element_type3A_198 = arith.extui %lt3A_197 : i1 to i32
      %cond3A_199 = arith.constant 0 : i32
      %cond3A_200 = arith.cmpi ne, %convert_element_type3A_198, %cond3A_199 : i32
      scf.if %cond3A_200 {
        %add3A_201 = arith.constant 1 : i32
        %add3A_202 = arith.addi %mul3A_129, %add3A_201 : i32
        %mul3A_203 = arith.constant 512 : i32
        %mul3A_204 = arith.muli %add3A_202, %mul3A_203 : i32
        %add3A_205 = arith.addi %max3A_18, %mul3A_204 : i32
        %multiple_of3A_206 = tpu.assume_multiple %add3A_205, 512 : i32
        %sub3A_207 = arith.constant 0 : i32
        %sub3A_208 = arith.subi %multiple_of3A_206, %sub3A_207 : i32
        %multiple_of3A_209 = tpu.assume_multiple %sub3A_208, 512 : i32
        %dma_wait3A_210 = arith.constant 0 : i32
        %dma_wait3A_211 = tpu.memref_slice %arg2[%dma_wait3A_210, %multiple_of3A_206] : memref<1x172032xi32, #tpu.memory_space<hbm>> -> memref<1x512xi32, #tpu.memory_space<hbm>>
        tpu.wait_dma2 semaphore(%arg17 : memref<!tpu.dma_semaphore, #tpu.memory_space<semaphore_mem>>) src(%dma_wait3A_211 : memref<1x512xi32, #tpu.memory_space<hbm>>) dst(%arg10 : memref<1x512xi32, #tpu.memory_space<vmem>>)
        %dma_wait3A_212 = arith.constant 0 : i32
        %dma_wait3A_213 = tpu.memref_slice %arg3[%multiple_of3A_209, %dma_wait3A_212] : memref<172032x512xi32, #tpu.memory_space<hbm>> -> memref<512x512xi32, #tpu.memory_space<hbm>>
        tpu.wait_dma2 semaphore(%arg18 : memref<!tpu.dma_semaphore, #tpu.memory_space<semaphore_mem>>) src(%dma_wait3A_213 : memref<512x512xi32, #tpu.memory_space<hbm>>) dst(%arg12 : memref<512x512xi32, #tpu.memory_space<vmem>>)
        %add3A_214 = arith.constant 2 : i32
        %add3A_215 = arith.addi %mul3A_129, %add3A_214 : i32
        %lt3A_216 = arith.cmpi slt, %add3A_215, %max3A_53 : i32
        %convert_element_type3A_217 = arith.extui %lt3A_216 : i1 to i32
        %cond3A_218 = arith.constant 0 : i32
        %cond3A_219 = arith.cmpi ne, %convert_element_type3A_217, %cond3A_218 : i32
        scf.if %cond3A_219 {
          %add3A_278 = arith.constant 2 : i32
          %add3A_279 = arith.addi %mul3A_129, %add3A_278 : i32
          %mul3A_280 = arith.constant 512 : i32
          %mul3A_281 = arith.muli %add3A_279, %mul3A_280 : i32
          %add3A_282 = arith.addi %max3A_18, %mul3A_281 : i32
          %multiple_of3A_283 = tpu.assume_multiple %add3A_282, 512 : i32
          %sub3A_284 = arith.constant 0 : i32
          %sub3A_285 = arith.subi %multiple_of3A_283, %sub3A_284 : i32
          %multiple_of3A_286 = tpu.assume_multiple %sub3A_285, 512 : i32
          %dma_start3A = arith.constant 0 : i32
          %dma_start3A_287 = tpu.memref_slice %arg2[%dma_start3A, %multiple_of3A_283] : memref<1x172032xi32, #tpu.memory_space<hbm>> -> memref<1x512xi32, #tpu.memory_space<hbm>>
          tpu.enqueue_dma source(%dma_start3A_287 : memref<1x512xi32, #tpu.memory_space<hbm>>) target(%arg9 : memref<1x512xi32, #tpu.memory_space<vmem>>) target_semaphore(%arg15 : memref<!tpu.dma_semaphore, #tpu.memory_space<semaphore_mem>>)
          %dma_start3A_288 = arith.constant 0 : i32
          %dma_start3A_289 = tpu.memref_slice %arg3[%multiple_of3A_286, %dma_start3A_288] : memref<172032x512xi32, #tpu.memory_space<hbm>> -> memref<512x512xi32, #tpu.memory_space<hbm>>
          tpu.enqueue_dma source(%dma_start3A_289 : memref<512x512xi32, #tpu.memory_space<hbm>>) target(%arg11 : memref<512x512xi32, #tpu.memory_space<vmem>>) target_semaphore(%arg16 : memref<!tpu.dma_semaphore, #tpu.memory_space<semaphore_mem>>)
        } else {
        }
        %get3A_220 = arith.constant 0 : index
        %get3A_221 = arith.constant 0 : index
        %get3A_222 = vector.load %arg12[%get3A_220, %get3A_221] : memref<512x512xi32, #tpu.memory_space<vmem>>, vector<512x512xi32>
        %bitcast_convert_type3A_223 = tpu.bitcast %get3A_222 : vector<512x512xi32> -> vector<512x512xi32>
        %shift_left3A_224 = arith.constant 16 : i32
        %shift_left3A_225 = vector.broadcast %shift_left3A_224 : i32 to vector<512x512xi32>
        %shift_left3A_226 = arith.shli %bitcast_convert_type3A_223, %shift_left3A_225 : vector<512x512xi32>
        %bitcast_convert_type3A_227 = tpu.bitcast %shift_left3A_226 : vector<512x512xi32> -> vector<512x512xf32>
        %and3A_228 = arith.constant -65536 : i32
        %and3A_229 = vector.broadcast %and3A_228 : i32 to vector<512x512xi32>
        %and3A_230 = arith.andi %bitcast_convert_type3A_223, %and3A_229 : vector<512x512xi32>
        %bitcast_convert_type3A_231 = tpu.bitcast %and3A_230 : vector<512x512xi32> -> vector<512x512xf32>
        %concatenate3A_232 = tpu.concatenate %bitcast_convert_type3A_227, %bitcast_convert_type3A_231 in 1 : vector<512x512xf32>, vector<512x512xf32> -> vector<512x1024xf32>
        %convert_element_type3A_233 = arith.truncf %concatenate3A_232 : vector<512x1024xf32> to vector<512x1024xbf16>
        %get3A_234 = arith.constant 0 : index
        %get3A_235 = arith.constant 0 : index
        %get3A_236 = vector.load %arg10[%get3A_234, %get3A_235] : memref<1x512xi32, #tpu.memory_space<vmem>>, vector<1x512xi32>
        %eq3A_237 = vector.broadcast %get3A_236 : vector<1x512xi32> to vector<128x512xi32>
        %eq3A_238 = arith.cmpi eq, %add3A_57, %eq3A_237 : vector<128x512xi32>
        %convert_element_type3A_239 = arith.extui %eq3A_238 : vector<128x512xi1> to vector<128x512xi32>
        %convert_element_type3A_240 = arith.sitofp %convert_element_type3A_239 : vector<128x512xi32> to vector<128x512xf32>
        %convert_element_type3A_241 = arith.truncf %convert_element_type3A_240 : vector<128x512xf32> to vector<128x512xbf16>
        %dot_general3A_242 = arith.constant dense<0.000000e+00> : vector<512x16xf32>
        %dot_general3A_243 = tpu.matmul %convert_element_type3A_233, %convert_element_type3A_76, %dot_general3A_242 {dimension_numbers = #tpu.dot_dimension_numbers<[1], [0], [0], [1], [0, 0, 1, 1], [], []>, transpose_lhs_hint = false} : vector<512x1024xbf16>, vector<1024x16xbf16>, vector<512x16xf32> -> vector<512x16xf32>
        %dot_general3A_244 = arith.constant dense<0.000000e+00> : vector<512x16xf32>
        %dot_general3A_245 = tpu.matmul %convert_element_type3A_241, %convert_element_type3A_72, %dot_general3A_244 {dimension_numbers = #tpu.dot_dimension_numbers<[0], [0], [1], [1], [0, 1, 1, 1], [], []>, transpose_lhs_hint = false} : vector<128x512xbf16>, vector<128x16xbf16>, vector<512x16xf32> -> vector<512x16xf32>
        %add3A_246 = arith.addf %dot_general3A_243, %dot_general3A_245 : vector<512x16xf32>
        %ge3A_247 = arith.constant 0.000000e+00 : f32
        %ge3A_248 = vector.broadcast %ge3A_247 : f32 to vector<512x16xf32>
        %ge3A_249 = arith.cmpf oge, %add3A_246, %ge3A_248 : vector<512x16xf32>
        %mul3A_250 = arith.constant 2.000000e-01 : f32
        %mul3A_251 = vector.broadcast %mul3A_250 : f32 to vector<512x16xf32>
        %mul3A_252 = arith.mulf %mul3A_251, %add3A_246 : vector<512x16xf32>
        %select_n3A_253 = arith.select %ge3A_249, %add3A_246, %mul3A_252 : vector<512x16xi1>, vector<512x16xf32>
        %exp3A_254 = math.exp %select_n3A_253 : vector<512x16xf32>
        %convert_element_type3A_255 = arith.truncf %exp3A_254 : vector<512x16xf32> to vector<512x16xbf16>
        %get3A_256 = arith.constant 0 : index
        %get3A_257 = arith.constant 0 : index
        %get3A_258 = vector.load %arg14[%get3A_256, %get3A_257] : memref<128x16xf32, #tpu.memory_space<vmem>>, vector<128x16xf32>
        %dot_general3A_259 = arith.constant dense<0.000000e+00> : vector<128x16xf32>
        %dot_general3A_260 = tpu.matmul %convert_element_type3A_241, %convert_element_type3A_255, %dot_general3A_259 {dimension_numbers = #tpu.dot_dimension_numbers<[1], [0], [0], [1], [0, 0, 1, 1], [], []>, transpose_lhs_hint = false} : vector<128x512xbf16>, vector<512x16xbf16>, vector<128x16xf32> -> vector<128x16xf32>
        %add3A_261 = arith.addf %get3A_258, %dot_general3A_260 : vector<128x16xf32>
        %swap3A_262 = arith.constant 0 : index
        %swap3A_263 = arith.constant 0 : index
        %swap3A_264 = vector.load %arg14[%swap3A_262, %swap3A_263] : memref<128x16xf32, #tpu.memory_space<vmem>>, vector<128x16xf32>
        tpu.vector_store %arg14[%swap3A_262, %swap3A_263], %add3A_261 {strides = array<i32>} : memref<128x16xf32, #tpu.memory_space<vmem>>, vector<128x16xf32>,
        %dot_general3A_265 = arith.constant dense<0.000000e+00> : vector<512x1024xf32>
        %dot_general3A_266 = tpu.matmul %convert_element_type3A_255, %convert_element_type3A, %dot_general3A_265 {dimension_numbers = #tpu.dot_dimension_numbers<[1], [0], [0], [1], [0, 0, 1, 1], [], []>, transpose_lhs_hint = false} : vector<512x16xbf16>, vector<16x1024xbf16>, vector<512x1024xf32> -> vector<512x1024xf32>
        %mul3A_267 = arith.mulf %concatenate3A_232, %dot_general3A_266 : vector<512x1024xf32>
        %convert_element_type3A_268 = arith.truncf %mul3A_267 : vector<512x1024xf32> to vector<512x1024xbf16>
        %get3A_269 = arith.constant 0 : index
        %get3A_270 = arith.constant 0 : index
        %get3A_271 = vector.load %arg13[%get3A_269, %get3A_270] : memref<128x1024xf32, #tpu.memory_space<vmem>>, vector<128x1024xf32>
        %dot_general3A_272 = arith.constant dense<0.000000e+00> : vector<128x1024xf32>
        %dot_general3A_273 = tpu.matmul %convert_element_type3A_241, %convert_element_type3A_268, %dot_general3A_272 {dimension_numbers = #tpu.dot_dimension_numbers<[1], [0], [0], [1], [0, 0, 1, 1], [], []>, transpose_lhs_hint = false} : vector<128x512xbf16>, vector<512x1024xbf16>, vector<128x1024xf32> -> vector<128x1024xf32>
        %add3A_274 = arith.addf %get3A_271, %dot_general3A_273 : vector<128x1024xf32>
        %swap3A_275 = arith.constant 0 : index
        %swap3A_276 = arith.constant 0 : index
        %swap3A_277 = vector.load %arg13[%swap3A_275, %swap3A_276] : memref<128x1024xf32, #tpu.memory_space<vmem>>, vector<128x1024xf32>
        tpu.vector_store %arg13[%swap3A_275, %swap3A_276], %add3A_274 {strides = array<i32>} : memref<128x1024xf32, #tpu.memory_space<vmem>>, vector<128x1024xf32>,
      } else {
      }
    }
    %get3A_115 = arith.constant 0 : index
    %get3A_116 = arith.constant 0 : index
    %get3A_117 = vector.load %arg13[%get3A_115, %get3A_116] : memref<128x1024xf32, #tpu.memory_space<vmem>>, vector<128x1024xf32>
    %swap3A_118 = arith.constant 0 : index
    %swap3A_119 = arith.constant 0 : index
    %swap3A_120 = vector.load %arg7[%swap3A_118, %swap3A_119] : memref<128x1024xf32, #tpu.memory_space<vmem>>, vector<128x1024xf32>
    tpu.vector_store %arg7[%swap3A_118, %swap3A_119], %get3A_117 {strides = array<i32>} : memref<128x1024xf32, #tpu.memory_space<vmem>>, vector<128x1024xf32>,
    %get3A_121 = arith.constant 0 : index
    %get3A_122 = arith.constant 0 : index
    %get3A_123 = vector.load %arg14[%get3A_121, %get3A_122] : memref<128x16xf32, #tpu.memory_space<vmem>>, vector<128x16xf32>
    %swap3A_124 = arith.constant 0 : index
    %swap3A_125 = arith.constant 0 : index
    %swap3A_126 = vector.load %arg8[%swap3A_124, %swap3A_125] : memref<128x16xf32, #tpu.memory_space<vmem>>, vector<128x16xf32>
    tpu.vector_store %arg8[%swap3A_124, %swap3A_125], %get3A_123 {strides = array<i32>} : memref<128x16xf32, #tpu.memory_space<vmem>>, vector<128x16xf32>,
    return
  }
  func.func @transform_2(%arg0: i32, %arg1: memref<81xi32, #tpu.memory_space<smem>>) -> (i32, i32) {
    %c0_i32 = arith.constant 0 : i32
    %c0_i32_0 = arith.constant 0 : i32
    return %arg0, %c0_i32 : i32, i32
  }
  func.func @transform_3(%arg0: i32, %arg1: memref<81xi32, #tpu.memory_space<smem>>) -> (i32, i32) {
    %c0_i32 = arith.constant 0 : i32
    %c0_i32_0 = arith.constant 0 : i32
    %c0_i32_1 = arith.constant 0 : i32
    return %c0_i32, %c0_i32_0 : i32, i32
  }
  func.func @transform_4(%arg0: i32, %arg1: memref<81xi32, #tpu.memory_space<smem>>) -> (i32, i32) {
    %c0_i32 = arith.constant 0 : i32
    %c0_i32_0 = arith.constant 0 : i32
    %c0_i32_1 = arith.constant 0 : i32
    return %c0_i32, %c0_i32_0 : i32, i32
  }
  func.func @transform_5(%arg0: i32, %arg1: memref<81xi32, #tpu.memory_space<smem>>) -> (i32, i32) {
    %c0_i32 = arith.constant 0 : i32
    %c0_i32_0 = arith.constant 0 : i32
    return %arg0, %c0_i32 : i32, i32
  }
  func.func @transform_6(%arg0: i32, %arg1: memref<81xi32, #tpu.memory_space<smem>>) -> (i32, i32) {
    %c0_i32 = arith.constant 0 : i32
    %c0_i32_0 = arith.constant 0 : i32
    return %arg0, %c0_i32 : i32, i32
  }
}

module attributes {stable_mosaic.version = 14 : i64} {
  func.func @body(%arg0: i32, %arg1: memref<256x1024xf32, #tpu.memory_space<vmem>>, %arg2: memref<256x16xf32, #tpu.memory_space<vmem>>, %arg3: memref<16x1024xf32, #tpu.memory_space<vmem>>, %arg4: memref<1x1024xf32, #tpu.memory_space<vmem>>, %arg5: memref<1024x1024xf32, #tpu.memory_space<vmem>>, %arg6: memref<1024x16xf32, #tpu.memory_space<vmem>>, %arg7: memref<256x512xi32, #tpu.memory_space<vmem>>, %arg8: memref<256x16xf32, #tpu.memory_space<vmem>>) attributes {dimension_semantics = [#tpu.dimension_semantics<arbitrary>], iteration_bounds = array<i64: 40>, scalar_prefetch = 0 : i64, scratch_operands = 0 : i64, tpu.core_type = #tpu.core_type<tc>, window_params = [{transform_indices = @transform_0, window_bounds = array<i64: 256, 1024>}, {transform_indices = @transform_1, window_bounds = array<i64: 256, 16>}, {pipeline_mode = #tpu.pipeline_mode<synchronous>, transform_indices = @transform_2, window_bounds = array<i64: 16, 1024>}, {pipeline_mode = #tpu.pipeline_mode<synchronous>, transform_indices = @transform_3, window_bounds = array<i64: 1, 1024>}, {pipeline_mode = #tpu.pipeline_mode<synchronous>, transform_indices = @transform_4, window_bounds = array<i64: 1024, 1024>}, {pipeline_mode = #tpu.pipeline_mode<synchronous>, transform_indices = @transform_5, window_bounds = array<i64: 1024, 16>}, {transform_indices = @transform_6, window_bounds = array<i64: 256, 512>}, {transform_indices = @transform_7, window_bounds = array<i64: 256, 16>}]} {
    %get3A = arith.constant 0 : index
    %get3A_0 = arith.constant 0 : index
    %get3A_1 = vector.load %arg2[%get3A, %get3A_0] : memref<256x16xf32, #tpu.memory_space<vmem>>, vector<256x16xf32>
    %get3A_2 = arith.constant 0 : index
    %get3A_3 = arith.constant 0 : index
    %get3A_4 = vector.load %arg3[%get3A_2, %get3A_3] : memref<16x1024xf32, #tpu.memory_space<vmem>>, vector<16x1024xf32>
    %dot_general3A = arith.constant dense<0.000000e+00> : vector<256x1024xf32>
    %dot_general3A_5 = tpu.matmul %get3A_1, %get3A_4, %dot_general3A {dimension_numbers = #tpu.dot_dimension_numbers<[1], [0], [0], [1], [0, 0, 1, 1], [], []>, transpose_lhs_hint = false} : vector<256x16xf32>, vector<16x1024xf32>, vector<256x1024xf32> -> vector<256x1024xf32>
    %add3A = arith.constant 1.000000e-16 : f32
    %add3A_6 = vector.broadcast %add3A : f32 to vector<256x1024xf32>
    %add3A_7 = arith.addf %dot_general3A_5, %add3A_6 : vector<256x1024xf32>
    %get3A_8 = arith.constant 0 : index
    %get3A_9 = arith.constant 0 : index
    %get3A_10 = vector.load %arg1[%get3A_8, %get3A_9] : memref<256x1024xf32, #tpu.memory_space<vmem>>, vector<256x1024xf32>
    %div3A = arith.divf %get3A_10, %add3A_7 : vector<256x1024xf32>
    %get3A_11 = arith.constant 0 : index
    %get3A_12 = arith.constant 0 : index
    %get3A_13 = vector.load %arg4[%get3A_11, %get3A_12] : memref<1x1024xf32, #tpu.memory_space<vmem>>, vector<1x1024xf32>
    %add3A_14 = vector.broadcast %get3A_13 : vector<1x1024xf32> to vector<256x1024xf32>
    %add3A_15 = arith.addf %div3A, %add3A_14 : vector<256x1024xf32>
    %max3A = arith.constant 0.000000e+00 : f32
    %max3A_16 = vector.broadcast %max3A : f32 to vector<256x1024xf32>
    %max3A_17 = arith.maximumf %add3A_15, %max3A_16 : vector<256x1024xf32>
    %convert_element_type3A = arith.truncf %max3A_17 : vector<256x1024xf32> to vector<256x1024xbf16>
    %get3A_18 = arith.constant 0 : index
    %get3A_19 = arith.constant 0 : index
    %get3A_20 = vector.load %arg5[%get3A_18, %get3A_19] : memref<1024x1024xf32, #tpu.memory_space<vmem>>, vector<1024x1024xf32>
    %convert_element_type3A_21 = arith.truncf %get3A_20 : vector<1024x1024xf32> to vector<1024x1024xbf16>
    %dot_general3A_22 = arith.constant dense<0.000000e+00> : vector<256x1024xf32>
    %dot_general3A_23 = tpu.matmul %convert_element_type3A, %convert_element_type3A_21, %dot_general3A_22 {dimension_numbers = #tpu.dot_dimension_numbers<[1], [0], [0], [1], [0, 0, 1, 1], [], []>, transpose_lhs_hint = false} : vector<256x1024xbf16>, vector<1024x1024xbf16>, vector<256x1024xf32> -> vector<256x1024xf32>
    %slice3A = vector.extract_strided_slice %dot_general3A_23 {offsets = [0, 0], sizes = [256, 512], strides = [1, 1]} : vector<256x1024xf32> to vector<256x512xf32>
    %convert_element_type3A_24 = arith.truncf %slice3A : vector<256x512xf32> to vector<256x512xbf16>
    %convert_element_type3A_25 = arith.extf %convert_element_type3A_24 : vector<256x512xbf16> to vector<256x512xf32>
    %bitcast_convert_type3A = tpu.bitcast %convert_element_type3A_25 : vector<256x512xf32> -> vector<256x512xi32>
    %slice3A_26 = vector.extract_strided_slice %dot_general3A_23 {offsets = [0, 512], sizes = [256, 512], strides = [1, 1]} : vector<256x1024xf32> to vector<256x512xf32>
    %convert_element_type3A_27 = arith.truncf %slice3A_26 : vector<256x512xf32> to vector<256x512xbf16>
    %convert_element_type3A_28 = arith.extf %convert_element_type3A_27 : vector<256x512xbf16> to vector<256x512xf32>
    %bitcast_convert_type3A_29 = tpu.bitcast %convert_element_type3A_28 : vector<256x512xf32> -> vector<256x512xi32>
    %shift_right_logical3A = arith.constant 16 : i32
    %shift_right_logical3A_30 = vector.broadcast %shift_right_logical3A : i32 to vector<256x512xi32>
    %shift_right_logical3A_31 = arith.shrui %bitcast_convert_type3A, %shift_right_logical3A_30 : vector<256x512xi32>
    %or3A = arith.ori %shift_right_logical3A_31, %bitcast_convert_type3A_29 : vector<256x512xi32>
    %bitcast_convert_type3A_32 = tpu.bitcast %or3A : vector<256x512xi32> -> vector<256x512xi32>
    %swap3A = arith.constant 0 : index
    %swap3A_33 = arith.constant 0 : index
    %swap3A_34 = vector.load %arg7[%swap3A, %swap3A_33] : memref<256x512xi32, #tpu.memory_space<vmem>>, vector<256x512xi32>
    tpu.vector_store %arg7[%swap3A, %swap3A_33], %bitcast_convert_type3A_32 {strides = array<i32>} : memref<256x512xi32, #tpu.memory_space<vmem>>, vector<256x512xi32>,
    %get3A_35 = arith.constant 0 : index
    %get3A_36 = arith.constant 0 : index
    %get3A_37 = vector.load %arg6[%get3A_35, %get3A_36] : memref<1024x16xf32, #tpu.memory_space<vmem>>, vector<1024x16xf32>
    %dot_general3A_38 = arith.constant dense<0.000000e+00> : vector<256x16xf32>
    %dot_general3A_39 = tpu.matmul %dot_general3A_23, %get3A_37, %dot_general3A_38 {dimension_numbers = #tpu.dot_dimension_numbers<[1], [0], [0], [1], [0, 0, 1, 1], [], []>, transpose_lhs_hint = false} : vector<256x1024xf32>, vector<1024x16xf32>, vector<256x16xf32> -> vector<256x16xf32>
    %swap3A_40 = arith.constant 0 : index
    %swap3A_41 = arith.constant 0 : index
    %swap3A_42 = vector.load %arg8[%swap3A_40, %swap3A_41] : memref<256x16xf32, #tpu.memory_space<vmem>>, vector<256x16xf32>
    tpu.vector_store %arg8[%swap3A_40, %swap3A_41], %dot_general3A_39 {strides = array<i32>} : memref<256x16xf32, #tpu.memory_space<vmem>>, vector<256x16xf32>,
    return
  }
  func.func @transform_0(%arg0: i32) -> (i32, i32) {
    %c0_i32 = arith.constant 0 : i32
    %c0_i32_0 = arith.constant 0 : i32
    return %arg0, %c0_i32 : i32, i32
  }
  func.func @transform_1(%arg0: i32) -> (i32, i32) {
    %c0_i32 = arith.constant 0 : i32
    %c0_i32_0 = arith.constant 0 : i32
    return %arg0, %c0_i32 : i32, i32
  }
  func.func @transform_2(%arg0: i32) -> (i32, i32) {
    %c0_i32 = arith.constant 0 : i32
    %c0_i32_0 = arith.constant 0 : i32
    %c0_i32_1 = arith.constant 0 : i32
    return %c0_i32, %c0_i32_0 : i32, i32
  }
  func.func @transform_3(%arg0: i32) -> (i32, i32) {
    %c0_i32 = arith.constant 0 : i32
    %c0_i32_0 = arith.constant 0 : i32
    %c0_i32_1 = arith.constant 0 : i32
    return %c0_i32, %c0_i32_0 : i32, i32
  }
  func.func @transform_4(%arg0: i32) -> (i32, i32) {
    %c0_i32 = arith.constant 0 : i32
    %c0_i32_0 = arith.constant 0 : i32
    %c0_i32_1 = arith.constant 0 : i32
    return %c0_i32, %c0_i32_0 : i32, i32
  }
  func.func @transform_5(%arg0: i32) -> (i32, i32) {
    %c0_i32 = arith.constant 0 : i32
    %c0_i32_0 = arith.constant 0 : i32
    %c0_i32_1 = arith.constant 0 : i32
    return %c0_i32, %c0_i32_0 : i32, i32
  }
  func.func @transform_6(%arg0: i32) -> (i32, i32) {
    %c0_i32 = arith.constant 0 : i32
    %c0_i32_0 = arith.constant 0 : i32
    return %arg0, %c0_i32 : i32, i32
  }
  func.func @transform_7(%arg0: i32) -> (i32, i32) {
    %c0_i32 = arith.constant 0 : i32
    %c0_i32_0 = arith.constant 0 : i32
    return %arg0, %c0_i32 : i32, i32
  }
}

module attributes {stable_mosaic.version = 14 : i64} {
  func.func @body(%arg0: i32, %arg1: memref<256x1024xf32, #tpu.memory_space<vmem>>, %arg2: memref<256x16xf32, #tpu.memory_space<vmem>>, %arg3: memref<16x1024xf32, #tpu.memory_space<vmem>>, %arg4: memref<1x1024xf32, #tpu.memory_space<vmem>>, %arg5: memref<1024x128xf32, #tpu.memory_space<vmem>>, %arg6: memref<128x16xf32, #tpu.memory_space<vmem>>, %arg7: memref<256x128xf32, #tpu.memory_space<vmem>>, %arg8: memref<256x16xf32, #tpu.memory_space<vmem>>) attributes {dimension_semantics = [#tpu.dimension_semantics<arbitrary>], iteration_bounds = array<i64: 40>, scalar_prefetch = 0 : i64, scratch_operands = 0 : i64, tpu.core_type = #tpu.core_type<tc>, window_params = [{transform_indices = @transform_0, window_bounds = array<i64: 256, 1024>}, {transform_indices = @transform_1, window_bounds = array<i64: 256, 16>}, {pipeline_mode = #tpu.pipeline_mode<synchronous>, transform_indices = @transform_2, window_bounds = array<i64: 16, 1024>}, {pipeline_mode = #tpu.pipeline_mode<synchronous>, transform_indices = @transform_3, window_bounds = array<i64: 1, 1024>}, {pipeline_mode = #tpu.pipeline_mode<synchronous>, transform_indices = @transform_4, window_bounds = array<i64: 1024, 128>}, {pipeline_mode = #tpu.pipeline_mode<synchronous>, transform_indices = @transform_5, window_bounds = array<i64: 128, 16>}, {transform_indices = @transform_6, window_bounds = array<i64: 256, 128>}, {transform_indices = @transform_7, window_bounds = array<i64: 256, 16>}]} {
    %get3A = arith.constant 0 : index
    %get3A_0 = arith.constant 0 : index
    %get3A_1 = vector.load %arg2[%get3A, %get3A_0] : memref<256x16xf32, #tpu.memory_space<vmem>>, vector<256x16xf32>
    %get3A_2 = arith.constant 0 : index
    %get3A_3 = arith.constant 0 : index
    %get3A_4 = vector.load %arg3[%get3A_2, %get3A_3] : memref<16x1024xf32, #tpu.memory_space<vmem>>, vector<16x1024xf32>
    %dot_general3A = arith.constant dense<0.000000e+00> : vector<256x1024xf32>
    %dot_general3A_5 = tpu.matmul %get3A_1, %get3A_4, %dot_general3A {dimension_numbers = #tpu.dot_dimension_numbers<[1], [0], [0], [1], [0, 0, 1, 1], [], []>, transpose_lhs_hint = false} : vector<256x16xf32>, vector<16x1024xf32>, vector<256x1024xf32> -> vector<256x1024xf32>
    %add3A = arith.constant 1.000000e-16 : f32
    %add3A_6 = vector.broadcast %add3A : f32 to vector<256x1024xf32>
    %add3A_7 = arith.addf %dot_general3A_5, %add3A_6 : vector<256x1024xf32>
    %get3A_8 = arith.constant 0 : index
    %get3A_9 = arith.constant 0 : index
    %get3A_10 = vector.load %arg1[%get3A_8, %get3A_9] : memref<256x1024xf32, #tpu.memory_space<vmem>>, vector<256x1024xf32>
    %div3A = arith.divf %get3A_10, %add3A_7 : vector<256x1024xf32>
    %get3A_11 = arith.constant 0 : index
    %get3A_12 = arith.constant 0 : index
    %get3A_13 = vector.load %arg4[%get3A_11, %get3A_12] : memref<1x1024xf32, #tpu.memory_space<vmem>>, vector<1x1024xf32>
    %add3A_14 = vector.broadcast %get3A_13 : vector<1x1024xf32> to vector<256x1024xf32>
    %add3A_15 = arith.addf %div3A, %add3A_14 : vector<256x1024xf32>
    %max3A = arith.constant 0.000000e+00 : f32
    %max3A_16 = vector.broadcast %max3A : f32 to vector<256x1024xf32>
    %max3A_17 = arith.maximumf %add3A_15, %max3A_16 : vector<256x1024xf32>
    %convert_element_type3A = arith.truncf %max3A_17 : vector<256x1024xf32> to vector<256x1024xbf16>
    %get3A_18 = arith.constant 0 : index
    %get3A_19 = arith.constant 0 : index
    %get3A_20 = vector.load %arg5[%get3A_18, %get3A_19] : memref<1024x128xf32, #tpu.memory_space<vmem>>, vector<1024x128xf32>
    %convert_element_type3A_21 = arith.truncf %get3A_20 : vector<1024x128xf32> to vector<1024x128xbf16>
    %dot_general3A_22 = arith.constant dense<0.000000e+00> : vector<256x128xf32>
    %dot_general3A_23 = tpu.matmul %convert_element_type3A, %convert_element_type3A_21, %dot_general3A_22 {dimension_numbers = #tpu.dot_dimension_numbers<[1], [0], [0], [1], [0, 0, 1, 1], [], []>, transpose_lhs_hint = false} : vector<256x1024xbf16>, vector<1024x128xbf16>, vector<256x128xf32> -> vector<256x128xf32>
    %swap3A = arith.constant 0 : index
    %swap3A_24 = arith.constant 0 : index
    %swap3A_25 = vector.load %arg7[%swap3A, %swap3A_24] : memref<256x128xf32, #tpu.memory_space<vmem>>, vector<256x128xf32>
    tpu.vector_store %arg7[%swap3A, %swap3A_24], %dot_general3A_23 {strides = array<i32>} : memref<256x128xf32, #tpu.memory_space<vmem>>, vector<256x128xf32>,
    %get3A_26 = arith.constant 0 : index
    %get3A_27 = arith.constant 0 : index
    %get3A_28 = vector.load %arg6[%get3A_26, %get3A_27] : memref<128x16xf32, #tpu.memory_space<vmem>>, vector<128x16xf32>
    %dot_general3A_29 = arith.constant dense<0.000000e+00> : vector<256x16xf32>
    %dot_general3A_30 = tpu.matmul %dot_general3A_23, %get3A_28, %dot_general3A_29 {dimension_numbers = #tpu.dot_dimension_numbers<[1], [0], [0], [1], [0, 0, 1, 1], [], []>, transpose_lhs_hint = false} : vector<256x128xf32>, vector<128x16xf32>, vector<256x16xf32> -> vector<256x16xf32>
    %swap3A_31 = arith.constant 0 : index
    %swap3A_32 = arith.constant 0 : index
    %swap3A_33 = vector.load %arg8[%swap3A_31, %swap3A_32] : memref<256x16xf32, #tpu.memory_space<vmem>>, vector<256x16xf32>
    tpu.vector_store %arg8[%swap3A_31, %swap3A_32], %dot_general3A_30 {strides = array<i32>} : memref<256x16xf32, #tpu.memory_space<vmem>>, vector<256x16xf32>,
    return
  }
  func.func @transform_0(%arg0: i32) -> (i32, i32) {
    %c0_i32 = arith.constant 0 : i32
    %c0_i32_0 = arith.constant 0 : i32
    return %arg0, %c0_i32 : i32, i32
  }
  func.func @transform_1(%arg0: i32) -> (i32, i32) {
    %c0_i32 = arith.constant 0 : i32
    %c0_i32_0 = arith.constant 0 : i32
    return %arg0, %c0_i32 : i32, i32
  }
  func.func @transform_2(%arg0: i32) -> (i32, i32) {
    %c0_i32 = arith.constant 0 : i32
    %c0_i32_0 = arith.constant 0 : i32
    %c0_i32_1 = arith.constant 0 : i32
    return %c0_i32, %c0_i32_0 : i32, i32
  }
  func.func @transform_3(%arg0: i32) -> (i32, i32) {
    %c0_i32 = arith.constant 0 : i32
    %c0_i32_0 = arith.constant 0 : i32
    %c0_i32_1 = arith.constant 0 : i32
    return %c0_i32, %c0_i32_0 : i32, i32
  }
  func.func @transform_4(%arg0: i32) -> (i32, i32) {
    %c0_i32 = arith.constant 0 : i32
    %c0_i32_0 = arith.constant 0 : i32
    %c0_i32_1 = arith.constant 0 : i32
    return %c0_i32, %c0_i32_0 : i32, i32
  }
  func.func @transform_5(%arg0: i32) -> (i32, i32) {
    %c0_i32 = arith.constant 0 : i32
    %c0_i32_0 = arith.constant 0 : i32
    %c0_i32_1 = arith.constant 0 : i32
    return %c0_i32, %c0_i32_0 : i32, i32
  }
  func.func @transform_6(%arg0: i32) -> (i32, i32) {
    %c0_i32 = arith.constant 0 : i32
    %c0_i32_0 = arith.constant 0 : i32
    return %arg0, %c0_i32 : i32, i32
  }
  func.func @transform_7(%arg0: i32) -> (i32, i32) {
    %c0_i32 = arith.constant 0 : i32
    %c0_i32_0 = arith.constant 0 : i32
    return %arg0, %c0_i32 : i32, i32
  }
}

module attributes {stable_mosaic.version = 14 : i64} {
  func.func @body(%arg0: i32, %arg1: memref<81xi32, #tpu.memory_space<smem>>, %arg2: memref<1x172032xi32, #tpu.memory_space<hbm>>, %arg3: memref<172032x128xf32, #tpu.memory_space<hbm>>, %arg4: memref<128x16xf32, #tpu.memory_space<vmem>>, %arg5: memref<128x16xf32, #tpu.memory_space<vmem>>, %arg6: memref<16x128xf32, #tpu.memory_space<vmem>>, %arg7: memref<128x128xf32, #tpu.memory_space<vmem>>, %arg8: memref<128x16xf32, #tpu.memory_space<vmem>>, %arg9: memref<1x512xi32, #tpu.memory_space<vmem>>, %arg10: memref<1x512xi32, #tpu.memory_space<vmem>>, %arg11: memref<512x128xf32, #tpu.memory_space<vmem>>, %arg12: memref<512x128xf32, #tpu.memory_space<vmem>>, %arg13: memref<128x128xf32, #tpu.memory_space<vmem>>, %arg14: memref<128x16xf32, #tpu.memory_space<vmem>>, %arg15: memref<!tpu.dma_semaphore, #tpu.memory_space<semaphore_mem>>, %arg16: memref<!tpu.dma_semaphore, #tpu.memory_space<semaphore_mem>>, %arg17: memref<!tpu.dma_semaphore, #tpu.memory_space<semaphore_mem>>, %arg18: memref<!tpu.dma_semaphore, #tpu.memory_space<semaphore_mem>>) attributes {dimension_semantics = [#tpu.dimension_semantics<arbitrary>], iteration_bounds = array<i64: 80>, scalar_prefetch = 1 : i64, scratch_operands = 10 : i64, tpu.core_type = #tpu.core_type<tc>, window_params = [{}, {}, {transform_indices = @transform_2, window_bounds = array<i64: 128, 16>}, {pipeline_mode = #tpu.pipeline_mode<synchronous>, transform_indices = @transform_3, window_bounds = array<i64: 128, 16>}, {pipeline_mode = #tpu.pipeline_mode<synchronous>, transform_indices = @transform_4, window_bounds = array<i64: 16, 128>}, {transform_indices = @transform_5, window_bounds = array<i64: 128, 128>}, {transform_indices = @transform_6, window_bounds = array<i64: 128, 16>}]} {
    %get3A = arith.index_cast %arg0 : i32 to index
    %get3A_0 = memref.load %arg1[%get3A] : memref<81xi32, #tpu.memory_space<smem>>
    %jit3A = arith.constant 512 : i32
    %div3A = arith.divsi %get3A_0, %jit3A : i32
    %sign3A = arith.constant 0 : i32
    %sign3A_1 = arith.cmpi sgt, %get3A_0, %sign3A : i32
    %sign3A_2 = arith.extui %sign3A_1 : i1 to i32
    %sign3A_3 = arith.constant 0 : i32
    %sign3A_4 = arith.cmpi slt, %get3A_0, %sign3A_3 : i32
    %sign3A_5 = arith.extui %sign3A_4 : i1 to i32
    %sign3A_6 = arith.subi %sign3A_2, %sign3A_5 : i32
    %sign3A_7 = arith.constant 0 : i32
    %sign3A_8 = arith.cmpi sgt, %jit3A, %sign3A_7 : i32
    %sign3A_9 = arith.extui %sign3A_8 : i1 to i32
    %sign3A_10 = arith.constant 0 : i32
    %sign3A_11 = arith.cmpi slt, %jit3A, %sign3A_10 : i32
    %sign3A_12 = arith.extui %sign3A_11 : i1 to i32
    %sign3A_13 = arith.subi %sign3A_9, %sign3A_12 : i32
    %ne3A = arith.cmpi ne, %sign3A_6, %sign3A_13 : i32
    %rem3A = arith.remsi %get3A_0, %jit3A : i32
    %ne3A_14 = arith.constant 0 : i32
    %ne3A_15 = arith.cmpi ne, %rem3A, %ne3A_14 : i32
    %and3A = arith.andi %ne3A, %ne3A_15 : i1
    %sub3A = arith.constant 1 : i32
    %sub3A_16 = arith.subi %div3A, %sub3A : i32
    %select_n3A = arith.select %and3A, %sub3A_16, %div3A : i32
    %mul3A = arith.constant 512 : i32
    %mul3A_17 = arith.muli %select_n3A, %mul3A : i32
    %max3A = arith.constant 0 : i32
    %max3A_18 = arith.maxsi %mul3A_17, %max3A : i32
    %add3A = arith.constant 1 : i32
    %add3A_19 = arith.addi %arg0, %add3A : i32
    %get3A_20 = arith.index_cast %add3A_19 : i32 to index
    %get3A_21 = memref.load %arg1[%get3A_20] : memref<81xi32, #tpu.memory_space<smem>>
    %min3A = arith.constant 172032 : i32
    %min3A_22 = arith.minsi %get3A_21, %min3A : i32
    %sub3A_23 = arith.subi %min3A_22, %max3A_18 : i32
    %add3A_24 = arith.constant 512 : i32
    %add3A_25 = arith.addi %sub3A_23, %add3A_24 : i32
    %sub3A_26 = arith.constant 1 : i32
    %sub3A_27 = arith.subi %add3A_25, %sub3A_26 : i32
    %jit3A_28 = arith.constant 512 : i32
    %div3A_29 = arith.divsi %sub3A_27, %jit3A_28 : i32
    %sign3A_30 = arith.constant 0 : i32
    %sign3A_31 = arith.cmpi sgt, %sub3A_27, %sign3A_30 : i32
    %sign3A_32 = arith.extui %sign3A_31 : i1 to i32
    %sign3A_33 = arith.constant 0 : i32
    %sign3A_34 = arith.cmpi slt, %sub3A_27, %sign3A_33 : i32
    %sign3A_35 = arith.extui %sign3A_34 : i1 to i32
    %sign3A_36 = arith.subi %sign3A_32, %sign3A_35 : i32
    %sign3A_37 = arith.constant 0 : i32
    %sign3A_38 = arith.cmpi sgt, %jit3A_28, %sign3A_37 : i32
    %sign3A_39 = arith.extui %sign3A_38 : i1 to i32
    %sign3A_40 = arith.constant 0 : i32
    %sign3A_41 = arith.cmpi slt, %jit3A_28, %sign3A_40 : i32
    %sign3A_42 = arith.extui %sign3A_41 : i1 to i32
    %sign3A_43 = arith.subi %sign3A_39, %sign3A_42 : i32
    %ne3A_44 = arith.cmpi ne, %sign3A_36, %sign3A_43 : i32
    %rem3A_45 = arith.remsi %sub3A_27, %jit3A_28 : i32
    %ne3A_46 = arith.constant 0 : i32
    %ne3A_47 = arith.cmpi ne, %rem3A_45, %ne3A_46 : i32
    %and3A_48 = arith.andi %ne3A_44, %ne3A_47 : i1
    %sub3A_49 = arith.constant 1 : i32
    %sub3A_50 = arith.subi %div3A_29, %sub3A_49 : i32
    %select_n3A_51 = arith.select %and3A_48, %sub3A_50, %div3A_29 : i32
    %max3A_52 = arith.constant 0 : i32
    %max3A_53 = arith.maxsi %select_n3A_51, %max3A_52 : i32
    %mul3A_54 = arith.constant 128 : i32
    %mul3A_55 = arith.muli %arg0, %mul3A_54 : i32
    %iota3A = tpu.iota {dimensions = array<i32: 0>} : vector<128x512xi32>
    %add3A_56 = vector.broadcast %mul3A_55 : i32 to vector<128x512xi32>
    %add3A_57 = arith.addi %add3A_56, %iota3A : vector<128x512xi32>
    %broadcast_in_dim3A = arith.constant 0.000000e+00 : f32
    %broadcast_in_dim3A_58 = vector.broadcast %broadcast_in_dim3A : f32 to vector<128x128xf32>
    %swap3A = arith.constant 0 : index
    %swap3A_59 = arith.constant 0 : index
    %swap3A_60 = vector.load %arg13[%swap3A, %swap3A_59] : memref<128x128xf32, #tpu.memory_space<vmem>>, vector<128x128xf32>
    tpu.vector_store %arg13[%swap3A, %swap3A_59], %broadcast_in_dim3A_58 {strides = array<i32>} : memref<128x128xf32, #tpu.memory_space<vmem>>, vector<128x128xf32>,
    %broadcast_in_dim3A_61 = arith.constant 0.000000e+00 : f32
    %broadcast_in_dim3A_62 = vector.broadcast %broadcast_in_dim3A_61 : f32 to vector<128x16xf32>
    %swap3A_63 = arith.constant 0 : index
    %swap3A_64 = arith.constant 0 : index
    %swap3A_65 = vector.load %arg14[%swap3A_63, %swap3A_64] : memref<128x16xf32, #tpu.memory_space<vmem>>, vector<128x16xf32>
    tpu.vector_store %arg14[%swap3A_63, %swap3A_64], %broadcast_in_dim3A_62 {strides = array<i32>} : memref<128x16xf32, #tpu.memory_space<vmem>>, vector<128x16xf32>,
    %get3A_66 = arith.constant 0 : index
    %get3A_67 = arith.constant 0 : index
    %get3A_68 = vector.load %arg6[%get3A_66, %get3A_67] : memref<16x128xf32, #tpu.memory_space<vmem>>, vector<16x128xf32>
    %convert_element_type3A = arith.truncf %get3A_68 : vector<16x128xf32> to vector<16x128xbf16>
    %get3A_69 = arith.constant 0 : index
    %get3A_70 = arith.constant 0 : index
    %get3A_71 = vector.load %arg4[%get3A_69, %get3A_70] : memref<128x16xf32, #tpu.memory_space<vmem>>, vector<128x16xf32>
    %convert_element_type3A_72 = arith.truncf %get3A_71 : vector<128x16xf32> to vector<128x16xbf16>
    %get3A_73 = arith.constant 0 : index
    %get3A_74 = arith.constant 0 : index
    %get3A_75 = vector.load %arg5[%get3A_73, %get3A_74] : memref<128x16xf32, #tpu.memory_space<vmem>>, vector<128x16xf32>
    %convert_element_type3A_76 = arith.truncf %get3A_75 : vector<128x16xf32> to vector<128x16xbf16>
    %gt3A = arith.constant 0 : i32
    %gt3A_77 = arith.cmpi sgt, %max3A_53, %gt3A : i32
    %convert_element_type3A_78 = arith.extui %gt3A_77 : i1 to i32
    %cond3A = arith.constant 0 : i32
    %cond3A_79 = arith.cmpi ne, %convert_element_type3A_78, %cond3A : i32
    scf.if %cond3A_79 {
      %add3A_127 = arith.constant 0 : i32
      %add3A_128 = arith.addi %max3A_18, %add3A_127 : i32
      %multiple_of3A = tpu.assume_multiple %add3A_128, 512 : i32
      %sub3A_129 = arith.constant 0 : i32
      %sub3A_130 = arith.subi %multiple_of3A, %sub3A_129 : i32
      %multiple_of3A_131 = tpu.assume_multiple %sub3A_130, 512 : i32
      %dma_start3A = arith.constant 0 : i32
      %dma_start3A_132 = tpu.memref_slice %arg2[%dma_start3A, %multiple_of3A] : memref<1x172032xi32, #tpu.memory_space<hbm>> -> memref<1x512xi32, #tpu.memory_space<hbm>>
      tpu.enqueue_dma source(%dma_start3A_132 : memref<1x512xi32, #tpu.memory_space<hbm>>) target(%arg9 : memref<1x512xi32, #tpu.memory_space<vmem>>) target_semaphore(%arg15 : memref<!tpu.dma_semaphore, #tpu.memory_space<semaphore_mem>>)
      %dma_start3A_133 = arith.constant 0 : i32
      %dma_start3A_134 = tpu.memref_slice %arg3[%multiple_of3A_131, %dma_start3A_133] : memref<172032x128xf32, #tpu.memory_space<hbm>> -> memref<512x128xf32, #tpu.memory_space<hbm>>
      tpu.enqueue_dma source(%dma_start3A_134 : memref<512x128xf32, #tpu.memory_space<hbm>>) target(%arg11 : memref<512x128xf32, #tpu.memory_space<vmem>>) target_semaphore(%arg16 : memref<!tpu.dma_semaphore, #tpu.memory_space<semaphore_mem>>)
    } else {
    }
    %add3A_80 = arith.constant 1 : i32
    %add3A_81 = arith.addi %max3A_53, %add3A_80 : i32
    %jit3A_82 = arith.constant 2 : i32
    %div3A_83 = arith.divsi %add3A_81, %jit3A_82 : i32
    %sign3A_84 = arith.constant 0 : i32
    %sign3A_85 = arith.cmpi sgt, %add3A_81, %sign3A_84 : i32
    %sign3A_86 = arith.extui %sign3A_85 : i1 to i32
    %sign3A_87 = arith.constant 0 : i32
    %sign3A_88 = arith.cmpi slt, %add3A_81, %sign3A_87 : i32
    %sign3A_89 = arith.extui %sign3A_88 : i1 to i32
    %sign3A_90 = arith.subi %sign3A_86, %sign3A_89 : i32
    %sign3A_91 = arith.constant 0 : i32
    %sign3A_92 = arith.cmpi sgt, %jit3A_82, %sign3A_91 : i32
    %sign3A_93 = arith.extui %sign3A_92 : i1 to i32
    %sign3A_94 = arith.constant 0 : i32
    %sign3A_95 = arith.cmpi slt, %jit3A_82, %sign3A_94 : i32
    %sign3A_96 = arith.extui %sign3A_95 : i1 to i32
    %sign3A_97 = arith.subi %sign3A_93, %sign3A_96 : i32
    %ne3A_98 = arith.cmpi ne, %sign3A_90, %sign3A_97 : i32
    %rem3A_99 = arith.remsi %add3A_81, %jit3A_82 : i32
    %ne3A_100 = arith.constant 0 : i32
    %ne3A_101 = arith.cmpi ne, %rem3A_99, %ne3A_100 : i32
    %and3A_102 = arith.andi %ne3A_98, %ne3A_101 : i1
    %sub3A_103 = arith.constant 1 : i32
    %sub3A_104 = arith.subi %div3A_83, %sub3A_103 : i32
    %select_n3A_105 = arith.select %and3A_102, %sub3A_104, %div3A_83 : i32
    %while3A = arith.constant 0 : i32
    %while3A_106 = arith.constant 0 : i32
    %while3A_107 = arith.subi %select_n3A_105, %while3A_106 : i32
    %while3A_108 = arith.addi %while3A_106, %while3A_107 : i32
    %while3A_109 = arith.constant 1 : i32
    %while3A_110 = arith.divsi %while3A_107, %while3A_109 : i32
    %while3A_111 = arith.muli %while3A_110, %while3A_109 : i32
    %while3A_112 = arith.addi %while3A_106, %while3A_111 : i32
    %while3A_113 = arith.constant 1 : i32
    scf.for %while3A_127 = %while3A_106 to %while3A_112 step %while3A_113  : i32 {
      %mul3A_128 = arith.constant 2 : i32
      %mul3A_129 = arith.muli %mul3A_128, %while3A_127 : i32
      %mul3A_130 = arith.constant 512 : i32
      %mul3A_131 = arith.muli %mul3A_129, %mul3A_130 : i32
      %add3A_132 = arith.addi %max3A_18, %mul3A_131 : i32
      %multiple_of3A = tpu.assume_multiple %add3A_132, 512 : i32
      %sub3A_133 = arith.constant 0 : i32
      %sub3A_134 = arith.subi %multiple_of3A, %sub3A_133 : i32
      %multiple_of3A_135 = tpu.assume_multiple %sub3A_134, 512 : i32
      %dma_wait3A = arith.constant 0 : i32
      %dma_wait3A_136 = tpu.memref_slice %arg2[%dma_wait3A, %multiple_of3A] : memref<1x172032xi32, #tpu.memory_space<hbm>> -> memref<1x512xi32, #tpu.memory_space<hbm>>
      tpu.wait_dma2 semaphore(%arg15 : memref<!tpu.dma_semaphore, #tpu.memory_space<semaphore_mem>>) src(%dma_wait3A_136 : memref<1x512xi32, #tpu.memory_space<hbm>>) dst(%arg9 : memref<1x512xi32, #tpu.memory_space<vmem>>)
      %dma_wait3A_137 = arith.constant 0 : i32
      %dma_wait3A_138 = tpu.memref_slice %arg3[%multiple_of3A_135, %dma_wait3A_137] : memref<172032x128xf32, #tpu.memory_space<hbm>> -> memref<512x128xf32, #tpu.memory_space<hbm>>
      tpu.wait_dma2 semaphore(%arg16 : memref<!tpu.dma_semaphore, #tpu.memory_space<semaphore_mem>>) src(%dma_wait3A_138 : memref<512x128xf32, #tpu.memory_space<hbm>>) dst(%arg11 : memref<512x128xf32, #tpu.memory_space<vmem>>)
      %add3A_139 = arith.constant 1 : i32
      %add3A_140 = arith.addi %mul3A_129, %add3A_139 : i32
      %lt3A = arith.cmpi slt, %add3A_140, %max3A_53 : i32
      %convert_element_type3A_141 = arith.extui %lt3A : i1 to i32
      %cond3A_142 = arith.constant 0 : i32
      %cond3A_143 = arith.cmpi ne, %convert_element_type3A_141, %cond3A_142 : i32
      scf.if %cond3A_143 {
        %add3A_194 = arith.constant 1 : i32
        %add3A_195 = arith.addi %mul3A_129, %add3A_194 : i32
        %mul3A_196 = arith.constant 512 : i32
        %mul3A_197 = arith.muli %add3A_195, %mul3A_196 : i32
        %add3A_198 = arith.addi %max3A_18, %mul3A_197 : i32
        %multiple_of3A_199 = tpu.assume_multiple %add3A_198, 512 : i32
        %sub3A_200 = arith.constant 0 : i32
        %sub3A_201 = arith.subi %multiple_of3A_199, %sub3A_200 : i32
        %multiple_of3A_202 = tpu.assume_multiple %sub3A_201, 512 : i32
        %dma_start3A = arith.constant 0 : i32
        %dma_start3A_203 = tpu.memref_slice %arg2[%dma_start3A, %multiple_of3A_199] : memref<1x172032xi32, #tpu.memory_space<hbm>> -> memref<1x512xi32, #tpu.memory_space<hbm>>
        tpu.enqueue_dma source(%dma_start3A_203 : memref<1x512xi32, #tpu.memory_space<hbm>>) target(%arg10 : memref<1x512xi32, #tpu.memory_space<vmem>>) target_semaphore(%arg17 : memref<!tpu.dma_semaphore, #tpu.memory_space<semaphore_mem>>)
        %dma_start3A_204 = arith.constant 0 : i32
        %dma_start3A_205 = tpu.memref_slice %arg3[%multiple_of3A_202, %dma_start3A_204] : memref<172032x128xf32, #tpu.memory_space<hbm>> -> memref<512x128xf32, #tpu.memory_space<hbm>>
        tpu.enqueue_dma source(%dma_start3A_205 : memref<512x128xf32, #tpu.memory_space<hbm>>) target(%arg12 : memref<512x128xf32, #tpu.memory_space<vmem>>) target_semaphore(%arg18 : memref<!tpu.dma_semaphore, #tpu.memory_space<semaphore_mem>>)
      } else {
      }
      %get3A_144 = arith.constant 0 : index
      %get3A_145 = arith.constant 0 : index
      %get3A_146 = vector.load %arg11[%get3A_144, %get3A_145] : memref<512x128xf32, #tpu.memory_space<vmem>>, vector<512x128xf32>
      %convert_element_type3A_147 = arith.truncf %get3A_146 : vector<512x128xf32> to vector<512x128xbf16>
      %get3A_148 = arith.constant 0 : index
      %get3A_149 = arith.constant 0 : index
      %get3A_150 = vector.load %arg9[%get3A_148, %get3A_149] : memref<1x512xi32, #tpu.memory_space<vmem>>, vector<1x512xi32>
      %eq3A = vector.broadcast %get3A_150 : vector<1x512xi32> to vector<128x512xi32>
      %eq3A_151 = arith.cmpi eq, %add3A_57, %eq3A : vector<128x512xi32>
      %convert_element_type3A_152 = arith.extui %eq3A_151 : vector<128x512xi1> to vector<128x512xi32>
      %convert_element_type3A_153 = arith.sitofp %convert_element_type3A_152 : vector<128x512xi32> to vector<128x512xf32>
      %convert_element_type3A_154 = arith.truncf %convert_element_type3A_153 : vector<128x512xf32> to vector<128x512xbf16>
      %dot_general3A = arith.constant dense<0.000000e+00> : vector<512x16xf32>
      %dot_general3A_155 = tpu.matmul %convert_element_type3A_147, %convert_element_type3A_76, %dot_general3A {dimension_numbers = #tpu.dot_dimension_numbers<[1], [0], [0], [1], [0, 0, 1, 1], [], []>, transpose_lhs_hint = false} : vector<512x128xbf16>, vector<128x16xbf16>, vector<512x16xf32> -> vector<512x16xf32>
      %dot_general3A_156 = arith.constant dense<0.000000e+00> : vector<512x16xf32>
      %dot_general3A_157 = tpu.matmul %convert_element_type3A_154, %convert_element_type3A_72, %dot_general3A_156 {dimension_numbers = #tpu.dot_dimension_numbers<[0], [0], [1], [1], [0, 1, 1, 1], [], []>, transpose_lhs_hint = false} : vector<128x512xbf16>, vector<128x16xbf16>, vector<512x16xf32> -> vector<512x16xf32>
      %add3A_158 = arith.addf %dot_general3A_155, %dot_general3A_157 : vector<512x16xf32>
      %ge3A = arith.constant 0.000000e+00 : f32
      %ge3A_159 = vector.broadcast %ge3A : f32 to vector<512x16xf32>
      %ge3A_160 = arith.cmpf oge, %add3A_158, %ge3A_159 : vector<512x16xf32>
      %mul3A_161 = arith.constant 2.000000e-01 : f32
      %mul3A_162 = vector.broadcast %mul3A_161 : f32 to vector<512x16xf32>
      %mul3A_163 = arith.mulf %mul3A_162, %add3A_158 : vector<512x16xf32>
      %select_n3A_164 = arith.select %ge3A_160, %add3A_158, %mul3A_163 : vector<512x16xi1>, vector<512x16xf32>
      %exp3A = math.exp %select_n3A_164 : vector<512x16xf32>
      %convert_element_type3A_165 = arith.truncf %exp3A : vector<512x16xf32> to vector<512x16xbf16>
      %get3A_166 = arith.constant 0 : index
      %get3A_167 = arith.constant 0 : index
      %get3A_168 = vector.load %arg14[%get3A_166, %get3A_167] : memref<128x16xf32, #tpu.memory_space<vmem>>, vector<128x16xf32>
      %dot_general3A_169 = arith.constant dense<0.000000e+00> : vector<128x16xf32>
      %dot_general3A_170 = tpu.matmul %convert_element_type3A_154, %convert_element_type3A_165, %dot_general3A_169 {dimension_numbers = #tpu.dot_dimension_numbers<[1], [0], [0], [1], [0, 0, 1, 1], [], []>, transpose_lhs_hint = false} : vector<128x512xbf16>, vector<512x16xbf16>, vector<128x16xf32> -> vector<128x16xf32>
      %add3A_171 = arith.addf %get3A_168, %dot_general3A_170 : vector<128x16xf32>
      %swap3A_172 = arith.constant 0 : index
      %swap3A_173 = arith.constant 0 : index
      %swap3A_174 = vector.load %arg14[%swap3A_172, %swap3A_173] : memref<128x16xf32, #tpu.memory_space<vmem>>, vector<128x16xf32>
      tpu.vector_store %arg14[%swap3A_172, %swap3A_173], %add3A_171 {strides = array<i32>} : memref<128x16xf32, #tpu.memory_space<vmem>>, vector<128x16xf32>,
      %dot_general3A_175 = arith.constant dense<0.000000e+00> : vector<512x128xf32>
      %dot_general3A_176 = tpu.matmul %convert_element_type3A_165, %convert_element_type3A, %dot_general3A_175 {dimension_numbers = #tpu.dot_dimension_numbers<[1], [0], [0], [1], [0, 0, 1, 1], [], []>, transpose_lhs_hint = false} : vector<512x16xbf16>, vector<16x128xbf16>, vector<512x128xf32> -> vector<512x128xf32>
      %mul3A_177 = arith.mulf %get3A_146, %dot_general3A_176 : vector<512x128xf32>
      %convert_element_type3A_178 = arith.truncf %mul3A_177 : vector<512x128xf32> to vector<512x128xbf16>
      %get3A_179 = arith.constant 0 : index
      %get3A_180 = arith.constant 0 : index
      %get3A_181 = vector.load %arg13[%get3A_179, %get3A_180] : memref<128x128xf32, #tpu.memory_space<vmem>>, vector<128x128xf32>
      %dot_general3A_182 = arith.constant dense<0.000000e+00> : vector<128x128xf32>
      %dot_general3A_183 = tpu.matmul %convert_element_type3A_154, %convert_element_type3A_178, %dot_general3A_182 {dimension_numbers = #tpu.dot_dimension_numbers<[1], [0], [0], [1], [0, 0, 1, 1], [], []>, transpose_lhs_hint = false} : vector<128x512xbf16>, vector<512x128xbf16>, vector<128x128xf32> -> vector<128x128xf32>
      %add3A_184 = arith.addf %get3A_181, %dot_general3A_183 : vector<128x128xf32>
      %swap3A_185 = arith.constant 0 : index
      %swap3A_186 = arith.constant 0 : index
      %swap3A_187 = vector.load %arg13[%swap3A_185, %swap3A_186] : memref<128x128xf32, #tpu.memory_space<vmem>>, vector<128x128xf32>
      tpu.vector_store %arg13[%swap3A_185, %swap3A_186], %add3A_184 {strides = array<i32>} : memref<128x128xf32, #tpu.memory_space<vmem>>, vector<128x128xf32>,
      %add3A_188 = arith.constant 1 : i32
      %add3A_189 = arith.addi %mul3A_129, %add3A_188 : i32
      %lt3A_190 = arith.cmpi slt, %add3A_189, %max3A_53 : i32
      %convert_element_type3A_191 = arith.extui %lt3A_190 : i1 to i32
      %cond3A_192 = arith.constant 0 : i32
      %cond3A_193 = arith.cmpi ne, %convert_element_type3A_191, %cond3A_192 : i32
      scf.if %cond3A_193 {
        %add3A_194 = arith.constant 1 : i32
        %add3A_195 = arith.addi %mul3A_129, %add3A_194 : i32
        %mul3A_196 = arith.constant 512 : i32
        %mul3A_197 = arith.muli %add3A_195, %mul3A_196 : i32
        %add3A_198 = arith.addi %max3A_18, %mul3A_197 : i32
        %multiple_of3A_199 = tpu.assume_multiple %add3A_198, 512 : i32
        %sub3A_200 = arith.constant 0 : i32
        %sub3A_201 = arith.subi %multiple_of3A_199, %sub3A_200 : i32
        %multiple_of3A_202 = tpu.assume_multiple %sub3A_201, 512 : i32
        %dma_wait3A_203 = arith.constant 0 : i32
        %dma_wait3A_204 = tpu.memref_slice %arg2[%dma_wait3A_203, %multiple_of3A_199] : memref<1x172032xi32, #tpu.memory_space<hbm>> -> memref<1x512xi32, #tpu.memory_space<hbm>>
        tpu.wait_dma2 semaphore(%arg17 : memref<!tpu.dma_semaphore, #tpu.memory_space<semaphore_mem>>) src(%dma_wait3A_204 : memref<1x512xi32, #tpu.memory_space<hbm>>) dst(%arg10 : memref<1x512xi32, #tpu.memory_space<vmem>>)
        %dma_wait3A_205 = arith.constant 0 : i32
        %dma_wait3A_206 = tpu.memref_slice %arg3[%multiple_of3A_202, %dma_wait3A_205] : memref<172032x128xf32, #tpu.memory_space<hbm>> -> memref<512x128xf32, #tpu.memory_space<hbm>>
        tpu.wait_dma2 semaphore(%arg18 : memref<!tpu.dma_semaphore, #tpu.memory_space<semaphore_mem>>) src(%dma_wait3A_206 : memref<512x128xf32, #tpu.memory_space<hbm>>) dst(%arg12 : memref<512x128xf32, #tpu.memory_space<vmem>>)
        %add3A_207 = arith.constant 2 : i32
        %add3A_208 = arith.addi %mul3A_129, %add3A_207 : i32
        %lt3A_209 = arith.cmpi slt, %add3A_208, %max3A_53 : i32
        %convert_element_type3A_210 = arith.extui %lt3A_209 : i1 to i32
        %cond3A_211 = arith.constant 0 : i32
        %cond3A_212 = arith.cmpi ne, %convert_element_type3A_210, %cond3A_211 : i32
        scf.if %cond3A_212 {
          %add3A_261 = arith.constant 2 : i32
          %add3A_262 = arith.addi %mul3A_129, %add3A_261 : i32
          %mul3A_263 = arith.constant 512 : i32
          %mul3A_264 = arith.muli %add3A_262, %mul3A_263 : i32
          %add3A_265 = arith.addi %max3A_18, %mul3A_264 : i32
          %multiple_of3A_266 = tpu.assume_multiple %add3A_265, 512 : i32
          %sub3A_267 = arith.constant 0 : i32
          %sub3A_268 = arith.subi %multiple_of3A_266, %sub3A_267 : i32
          %multiple_of3A_269 = tpu.assume_multiple %sub3A_268, 512 : i32
          %dma_start3A = arith.constant 0 : i32
          %dma_start3A_270 = tpu.memref_slice %arg2[%dma_start3A, %multiple_of3A_266] : memref<1x172032xi32, #tpu.memory_space<hbm>> -> memref<1x512xi32, #tpu.memory_space<hbm>>
          tpu.enqueue_dma source(%dma_start3A_270 : memref<1x512xi32, #tpu.memory_space<hbm>>) target(%arg9 : memref<1x512xi32, #tpu.memory_space<vmem>>) target_semaphore(%arg15 : memref<!tpu.dma_semaphore, #tpu.memory_space<semaphore_mem>>)
          %dma_start3A_271 = arith.constant 0 : i32
          %dma_start3A_272 = tpu.memref_slice %arg3[%multiple_of3A_269, %dma_start3A_271] : memref<172032x128xf32, #tpu.memory_space<hbm>> -> memref<512x128xf32, #tpu.memory_space<hbm>>
          tpu.enqueue_dma source(%dma_start3A_272 : memref<512x128xf32, #tpu.memory_space<hbm>>) target(%arg11 : memref<512x128xf32, #tpu.memory_space<vmem>>) target_semaphore(%arg16 : memref<!tpu.dma_semaphore, #tpu.memory_space<semaphore_mem>>)
        } else {
        }
        %get3A_213 = arith.constant 0 : index
        %get3A_214 = arith.constant 0 : index
        %get3A_215 = vector.load %arg12[%get3A_213, %get3A_214] : memref<512x128xf32, #tpu.memory_space<vmem>>, vector<512x128xf32>
        %convert_element_type3A_216 = arith.truncf %get3A_215 : vector<512x128xf32> to vector<512x128xbf16>
        %get3A_217 = arith.constant 0 : index
        %get3A_218 = arith.constant 0 : index
        %get3A_219 = vector.load %arg10[%get3A_217, %get3A_218] : memref<1x512xi32, #tpu.memory_space<vmem>>, vector<1x512xi32>
        %eq3A_220 = vector.broadcast %get3A_219 : vector<1x512xi32> to vector<128x512xi32>
        %eq3A_221 = arith.cmpi eq, %add3A_57, %eq3A_220 : vector<128x512xi32>
        %convert_element_type3A_222 = arith.extui %eq3A_221 : vector<128x512xi1> to vector<128x512xi32>
        %convert_element_type3A_223 = arith.sitofp %convert_element_type3A_222 : vector<128x512xi32> to vector<128x512xf32>
        %convert_element_type3A_224 = arith.truncf %convert_element_type3A_223 : vector<128x512xf32> to vector<128x512xbf16>
        %dot_general3A_225 = arith.constant dense<0.000000e+00> : vector<512x16xf32>
        %dot_general3A_226 = tpu.matmul %convert_element_type3A_216, %convert_element_type3A_76, %dot_general3A_225 {dimension_numbers = #tpu.dot_dimension_numbers<[1], [0], [0], [1], [0, 0, 1, 1], [], []>, transpose_lhs_hint = false} : vector<512x128xbf16>, vector<128x16xbf16>, vector<512x16xf32> -> vector<512x16xf32>
        %dot_general3A_227 = arith.constant dense<0.000000e+00> : vector<512x16xf32>
        %dot_general3A_228 = tpu.matmul %convert_element_type3A_224, %convert_element_type3A_72, %dot_general3A_227 {dimension_numbers = #tpu.dot_dimension_numbers<[0], [0], [1], [1], [0, 1, 1, 1], [], []>, transpose_lhs_hint = false} : vector<128x512xbf16>, vector<128x16xbf16>, vector<512x16xf32> -> vector<512x16xf32>
        %add3A_229 = arith.addf %dot_general3A_226, %dot_general3A_228 : vector<512x16xf32>
        %ge3A_230 = arith.constant 0.000000e+00 : f32
        %ge3A_231 = vector.broadcast %ge3A_230 : f32 to vector<512x16xf32>
        %ge3A_232 = arith.cmpf oge, %add3A_229, %ge3A_231 : vector<512x16xf32>
        %mul3A_233 = arith.constant 2.000000e-01 : f32
        %mul3A_234 = vector.broadcast %mul3A_233 : f32 to vector<512x16xf32>
        %mul3A_235 = arith.mulf %mul3A_234, %add3A_229 : vector<512x16xf32>
        %select_n3A_236 = arith.select %ge3A_232, %add3A_229, %mul3A_235 : vector<512x16xi1>, vector<512x16xf32>
        %exp3A_237 = math.exp %select_n3A_236 : vector<512x16xf32>
        %convert_element_type3A_238 = arith.truncf %exp3A_237 : vector<512x16xf32> to vector<512x16xbf16>
        %get3A_239 = arith.constant 0 : index
        %get3A_240 = arith.constant 0 : index
        %get3A_241 = vector.load %arg14[%get3A_239, %get3A_240] : memref<128x16xf32, #tpu.memory_space<vmem>>, vector<128x16xf32>
        %dot_general3A_242 = arith.constant dense<0.000000e+00> : vector<128x16xf32>
        %dot_general3A_243 = tpu.matmul %convert_element_type3A_224, %convert_element_type3A_238, %dot_general3A_242 {dimension_numbers = #tpu.dot_dimension_numbers<[1], [0], [0], [1], [0, 0, 1, 1], [], []>, transpose_lhs_hint = false} : vector<128x512xbf16>, vector<512x16xbf16>, vector<128x16xf32> -> vector<128x16xf32>
        %add3A_244 = arith.addf %get3A_241, %dot_general3A_243 : vector<128x16xf32>
        %swap3A_245 = arith.constant 0 : index
        %swap3A_246 = arith.constant 0 : index
        %swap3A_247 = vector.load %arg14[%swap3A_245, %swap3A_246] : memref<128x16xf32, #tpu.memory_space<vmem>>, vector<128x16xf32>
        tpu.vector_store %arg14[%swap3A_245, %swap3A_246], %add3A_244 {strides = array<i32>} : memref<128x16xf32, #tpu.memory_space<vmem>>, vector<128x16xf32>,
        %dot_general3A_248 = arith.constant dense<0.000000e+00> : vector<512x128xf32>
        %dot_general3A_249 = tpu.matmul %convert_element_type3A_238, %convert_element_type3A, %dot_general3A_248 {dimension_numbers = #tpu.dot_dimension_numbers<[1], [0], [0], [1], [0, 0, 1, 1], [], []>, transpose_lhs_hint = false} : vector<512x16xbf16>, vector<16x128xbf16>, vector<512x128xf32> -> vector<512x128xf32>
        %mul3A_250 = arith.mulf %get3A_215, %dot_general3A_249 : vector<512x128xf32>
        %convert_element_type3A_251 = arith.truncf %mul3A_250 : vector<512x128xf32> to vector<512x128xbf16>
        %get3A_252 = arith.constant 0 : index
        %get3A_253 = arith.constant 0 : index
        %get3A_254 = vector.load %arg13[%get3A_252, %get3A_253] : memref<128x128xf32, #tpu.memory_space<vmem>>, vector<128x128xf32>
        %dot_general3A_255 = arith.constant dense<0.000000e+00> : vector<128x128xf32>
        %dot_general3A_256 = tpu.matmul %convert_element_type3A_224, %convert_element_type3A_251, %dot_general3A_255 {dimension_numbers = #tpu.dot_dimension_numbers<[1], [0], [0], [1], [0, 0, 1, 1], [], []>, transpose_lhs_hint = false} : vector<128x512xbf16>, vector<512x128xbf16>, vector<128x128xf32> -> vector<128x128xf32>
        %add3A_257 = arith.addf %get3A_254, %dot_general3A_256 : vector<128x128xf32>
        %swap3A_258 = arith.constant 0 : index
        %swap3A_259 = arith.constant 0 : index
        %swap3A_260 = vector.load %arg13[%swap3A_258, %swap3A_259] : memref<128x128xf32, #tpu.memory_space<vmem>>, vector<128x128xf32>
        tpu.vector_store %arg13[%swap3A_258, %swap3A_259], %add3A_257 {strides = array<i32>} : memref<128x128xf32, #tpu.memory_space<vmem>>, vector<128x128xf32>,
      } else {
      }
    }
    %while3A_114 = arith.constant 1 : i32
    scf.for %while3A_127 = %while3A_112 to %while3A_108 step %while3A_114  : i32 {
      %mul3A_128 = arith.constant 2 : i32
      %mul3A_129 = arith.muli %mul3A_128, %while3A_127 : i32
      %mul3A_130 = arith.constant 512 : i32
      %mul3A_131 = arith.muli %mul3A_129, %mul3A_130 : i32
      %add3A_132 = arith.addi %max3A_18, %mul3A_131 : i32
      %multiple_of3A = tpu.assume_multiple %add3A_132, 512 : i32
      %sub3A_133 = arith.constant 0 : i32
      %sub3A_134 = arith.subi %multiple_of3A, %sub3A_133 : i32
      %multiple_of3A_135 = tpu.assume_multiple %sub3A_134, 512 : i32
      %dma_wait3A = arith.constant 0 : i32
      %dma_wait3A_136 = tpu.memref_slice %arg2[%dma_wait3A, %multiple_of3A] : memref<1x172032xi32, #tpu.memory_space<hbm>> -> memref<1x512xi32, #tpu.memory_space<hbm>>
      tpu.wait_dma2 semaphore(%arg15 : memref<!tpu.dma_semaphore, #tpu.memory_space<semaphore_mem>>) src(%dma_wait3A_136 : memref<1x512xi32, #tpu.memory_space<hbm>>) dst(%arg9 : memref<1x512xi32, #tpu.memory_space<vmem>>)
      %dma_wait3A_137 = arith.constant 0 : i32
      %dma_wait3A_138 = tpu.memref_slice %arg3[%multiple_of3A_135, %dma_wait3A_137] : memref<172032x128xf32, #tpu.memory_space<hbm>> -> memref<512x128xf32, #tpu.memory_space<hbm>>
      tpu.wait_dma2 semaphore(%arg16 : memref<!tpu.dma_semaphore, #tpu.memory_space<semaphore_mem>>) src(%dma_wait3A_138 : memref<512x128xf32, #tpu.memory_space<hbm>>) dst(%arg11 : memref<512x128xf32, #tpu.memory_space<vmem>>)
      %add3A_139 = arith.constant 1 : i32
      %add3A_140 = arith.addi %mul3A_129, %add3A_139 : i32
      %lt3A = arith.cmpi slt, %add3A_140, %max3A_53 : i32
      %convert_element_type3A_141 = arith.extui %lt3A : i1 to i32
      %cond3A_142 = arith.constant 0 : i32
      %cond3A_143 = arith.cmpi ne, %convert_element_type3A_141, %cond3A_142 : i32
      scf.if %cond3A_143 {
        %add3A_194 = arith.constant 1 : i32
        %add3A_195 = arith.addi %mul3A_129, %add3A_194 : i32
        %mul3A_196 = arith.constant 512 : i32
        %mul3A_197 = arith.muli %add3A_195, %mul3A_196 : i32
        %add3A_198 = arith.addi %max3A_18, %mul3A_197 : i32
        %multiple_of3A_199 = tpu.assume_multiple %add3A_198, 512 : i32
        %sub3A_200 = arith.constant 0 : i32
        %sub3A_201 = arith.subi %multiple_of3A_199, %sub3A_200 : i32
        %multiple_of3A_202 = tpu.assume_multiple %sub3A_201, 512 : i32
        %dma_start3A = arith.constant 0 : i32
        %dma_start3A_203 = tpu.memref_slice %arg2[%dma_start3A, %multiple_of3A_199] : memref<1x172032xi32, #tpu.memory_space<hbm>> -> memref<1x512xi32, #tpu.memory_space<hbm>>
        tpu.enqueue_dma source(%dma_start3A_203 : memref<1x512xi32, #tpu.memory_space<hbm>>) target(%arg10 : memref<1x512xi32, #tpu.memory_space<vmem>>) target_semaphore(%arg17 : memref<!tpu.dma_semaphore, #tpu.memory_space<semaphore_mem>>)
        %dma_start3A_204 = arith.constant 0 : i32
        %dma_start3A_205 = tpu.memref_slice %arg3[%multiple_of3A_202, %dma_start3A_204] : memref<172032x128xf32, #tpu.memory_space<hbm>> -> memref<512x128xf32, #tpu.memory_space<hbm>>
        tpu.enqueue_dma source(%dma_start3A_205 : memref<512x128xf32, #tpu.memory_space<hbm>>) target(%arg12 : memref<512x128xf32, #tpu.memory_space<vmem>>) target_semaphore(%arg18 : memref<!tpu.dma_semaphore, #tpu.memory_space<semaphore_mem>>)
      } else {
      }
      %get3A_144 = arith.constant 0 : index
      %get3A_145 = arith.constant 0 : index
      %get3A_146 = vector.load %arg11[%get3A_144, %get3A_145] : memref<512x128xf32, #tpu.memory_space<vmem>>, vector<512x128xf32>
      %convert_element_type3A_147 = arith.truncf %get3A_146 : vector<512x128xf32> to vector<512x128xbf16>
      %get3A_148 = arith.constant 0 : index
      %get3A_149 = arith.constant 0 : index
      %get3A_150 = vector.load %arg9[%get3A_148, %get3A_149] : memref<1x512xi32, #tpu.memory_space<vmem>>, vector<1x512xi32>
      %eq3A = vector.broadcast %get3A_150 : vector<1x512xi32> to vector<128x512xi32>
      %eq3A_151 = arith.cmpi eq, %add3A_57, %eq3A : vector<128x512xi32>
      %convert_element_type3A_152 = arith.extui %eq3A_151 : vector<128x512xi1> to vector<128x512xi32>
      %convert_element_type3A_153 = arith.sitofp %convert_element_type3A_152 : vector<128x512xi32> to vector<128x512xf32>
      %convert_element_type3A_154 = arith.truncf %convert_element_type3A_153 : vector<128x512xf32> to vector<128x512xbf16>
      %dot_general3A = arith.constant dense<0.000000e+00> : vector<512x16xf32>
      %dot_general3A_155 = tpu.matmul %convert_element_type3A_147, %convert_element_type3A_76, %dot_general3A {dimension_numbers = #tpu.dot_dimension_numbers<[1], [0], [0], [1], [0, 0, 1, 1], [], []>, transpose_lhs_hint = false} : vector<512x128xbf16>, vector<128x16xbf16>, vector<512x16xf32> -> vector<512x16xf32>
      %dot_general3A_156 = arith.constant dense<0.000000e+00> : vector<512x16xf32>
      %dot_general3A_157 = tpu.matmul %convert_element_type3A_154, %convert_element_type3A_72, %dot_general3A_156 {dimension_numbers = #tpu.dot_dimension_numbers<[0], [0], [1], [1], [0, 1, 1, 1], [], []>, transpose_lhs_hint = false} : vector<128x512xbf16>, vector<128x16xbf16>, vector<512x16xf32> -> vector<512x16xf32>
      %add3A_158 = arith.addf %dot_general3A_155, %dot_general3A_157 : vector<512x16xf32>
      %ge3A = arith.constant 0.000000e+00 : f32
      %ge3A_159 = vector.broadcast %ge3A : f32 to vector<512x16xf32>
      %ge3A_160 = arith.cmpf oge, %add3A_158, %ge3A_159 : vector<512x16xf32>
      %mul3A_161 = arith.constant 2.000000e-01 : f32
      %mul3A_162 = vector.broadcast %mul3A_161 : f32 to vector<512x16xf32>
      %mul3A_163 = arith.mulf %mul3A_162, %add3A_158 : vector<512x16xf32>
      %select_n3A_164 = arith.select %ge3A_160, %add3A_158, %mul3A_163 : vector<512x16xi1>, vector<512x16xf32>
      %exp3A = math.exp %select_n3A_164 : vector<512x16xf32>
      %convert_element_type3A_165 = arith.truncf %exp3A : vector<512x16xf32> to vector<512x16xbf16>
      %get3A_166 = arith.constant 0 : index
      %get3A_167 = arith.constant 0 : index
      %get3A_168 = vector.load %arg14[%get3A_166, %get3A_167] : memref<128x16xf32, #tpu.memory_space<vmem>>, vector<128x16xf32>
      %dot_general3A_169 = arith.constant dense<0.000000e+00> : vector<128x16xf32>
      %dot_general3A_170 = tpu.matmul %convert_element_type3A_154, %convert_element_type3A_165, %dot_general3A_169 {dimension_numbers = #tpu.dot_dimension_numbers<[1], [0], [0], [1], [0, 0, 1, 1], [], []>, transpose_lhs_hint = false} : vector<128x512xbf16>, vector<512x16xbf16>, vector<128x16xf32> -> vector<128x16xf32>
      %add3A_171 = arith.addf %get3A_168, %dot_general3A_170 : vector<128x16xf32>
      %swap3A_172 = arith.constant 0 : index
      %swap3A_173 = arith.constant 0 : index
      %swap3A_174 = vector.load %arg14[%swap3A_172, %swap3A_173] : memref<128x16xf32, #tpu.memory_space<vmem>>, vector<128x16xf32>
      tpu.vector_store %arg14[%swap3A_172, %swap3A_173], %add3A_171 {strides = array<i32>} : memref<128x16xf32, #tpu.memory_space<vmem>>, vector<128x16xf32>,
      %dot_general3A_175 = arith.constant dense<0.000000e+00> : vector<512x128xf32>
      %dot_general3A_176 = tpu.matmul %convert_element_type3A_165, %convert_element_type3A, %dot_general3A_175 {dimension_numbers = #tpu.dot_dimension_numbers<[1], [0], [0], [1], [0, 0, 1, 1], [], []>, transpose_lhs_hint = false} : vector<512x16xbf16>, vector<16x128xbf16>, vector<512x128xf32> -> vector<512x128xf32>
      %mul3A_177 = arith.mulf %get3A_146, %dot_general3A_176 : vector<512x128xf32>
      %convert_element_type3A_178 = arith.truncf %mul3A_177 : vector<512x128xf32> to vector<512x128xbf16>
      %get3A_179 = arith.constant 0 : index
      %get3A_180 = arith.constant 0 : index
      %get3A_181 = vector.load %arg13[%get3A_179, %get3A_180] : memref<128x128xf32, #tpu.memory_space<vmem>>, vector<128x128xf32>
      %dot_general3A_182 = arith.constant dense<0.000000e+00> : vector<128x128xf32>
      %dot_general3A_183 = tpu.matmul %convert_element_type3A_154, %convert_element_type3A_178, %dot_general3A_182 {dimension_numbers = #tpu.dot_dimension_numbers<[1], [0], [0], [1], [0, 0, 1, 1], [], []>, transpose_lhs_hint = false} : vector<128x512xbf16>, vector<512x128xbf16>, vector<128x128xf32> -> vector<128x128xf32>
      %add3A_184 = arith.addf %get3A_181, %dot_general3A_183 : vector<128x128xf32>
      %swap3A_185 = arith.constant 0 : index
      %swap3A_186 = arith.constant 0 : index
      %swap3A_187 = vector.load %arg13[%swap3A_185, %swap3A_186] : memref<128x128xf32, #tpu.memory_space<vmem>>, vector<128x128xf32>
      tpu.vector_store %arg13[%swap3A_185, %swap3A_186], %add3A_184 {strides = array<i32>} : memref<128x128xf32, #tpu.memory_space<vmem>>, vector<128x128xf32>,
      %add3A_188 = arith.constant 1 : i32
      %add3A_189 = arith.addi %mul3A_129, %add3A_188 : i32
      %lt3A_190 = arith.cmpi slt, %add3A_189, %max3A_53 : i32
      %convert_element_type3A_191 = arith.extui %lt3A_190 : i1 to i32
      %cond3A_192 = arith.constant 0 : i32
      %cond3A_193 = arith.cmpi ne, %convert_element_type3A_191, %cond3A_192 : i32
      scf.if %cond3A_193 {
        %add3A_194 = arith.constant 1 : i32
        %add3A_195 = arith.addi %mul3A_129, %add3A_194 : i32
        %mul3A_196 = arith.constant 512 : i32
        %mul3A_197 = arith.muli %add3A_195, %mul3A_196 : i32
        %add3A_198 = arith.addi %max3A_18, %mul3A_197 : i32
        %multiple_of3A_199 = tpu.assume_multiple %add3A_198, 512 : i32
        %sub3A_200 = arith.constant 0 : i32
        %sub3A_201 = arith.subi %multiple_of3A_199, %sub3A_200 : i32
        %multiple_of3A_202 = tpu.assume_multiple %sub3A_201, 512 : i32
        %dma_wait3A_203 = arith.constant 0 : i32
        %dma_wait3A_204 = tpu.memref_slice %arg2[%dma_wait3A_203, %multiple_of3A_199] : memref<1x172032xi32, #tpu.memory_space<hbm>> -> memref<1x512xi32, #tpu.memory_space<hbm>>
        tpu.wait_dma2 semaphore(%arg17 : memref<!tpu.dma_semaphore, #tpu.memory_space<semaphore_mem>>) src(%dma_wait3A_204 : memref<1x512xi32, #tpu.memory_space<hbm>>) dst(%arg10 : memref<1x512xi32, #tpu.memory_space<vmem>>)
        %dma_wait3A_205 = arith.constant 0 : i32
        %dma_wait3A_206 = tpu.memref_slice %arg3[%multiple_of3A_202, %dma_wait3A_205] : memref<172032x128xf32, #tpu.memory_space<hbm>> -> memref<512x128xf32, #tpu.memory_space<hbm>>
        tpu.wait_dma2 semaphore(%arg18 : memref<!tpu.dma_semaphore, #tpu.memory_space<semaphore_mem>>) src(%dma_wait3A_206 : memref<512x128xf32, #tpu.memory_space<hbm>>) dst(%arg12 : memref<512x128xf32, #tpu.memory_space<vmem>>)
        %add3A_207 = arith.constant 2 : i32
        %add3A_208 = arith.addi %mul3A_129, %add3A_207 : i32
        %lt3A_209 = arith.cmpi slt, %add3A_208, %max3A_53 : i32
        %convert_element_type3A_210 = arith.extui %lt3A_209 : i1 to i32
        %cond3A_211 = arith.constant 0 : i32
        %cond3A_212 = arith.cmpi ne, %convert_element_type3A_210, %cond3A_211 : i32
        scf.if %cond3A_212 {
          %add3A_261 = arith.constant 2 : i32
          %add3A_262 = arith.addi %mul3A_129, %add3A_261 : i32
          %mul3A_263 = arith.constant 512 : i32
          %mul3A_264 = arith.muli %add3A_262, %mul3A_263 : i32
          %add3A_265 = arith.addi %max3A_18, %mul3A_264 : i32
          %multiple_of3A_266 = tpu.assume_multiple %add3A_265, 512 : i32
          %sub3A_267 = arith.constant 0 : i32
          %sub3A_268 = arith.subi %multiple_of3A_266, %sub3A_267 : i32
          %multiple_of3A_269 = tpu.assume_multiple %sub3A_268, 512 : i32
          %dma_start3A = arith.constant 0 : i32
          %dma_start3A_270 = tpu.memref_slice %arg2[%dma_start3A, %multiple_of3A_266] : memref<1x172032xi32, #tpu.memory_space<hbm>> -> memref<1x512xi32, #tpu.memory_space<hbm>>
          tpu.enqueue_dma source(%dma_start3A_270 : memref<1x512xi32, #tpu.memory_space<hbm>>) target(%arg9 : memref<1x512xi32, #tpu.memory_space<vmem>>) target_semaphore(%arg15 : memref<!tpu.dma_semaphore, #tpu.memory_space<semaphore_mem>>)
          %dma_start3A_271 = arith.constant 0 : i32
          %dma_start3A_272 = tpu.memref_slice %arg3[%multiple_of3A_269, %dma_start3A_271] : memref<172032x128xf32, #tpu.memory_space<hbm>> -> memref<512x128xf32, #tpu.memory_space<hbm>>
          tpu.enqueue_dma source(%dma_start3A_272 : memref<512x128xf32, #tpu.memory_space<hbm>>) target(%arg11 : memref<512x128xf32, #tpu.memory_space<vmem>>) target_semaphore(%arg16 : memref<!tpu.dma_semaphore, #tpu.memory_space<semaphore_mem>>)
        } else {
        }
        %get3A_213 = arith.constant 0 : index
        %get3A_214 = arith.constant 0 : index
        %get3A_215 = vector.load %arg12[%get3A_213, %get3A_214] : memref<512x128xf32, #tpu.memory_space<vmem>>, vector<512x128xf32>
        %convert_element_type3A_216 = arith.truncf %get3A_215 : vector<512x128xf32> to vector<512x128xbf16>
        %get3A_217 = arith.constant 0 : index
        %get3A_218 = arith.constant 0 : index
        %get3A_219 = vector.load %arg10[%get3A_217, %get3A_218] : memref<1x512xi32, #tpu.memory_space<vmem>>, vector<1x512xi32>
        %eq3A_220 = vector.broadcast %get3A_219 : vector<1x512xi32> to vector<128x512xi32>
        %eq3A_221 = arith.cmpi eq, %add3A_57, %eq3A_220 : vector<128x512xi32>
        %convert_element_type3A_222 = arith.extui %eq3A_221 : vector<128x512xi1> to vector<128x512xi32>
        %convert_element_type3A_223 = arith.sitofp %convert_element_type3A_222 : vector<128x512xi32> to vector<128x512xf32>
        %convert_element_type3A_224 = arith.truncf %convert_element_type3A_223 : vector<128x512xf32> to vector<128x512xbf16>
        %dot_general3A_225 = arith.constant dense<0.000000e+00> : vector<512x16xf32>
        %dot_general3A_226 = tpu.matmul %convert_element_type3A_216, %convert_element_type3A_76, %dot_general3A_225 {dimension_numbers = #tpu.dot_dimension_numbers<[1], [0], [0], [1], [0, 0, 1, 1], [], []>, transpose_lhs_hint = false} : vector<512x128xbf16>, vector<128x16xbf16>, vector<512x16xf32> -> vector<512x16xf32>
        %dot_general3A_227 = arith.constant dense<0.000000e+00> : vector<512x16xf32>
        %dot_general3A_228 = tpu.matmul %convert_element_type3A_224, %convert_element_type3A_72, %dot_general3A_227 {dimension_numbers = #tpu.dot_dimension_numbers<[0], [0], [1], [1], [0, 1, 1, 1], [], []>, transpose_lhs_hint = false} : vector<128x512xbf16>, vector<128x16xbf16>, vector<512x16xf32> -> vector<512x16xf32>
        %add3A_229 = arith.addf %dot_general3A_226, %dot_general3A_228 : vector<512x16xf32>
        %ge3A_230 = arith.constant 0.000000e+00 : f32
        %ge3A_231 = vector.broadcast %ge3A_230 : f32 to vector<512x16xf32>
        %ge3A_232 = arith.cmpf oge, %add3A_229, %ge3A_231 : vector<512x16xf32>
        %mul3A_233 = arith.constant 2.000000e-01 : f32
        %mul3A_234 = vector.broadcast %mul3A_233 : f32 to vector<512x16xf32>
        %mul3A_235 = arith.mulf %mul3A_234, %add3A_229 : vector<512x16xf32>
        %select_n3A_236 = arith.select %ge3A_232, %add3A_229, %mul3A_235 : vector<512x16xi1>, vector<512x16xf32>
        %exp3A_237 = math.exp %select_n3A_236 : vector<512x16xf32>
        %convert_element_type3A_238 = arith.truncf %exp3A_237 : vector<512x16xf32> to vector<512x16xbf16>
        %get3A_239 = arith.constant 0 : index
        %get3A_240 = arith.constant 0 : index
        %get3A_241 = vector.load %arg14[%get3A_239, %get3A_240] : memref<128x16xf32, #tpu.memory_space<vmem>>, vector<128x16xf32>
        %dot_general3A_242 = arith.constant dense<0.000000e+00> : vector<128x16xf32>
        %dot_general3A_243 = tpu.matmul %convert_element_type3A_224, %convert_element_type3A_238, %dot_general3A_242 {dimension_numbers = #tpu.dot_dimension_numbers<[1], [0], [0], [1], [0, 0, 1, 1], [], []>, transpose_lhs_hint = false} : vector<128x512xbf16>, vector<512x16xbf16>, vector<128x16xf32> -> vector<128x16xf32>
        %add3A_244 = arith.addf %get3A_241, %dot_general3A_243 : vector<128x16xf32>
        %swap3A_245 = arith.constant 0 : index
        %swap3A_246 = arith.constant 0 : index
        %swap3A_247 = vector.load %arg14[%swap3A_245, %swap3A_246] : memref<128x16xf32, #tpu.memory_space<vmem>>, vector<128x16xf32>
        tpu.vector_store %arg14[%swap3A_245, %swap3A_246], %add3A_244 {strides = array<i32>} : memref<128x16xf32, #tpu.memory_space<vmem>>, vector<128x16xf32>,
        %dot_general3A_248 = arith.constant dense<0.000000e+00> : vector<512x128xf32>
        %dot_general3A_249 = tpu.matmul %convert_element_type3A_238, %convert_element_type3A, %dot_general3A_248 {dimension_numbers = #tpu.dot_dimension_numbers<[1], [0], [0], [1], [0, 0, 1, 1], [], []>, transpose_lhs_hint = false} : vector<512x16xbf16>, vector<16x128xbf16>, vector<512x128xf32> -> vector<512x128xf32>
        %mul3A_250 = arith.mulf %get3A_215, %dot_general3A_249 : vector<512x128xf32>
        %convert_element_type3A_251 = arith.truncf %mul3A_250 : vector<512x128xf32> to vector<512x128xbf16>
        %get3A_252 = arith.constant 0 : index
        %get3A_253 = arith.constant 0 : index
        %get3A_254 = vector.load %arg13[%get3A_252, %get3A_253] : memref<128x128xf32, #tpu.memory_space<vmem>>, vector<128x128xf32>
        %dot_general3A_255 = arith.constant dense<0.000000e+00> : vector<128x128xf32>
        %dot_general3A_256 = tpu.matmul %convert_element_type3A_224, %convert_element_type3A_251, %dot_general3A_255 {dimension_numbers = #tpu.dot_dimension_numbers<[1], [0], [0], [1], [0, 0, 1, 1], [], []>, transpose_lhs_hint = false} : vector<128x512xbf16>, vector<512x128xbf16>, vector<128x128xf32> -> vector<128x128xf32>
        %add3A_257 = arith.addf %get3A_254, %dot_general3A_256 : vector<128x128xf32>
        %swap3A_258 = arith.constant 0 : index
        %swap3A_259 = arith.constant 0 : index
        %swap3A_260 = vector.load %arg13[%swap3A_258, %swap3A_259] : memref<128x128xf32, #tpu.memory_space<vmem>>, vector<128x128xf32>
        tpu.vector_store %arg13[%swap3A_258, %swap3A_259], %add3A_257 {strides = array<i32>} : memref<128x128xf32, #tpu.memory_space<vmem>>, vector<128x128xf32>,
      } else {
      }
    }
    %get3A_115 = arith.constant 0 : index
    %get3A_116 = arith.constant 0 : index
    %get3A_117 = vector.load %arg13[%get3A_115, %get3A_116] : memref<128x128xf32, #tpu.memory_space<vmem>>, vector<128x128xf32>
    %swap3A_118 = arith.constant 0 : index
    %swap3A_119 = arith.constant 0 : index
    %swap3A_120 = vector.load %arg7[%swap3A_118, %swap3A_119] : memref<128x128xf32, #tpu.memory_space<vmem>>, vector<128x128xf32>
    tpu.vector_store %arg7[%swap3A_118, %swap3A_119], %get3A_117 {strides = array<i32>} : memref<128x128xf32, #tpu.memory_space<vmem>>, vector<128x128xf32>,
    %get3A_121 = arith.constant 0 : index
    %get3A_122 = arith.constant 0 : index
    %get3A_123 = vector.load %arg14[%get3A_121, %get3A_122] : memref<128x16xf32, #tpu.memory_space<vmem>>, vector<128x16xf32>
    %swap3A_124 = arith.constant 0 : index
    %swap3A_125 = arith.constant 0 : index
    %swap3A_126 = vector.load %arg8[%swap3A_124, %swap3A_125] : memref<128x16xf32, #tpu.memory_space<vmem>>, vector<128x16xf32>
    tpu.vector_store %arg8[%swap3A_124, %swap3A_125], %get3A_123 {strides = array<i32>} : memref<128x16xf32, #tpu.memory_space<vmem>>, vector<128x16xf32>,
    return
  }
  func.func @transform_2(%arg0: i32, %arg1: memref<81xi32, #tpu.memory_space<smem>>) -> (i32, i32) {
    %c0_i32 = arith.constant 0 : i32
    %c0_i32_0 = arith.constant 0 : i32
    return %arg0, %c0_i32 : i32, i32
  }
  func.func @transform_3(%arg0: i32, %arg1: memref<81xi32, #tpu.memory_space<smem>>) -> (i32, i32) {
    %c0_i32 = arith.constant 0 : i32
    %c0_i32_0 = arith.constant 0 : i32
    %c0_i32_1 = arith.constant 0 : i32
    return %c0_i32, %c0_i32_0 : i32, i32
  }
  func.func @transform_4(%arg0: i32, %arg1: memref<81xi32, #tpu.memory_space<smem>>) -> (i32, i32) {
    %c0_i32 = arith.constant 0 : i32
    %c0_i32_0 = arith.constant 0 : i32
    %c0_i32_1 = arith.constant 0 : i32
    return %c0_i32, %c0_i32_0 : i32, i32
  }
  func.func @transform_5(%arg0: i32, %arg1: memref<81xi32, #tpu.memory_space<smem>>) -> (i32, i32) {
    %c0_i32 = arith.constant 0 : i32
    %c0_i32_0 = arith.constant 0 : i32
    return %arg0, %c0_i32 : i32, i32
  }
  func.func @transform_6(%arg0: i32, %arg1: memref<81xi32, #tpu.memory_space<smem>>) -> (i32, i32) {
    %c0_i32 = arith.constant 0 : i32
    %c0_i32_0 = arith.constant 0 : i32
    return %arg0, %c0_i32 : i32, i32
  }
}

module attributes {stable_mosaic.version = 14 : i64} {
  func.func @body(%arg0: i32, %arg1: memref<513xi32, #tpu.memory_space<smem>>, %arg2: memref<10240x128xf32, #tpu.memory_space<vmem>>, %arg3: memref<10240x16xf32, #tpu.memory_space<vmem>>, %arg4: memref<1x128xf32, #tpu.memory_space<vmem>>, %arg5: memref<512x128xf32, #tpu.memory_space<vmem>>, %arg6: memref<10240x128xf32, #tpu.memory_space<vmem>>) attributes {dimension_semantics = [#tpu.dimension_semantics<arbitrary>], iteration_bounds = array<i64: 1>, scalar_prefetch = 1 : i64, scratch_operands = 1 : i64, tpu.core_type = #tpu.core_type<tc>, window_params = [{pipeline_mode = #tpu.pipeline_mode<synchronous>, transform_indices = @transform_0, window_bounds = array<i64: 10240, 128>}, {pipeline_mode = #tpu.pipeline_mode<synchronous>, transform_indices = @transform_1, window_bounds = array<i64: 10240, 16>}, {pipeline_mode = #tpu.pipeline_mode<synchronous>, transform_indices = @transform_2, window_bounds = array<i64: 1, 128>}, {pipeline_mode = #tpu.pipeline_mode<synchronous>, transform_indices = @transform_3, window_bounds = array<i64: 512, 128>}]} {
    %get3A = arith.constant 0 : index
    %get3A_0 = arith.constant 0 : index
    %get3A_1 = vector.load %arg3[%get3A, %get3A_0] : memref<10240x16xf32, #tpu.memory_space<vmem>>, vector<10240x1xf32>
    %add3A = arith.constant 1.000000e-16 : f32
    %add3A_2 = vector.broadcast %add3A : f32 to vector<10240x1xf32>
    %add3A_3 = arith.addf %get3A_1, %add3A_2 : vector<10240x1xf32>
    %get3A_4 = arith.constant 0 : index
    %get3A_5 = arith.constant 0 : index
    %get3A_6 = vector.load %arg2[%get3A_4, %get3A_5] : memref<10240x128xf32, #tpu.memory_space<vmem>>, vector<10240x128xf32>
    %div3A = vector.broadcast %add3A_3 : vector<10240x1xf32> to vector<10240x128xf32>
    %div3A_7 = arith.divf %get3A_6, %div3A : vector<10240x128xf32>
    %get3A_8 = arith.constant 0 : index
    %get3A_9 = arith.constant 0 : index
    %get3A_10 = vector.load %arg4[%get3A_8, %get3A_9] : memref<1x128xf32, #tpu.memory_space<vmem>>, vector<1x128xf32>
    %add3A_11 = vector.broadcast %get3A_10 : vector<1x128xf32> to vector<10240x128xf32>
    %add3A_12 = arith.addf %div3A_7, %add3A_11 : vector<10240x128xf32>
    %max3A = arith.constant 0.000000e+00 : f32
    %max3A_13 = vector.broadcast %max3A : f32 to vector<10240x128xf32>
    %max3A_14 = arith.maximumf %add3A_12, %max3A_13 : vector<10240x128xf32>
    %swap3A = arith.constant 0 : index
    %swap3A_15 = arith.constant 0 : index
    %swap3A_16 = vector.load %arg6[%swap3A, %swap3A_15] : memref<10240x128xf32, #tpu.memory_space<vmem>>, vector<10240x128xf32>
    tpu.vector_store %arg6[%swap3A, %swap3A_15], %max3A_14 {strides = array<i32>} : memref<10240x128xf32, #tpu.memory_space<vmem>>, vector<10240x128xf32>,
    %iota3A = tpu.iota {dimensions = array<i32: 0>} : vector<8x128xi32>
    %scan3A = arith.constant 0 : i32
    %scan3A_17 = arith.constant 512 : i32
    %scan3A_18 = arith.addi %scan3A, %scan3A_17 : i32
    %scan3A_19 = arith.constant 1 : i32
    scf.for %scan3A_21 = %scan3A to %scan3A_18 step %scan3A_19  : i32 {
      %get3A_22 = arith.index_cast %scan3A_21 : i32 to index
      %get3A_23 = memref.load %arg1[%get3A_22] : memref<513xi32, #tpu.memory_space<smem>>
      %add3A_24 = arith.constant 1 : i32
      %add3A_25 = arith.addi %scan3A_21, %add3A_24 : i32
      %get3A_26 = arith.index_cast %add3A_25 : i32 to index
      %get3A_27 = memref.load %arg1[%get3A_26] : memref<513xi32, #tpu.memory_space<smem>>
      %sub3A = arith.subi %get3A_27, %get3A_23 : i32
      %add3A_28 = arith.constant 7 : i32
      %add3A_29 = arith.addi %sub3A, %add3A_28 : i32
      %jit3A = arith.constant 8 : i32
      %div3A_30 = arith.divsi %add3A_29, %jit3A : i32
      %sign3A = arith.constant 0 : i32
      %sign3A_31 = arith.cmpi sgt, %add3A_29, %sign3A : i32
      %sign3A_32 = arith.extui %sign3A_31 : i1 to i32
      %sign3A_33 = arith.constant 0 : i32
      %sign3A_34 = arith.cmpi slt, %add3A_29, %sign3A_33 : i32
      %sign3A_35 = arith.extui %sign3A_34 : i1 to i32
      %sign3A_36 = arith.subi %sign3A_32, %sign3A_35 : i32
      %sign3A_37 = arith.constant 0 : i32
      %sign3A_38 = arith.cmpi sgt, %jit3A, %sign3A_37 : i32
      %sign3A_39 = arith.extui %sign3A_38 : i1 to i32
      %sign3A_40 = arith.constant 0 : i32
      %sign3A_41 = arith.cmpi slt, %jit3A, %sign3A_40 : i32
      %sign3A_42 = arith.extui %sign3A_41 : i1 to i32
      %sign3A_43 = arith.subi %sign3A_39, %sign3A_42 : i32
      %ne3A = arith.cmpi ne, %sign3A_36, %sign3A_43 : i32
      %rem3A = arith.remsi %add3A_29, %jit3A : i32
      %ne3A_44 = arith.constant 0 : i32
      %ne3A_45 = arith.cmpi ne, %rem3A, %ne3A_44 : i32
      %and3A = arith.andi %ne3A, %ne3A_45 : i1
      %sub3A_46 = arith.constant 1 : i32
      %sub3A_47 = arith.subi %div3A_30, %sub3A_46 : i32
      %select_n3A = arith.select %and3A, %sub3A_47, %div3A_30 : i32
      %broadcast_in_dim3A = arith.constant -1.000000e+30 : f32
      %broadcast_in_dim3A_48 = vector.broadcast %broadcast_in_dim3A : f32 to vector<8x128xf32>
      %while3A = arith.constant 0 : i32
      %while3A_49 = arith.subi %select_n3A, %while3A : i32
      %while3A_50 = arith.addi %while3A, %while3A_49 : i32
      %while3A_51 = arith.constant 1 : i32
      %while3A_52 = arith.divsi %while3A_49, %while3A_51 : i32
      %while3A_53 = arith.muli %while3A_52, %while3A_51 : i32
      %while3A_54 = arith.addi %while3A, %while3A_53 : i32
      %while3A_55 = arith.constant 1 : i32
      %while3A_56 = scf.for %while3A_64 = %while3A to %while3A_54 step %while3A_55 iter_args(%while3A_65 = %broadcast_in_dim3A_48) -> (vector<8x128xf32>)  : i32 {
        %mul3A = arith.constant 8 : i32
        %mul3A_66 = arith.muli %while3A_64, %mul3A : i32
        %add3A_67 = arith.addi %get3A_23, %mul3A_66 : i32
        %get3A_68 = arith.index_cast %add3A_67 : i32 to index
        %get3A_69 = arith.constant 0 : index
        %get3A_70 = vector.load %arg6[%get3A_68, %get3A_69] : memref<10240x128xf32, #tpu.memory_space<vmem>>, vector<8x128xf32>
        %add3A_71 = vector.broadcast %add3A_67 : i32 to vector<8x128xi32>
        %add3A_72 = arith.addi %add3A_71, %iota3A : vector<8x128xi32>
        %lt3A = vector.broadcast %get3A_27 : i32 to vector<8x128xi32>
        %lt3A_73 = arith.cmpi slt, %add3A_72, %lt3A : vector<8x128xi32>
        %jit3A_74 = arith.constant -1.000000e+30 : f32
        %broadcast_in_dim3A_75 = vector.broadcast %jit3A_74 : f32 to vector<8x128xf32>
        %select_n3A_76 = arith.select %lt3A_73, %get3A_70, %broadcast_in_dim3A_75 : vector<8x128xi1>, vector<8x128xf32>
        %max3A_77 = arith.maximumf %while3A_65, %select_n3A_76 : vector<8x128xf32>
        scf.yield %max3A_77 : vector<8x128xf32>
      }
      %while3A_57 = arith.constant 1 : i32
      %while3A_58 = scf.for %while3A_64 = %while3A_54 to %while3A_50 step %while3A_57 iter_args(%while3A_65 = %while3A_56) -> (vector<8x128xf32>)  : i32 {
        %mul3A = arith.constant 8 : i32
        %mul3A_66 = arith.muli %while3A_64, %mul3A : i32
        %add3A_67 = arith.addi %get3A_23, %mul3A_66 : i32
        %get3A_68 = arith.index_cast %add3A_67 : i32 to index
        %get3A_69 = arith.constant 0 : index
        %get3A_70 = vector.load %arg6[%get3A_68, %get3A_69] : memref<10240x128xf32, #tpu.memory_space<vmem>>, vector<8x128xf32>
        %add3A_71 = vector.broadcast %add3A_67 : i32 to vector<8x128xi32>
        %add3A_72 = arith.addi %add3A_71, %iota3A : vector<8x128xi32>
        %lt3A = vector.broadcast %get3A_27 : i32 to vector<8x128xi32>
        %lt3A_73 = arith.cmpi slt, %add3A_72, %lt3A : vector<8x128xi32>
        %jit3A_74 = arith.constant -1.000000e+30 : f32
        %broadcast_in_dim3A_75 = vector.broadcast %jit3A_74 : f32 to vector<8x128xf32>
        %select_n3A_76 = arith.select %lt3A_73, %get3A_70, %broadcast_in_dim3A_75 : vector<8x128xi1>, vector<8x128xf32>
        %max3A_77 = arith.maximumf %while3A_65, %select_n3A_76 : vector<8x128xf32>
        scf.yield %max3A_77 : vector<8x128xf32>
      }
      %reduce_max3A = arith.constant dense<0xFF800000> : vector<128xf32>
      %reduce_max3A_59 = vector.multi_reduction <maximumf>, %while3A_58, %reduce_max3A [0] : vector<8x128xf32> to vector<128xf32>
      %broadcast_in_dim3A_60 = vector.shape_cast %reduce_max3A_59 : vector<128xf32> to vector<1x128xf32>
      %swap3A_61 = arith.index_cast %scan3A_21 : i32 to index
      %swap3A_62 = arith.constant 0 : index
      %swap3A_63 = vector.load %arg5[%swap3A_61, %swap3A_62] : memref<512x128xf32, #tpu.memory_space<vmem>>, vector<1x128xf32>
      tpu.vector_store %arg5[%swap3A_61, %swap3A_62], %broadcast_in_dim3A_60 {strides = array<i32>} : memref<512x128xf32, #tpu.memory_space<vmem>>, vector<1x128xf32>,
    }
    %scan3A_20 = arith.constant 512 : i32
    return
  }
  func.func @transform_0(%arg0: i32, %arg1: memref<513xi32, #tpu.memory_space<smem>>) -> (i32, i32) {
    %c0_i32 = arith.constant 0 : i32
    %c0_i32_0 = arith.constant 0 : i32
    %c0_i32_1 = arith.constant 0 : i32
    return %c0_i32, %c0_i32_0 : i32, i32
  }
  func.func @transform_1(%arg0: i32, %arg1: memref<513xi32, #tpu.memory_space<smem>>) -> (i32, i32) {
    %c0_i32 = arith.constant 0 : i32
    %c0_i32_0 = arith.constant 0 : i32
    %c0_i32_1 = arith.constant 0 : i32
    return %c0_i32, %c0_i32_0 : i32, i32
  }
  func.func @transform_2(%arg0: i32, %arg1: memref<513xi32, #tpu.memory_space<smem>>) -> (i32, i32) {
    %c0_i32 = arith.constant 0 : i32
    %c0_i32_0 = arith.constant 0 : i32
    %c0_i32_1 = arith.constant 0 : i32
    return %c0_i32, %c0_i32_0 : i32, i32
  }
  func.func @transform_3(%arg0: i32, %arg1: memref<513xi32, #tpu.memory_space<smem>>) -> (i32, i32) {
    %c0_i32 = arith.constant 0 : i32
    %c0_i32_0 = arith.constant 0 : i32
    %c0_i32_1 = arith.constant 0 : i32
    return %c0_i32, %c0_i32_0 : i32, i32
  }
}

module attributes {stable_mosaic.version = 14 : i64} {
  func.func @body(%arg0: memref<512x128xf32, #tpu.memory_space<vmem>>, %arg1: memref<512x256xf32, #tpu.memory_space<vmem>>, %arg2: memref<512x512xf32, #tpu.memory_space<vmem>>, %arg3: memref<1024x1024xf32, #tpu.memory_space<vmem>>, %arg4: memref<128x64xf32, #tpu.memory_space<vmem>>, %arg5: memref<1x64xf32, #tpu.memory_space<vmem>>, %arg6: memref<64x64xf32, #tpu.memory_space<vmem>>, %arg7: memref<1x64xf32, #tpu.memory_space<vmem>>, %arg8: memref<256x256xf32, #tpu.memory_space<vmem>>, %arg9: memref<1x256xf32, #tpu.memory_space<vmem>>, %arg10: memref<256x64xf32, #tpu.memory_space<vmem>>, %arg11: memref<1x64xf32, #tpu.memory_space<vmem>>, %arg12: memref<512x1664xf32, #tpu.memory_space<vmem>>, %arg13: memref<1x1664xf32, #tpu.memory_space<vmem>>, %arg14: memref<1664x64xf32, #tpu.memory_space<vmem>>, %arg15: memref<1x64xf32, #tpu.memory_space<vmem>>, %arg16: memref<1024x64xf32, #tpu.memory_space<vmem>>, %arg17: memref<1x64xf32, #tpu.memory_space<vmem>>, %arg18: memref<64x64xf32, #tpu.memory_space<vmem>>, %arg19: memref<1x64xf32, #tpu.memory_space<vmem>>, %arg20: memref<512x1024xf32, #tpu.memory_space<vmem>>, %arg21: memref<512x64xf32, #tpu.memory_space<vmem>>, %arg22: memref<1024x64xf32, #tpu.memory_space<vmem>>) attributes {dimension_semantics = [], scalar_prefetch = 0 : i64, scratch_operands = 0 : i64, tpu.core_type = #tpu.core_type<tc>} {
    %get3A = arith.constant 0 : index
    %get3A_0 = arith.constant 0 : index
    %get3A_1 = vector.load %arg0[%get3A, %get3A_0] : memref<512x128xf32, #tpu.memory_space<vmem>>, vector<512x128xf32>
    %get3A_2 = arith.constant 0 : index
    %get3A_3 = arith.constant 0 : index
    %get3A_4 = vector.load %arg4[%get3A_2, %get3A_3] : memref<128x64xf32, #tpu.memory_space<vmem>>, vector<128x64xf32>
    %dot_general3A = arith.constant dense<0.000000e+00> : vector<512x64xf32>
    %dot_general3A_5 = tpu.matmul %get3A_1, %get3A_4, %dot_general3A {dimension_numbers = #tpu.dot_dimension_numbers<[1], [0], [0], [1], [0, 0, 1, 1], [], []>, transpose_lhs_hint = false} : vector<512x128xf32>, vector<128x64xf32>, vector<512x64xf32> -> vector<512x64xf32>
    %get3A_6 = arith.constant 0 : index
    %get3A_7 = arith.constant 0 : index
    %get3A_8 = vector.load %arg5[%get3A_6, %get3A_7] : memref<1x64xf32, #tpu.memory_space<vmem>>, vector<1x64xf32>
    %add3A = vector.broadcast %get3A_8 : vector<1x64xf32> to vector<512x64xf32>
    %add3A_9 = arith.addf %dot_general3A_5, %add3A : vector<512x64xf32>
    %max3A = arith.constant 0.000000e+00 : f32
    %max3A_10 = vector.broadcast %max3A : f32 to vector<512x64xf32>
    %max3A_11 = arith.maximumf %add3A_9, %max3A_10 : vector<512x64xf32>
    %get3A_12 = arith.constant 0 : index
    %get3A_13 = arith.constant 0 : index
    %get3A_14 = vector.load %arg6[%get3A_12, %get3A_13] : memref<64x64xf32, #tpu.memory_space<vmem>>, vector<64x64xf32>
    %dot_general3A_15 = arith.constant dense<0.000000e+00> : vector<512x64xf32>
    %dot_general3A_16 = tpu.matmul %max3A_11, %get3A_14, %dot_general3A_15 {dimension_numbers = #tpu.dot_dimension_numbers<[1], [0], [0], [1], [0, 0, 1, 1], [], []>, transpose_lhs_hint = false} : vector<512x64xf32>, vector<64x64xf32>, vector<512x64xf32> -> vector<512x64xf32>
    %get3A_17 = arith.constant 0 : index
    %get3A_18 = arith.constant 0 : index
    %get3A_19 = vector.load %arg7[%get3A_17, %get3A_18] : memref<1x64xf32, #tpu.memory_space<vmem>>, vector<1x64xf32>
    %add3A_20 = vector.broadcast %get3A_19 : vector<1x64xf32> to vector<512x64xf32>
    %add3A_21 = arith.addf %dot_general3A_16, %add3A_20 : vector<512x64xf32>
    %max3A_22 = arith.constant 0.000000e+00 : f32
    %max3A_23 = vector.broadcast %max3A_22 : f32 to vector<512x64xf32>
    %max3A_24 = arith.maximumf %add3A_21, %max3A_23 : vector<512x64xf32>
    %get3A_25 = arith.constant 0 : index
    %get3A_26 = arith.constant 0 : index
    %get3A_27 = vector.load %arg1[%get3A_25, %get3A_26] : memref<512x256xf32, #tpu.memory_space<vmem>>, vector<512x256xf32>
    %get3A_28 = arith.constant 0 : index
    %get3A_29 = arith.constant 0 : index
    %get3A_30 = vector.load %arg8[%get3A_28, %get3A_29] : memref<256x256xf32, #tpu.memory_space<vmem>>, vector<256x256xf32>
    %dot_general3A_31 = arith.constant dense<0.000000e+00> : vector<512x256xf32>
    %dot_general3A_32 = tpu.matmul %get3A_27, %get3A_30, %dot_general3A_31 {dimension_numbers = #tpu.dot_dimension_numbers<[1], [0], [0], [1], [0, 0, 1, 1], [], []>, transpose_lhs_hint = false} : vector<512x256xf32>, vector<256x256xf32>, vector<512x256xf32> -> vector<512x256xf32>
    %get3A_33 = arith.constant 0 : index
    %get3A_34 = arith.constant 0 : index
    %get3A_35 = vector.load %arg9[%get3A_33, %get3A_34] : memref<1x256xf32, #tpu.memory_space<vmem>>, vector<1x256xf32>
    %add3A_36 = vector.broadcast %get3A_35 : vector<1x256xf32> to vector<512x256xf32>
    %add3A_37 = arith.addf %dot_general3A_32, %add3A_36 : vector<512x256xf32>
    %max3A_38 = arith.constant 0.000000e+00 : f32
    %max3A_39 = vector.broadcast %max3A_38 : f32 to vector<512x256xf32>
    %max3A_40 = arith.maximumf %add3A_37, %max3A_39 : vector<512x256xf32>
    %get3A_41 = arith.constant 0 : index
    %get3A_42 = arith.constant 0 : index
    %get3A_43 = vector.load %arg10[%get3A_41, %get3A_42] : memref<256x64xf32, #tpu.memory_space<vmem>>, vector<256x64xf32>
    %dot_general3A_44 = arith.constant dense<0.000000e+00> : vector<512x64xf32>
    %dot_general3A_45 = tpu.matmul %max3A_40, %get3A_43, %dot_general3A_44 {dimension_numbers = #tpu.dot_dimension_numbers<[1], [0], [0], [1], [0, 0, 1, 1], [], []>, transpose_lhs_hint = false} : vector<512x256xf32>, vector<256x64xf32>, vector<512x64xf32> -> vector<512x64xf32>
    %get3A_46 = arith.constant 0 : index
    %get3A_47 = arith.constant 0 : index
    %get3A_48 = vector.load %arg11[%get3A_46, %get3A_47] : memref<1x64xf32, #tpu.memory_space<vmem>>, vector<1x64xf32>
    %add3A_49 = vector.broadcast %get3A_48 : vector<1x64xf32> to vector<512x64xf32>
    %add3A_50 = arith.addf %dot_general3A_45, %add3A_49 : vector<512x64xf32>
    %max3A_51 = arith.constant 0.000000e+00 : f32
    %max3A_52 = vector.broadcast %max3A_51 : f32 to vector<512x64xf32>
    %max3A_53 = arith.maximumf %add3A_50, %max3A_52 : vector<512x64xf32>
    %get3A_54 = arith.constant 0 : index
    %get3A_55 = arith.constant 0 : index
    %get3A_56 = vector.load %arg2[%get3A_54, %get3A_55] : memref<512x512xf32, #tpu.memory_space<vmem>>, vector<512x512xf32>
    %get3A_57 = arith.constant 0 : index
    %get3A_58 = arith.constant 0 : index
    %get3A_59 = vector.load %arg12[%get3A_57, %get3A_58] : memref<512x1664xf32, #tpu.memory_space<vmem>>, vector<512x1664xf32>
    %dot_general3A_60 = arith.constant dense<0.000000e+00> : vector<512x1664xf32>
    %dot_general3A_61 = tpu.matmul %get3A_56, %get3A_59, %dot_general3A_60 {dimension_numbers = #tpu.dot_dimension_numbers<[1], [0], [0], [1], [0, 0, 1, 1], [], []>, transpose_lhs_hint = false} : vector<512x512xf32>, vector<512x1664xf32>, vector<512x1664xf32> -> vector<512x1664xf32>
    %get3A_62 = arith.constant 0 : index
    %get3A_63 = arith.constant 0 : index
    %get3A_64 = vector.load %arg13[%get3A_62, %get3A_63] : memref<1x1664xf32, #tpu.memory_space<vmem>>, vector<1x1664xf32>
    %add3A_65 = vector.broadcast %get3A_64 : vector<1x1664xf32> to vector<512x1664xf32>
    %add3A_66 = arith.addf %dot_general3A_61, %add3A_65 : vector<512x1664xf32>
    %max3A_67 = arith.constant 0.000000e+00 : f32
    %max3A_68 = vector.broadcast %max3A_67 : f32 to vector<512x1664xf32>
    %max3A_69 = arith.maximumf %add3A_66, %max3A_68 : vector<512x1664xf32>
    %get3A_70 = arith.constant 0 : index
    %get3A_71 = arith.constant 0 : index
    %get3A_72 = vector.load %arg14[%get3A_70, %get3A_71] : memref<1664x64xf32, #tpu.memory_space<vmem>>, vector<1664x64xf32>
    %dot_general3A_73 = arith.constant dense<0.000000e+00> : vector<512x64xf32>
    %dot_general3A_74 = tpu.matmul %max3A_69, %get3A_72, %dot_general3A_73 {dimension_numbers = #tpu.dot_dimension_numbers<[1], [0], [0], [1], [0, 0, 1, 1], [], []>, transpose_lhs_hint = false} : vector<512x1664xf32>, vector<1664x64xf32>, vector<512x64xf32> -> vector<512x64xf32>
    %get3A_75 = arith.constant 0 : index
    %get3A_76 = arith.constant 0 : index
    %get3A_77 = vector.load %arg15[%get3A_75, %get3A_76] : memref<1x64xf32, #tpu.memory_space<vmem>>, vector<1x64xf32>
    %add3A_78 = vector.broadcast %get3A_77 : vector<1x64xf32> to vector<512x64xf32>
    %add3A_79 = arith.addf %dot_general3A_74, %add3A_78 : vector<512x64xf32>
    %max3A_80 = arith.constant 0.000000e+00 : f32
    %max3A_81 = vector.broadcast %max3A_80 : f32 to vector<512x64xf32>
    %max3A_82 = arith.maximumf %add3A_79, %max3A_81 : vector<512x64xf32>
    %max3A_83 = arith.maximumf %max3A_24, %max3A_53 : vector<512x64xf32>
    %max3A_84 = arith.maximumf %max3A_83, %max3A_82 : vector<512x64xf32>
    %tanh3A = math.tanh %max3A_84 : vector<512x64xf32>
    %mul3A = arith.mulf %tanh3A, %tanh3A : vector<512x64xf32>
    %reduce_sum3A = arith.constant dense<0.000000e+00> : vector<512xf32>
    %reduce_sum3A_85 = vector.multi_reduction <add>, %mul3A, %reduce_sum3A [1] : vector<512x64xf32> to vector<512xf32>
    %broadcast_in_dim3A = vector.shape_cast %reduce_sum3A_85 : vector<512xf32> to vector<512x1xf32>
    %sqrt3A = math.sqrt %broadcast_in_dim3A : vector<512x1xf32>
    %max3A_86 = arith.constant 9.99999996E-13 : f32
    %max3A_87 = vector.broadcast %max3A_86 : f32 to vector<512x1xf32>
    %max3A_88 = arith.maximumf %sqrt3A, %max3A_87 : vector<512x1xf32>
    %div3A = vector.broadcast %max3A_88 : vector<512x1xf32> to vector<512x64xf32>
    %div3A_89 = arith.divf %tanh3A, %div3A : vector<512x64xf32>
    %get3A_90 = arith.constant 0 : index
    %get3A_91 = arith.constant 0 : index
    %get3A_92 = vector.load %arg3[%get3A_90, %get3A_91] : memref<1024x1024xf32, #tpu.memory_space<vmem>>, vector<1024x1024xf32>
    %get3A_93 = arith.constant 0 : index
    %get3A_94 = arith.constant 0 : index
    %get3A_95 = vector.load %arg16[%get3A_93, %get3A_94] : memref<1024x64xf32, #tpu.memory_space<vmem>>, vector<1024x64xf32>
    %dot_general3A_96 = arith.constant dense<0.000000e+00> : vector<1024x64xf32>
    %dot_general3A_97 = tpu.matmul %get3A_92, %get3A_95, %dot_general3A_96 {dimension_numbers = #tpu.dot_dimension_numbers<[1], [0], [0], [1], [0, 0, 1, 1], [], []>, transpose_lhs_hint = false} : vector<1024x1024xf32>, vector<1024x64xf32>, vector<1024x64xf32> -> vector<1024x64xf32>
    %get3A_98 = arith.constant 0 : index
    %get3A_99 = arith.constant 0 : index
    %get3A_100 = vector.load %arg17[%get3A_98, %get3A_99] : memref<1x64xf32, #tpu.memory_space<vmem>>, vector<1x64xf32>
    %add3A_101 = vector.broadcast %get3A_100 : vector<1x64xf32> to vector<1024x64xf32>
    %add3A_102 = arith.addf %dot_general3A_97, %add3A_101 : vector<1024x64xf32>
    %max3A_103 = arith.constant 0.000000e+00 : f32
    %max3A_104 = vector.broadcast %max3A_103 : f32 to vector<1024x64xf32>
    %max3A_105 = arith.maximumf %add3A_102, %max3A_104 : vector<1024x64xf32>
    %get3A_106 = arith.constant 0 : index
    %get3A_107 = arith.constant 0 : index
    %get3A_108 = vector.load %arg18[%get3A_106, %get3A_107] : memref<64x64xf32, #tpu.memory_space<vmem>>, vector<64x64xf32>
    %dot_general3A_109 = arith.constant dense<0.000000e+00> : vector<1024x64xf32>
    %dot_general3A_110 = tpu.matmul %max3A_105, %get3A_108, %dot_general3A_109 {dimension_numbers = #tpu.dot_dimension_numbers<[1], [0], [0], [1], [0, 0, 1, 1], [], []>, transpose_lhs_hint = false} : vector<1024x64xf32>, vector<64x64xf32>, vector<1024x64xf32> -> vector<1024x64xf32>
    %get3A_111 = arith.constant 0 : index
    %get3A_112 = arith.constant 0 : index
    %get3A_113 = vector.load %arg19[%get3A_111, %get3A_112] : memref<1x64xf32, #tpu.memory_space<vmem>>, vector<1x64xf32>
    %add3A_114 = vector.broadcast %get3A_113 : vector<1x64xf32> to vector<1024x64xf32>
    %add3A_115 = arith.addf %dot_general3A_110, %add3A_114 : vector<1024x64xf32>
    %tanh3A_116 = math.tanh %add3A_115 : vector<1024x64xf32>
    %mul3A_117 = arith.mulf %tanh3A_116, %tanh3A_116 : vector<1024x64xf32>
    %reduce_sum3A_118 = arith.constant dense<0.000000e+00> : vector<1024xf32>
    %reduce_sum3A_119 = vector.multi_reduction <add>, %mul3A_117, %reduce_sum3A_118 [1] : vector<1024x64xf32> to vector<1024xf32>
    %broadcast_in_dim3A_120 = vector.shape_cast %reduce_sum3A_119 : vector<1024xf32> to vector<1024x1xf32>
    %sqrt3A_121 = math.sqrt %broadcast_in_dim3A_120 : vector<1024x1xf32>
    %max3A_122 = arith.constant 9.99999996E-13 : f32
    %max3A_123 = vector.broadcast %max3A_122 : f32 to vector<1024x1xf32>
    %max3A_124 = arith.maximumf %sqrt3A_121, %max3A_123 : vector<1024x1xf32>
    %div3A_125 = vector.broadcast %max3A_124 : vector<1024x1xf32> to vector<1024x64xf32>
    %div3A_126 = arith.divf %tanh3A_116, %div3A_125 : vector<1024x64xf32>
    %dot_general3A_127 = arith.constant dense<0.000000e+00> : vector<512x1024xf32>
    %dot_general3A_128 = tpu.matmul %div3A_89, %div3A_126, %dot_general3A_127 {dimension_numbers = #tpu.dot_dimension_numbers<[1], [1], [0], [0], [0, 0, 1, 0], [], []>, transpose_lhs_hint = false} : vector<512x64xf32>, vector<1024x64xf32>, vector<512x1024xf32> -> vector<512x1024xf32>
    %mul3A_129 = arith.constant 5.000000e+00 : f32
    %mul3A_130 = vector.broadcast %mul3A_129 : f32 to vector<512x1024xf32>
    %mul3A_131 = arith.mulf %mul3A_130, %dot_general3A_128 : vector<512x1024xf32>
    %swap3A = arith.constant 0 : index
    %swap3A_132 = arith.constant 0 : index
    %swap3A_133 = vector.load %arg20[%swap3A, %swap3A_132] : memref<512x1024xf32, #tpu.memory_space<vmem>>, vector<512x1024xf32>
    tpu.vector_store %arg20[%swap3A, %swap3A_132], %mul3A_131 {strides = array<i32>} : memref<512x1024xf32, #tpu.memory_space<vmem>>, vector<512x1024xf32>,
    %swap3A_134 = arith.constant 0 : index
    %swap3A_135 = arith.constant 0 : index
    %swap3A_136 = vector.load %arg21[%swap3A_134, %swap3A_135] : memref<512x64xf32, #tpu.memory_space<vmem>>, vector<512x64xf32>
    tpu.vector_store %arg21[%swap3A_134, %swap3A_135], %div3A_89 {strides = array<i32>} : memref<512x64xf32, #tpu.memory_space<vmem>>, vector<512x64xf32>,
    %swap3A_137 = arith.constant 0 : index
    %swap3A_138 = arith.constant 0 : index
    %swap3A_139 = vector.load %arg22[%swap3A_137, %swap3A_138] : memref<1024x64xf32, #tpu.memory_space<vmem>>, vector<1024x64xf32>
    tpu.vector_store %arg22[%swap3A_137, %swap3A_138], %div3A_126 {strides = array<i32>} : memref<1024x64xf32, #tpu.memory_space<vmem>>, vector<1024x64xf32>,
    return
  }
}

</mosaic_0001>

<sc_bundles>
// kernel: gather_offload_async_start.1
scs
__scs_entry_jumppad:
0x0: {  	(pc) =	sbr.rel $0x88, $3  }
0x1: {  	(tag) =	ssettag $0x0;
	lr =	simm.s32 $0x1  }
0x2: {  	[smem:$0x3F7B] =	sst lr;
	_ =	strace $0xD0000000  }
0x3: {  	_ = 	snop  }
0x4: {  	_ = 	snop  }
0x5: {  	_ = 	snop  }
0x6: {  	_ = 	snop  }
0x7: {  	_ = 	snop  }
__scs_overlays_trampoline_lowered:
0x8: {  	[smem:$0x3F8A] =	sst s0  }
0x9: {  	[smem:$0x3F8B] =	sst s1  }
0xa: {  	[smem:$0x3F8C] =	sst s2  }
0xb: {  	[smem:$0x3F8D] =	sst s3  }
0xc: {  	[smem:$0x3F8E] =	sst s4  }
0xd: {  	[smem:$0x3F8F] =	sst s5  }
0xe: {  	[smem:$0x3F90] =	sst s6  }
0xf: {  	[smem:$0x3F91] =	sst s7  }
0x10: {  	[smem:$0x3F92] =	sst s8  }
0x11: {  	[smem:$0x3F93] =	sst s9;
	s0 =	simm.s32 @!p0 $0x0  }
0x12: {  	s1 =	sld [smem:$0x3F79];
	s0 =	simm.s32 @p0 $0x1  }
0x13: {  	[smem:$0x3F94] =	sst s0;
	s0 =	simm.s32 @!p1 $0x0  }
0x14: {  	s2 =	sld [smem:$0x3F78];
	s0 =	simm.s32 @p1 $0x1  }
0x15: {  	[smem:$0x3F95] =	sst s0;
	s0 =	simm.s32 @!p2 $0x0  }
0x16: {  	s3 =	sld [smem:$0x3FDB];
	s0 =	simm.s32 @p2 $0x1  }
0x17: {  	s4 =	simm.s32 $0x1BF5;
	[smem:$0x3F97] =	sst s0  }
0x18: {  	s0 =	sld [smem:$0x3F7A];
	_ =	swait.ge [sflag:s4], $0x0  }
0x19: {  	s7 =	sld [smem:$0x3F7B]  }
0x1a: {  	s8 =	sadd.s32 $0xFFFFE003, lr  }
0x1b: {  	s9 =	sadd.s32 $0xFFFFFEF7, lr;
	s5 =	simm.s32 $0xFFFFFFFF;
	p2 =	slt.u32 s8, $0xFFFFF086  }
0x1c: {  	p1 =	slt.u32 s9, $0xF7A;
	s5 =	simm.s32 @!p2 $0x0  }
0x1d: {  	s5 =	simm.s32 @p1 $0x1;
	p0 =	seq.s32 s7, s2  }
0x1e: {  	s7 =	smul.u32 @!p0 $0xF7A, s2;
	p2 =	seq.s32 @!p0 s5, $0x0  }
0x1f: {  	s9 =	smul.u32 $0xF7A, s1;
	s8 =	simm.s32 @!p0 $0x1BF5;
	p2 =	por !p2, p0  }
0x20: {  	[sflag:s8] =	ssyncset.s32 @!p0 $0xFFFFF086;
	s6 =	sadd.s32 @!p0 s3, s7;
	s7 =	simm.s32 @!p0 $0x108  }
0x21: {  	s3 =	sadd.s32 s3, s9;
	s6 =	sadd.s32 @!p0 $0x88, s6;
	s7 =	simm.s32 @p2 $0x1082  }
0x22: {  	[simem:s7], [sflag:s8] =	dma.local @!p0 [hbm:s6], $0xF7A  }
0x23: {  	s9 =	sor.u32 $0xD0000000, s2;
	s6 =	simm.s32 $0x108;
	_ =	swait.ge @!p0 [sflag:s8], $0x0  }
0x24: {  	s3 =	sadd.s32 $0x88, s3;
	s6 =	simm.s32 @!p1 $0x1082;
	[sflag:s4] =	ssyncset.s32 $0xFFFFF086  }
0x25: {  	[simem:s6], [sflag:s4] =	dma.local [hbm:s3], $0xF7A  }
0x26: {  	[smem:$0x3F7B] =	sst s1;
	(tag) =	ssettag s2;
	_ =	strace s9  }
0x27: {  	s1 =	sld [smem:$0x3F8B]  }
0x28: {  	s2 =	sld [smem:$0x3F8C]  }
0x29: {  	s4 =	sld [smem:$0x3F8E]  }
0x2a: {  	p0 =	seq.s32 s5, $0x0;
	s5 =	sld [smem:$0x3F8F]  }
0x2b: {  	s6 =	sld [smem:$0x3F90]  }
0x2c: {  	s7 =	sld [smem:$0x3F91]  }
0x2d: {  	s3 =	simm.s32 $0x108;
	s8 =	sld [smem:$0x3F92]  }
0x2e: {  	s3 =	simm.s32 @!p0 $0x1082;
	s9 =	sld [smem:$0x3F93]  }
0x2f: {  	lr =	sadd.s32 s0, s3;
	s0 =	sld [smem:$0x3F8A]  }
0x30: {  	s3 =	sld [smem:$0x3F8D]  }
0x31: {  	[smem:$0x3F96] =	sst s10  }
0x32: {  	s10 =	sld [smem:$0x3F94];
	_ =	sdelay $0x3  }
0x33: {  	p0 =	seq.s32 s10, $0x1;
	s10 =	sld [smem:$0x3F96];
	_ =	sdelay $0x3  }
0x34: {  	[smem:$0x3F96] =	sst s10  }
0x35: {  	s10 =	sld [smem:$0x3F95];
	_ =	sdelay $0x3  }
0x36: {  	p1 =	seq.s32 s10, $0x1;
	s10 =	sld [smem:$0x3F96];
	_ =	sdelay $0x3  }
0x37: {  	[smem:$0x3F96] =	sst s10  }
0x38: {  	s10 =	sld [smem:$0x3F97]  }
0x39: {  	_ = 	snop;
	(pc) =	sbr.ind lr, $3  }
0x3a: {  	_ = 	snop  }
0x3b: {  	_ = 	snop  }
0x3c: {  	p2 =	seq.s32 s10, $0x1;
	s10 =	sld [smem:$0x3F96]  }
0x3d: {  	_ =	shalt  }
0x3e: {  	_ =	shalt  }
0x3f: {  	_ =	shalt  }
0x40: {  	_ =	shalt  }
0x41: {  	_ =	shalt  }
0x42: {  	_ =	shalt  }
0x43: {  	_ =	shalt  }
0x44: {  	_ =	shalt  }
0x45: {  	_ =	shalt  }
0x46: {  	_ =	shalt  }
0x47: {  	_ =	shalt  }
0x48: {  	_ =	shalt  }
0x49: {  	_ =	shalt  }
0x4a: {  	_ =	shalt  }
0x4b: {  	_ =	shalt  }
0x4c: {  	_ =	shalt  }
0x4d: {  	_ =	shalt  }
0x4e: {  	_ =	shalt  }
0x4f: {  	_ =	shalt  }
0x50: {  	_ =	shalt  }
0x51: {  	_ =	shalt  }
0x52: {  	_ =	shalt  }
0x53: {  	_ =	shalt  }
0x54: {  	_ =	shalt  }
0x55: {  	_ =	shalt  }
0x56: {  	_ =	shalt  }
0x57: {  	_ =	shalt  }
0x58: {  	_ =	shalt  }
0x59: {  	_ =	shalt  }
0x5a: {  	_ =	shalt  }
0x5b: {  	_ =	shalt  }
0x5c: {  	_ =	shalt  }
0x5d: {  	_ =	shalt  }
0x5e: {  	_ =	shalt  }
0x5f: {  	_ =	shalt  }
0x60: {  	_ =	shalt  }
0x61: {  	_ =	shalt  }
0x62: {  	_ =	shalt  }
0x63: {  	_ =	shalt  }
0x64: {  	_ =	shalt  }
0x65: {  	_ =	shalt  }
0x66: {  	_ =	shalt  }
0x67: {  	_ =	shalt  }
0x68: {  	_ =	shalt  }
0x69: {  	_ =	shalt  }
0x6a: {  	_ =	shalt  }
0x6b: {  	_ =	shalt  }
0x6c: {  	_ =	shalt  }
0x6d: {  	_ =	shalt  }
0x6e: {  	_ =	shalt  }
0x6f: {  	_ =	shalt  }
0x70: {  	_ =	shalt  }
0x71: {  	_ =	shalt  }
0x72: {  	_ =	shalt  }
0x73: {  	_ =	shalt  }
0x74: {  	_ =	shalt  }
0x75: {  	_ =	shalt  }
0x76: {  	_ =	shalt  }
0x77: {  	_ =	shalt  }
0x78: {  	_ =	shalt  }
0x79: {  	_ =	shalt  }
0x7a: {  	_ =	shalt  }
0x7b: {  	_ =	shalt  }
0x7c: {  	_ =	shalt  }
0x7d: {  	_ =	shalt  }
0x7e: {  	_ =	shalt  }
0x7f: {  	_ =	shalt  }
0x80: {  	_ =	shalt  }
0x81: {  	_ =	shalt  }
0x82: {  	_ =	shalt  }
0x83: {  	_ =	shalt  }
0x84: {  	_ =	shalt  }
0x85: {  	_ =	shalt  }
0x86: {  	_ =	shalt  }
0x87: {  	_ =	shalt  }
.Lfunc_end0:
.L_simem_size_0:
called_computation.1_lowered:
.L_overlay_start_0:
0x88: {  	s0 =	sld [smem:$0x3FD9]  }
0x89: {  	s1 =	sld [smem:$0x3FFE];
	_ =	sdelay $0x3  }
0x8a: {  	s0 =	sadd.s32 s1, s0  }
0x8b: {  	[smem:$0x3FA2] =	sst s0  }
0x8c: {  	_ = 	snop  }
0x8d: {  	s0 =	sld [smem:$0x3FD0];
	_ =	sdelay $0x2  }
0x8e: {  	s13 =	simm.s32 $0xB;
	s2 =	simm.s32 $0x10  }
0x8f: {  	[smem:s2], [sflag:s13] =	dma.local [hbm:s0], $0x1  }
0x90: {  	_ =	swait.eq [sflag:s13], $0x1  }
0x91: {  	[sflag:s13] =	ssyncset.done $0x0  }
0x92: {  	[sflag:s13] =	ssyncadd.s32 $0xFFFFFFFF  }
0x93: {  	s14 =	sld [smem:$0x10];
	(tm) =	ssettm $0x1  }
0x94: {  	s15 =	sld [smem:$0x3FFB];
	_ =	sdelay $0x3  }
0x95: {  	_ =	strace s15  }
0x96: {  	s1 =	sld [smem:$0x3FFC];
	_ =	sdelay $0x3  }
0x97: {  	_ =	strace s1  }
0x98: {  	s1 =	sld [smem:$0x3FFD];
	_ =	sdelay $0x3  }
0x99: {  	_ =	strace s1  }
0x9a: {  	_ =	strace $0x8FFFFFFF  }
0x9b: {  	s16 =	sld [smem:$0x3FDB];
	_ =	sdelay $0x1  }
0x9c: {  	s17 =	simm.s32 $_scs_section_size  }
0x9d: {  	s3 =	simm.s32 $_size__tile_overlayer_lowered;
	s4 =	simm.s32 $_tile_overlayer_lowered  }
0x9e: {  	s20 =	simm.s32 $0x1BFF;
	s19 =	sshll.u32 s4, $0x1;
	s1 =	sadd.s32 s17, s16  }
0x9f: {  	s5 =	simm.s32 $0x0;
	s18 =	sshll.u32 s3, $0x1;
	s3 =	sadd.s32 s19, s1  }
0xa0: {  	[timem:s5], [sflag:s20] =	dma.local [hbm:s3], s18  }
0xa1: {  	_ =	swait.ge [sflag:s20], s18  }
0xa2: {  	s2 =	ssub.s32 $0x0, s18;
	[sflag:s20] =	ssyncset.done $0x0  }
0xa3: {  	[sflag:s20] =	ssyncadd.s32 s2;
	_ =	sdelay $0x1  }
0xa4: {  	s21 =	simm.s32 $0x1B8B  }
0xa5: {  	_ =	swait.ge [sflag:s21], $0x1  }
0xa6: {  	[sflag:s21] =	ssyncset.done $0x0  }
0xa7: {  	s23 =	simm.s32 $0x1B8E;
	s22 =	sld [smem:$0x3FFE];
	[sflag:s21] =	ssyncadd.s32 $0xFFFFFFFF  }
0xa8: {  	s24 =	simm.s32 $execute0_lowered;
	[smem:$0x3FD2] =	sst s23  }
0xa9: {  	s3 =	sshll.u32 s24, $0x1;
	_ =	strace $0x80000049;
	[dreg:$0x1] =	wrdreg $0xFFFFFFFF  }
0xaa: {  	s25 =	simm.s32 $_size_execute0_lowered;
	s1 =	sadd.s32 s1, s3;
	[dreg:$0x0] =	wrdreg $0x0  }
0xab: {  	s3 =	sshll.u32 s25, $0x1;
	[dreg:$0x2] =	wrdreg s1  }
0xac: {  	[dreg:$0x3] =	wrdreg s3  }
0xad: {  	[dreg:$0x4] =	wrdreg $0xC0  }
0xae: {  	_ =	task [dreg:s5], $0x5FFFF  }
0xaf: {  	[dreg:$0x1] =	wrdreg $0xFFFFFFFF  }
0xb0: {  	[dreg:$0x0] =	wrdreg $0x60  }
0xb1: {  	[dreg:$0x2] =	wrdreg s22  }
0xb2: {  	[dreg:$0x3] =	wrdreg s14  }
0xb3: {  	[dreg:$0x4] =	wrdreg $0x9  }
0xb4: {  	_ =	task.clear_ibuf [dreg:s5], $0x5FFFF;
	_ =	strace $0x90000049  }
0xb5: {  	s26 =	simm.s32 $0x9;
	_ =	strace $0x8000004B  }
0xb6: {  	_ =	swait.ge [sflag:s26], $0x1  }
0xb7: {  	[sflag:s26] =	ssyncadd.s32 $0xFFFFFFFF  }
0xb8: {  	_ =	strace $0x9000004B  }
0xb9: {  	_ =	sfence  }
0xba: {  	s28 =	sld [smem:$0x0];
	_ =	sdelay $0x1  }
0xbb: {  	s29 =	srdreg.scid  }
0xbc: {  	s30 =	sshll.u32 s29, $0xD;
	s31 =	sshrl.u32 s29, $0x2  }
0xbd: {  	s2 =	sand.u32 $0x4000, s30;
	s1 =	sand.u32 $0x1, s29;
	s0 =	sadd.s32 s31, s28  }
0xbe: {  	s1 =	sor.u32 s2, s1;
	s0 =	sshll.u32 s0, $0x11  }
0xbf: {  	s0 =	sor.u32 s0, s1  }
0xc0: {  	s0 =	sadd.s32 $0x8F2B, s0  }
0xc1: {  	[sflag:s0] =	ssyncadd.remote.s32 $0x1  }
0xc2: {  	_ =	sfence.sel $0xFFFF  }
0xc3: {  	[dreg:$0x0] =	wrdreg $0xFFFFFFFF;
	(pc) =	sbr.abs _section_cstart, $3  }
0xc4: {  	[dreg:$0x1] =	wrdreg $0xFFFFFFFF  }
0xc5: {  	_ =	task.clear_ibuf [dreg:s5], $0x2FFFF;
	_ =	strace $0x9FFFFFFF  }
0xc6: {  	(tm) =	ssettm $0x7FFFFFFF  }
0xc7: {  	_ =	shalt  }
tec
execute0_lowered:
.L_overlay_start_1:
0x0: {  	(tag) =	ssettag $0x1  }
0x1: {  	s8 =	rddreg [dreg:$0x0]  }
0x2: {  	s2 =	rddreg [dreg:$0x1]  }
0x3: {  	s0 =	rddreg [dreg:$0x2]  }
0x4: {  	s1 =	stileid.u32;
	_ =	strace $0x8000004A;
	s5 =	simm.s32 $0x1  }
0x5: {  	s6 =	simm.s32 $0x27100;
	s9 =	simm.s32 $0x1;
	s10 =	simm.s32 $0x3  }
0x6: {  	s13 =	simm.s32 $0x0;
	s12 =	simm.s32 $0x0;
	s4 =	smul.u32 $0x2710, s1  }
0x7: {  	s3 =	sadd.s32 $0x6800, s8;
	p0 =	slt.u32 s1, $0x2;
	[sflag:s5] =	ssyncpa.u1 $0x0  }
.Ltmp0:
0x8: {  	s6 =	simm.s32 @!p0 $0x0;
	s7 =	ssub.s32 $0x29810, s4;
	(pc) =	sbr.rel .LBB2_1-.Ltmp0, $4  }
0x9: {  	s9 =	simm.s32 @!p0 $0x0;
	p0 =	sne.s32 s7, s6;
	s7 =	simm.s32 $0x1  }
0xa: {  	s8 =	sadd.s32 $0xBC00, s8;
	s6 =	simm.s32 $0x2;
	s7 =	simm.s32 @!p0 $0x0  }
0xb: {  	s11 =	smov.u32 s4;
	[sflag:s6] =	ssyncpa.u1 $0x0;
	s7 =	sadd.s32 s9, s7  }
0xc: {  	vm0 =	vmmov $0xffff;
	[sflag:s10] =	ssyncpa.u1 $0x0;
	s10 =	simm.s32 $0x0;
	s9 =	sadd.s32 $0x1, s7  }
.LBB2_4:
0xd: {  	v2 =	vnsel vm1, $0x0, v2  }
0xe: {  	vm1 =	vgt.s32 v0, $0x0;
	v2 =	vmin.u32 v2, $0x2980F  }
0xf: {  	v0 =	vnsel vm1, $0x0, v0  }
0x10: {  	v0 =	vmin.u32 v0, $0x2980F  }
0x11: {  	[tilespmem:s18], [sflag:$0x1] =	stream.indirect_vreg.gather [hbm4b:s3+s10], $0x1, v1, vm0, $0x4038;
	[tilespmem:$0x9C40] =	vst v63  }
0x12: {  	(ifvalue) =	ssetifvalue $0x7FFFFFFF  }
0x13: {  	[tilespmem:s15], [sflag:$0x1] =	stream.indirect_vreg.gather [hbm4b:s3+s10], $0x1, v2, vm0, $0x4038;
	[tilespmem:$0x9C40] =	vst v63  }
0x14: {  	s29 =	sadd.s32 $0x10, s15;
	(ifvalue) =	ssetifvalue $0x7FFFFFFF  }
0x15: {  	[tilespmem:s29], [sflag:$0x1] =	stream.indirect_vreg.gather [hbm4b:s3+s10], $0x1, v0, vm0, $0x4038;
	[tilespmem:$0x9C40] =	vst v63  }
0x16: {  	_ =	swait.ge [sflag:s5], $0x2710  }
0x17: {  	s30 =	sshrl.u32 s13, $0x3;
	[sflag:s5] =	ssyncset.done $0x0  }
0x18: {  	s31 =	sand.u32 $0x7, s13;
	s15 =	sadd.s32 s2, s30;
	[sflag:s5] =	ssyncadd.s32 $0xFFFFD8F0  }
0x19: {  	[hbm4b:s15+s31] =	stream.linear.scatter [tilespmem:s14], [sflag:$0x3], $0x2710, $0x38;
	[tilespmem:$0x9C40] =	vst v63  }
.LBB2_5:
0x1a: {  	s15 =	sadd.s32 $0x27100, s11  }
0x1b: {  	p1 =	sgt.s32 s15, $0x2980F  }
0x1c: {  	s15 =	smov.u32 @p1 s4;
	p1 =	sne.s32 s12, s9  }
.Ltmp1:
0x1d: {  	p0 =	slt.u32 s12, $0x2;
	(pc) =	sbr.rel @!p1 .LBB2_6-.Ltmp1, $4  }
0x1e: {  	s14 =	simm.s32 @!p0 $0x3  }
0x1f: {  	_ =	swait.ge @!p0 [sflag:s14], $0x2710  }
0x20: {  	s16 =	sadd.s32 $0x1, s12;
	s13 =	smov.u32 s11;
	[sflag:s14] =	ssyncset.done @!p0 $0x0  }
0x21: {  	s12 =	smov.u32 s16;
	s11 =	smov.u32 s15;
	[sflag:s14] =	ssyncadd.s32 @!p0 $0xFFFFD8F0  }
.LBB2_1:
0x22: {  	p0 =	sge.u32 s12, s7  }
0x23: {  	s14 =	sxor.u32 @!p0 $0x1, s12  }
0x24: {  	s14 =	smul.u32 @!p0 $0x9C40, s14  }
0x25: {  	s31 =	sadd.s32 $0xFFFFFFFF, s12;
	s15 =	sshrl.u32 @!p0 s11, $0x3  }
0x26: {  	s16 =	sand.u32 @!p0 $0x7, s11;
	s15 =	sadd.s32 @!p0 s8, s15;
	s14 =	sshra.s32 @!p0 s14, $0x2  }
0x27: {  	[tilespmem:s14], [sflag:$0x2] =	stream.linear.gather @!p0 [hbm4b:s15+s16], $0x2710, $0x38;
	[tilespmem:$0x9C40] =	vst v63  }
0x28: {  	p0 =	sge.u32 s31, s7  }
.Ltmp2:
0x29: {  	_ = 	snop;
	(pc) =	sbr.rel @p0 .LBB2_5-.Ltmp2, $1  }
0x2a: {  	_ =	sdelay $0x3  }
0x2b: {  	s14 =	sand.u32 $0x1, s12  }
0x2c: {  	_ =	swait.ge [sflag:s6], $0x2710;
	p0 =	seq.s32 s14, $0x1;
	s14 =	simm.s32 $0x2710  }
0x2d: {  	[sflag:s6] =	ssyncset.done $0x0;
	s14 =	simm.s32 @!p0 $0x0  }
0x2e: {  	[sflag:s6] =	ssyncadd.s32 $0xFFFFD8F0;
	(ifvalue) =	ssetifvalue $0x7FFFFFFF;
	v0 =	vld.msk [tilespmem:s14+$0x0 ss:$0x1], $0xffff;
	_ =	sdelay $0x4  }
0x2f: {  	s15 =	sadd.s32 $0x10, s14;
	vm1 =	vgt.s32 v0, $0x0  }
0x30: {  	v2 =	vld.msk [tilespmem:s15+$0x0 ss:$0x1], $0xffff;
	v1 =	vnsel vm1, $0x0, v0  }
0x31: {  	v1 =	vmin.u32 v1, $0x2980F;
	_ =	sdelay $0x2  }
0x32: {  	s17 =	simm.s32 $0x20;
	s14 =	sadd.s32 $0x4E20, s14;
	s16 =	sadd.s32 $0x10, s15  }
0x33: {  	s15 =	sadd.s32 $0x10, s14;
	s18 =	smov.u32 s14;
	v0 =	vld.msk [tilespmem:s16+$0x0 ss:$0x1], $0xffff;
	vm1 =	vgt.s32 v2, $0x0;
	(ifvalue) =	ssetifvalue $0x7FFFFFFF  }
.LBB2_3:
0x34: {  	[tilespmem:s18], [sflag:$0x1] =	stream.indirect_vreg.gather [hbm4b:s3+s10], $0x1, v1, vm0, $0x4038;
	[tilespmem:$0x9C40] =	vst v63  }
0x35: {  	s17 =	sadd.s32 $0x10, s17  }
0x36: {  	v2 =	vnsel vm1, $0x0, v2;
	p0 =	slt.u32 s17, $0x2700  }
.Ltmp3:
0x37: {  	s18 =	smov.u32 s15;
	v1 =	vmin.u32 v2, $0x2980F;
	(pc) =	sbr.rel @p0 .LBB2_3-.Ltmp3, $3  }
0x38: {  	_ =	sdelay $0x1  }
0x39: {  	s16 =	sadd.s32 $0x10, s16  }
0x3a: {  	vm1 =	vgt.s32 v0, $0x0;
	s15 =	sadd.s32 $0x10, s15;
	v2 =	vmov v0;
	(ifvalue) =	ssetifvalue $0x7FFFFFFF;
	v0 =	vld.msk [tilespmem:s16+$0x0 ss:$0x1], $0xffff  }
.Ltmp4:
0x3b: {  	_ = 	snop;
	(pc) =	sbr.rel .LBB2_4-.Ltmp4, $1  }
0x3c: {  	_ =	sdelay $0x3  }
.LBB2_6:
0x3d: {  	_ =	sfence.sel $0x180000  }
0x3e: {  	s2 =	simm.s32 $0x2;
	[bflag:$0x0] =	sbarrier.arrive $0xFFFF  }
0x3f: {  	s30 =	simm.s32 $0x3;
	[sflag:s2] =	ssyncpa.u1 $0x1  }
0x40: {  	s31 =	simm.s32 $0x1;
	[sflag:s30] =	ssyncpa.u1 $0x1  }
0x41: {  	[sflag:s31] =	ssyncpa.u1 $0x1  }
0x42: {  	p0 =	sne.s32 s1, $0x0;
	_ =	strace $0x9000004A  }
0x43: {  	s0 =	sadd.s32 @!p0 $0x100000, s0;
	[bflag:$0x2] =	sbarrier.arrive $0xFFFF  }
0x44: {  	[sflag:s0] =	ssyncadd.tile.s32 @!p0 $0x1;
	_ =	shalt  }
.Lfunc_end2:
_tile_overlayer_lowered:
.L_overlay_start_2:
0x45: {  	(tag) =	ssettag $0x2  }
0x46: {  	s0 =	rddreg [dreg:$0x0];
	s2 =	stileid.u32  }
0x47: {  	s1 =	rddreg [dreg:$0x1];
	p0 =	sne.s32 s2, $0x0  }
0x48: {  	s3 =	rddreg [dreg:$0x2];
	[bflag:$0x3] =	sbarrier.arrive $0xFFFF;
	s2 =	simm.s32 @!p0 $0x1C01  }
0x49: {  	[timem:s3], [sflag:s2] =	dma.local @!p0 [hbm:s0], s1  }
0x4a: {  	s0 =	simm.s32 @!p0 $0x1  }
0x4b: {  	_ =	swait.ge @!p0 [sflag:s0], s1  }
0x4c: {  	s1 =	ssub.s32 @!p0 $0x0, s1;
	[sflag:s0] =	ssyncset.done @!p0 $0x0  }
0x4d: {  	[sflag:s0] =	ssyncadd.s32 @!p0 s1  }
0x4e: {  	[bflag:$0x3] =	sbarrier.arrive $0xFFFF  }
0x4f: {  	_ =	shalt  }

// kernel: gather_offload_async_start
scs
__scs_entry_jumppad:
0x0: {  	(pc) =	sbr.rel $0x88, $3  }
0x1: {  	(tag) =	ssettag $0x0;
	lr =	simm.s32 $0x1  }
0x2: {  	[smem:$0x3F7B] =	sst lr;
	_ =	strace $0xD0000000  }
0x3: {  	_ = 	snop  }
0x4: {  	_ = 	snop  }
0x5: {  	_ = 	snop  }
0x6: {  	_ = 	snop  }
0x7: {  	_ = 	snop  }
__scs_overlays_trampoline_lowered:
0x8: {  	[smem:$0x3F8A] =	sst s0  }
0x9: {  	[smem:$0x3F8B] =	sst s1  }
0xa: {  	[smem:$0x3F8C] =	sst s2  }
0xb: {  	[smem:$0x3F8D] =	sst s3  }
0xc: {  	[smem:$0x3F8E] =	sst s4  }
0xd: {  	[smem:$0x3F8F] =	sst s5  }
0xe: {  	[smem:$0x3F90] =	sst s6  }
0xf: {  	[smem:$0x3F91] =	sst s7  }
0x10: {  	[smem:$0x3F92] =	sst s8  }
0x11: {  	[smem:$0x3F93] =	sst s9;
	s0 =	simm.s32 @!p0 $0x0  }
0x12: {  	s1 =	sld [smem:$0x3F79];
	s0 =	simm.s32 @p0 $0x1  }
0x13: {  	[smem:$0x3F94] =	sst s0;
	s0 =	simm.s32 @!p1 $0x0  }
0x14: {  	s2 =	sld [smem:$0x3F78];
	s0 =	simm.s32 @p1 $0x1  }
0x15: {  	[smem:$0x3F95] =	sst s0;
	s0 =	simm.s32 @!p2 $0x0  }
0x16: {  	s3 =	sld [smem:$0x3FDB];
	s0 =	simm.s32 @p2 $0x1  }
0x17: {  	s4 =	simm.s32 $0x1BF5;
	[smem:$0x3F97] =	sst s0  }
0x18: {  	s0 =	sld [smem:$0x3F7A];
	_ =	swait.ge [sflag:s4], $0x0  }
0x19: {  	s7 =	sld [smem:$0x3F7B]  }
0x1a: {  	s8 =	sadd.s32 $0xFFFFE003, lr  }
0x1b: {  	s9 =	sadd.s32 $0xFFFFFEF7, lr;
	s5 =	simm.s32 $0xFFFFFFFF;
	p2 =	slt.u32 s8, $0xFFFFF086  }
0x1c: {  	p1 =	slt.u32 s9, $0xF7A;
	s5 =	simm.s32 @!p2 $0x0  }
0x1d: {  	s5 =	simm.s32 @p1 $0x1;
	p0 =	seq.s32 s7, s2  }
0x1e: {  	s7 =	smul.u32 @!p0 $0xF7A, s2;
	p2 =	seq.s32 @!p0 s5, $0x0  }
0x1f: {  	s9 =	smul.u32 $0xF7A, s1;
	s8 =	simm.s32 @!p0 $0x1BF5;
	p2 =	por !p2, p0  }
0x20: {  	[sflag:s8] =	ssyncset.s32 @!p0 $0xFFFFF086;
	s6 =	sadd.s32 @!p0 s3, s7;
	s7 =	simm.s32 @!p0 $0x108  }
0x21: {  	s3 =	sadd.s32 s3, s9;
	s6 =	sadd.s32 @!p0 $0x88, s6;
	s7 =	simm.s32 @p2 $0x1082  }
0x22: {  	[simem:s7], [sflag:s8] =	dma.local @!p0 [hbm:s6], $0xF7A  }
0x23: {  	s9 =	sor.u32 $0xD0000000, s2;
	s6 =	simm.s32 $0x108;
	_ =	swait.ge @!p0 [sflag:s8], $0x0  }
0x24: {  	s3 =	sadd.s32 $0x88, s3;
	s6 =	simm.s32 @!p1 $0x1082;
	[sflag:s4] =	ssyncset.s32 $0xFFFFF086  }
0x25: {  	[simem:s6], [sflag:s4] =	dma.local [hbm:s3], $0xF7A  }
0x26: {  	[smem:$0x3F7B] =	sst s1;
	(tag) =	ssettag s2;
	_ =	strace s9  }
0x27: {  	s1 =	sld [smem:$0x3F8B]  }
0x28: {  	s2 =	sld [smem:$0x3F8C]  }
0x29: {  	s4 =	sld [smem:$0x3F8E]  }
0x2a: {  	p0 =	seq.s32 s5, $0x0;
	s5 =	sld [smem:$0x3F8F]  }
0x2b: {  	s6 =	sld [smem:$0x3F90]  }
0x2c: {  	s7 =	sld [smem:$0x3F91]  }
0x2d: {  	s3 =	simm.s32 $0x108;
	s8 =	sld [smem:$0x3F92]  }
0x2e: {  	s3 =	simm.s32 @!p0 $0x1082;
	s9 =	sld [smem:$0x3F93]  }
0x2f: {  	lr =	sadd.s32 s0, s3;
	s0 =	sld [smem:$0x3F8A]  }
0x30: {  	s3 =	sld [smem:$0x3F8D]  }
0x31: {  	[smem:$0x3F96] =	sst s10  }
0x32: {  	s10 =	sld [smem:$0x3F94];
	_ =	sdelay $0x3  }
0x33: {  	p0 =	seq.s32 s10, $0x1;
	s10 =	sld [smem:$0x3F96];
	_ =	sdelay $0x3  }
0x34: {  	[smem:$0x3F96] =	sst s10  }
0x35: {  	s10 =	sld [smem:$0x3F95];
	_ =	sdelay $0x3  }
0x36: {  	p1 =	seq.s32 s10, $0x1;
	s10 =	sld [smem:$0x3F96];
	_ =	sdelay $0x3  }
0x37: {  	[smem:$0x3F96] =	sst s10  }
0x38: {  	s10 =	sld [smem:$0x3F97]  }
0x39: {  	_ = 	snop;
	(pc) =	sbr.ind lr, $3  }
0x3a: {  	_ = 	snop  }
0x3b: {  	_ = 	snop  }
0x3c: {  	p2 =	seq.s32 s10, $0x1;
	s10 =	sld [smem:$0x3F96]  }
0x3d: {  	_ =	shalt  }
0x3e: {  	_ =	shalt  }
0x3f: {  	_ =	shalt  }
0x40: {  	_ =	shalt  }
0x41: {  	_ =	shalt  }
0x42: {  	_ =	shalt  }
0x43: {  	_ =	shalt  }
0x44: {  	_ =	shalt  }
0x45: {  	_ =	shalt  }
0x46: {  	_ =	shalt  }
0x47: {  	_ =	shalt  }
0x48: {  	_ =	shalt  }
0x49: {  	_ =	shalt  }
0x4a: {  	_ =	shalt  }
0x4b: {  	_ =	shalt  }
0x4c: {  	_ =	shalt  }
0x4d: {  	_ =	shalt  }
0x4e: {  	_ =	shalt  }
0x4f: {  	_ =	shalt  }
0x50: {  	_ =	shalt  }
0x51: {  	_ =	shalt  }
0x52: {  	_ =	shalt  }
0x53: {  	_ =	shalt  }
0x54: {  	_ =	shalt  }
0x55: {  	_ =	shalt  }
0x56: {  	_ =	shalt  }
0x57: {  	_ =	shalt  }
0x58: {  	_ =	shalt  }
0x59: {  	_ =	shalt  }
0x5a: {  	_ =	shalt  }
0x5b: {  	_ =	shalt  }
0x5c: {  	_ =	shalt  }
0x5d: {  	_ =	shalt  }
0x5e: {  	_ =	shalt  }
0x5f: {  	_ =	shalt  }
0x60: {  	_ =	shalt  }
0x61: {  	_ =	shalt  }
0x62: {  	_ =	shalt  }
0x63: {  	_ =	shalt  }
0x64: {  	_ =	shalt  }
0x65: {  	_ =	shalt  }
0x66: {  	_ =	shalt  }
0x67: {  	_ =	shalt  }
0x68: {  	_ =	shalt  }
0x69: {  	_ =	shalt  }
0x6a: {  	_ =	shalt  }
0x6b: {  	_ =	shalt  }
0x6c: {  	_ =	shalt  }
0x6d: {  	_ =	shalt  }
0x6e: {  	_ =	shalt  }
0x6f: {  	_ =	shalt  }
0x70: {  	_ =	shalt  }
0x71: {  	_ =	shalt  }
0x72: {  	_ =	shalt  }
0x73: {  	_ =	shalt  }
0x74: {  	_ =	shalt  }
0x75: {  	_ =	shalt  }
0x76: {  	_ =	shalt  }
0x77: {  	_ =	shalt  }
0x78: {  	_ =	shalt  }
0x79: {  	_ =	shalt  }
0x7a: {  	_ =	shalt  }
0x7b: {  	_ =	shalt  }
0x7c: {  	_ =	shalt  }
0x7d: {  	_ =	shalt  }
0x7e: {  	_ =	shalt  }
0x7f: {  	_ =	shalt  }
0x80: {  	_ =	shalt  }
0x81: {  	_ =	shalt  }
0x82: {  	_ =	shalt  }
0x83: {  	_ =	shalt  }
0x84: {  	_ =	shalt  }
0x85: {  	_ =	shalt  }
0x86: {  	_ =	shalt  }
0x87: {  	_ =	shalt  }
.Lfunc_end0:
.L_simem_size_0:
called_computation_lowered:
.L_overlay_start_0:
0x88: {  	s0 =	sld [smem:$0x3FD9]  }
0x89: {  	s1 =	sld [smem:$0x3FFE];
	_ =	sdelay $0x3  }
0x8a: {  	s0 =	sadd.s32 s1, s0  }
0x8b: {  	[smem:$0x3FA2] =	sst s0  }
0x8c: {  	_ = 	snop  }
0x8d: {  	s0 =	sld [smem:$0x3FD0];
	_ =	sdelay $0x2  }
0x8e: {  	s13 =	simm.s32 $0xB;
	s2 =	simm.s32 $0x10  }
0x8f: {  	[smem:s2], [sflag:s13] =	dma.local [hbm:s0], $0x1  }
0x90: {  	_ =	swait.eq [sflag:s13], $0x1  }
0x91: {  	[sflag:s13] =	ssyncset.done $0x0  }
0x92: {  	[sflag:s13] =	ssyncadd.s32 $0xFFFFFFFF  }
0x93: {  	s14 =	sld [smem:$0x10];
	(tm) =	ssettm $0x1  }
0x94: {  	s15 =	sld [smem:$0x3FFB];
	_ =	sdelay $0x3  }
0x95: {  	_ =	strace s15  }
0x96: {  	s1 =	sld [smem:$0x3FFC];
	_ =	sdelay $0x3  }
0x97: {  	_ =	strace s1  }
0x98: {  	s1 =	sld [smem:$0x3FFD];
	_ =	sdelay $0x3  }
0x99: {  	_ =	strace s1  }
0x9a: {  	_ =	strace $0x8FFFFFFF  }
0x9b: {  	s16 =	sld [smem:$0x3FDB];
	_ =	sdelay $0x1  }
0x9c: {  	s17 =	simm.s32 $_scs_section_size  }
0x9d: {  	s3 =	simm.s32 $_size__tile_overlayer_lowered;
	s4 =	simm.s32 $_tile_overlayer_lowered  }
0x9e: {  	s20 =	simm.s32 $0x1BFF;
	s19 =	sshll.u32 s4, $0x1;
	s1 =	sadd.s32 s17, s16  }
0x9f: {  	s5 =	simm.s32 $0x0;
	s18 =	sshll.u32 s3, $0x1;
	s3 =	sadd.s32 s19, s1  }
0xa0: {  	[timem:s5], [sflag:s20] =	dma.local [hbm:s3], s18  }
0xa1: {  	_ =	swait.ge [sflag:s20], s18  }
0xa2: {  	s2 =	ssub.s32 $0x0, s18;
	[sflag:s20] =	ssyncset.done $0x0  }
0xa3: {  	[sflag:s20] =	ssyncadd.s32 s2;
	_ =	sdelay $0x1  }
0xa4: {  	s21 =	simm.s32 $0x1B8B  }
0xa5: {  	_ =	swait.ge [sflag:s21], $0x1  }
0xa6: {  	[sflag:s21] =	ssyncset.done $0x0  }
0xa7: {  	s23 =	simm.s32 $0x1B8E;
	s22 =	sld [smem:$0x3FFE];
	[sflag:s21] =	ssyncadd.s32 $0xFFFFFFFF  }
0xa8: {  	s24 =	simm.s32 $execute0_lowered;
	[smem:$0x3FD2] =	sst s23  }
0xa9: {  	s3 =	sshll.u32 s24, $0x1;
	_ =	strace $0x80000046;
	[dreg:$0x1] =	wrdreg $0xFFFFFFFF  }
0xaa: {  	s25 =	simm.s32 $_size_execute0_lowered;
	s1 =	sadd.s32 s1, s3;
	[dreg:$0x0] =	wrdreg $0x0  }
0xab: {  	s3 =	sshll.u32 s25, $0x1;
	[dreg:$0x2] =	wrdreg s1  }
0xac: {  	[dreg:$0x3] =	wrdreg s3  }
0xad: {  	[dreg:$0x4] =	wrdreg $0xC0  }
0xae: {  	_ =	task [dreg:s5], $0x5FFFF  }
0xaf: {  	[dreg:$0x1] =	wrdreg $0xFFFFFFFF  }
0xb0: {  	[dreg:$0x0] =	wrdreg $0x60  }
0xb1: {  	[dreg:$0x2] =	wrdreg s14  }
0xb2: {  	[dreg:$0x3] =	wrdreg s22  }
0xb3: {  	[dreg:$0x4] =	wrdreg $0x9  }
0xb4: {  	_ =	task.clear_ibuf [dreg:s5], $0x5FFFF;
	_ =	strace $0x90000046  }
0xb5: {  	s26 =	simm.s32 $0x9;
	_ =	strace $0x80000048  }
0xb6: {  	_ =	swait.ge [sflag:s26], $0x1  }
0xb7: {  	[sflag:s26] =	ssyncadd.s32 $0xFFFFFFFF  }
0xb8: {  	_ =	strace $0x90000048  }
0xb9: {  	_ =	sfence  }
0xba: {  	s28 =	sld [smem:$0x0];
	_ =	sdelay $0x1  }
0xbb: {  	s29 =	srdreg.scid  }
0xbc: {  	s30 =	sshll.u32 s29, $0xD;
	s31 =	sshrl.u32 s29, $0x2  }
0xbd: {  	s2 =	sand.u32 $0x4000, s30;
	s1 =	sand.u32 $0x1, s29;
	s0 =	sadd.s32 s31, s28  }
0xbe: {  	s1 =	sor.u32 s2, s1;
	s0 =	sshll.u32 s0, $0x11  }
0xbf: {  	s0 =	sor.u32 s0, s1  }
0xc0: {  	s0 =	sadd.s32 $0x8F2B, s0  }
0xc1: {  	[sflag:s0] =	ssyncadd.remote.s32 $0x1  }
0xc2: {  	_ =	sfence.sel $0xFFFF  }
0xc3: {  	[dreg:$0x0] =	wrdreg $0xFFFFFFFF;
	(pc) =	sbr.abs _section_cstart, $3  }
0xc4: {  	[dreg:$0x1] =	wrdreg $0xFFFFFFFF  }
0xc5: {  	_ =	task.clear_ibuf [dreg:s5], $0x2FFFF;
	_ =	strace $0x9FFFFFFF  }
0xc6: {  	(tm) =	ssettm $0x7FFFFFFF  }
0xc7: {  	_ =	shalt  }
tec
execute0_lowered:
.L_overlay_start_1:
0x0: {  	(tag) =	ssettag $0x1  }
0x1: {  	s2 =	rddreg [dreg:$0x0]  }
0x2: {  	s8 =	rddreg [dreg:$0x1]  }
0x3: {  	s0 =	rddreg [dreg:$0x2]  }
0x4: {  	s1 =	stileid.u32;
	_ =	strace $0x80000047;
	s5 =	simm.s32 $0x1  }
0x5: {  	s6 =	simm.s32 $0x27100;
	s9 =	simm.s32 $0x1;
	s10 =	simm.s32 $0x3  }
0x6: {  	s13 =	simm.s32 $0x0;
	s12 =	simm.s32 $0x0;
	s4 =	smul.u32 $0x2710, s1  }
0x7: {  	s3 =	sadd.s32 $0xBC00, s8;
	p0 =	slt.u32 s1, $0x2;
	[sflag:s5] =	ssyncpa.u1 $0x0  }
.Ltmp0:
0x8: {  	s6 =	simm.s32 @!p0 $0x0;
	s7 =	ssub.s32 $0x29810, s4;
	(pc) =	sbr.rel .LBB2_1-.Ltmp0, $4  }
0x9: {  	s9 =	simm.s32 @!p0 $0x0;
	p0 =	sne.s32 s7, s6;
	s7 =	simm.s32 $0x1  }
0xa: {  	s8 =	sadd.s32 $0x3C000, s8;
	s6 =	simm.s32 $0x2;
	s7 =	simm.s32 @!p0 $0x0  }
0xb: {  	s11 =	smov.u32 s4;
	[sflag:s6] =	ssyncpa.u1 $0x0;
	s7 =	sadd.s32 s9, s7  }
0xc: {  	vm0 =	vmmov $0xffff;
	[sflag:s10] =	ssyncpa.u1 $0x0;
	s10 =	simm.s32 $0x0;
	s9 =	sadd.s32 $0x1, s7  }
.LBB2_4:
0xd: {  	v2 =	vnsel vm1, $0x0, v2  }
0xe: {  	vm1 =	vgt.s32 v0, $0x0;
	v2 =	vmin.u32 v2, $0x2980F  }
0xf: {  	v0 =	vnsel vm1, $0x0, v0  }
0x10: {  	v0 =	vmin.u32 v0, $0x2980F  }
0x11: {  	[tilespmem:s18], [sflag:$0x1] =	stream.indirect_vreg.gather [hbm4b:s2+s10], $0x1, v1, vm0, $0x4038;
	[tilespmem:$0x9C40] =	vst v63  }
0x12: {  	(ifvalue) =	ssetifvalue $0x7FFFFFFF  }
0x13: {  	[tilespmem:s15], [sflag:$0x1] =	stream.indirect_vreg.gather [hbm4b:s2+s10], $0x1, v2, vm0, $0x4038;
	[tilespmem:$0x9C40] =	vst v63  }
0x14: {  	s29 =	sadd.s32 $0x10, s15;
	(ifvalue) =	ssetifvalue $0x7FFFFFFF  }
0x15: {  	[tilespmem:s29], [sflag:$0x1] =	stream.indirect_vreg.gather [hbm4b:s2+s10], $0x1, v0, vm0, $0x4038;
	[tilespmem:$0x9C40] =	vst v63  }
0x16: {  	_ =	swait.ge [sflag:s5], $0x2710  }
0x17: {  	s30 =	sshrl.u32 s13, $0x3;
	[sflag:s5] =	ssyncset.done $0x0  }
0x18: {  	s31 =	sand.u32 $0x7, s13;
	s15 =	sadd.s32 s8, s30;
	[sflag:s5] =	ssyncadd.s32 $0xFFFFD8F0  }
0x19: {  	[hbm4b:s15+s31] =	stream.linear.scatter [tilespmem:s14], [sflag:$0x3], $0x2710, $0x38;
	[tilespmem:$0x9C40] =	vst v63  }
.LBB2_5:
0x1a: {  	s15 =	sadd.s32 $0x27100, s11  }
0x1b: {  	p1 =	sgt.s32 s15, $0x2980F  }
0x1c: {  	s15 =	smov.u32 @p1 s4;
	p1 =	sne.s32 s12, s9  }
.Ltmp1:
0x1d: {  	p0 =	slt.u32 s12, $0x2;
	(pc) =	sbr.rel @!p1 .LBB2_6-.Ltmp1, $4  }
0x1e: {  	s14 =	simm.s32 @!p0 $0x3  }
0x1f: {  	_ =	swait.ge @!p0 [sflag:s14], $0x2710  }
0x20: {  	s16 =	sadd.s32 $0x1, s12;
	s13 =	smov.u32 s11;
	[sflag:s14] =	ssyncset.done @!p0 $0x0  }
0x21: {  	s12 =	smov.u32 s16;
	s11 =	smov.u32 s15;
	[sflag:s14] =	ssyncadd.s32 @!p0 $0xFFFFD8F0  }
.LBB2_1:
0x22: {  	p0 =	sge.u32 s12, s7  }
0x23: {  	s14 =	sxor.u32 @!p0 $0x1, s12  }
0x24: {  	s14 =	smul.u32 @!p0 $0x9C40, s14  }
0x25: {  	s31 =	sadd.s32 $0xFFFFFFFF, s12;
	s15 =	sshrl.u32 @!p0 s11, $0x3  }
0x26: {  	s16 =	sand.u32 @!p0 $0x7, s11;
	s15 =	sadd.s32 @!p0 s3, s15;
	s14 =	sshra.s32 @!p0 s14, $0x2  }
0x27: {  	[tilespmem:s14], [sflag:$0x2] =	stream.linear.gather @!p0 [hbm4b:s15+s16], $0x2710, $0x38;
	[tilespmem:$0x9C40] =	vst v63  }
0x28: {  	p0 =	sge.u32 s31, s7  }
.Ltmp2:
0x29: {  	_ = 	snop;
	(pc) =	sbr.rel @p0 .LBB2_5-.Ltmp2, $1  }
0x2a: {  	_ =	sdelay $0x3  }
0x2b: {  	s14 =	sand.u32 $0x1, s12  }
0x2c: {  	_ =	swait.ge [sflag:s6], $0x2710;
	p0 =	seq.s32 s14, $0x1;
	s14 =	simm.s32 $0x2710  }
0x2d: {  	[sflag:s6] =	ssyncset.done $0x0;
	s14 =	simm.s32 @!p0 $0x0  }
0x2e: {  	[sflag:s6] =	ssyncadd.s32 $0xFFFFD8F0;
	(ifvalue) =	ssetifvalue $0x7FFFFFFF;
	v0 =	vld.msk [tilespmem:s14+$0x0 ss:$0x1], $0xffff;
	_ =	sdelay $0x4  }
0x2f: {  	s15 =	sadd.s32 $0x10, s14;
	vm1 =	vgt.s32 v0, $0x0  }
0x30: {  	v2 =	vld.msk [tilespmem:s15+$0x0 ss:$0x1], $0xffff;
	v1 =	vnsel vm1, $0x0, v0  }
0x31: {  	v1 =	vmin.u32 v1, $0x2980F;
	_ =	sdelay $0x2  }
0x32: {  	s17 =	simm.s32 $0x20;
	s14 =	sadd.s32 $0x4E20, s14;
	s16 =	sadd.s32 $0x10, s15  }
0x33: {  	s15 =	sadd.s32 $0x10, s14;
	s18 =	smov.u32 s14;
	v0 =	vld.msk [tilespmem:s16+$0x0 ss:$0x1], $0xffff;
	vm1 =	vgt.s32 v2, $0x0;
	(ifvalue) =	ssetifvalue $0x7FFFFFFF  }
.LBB2_3:
0x34: {  	[tilespmem:s18], [sflag:$0x1] =	stream.indirect_vreg.gather [hbm4b:s2+s10], $0x1, v1, vm0, $0x4038;
	[tilespmem:$0x9C40] =	vst v63  }
0x35: {  	s17 =	sadd.s32 $0x10, s17  }
0x36: {  	v2 =	vnsel vm1, $0x0, v2;
	p0 =	slt.u32 s17, $0x2700  }
.Ltmp3:
0x37: {  	s18 =	smov.u32 s15;
	v1 =	vmin.u32 v2, $0x2980F;
	(pc) =	sbr.rel @p0 .LBB2_3-.Ltmp3, $3  }
0x38: {  	_ =	sdelay $0x1  }
0x39: {  	s16 =	sadd.s32 $0x10, s16  }
0x3a: {  	vm1 =	vgt.s32 v0, $0x0;
	s15 =	sadd.s32 $0x10, s15;
	v2 =	vmov v0;
	(ifvalue) =	ssetifvalue $0x7FFFFFFF;
	v0 =	vld.msk [tilespmem:s16+$0x0 ss:$0x1], $0xffff  }
.Ltmp4:
0x3b: {  	_ = 	snop;
	(pc) =	sbr.rel .LBB2_4-.Ltmp4, $1  }
0x3c: {  	_ =	sdelay $0x3  }
.LBB2_6:
0x3d: {  	_ =	sfence.sel $0x180000  }
0x3e: {  	s2 =	simm.s32 $0x2;
	[bflag:$0x0] =	sbarrier.arrive $0xFFFF  }
0x3f: {  	s30 =	simm.s32 $0x3;
	[sflag:s2] =	ssyncpa.u1 $0x1  }
0x40: {  	s31 =	simm.s32 $0x1;
	[sflag:s30] =	ssyncpa.u1 $0x1  }
0x41: {  	[sflag:s31] =	ssyncpa.u1 $0x1  }
0x42: {  	p0 =	sne.s32 s1, $0x0;
	_ =	strace $0x90000047  }
0x43: {  	s0 =	sadd.s32 @!p0 $0x100000, s0;
	[bflag:$0x2] =	sbarrier.arrive $0xFFFF  }
0x44: {  	[sflag:s0] =	ssyncadd.tile.s32 @!p0 $0x1;
	_ =	shalt  }
.Lfunc_end2:
_tile_overlayer_lowered:
.L_overlay_start_2:
0x45: {  	(tag) =	ssettag $0x2  }
0x46: {  	s0 =	rddreg [dreg:$0x0];
	s2 =	stileid.u32  }
0x47: {  	s1 =	rddreg [dreg:$0x1];
	p0 =	sne.s32 s2, $0x0  }
0x48: {  	s3 =	rddreg [dreg:$0x2];
	[bflag:$0x3] =	sbarrier.arrive $0xFFFF;
	s2 =	simm.s32 @!p0 $0x1C01  }
0x49: {  	[timem:s3], [sflag:s2] =	dma.local @!p0 [hbm:s0], s1  }
0x4a: {  	s0 =	simm.s32 @!p0 $0x1  }
0x4b: {  	_ =	swait.ge @!p0 [sflag:s0], s1  }
0x4c: {  	s1 =	ssub.s32 @!p0 $0x0, s1;
	[sflag:s0] =	ssyncset.done @!p0 $0x0  }
0x4d: {  	[sflag:s0] =	ssyncadd.s32 @!p0 s1  }
0x4e: {  	[bflag:$0x3] =	sbarrier.arrive $0xFFFF  }
0x4f: {  	_ =	shalt  }

// kernel: kernel.16.cloned.1.call-start
scs
__scs_entry_jumppad:
0x0: {  	(pc) =	sbr.rel $0x88, $3  }
0x1: {  	(tag) =	ssettag $0x0;
	lr =	simm.s32 $0x1  }
0x2: {  	[smem:$0x3F7B] =	sst lr;
	_ =	strace $0xD0000000  }
0x3: {  	_ = 	snop  }
0x4: {  	_ = 	snop  }
0x5: {  	_ = 	snop  }
0x6: {  	_ = 	snop  }
0x7: {  	_ = 	snop  }
__scs_overlays_trampoline_lowered:
0x8: {  	[smem:$0x3F8A] =	sst s0  }
0x9: {  	[smem:$0x3F8B] =	sst s1  }
0xa: {  	[smem:$0x3F8C] =	sst s2  }
0xb: {  	[smem:$0x3F8D] =	sst s3  }
0xc: {  	[smem:$0x3F8E] =	sst s4  }
0xd: {  	[smem:$0x3F8F] =	sst s5  }
0xe: {  	[smem:$0x3F90] =	sst s6  }
0xf: {  	[smem:$0x3F91] =	sst s7  }
0x10: {  	[smem:$0x3F92] =	sst s8  }
0x11: {  	[smem:$0x3F93] =	sst s9;
	s0 =	simm.s32 @!p0 $0x0  }
0x12: {  	s1 =	sld [smem:$0x3F79];
	s0 =	simm.s32 @p0 $0x1  }
0x13: {  	[smem:$0x3F94] =	sst s0;
	s0 =	simm.s32 @!p1 $0x0  }
0x14: {  	s2 =	sld [smem:$0x3F78];
	s0 =	simm.s32 @p1 $0x1  }
0x15: {  	[smem:$0x3F95] =	sst s0;
	s0 =	simm.s32 @!p2 $0x0  }
0x16: {  	s3 =	sld [smem:$0x3FDB];
	s0 =	simm.s32 @p2 $0x1  }
0x17: {  	s4 =	simm.s32 $0x1BF5;
	[smem:$0x3F97] =	sst s0  }
0x18: {  	s0 =	sld [smem:$0x3F7A];
	_ =	swait.ge [sflag:s4], $0x0  }
0x19: {  	s7 =	sld [smem:$0x3F7B]  }
0x1a: {  	s8 =	sadd.s32 $0xFFFFE003, lr  }
0x1b: {  	s9 =	sadd.s32 $0xFFFFFEF7, lr;
	s5 =	simm.s32 $0xFFFFFFFF;
	p2 =	slt.u32 s8, $0xFFFFF086  }
0x1c: {  	p1 =	slt.u32 s9, $0xF7A;
	s5 =	simm.s32 @!p2 $0x0  }
0x1d: {  	s5 =	simm.s32 @p1 $0x1;
	p0 =	seq.s32 s7, s2  }
0x1e: {  	s7 =	smul.u32 @!p0 $0xF7A, s2;
	p2 =	seq.s32 @!p0 s5, $0x0  }
0x1f: {  	s9 =	smul.u32 $0xF7A, s1;
	s8 =	simm.s32 @!p0 $0x1BF5;
	p2 =	por !p2, p0  }
0x20: {  	[sflag:s8] =	ssyncset.s32 @!p0 $0xFFFFF086;
	s6 =	sadd.s32 @!p0 s3, s7;
	s7 =	simm.s32 @!p0 $0x108  }
0x21: {  	s3 =	sadd.s32 s3, s9;
	s6 =	sadd.s32 @!p0 $0x88, s6;
	s7 =	simm.s32 @p2 $0x1082  }
0x22: {  	[simem:s7], [sflag:s8] =	dma.local @!p0 [hbm:s6], $0xF7A  }
0x23: {  	s9 =	sor.u32 $0xD0000000, s2;
	s6 =	simm.s32 $0x108;
	_ =	swait.ge @!p0 [sflag:s8], $0x0  }
0x24: {  	s3 =	sadd.s32 $0x88, s3;
	s6 =	simm.s32 @!p1 $0x1082;
	[sflag:s4] =	ssyncset.s32 $0xFFFFF086  }
0x25: {  	[simem:s6], [sflag:s4] =	dma.local [hbm:s3], $0xF7A  }
0x26: {  	[smem:$0x3F7B] =	sst s1;
	(tag) =	ssettag s2;
	_ =	strace s9  }
0x27: {  	s1 =	sld [smem:$0x3F8B]  }
0x28: {  	s2 =	sld [smem:$0x3F8C]  }
0x29: {  	s4 =	sld [smem:$0x3F8E]  }
0x2a: {  	p0 =	seq.s32 s5, $0x0;
	s5 =	sld [smem:$0x3F8F]  }
0x2b: {  	s6 =	sld [smem:$0x3F90]  }
0x2c: {  	s7 =	sld [smem:$0x3F91]  }
0x2d: {  	s3 =	simm.s32 $0x108;
	s8 =	sld [smem:$0x3F92]  }
0x2e: {  	s3 =	simm.s32 @!p0 $0x1082;
	s9 =	sld [smem:$0x3F93]  }
0x2f: {  	lr =	sadd.s32 s0, s3;
	s0 =	sld [smem:$0x3F8A]  }
0x30: {  	s3 =	sld [smem:$0x3F8D]  }
0x31: {  	[smem:$0x3F96] =	sst s10  }
0x32: {  	s10 =	sld [smem:$0x3F94];
	_ =	sdelay $0x3  }
0x33: {  	p0 =	seq.s32 s10, $0x1;
	s10 =	sld [smem:$0x3F96];
	_ =	sdelay $0x3  }
0x34: {  	[smem:$0x3F96] =	sst s10  }
0x35: {  	s10 =	sld [smem:$0x3F95];
	_ =	sdelay $0x3  }
0x36: {  	p1 =	seq.s32 s10, $0x1;
	s10 =	sld [smem:$0x3F96];
	_ =	sdelay $0x3  }
0x37: {  	[smem:$0x3F96] =	sst s10  }
0x38: {  	s10 =	sld [smem:$0x3F97]  }
0x39: {  	_ = 	snop;
	(pc) =	sbr.ind lr, $3  }
0x3a: {  	_ = 	snop  }
0x3b: {  	_ = 	snop  }
0x3c: {  	p2 =	seq.s32 s10, $0x1;
	s10 =	sld [smem:$0x3F96]  }
0x3d: {  	_ =	shalt  }
0x3e: {  	_ =	shalt  }
0x3f: {  	_ =	shalt  }
0x40: {  	_ =	shalt  }
0x41: {  	_ =	shalt  }
0x42: {  	_ =	shalt  }
0x43: {  	_ =	shalt  }
0x44: {  	_ =	shalt  }
0x45: {  	_ =	shalt  }
0x46: {  	_ =	shalt  }
0x47: {  	_ =	shalt  }
0x48: {  	_ =	shalt  }
0x49: {  	_ =	shalt  }
0x4a: {  	_ =	shalt  }
0x4b: {  	_ =	shalt  }
0x4c: {  	_ =	shalt  }
0x4d: {  	_ =	shalt  }
0x4e: {  	_ =	shalt  }
0x4f: {  	_ =	shalt  }
0x50: {  	_ =	shalt  }
0x51: {  	_ =	shalt  }
0x52: {  	_ =	shalt  }
0x53: {  	_ =	shalt  }
0x54: {  	_ =	shalt  }
0x55: {  	_ =	shalt  }
0x56: {  	_ =	shalt  }
0x57: {  	_ =	shalt  }
0x58: {  	_ =	shalt  }
0x59: {  	_ =	shalt  }
0x5a: {  	_ =	shalt  }
0x5b: {  	_ =	shalt  }
0x5c: {  	_ =	shalt  }
0x5d: {  	_ =	shalt  }
0x5e: {  	_ =	shalt  }
0x5f: {  	_ =	shalt  }
0x60: {  	_ =	shalt  }
0x61: {  	_ =	shalt  }
0x62: {  	_ =	shalt  }
0x63: {  	_ =	shalt  }
0x64: {  	_ =	shalt  }
0x65: {  	_ =	shalt  }
0x66: {  	_ =	shalt  }
0x67: {  	_ =	shalt  }
0x68: {  	_ =	shalt  }
0x69: {  	_ =	shalt  }
0x6a: {  	_ =	shalt  }
0x6b: {  	_ =	shalt  }
0x6c: {  	_ =	shalt  }
0x6d: {  	_ =	shalt  }
0x6e: {  	_ =	shalt  }
0x6f: {  	_ =	shalt  }
0x70: {  	_ =	shalt  }
0x71: {  	_ =	shalt  }
0x72: {  	_ =	shalt  }
0x73: {  	_ =	shalt  }
0x74: {  	_ =	shalt  }
0x75: {  	_ =	shalt  }
0x76: {  	_ =	shalt  }
0x77: {  	_ =	shalt  }
0x78: {  	_ =	shalt  }
0x79: {  	_ =	shalt  }
0x7a: {  	_ =	shalt  }
0x7b: {  	_ =	shalt  }
0x7c: {  	_ =	shalt  }
0x7d: {  	_ =	shalt  }
0x7e: {  	_ =	shalt  }
0x7f: {  	_ =	shalt  }
0x80: {  	_ =	shalt  }
0x81: {  	_ =	shalt  }
0x82: {  	_ =	shalt  }
0x83: {  	_ =	shalt  }
0x84: {  	_ =	shalt  }
0x85: {  	_ =	shalt  }
0x86: {  	_ =	shalt  }
0x87: {  	_ =	shalt  }
.Lfunc_end0:
.L_simem_size_0:
called_computation.2_lowered:
.L_overlay_start_0:
0x88: {  	s2 =	sld [smem:$0x3FD9]  }
0x89: {  	s3 =	sld [smem:$0x3FFE];
	_ =	sdelay $0x1  }
0x8a: {  	s1 =	srdreg.scid  }
0x8b: {  	s0 =	sand.u32 $0x1, s1  }
0x8c: {  	s17 =	sshll.u32 s0, $0xA;
	s2 =	sadd.s32 s3, s2  }
0x8d: {  	s2 =	sadd.s32 s2, s17  }
0x8e: {  	[smem:$0x3FA2] =	sst s2  }
0x8f: {  	_ = 	snop  }
0x90: {  	(tm) =	ssettm $0x1  }
0x91: {  	s18 =	sld [smem:$0x3FFB];
	_ =	sdelay $0x3  }
0x92: {  	_ =	strace s18  }
0x93: {  	s2 =	sld [smem:$0x3FFC];
	_ =	sdelay $0x3  }
0x94: {  	_ =	strace s2  }
0x95: {  	s2 =	sld [smem:$0x3FFD];
	_ =	sdelay $0x3  }
0x96: {  	_ =	strace s2  }
0x97: {  	_ =	strace $0x8FFFFFFF  }
0x98: {  	s19 =	sld [smem:$0x3FDB];
	_ =	sdelay $0x1  }
0x99: {  	s20 =	simm.s32 $_scs_section_size  }
0x9a: {  	s4 =	simm.s32 $_size__tile_overlayer_lowered;
	s5 =	simm.s32 $_tile_overlayer_lowered  }
0x9b: {  	s6 =	simm.s32 $0x1BFF;
	s21 =	sshll.u32 s5, $0x1;
	s3 =	sadd.s32 s20, s19  }
0x9c: {  	s22 =	simm.s32 $0x0;
	s4 =	sshll.u32 s4, $0x1;
	s5 =	sadd.s32 s21, s3  }
0x9d: {  	[timem:s22], [sflag:s6] =	dma.local [hbm:s5], s4  }
0x9e: {  	_ =	swait.ge [sflag:s6], s4  }
0x9f: {  	s4 =	ssub.s32 $0x0, s4;
	[sflag:s6] =	ssyncset.done $0x0  }
0xa0: {  	[sflag:s6] =	ssyncadd.s32 s4;
	_ =	sdelay $0x1  }
0xa1: {  	s23 =	simm.s32 $0x1B8B  }
0xa2: {  	_ =	swait.ge [sflag:s23], $0x1  }
0xa3: {  	[sflag:s23] =	ssyncset.done $0x0  }
0xa4: {  	[sflag:s23] =	ssyncadd.s32 $0xFFFFFFFF  }
0xa5: {  	s4 =	sld [smem:$0x0]  }
0xa6: {  	s5 =	sand.u32 $0xFFFFFFFE, s1  }
0xa7: {  	p0 =	sne.s32 s1, s5  }
0xa8: {  	s5 =	sshll.u32 @p0 s5, $0xE  }
0xa9: {  	s5 =	sadd.s32 @p0 $0x11B8D, s5;
	s6 =	sshll.u32 @p0 s4, $0x11  }
0xaa: {  	s5 =	sor.u32 @p0 s6, s5  }
0xab: {  	[sflag:s5] =	ssyncadd.remote.s32 @p0 $0x1;
	_ =	sdelay $0x1  }
0xac: {  	s5 =	simm.s32 @p0 $0x1B8D  }
0xad: {  	_ =	swait.eq @p0 [sflag:s5], $0x1  }
0xae: {  	[sflag:s5] =	ssyncadd.s32 @p0 $0xFFFFFFFF  }
0xaf: {  	s6 =	sshll.u32 @!p0 s1, $0xE  }
0xb0: {  	s6 =	sor.u32 @!p0 $0x4000, s6;
	s5 =	simm.s32 @!p0 $0x1B8D  }
0xb1: {  	s4 =	sshll.u32 @!p0 s4, $0x11;
	s6 =	sadd.s32 @!p0 $0x11B8D, s6;
	_ =	swait.eq @!p0 [sflag:s5], $0x1  }
0xb2: {  	s4 =	sor.u32 @!p0 s4, s6;
	[sflag:s5] =	ssyncadd.s32 @!p0 $0xFFFFFFFF  }
0xb3: {  	s25 =	simm.s32 $0x1B8E;
	s24 =	sld [smem:$0x3FFE];
	[sflag:s4] =	ssyncadd.remote.s32 @!p0 $0x1  }
0xb4: {  	s26 =	simm.s32 $execute0_lowered;
	[smem:$0x3FD2] =	sst s25  }
0xb5: {  	s5 =	sshll.u32 s26, $0x1;
	_ =	strace $0x8000004C;
	[dreg:$0x1] =	wrdreg $0xFFFFFFFF  }
0xb6: {  	s28 =	simm.s32 $_size_execute0_lowered;
	s3 =	sadd.s32 s3, s5;
	[dreg:$0x0] =	wrdreg $0x0  }
0xb7: {  	s5 =	sshll.u32 s28, $0x1;
	[dreg:$0x2] =	wrdreg s3  }
0xb8: {  	[dreg:$0x3] =	wrdreg s5  }
0xb9: {  	[dreg:$0x4] =	wrdreg $0xC0  }
0xba: {  	_ =	task [dreg:s22], $0x5FFFF  }
0xbb: {  	[dreg:$0x1] =	wrdreg $0xFFFFFFFF  }
0xbc: {  	[dreg:$0x0] =	wrdreg $0x60  }
0xbd: {  	[dreg:$0x2] =	wrdreg s24  }
0xbe: {  	[dreg:$0x3] =	wrdreg $0xA  }
0xbf: {  	_ =	task.clear_ibuf [dreg:s22], $0x4FFFF;
	_ =	strace $0x9000004C  }
0xc0: {  	s29 =	simm.s32 $0xA;
	_ =	strace $0x8000004E  }
0xc1: {  	_ =	swait.ge [sflag:s29], $0x1  }
0xc2: {  	[sflag:s29] =	ssyncadd.s32 $0xFFFFFFFF  }
0xc3: {  	_ =	strace $0x9000004E  }
0xc4: {  	_ =	sfence  }
0xc5: {  	s30 =	sld [smem:$0x0];
	_ =	sdelay $0x2  }
0xc6: {  	s31 =	sshll.u32 s1, $0xD;
	s1 =	sshrl.u32 s1, $0x2  }
0xc7: {  	s4 =	sand.u32 $0x4000, s31;
	s1 =	sadd.s32 s1, s30  }
0xc8: {  	s0 =	sor.u32 s4, s0;
	s1 =	sshll.u32 s1, $0x11  }
0xc9: {  	s0 =	sor.u32 s1, s0  }
0xca: {  	s0 =	sadd.s32 $0x8F2B, s0  }
0xcb: {  	[sflag:s0] =	ssyncadd.remote.s32 $0x1  }
0xcc: {  	_ =	sfence.sel $0xFFFF  }
0xcd: {  	[dreg:$0x0] =	wrdreg $0xFFFFFFFF;
	(pc) =	sbr.abs _section_cstart, $3  }
0xce: {  	[dreg:$0x1] =	wrdreg $0xFFFFFFFF  }
0xcf: {  	_ =	task.clear_ibuf [dreg:s22], $0x2FFFF;
	_ =	strace $0x9FFFFFFF  }
0xd0: {  	(tm) =	ssettm $0x7FFFFFFF  }
0xd1: {  	_ =	shalt  }
tec
execute0_lowered:
.L_overlay_start_1:
0x0: {  	(tag) =	ssettag $0x1  }
0x1: {  	s0 =	rddreg [dreg:$0x0]  }
0x2: {  	s2 =	simm.s32 $0x0;
	s1 =	srdreg.scid;
	s6 =	stileid.u32  }
0x3: {  	s13 =	simm.s32 $0x200;
	s14 =	simm.s32 $0x100;
	s15 =	simm.s32 $0x19A00  }
0x4: {  	s16 =	simm.s32 $0x1A200;
	s17 =	simm.s32 $0x1A600;
	s18 =	simm.s32 $0x1AE00  }
0x5: {  	s19 =	simm.s32 $0x1B200;
	s20 =	simm.s32 $0x1BA00;
	s21 =	simm.s32 $0x1BE00  }
0x6: {  	s28 =	simm.s32 $0x1E200;
	s29 =	simm.s32 $0x1EA00;
	s30 =	simm.s32 $0x1EE00  }
0x7: {  	s31 =	simm.s32 $0x1F600;
	[smem:$0x7FF] =	sst s2;
	s1 =	sand.u32 $0x1, s1  }
0x8: {  	s4 =	smul.u32 $0x2A00, s6;
	s3 =	sadd.s32 $0x41400, s0;
	s12 =	sadd.s32 $0xB9400, s0  }
0x9: {  	s7 =	sadd.s32 $0xBE800, s0;
	s6 =	sshll.u32 s6, $0x1;
	_ =	strace $0x8000004D  }
0xa: {  	s5 =	smul.u32 $0x1500, s1;
	s8 =	ssub.s32 $0x2, s1;
	s1 =	sor.u32 s1, s6  }
0xb: {  	s6 =	sadd.s32 $0x41500, s0;
	[dreg:$0x2] =	wrdreg s12;
	s0 =	simm.s32 $0x2  }
0xc: {  	s1 =	smul.u32 $0x1500, s1;
	s9 =	sshrl.u32 s8, $0x1;
	s4 =	sadd.s32 s5, s4  }
0xd: {  	s8 =	ssub.s32 s8, s9;
	s5 =	sshrl.u32 s4, $0x3;
	s22 =	sor.u32 $0xA8, s4  }
0xe: {  	s1 =	sshrl.u32 s1, $0x3;
	s24 =	smax.u32 s8, $0x1;
	s25 =	sadd.s32 $0x150, s4  }
0xf: {  	s5 =	smul.u32 $0x180, s5;
	s11 =	sshrl.u32 s22, $0x3;
	[dreg:$0x4] =	wrdreg s24  }
0x10: {  	s1 =	sadd.s32 s12, s1;
	[dreg:$0x5] =	wrdreg s25;
	s22 =	simm.s32 $0x1C600  }
.Ltmp0:
0x11: {  	s24 =	simm.s32 $0x1D200;
	s25 =	simm.s32 $0x1D600;
	(pc) =	sbr.rel .LBB2_1-.Ltmp0, $4  }
0x12: {  	s23 =	smul.u32 $0x180, s11;
	[dreg:$0x3] =	wrdreg s1;
	s26 =	sadd.s32 s11, s12  }
0x13: {  	v2 =	vlaneseq.u32;
	s12 =	simm.s32 $0x3;
	s1 =	simm.s32 $0x1;
	s8 =	sadd.s32 s5, s7  }
0x14: {  	vm0 =	vmmov $0xffff;
	vm1 =	vmmov $0xff;
	v1 =	vshrl.u32 v2, $0x3;
	[dreg:$0x6] =	wrdreg s26;
	s26 =	simm.s32 $0x1DE00;
	s5 =	simm.s32 $0x0  }
0x15: {  	v0 =	vand.u32 $0x7, v2;
	v2 =	vor.u32 $0x8, v2;
	v1 =	vmul.u32 $0x8, v1;
	s10 =	sadd.s32 s23, s7;
	s7 =	simm.s32 $0xFE00;
	s23 =	simm.s32 $0x1CA00  }
.LBB2_5:
0x16: {  	s5 =	rddreg [dreg:$0x7]  }
0x17: {  	s4 =	rddreg [dreg:$0x4];
	s5 =	sadd.s32 $0x1, s5  }
0x18: {  	p0 =	sne.s32 s5, s4  }
.Ltmp1:
0x19: {  	_ = 	snop;
	(pc) =	sbr.rel @!p0 .LBB2_6-.Ltmp1, $1  }
0x1a: {  	_ =	sdelay $0x3  }
.LBB2_1:
0x1b: {  	[dreg:$0x7] =	wrdreg s5  }
0x1c: {  	s4 =	rddreg [dreg:$0x3]  }
0x1d: {  	[tilespmem:s2], [sflag:$0x3] =	stream.linear.gather [hbm4b:s4+s2], $0xA8, $0x38;
	[tilespmem:$0x1FA00] =	vst v63  }
0x1e: {  	_ =	swait.ge [sflag:s12], $0xA8  }
0x1f: {  	[sflag:s12] =	ssyncset.done $0x0  }
0x20: {  	[sflag:s12] =	ssyncadd.s32 $0xFFFFFF58  }
0x21: {  	v3 =	vld [tilespmem:$0x0];
	_ =	sdelay $0x4  }
0x22: {  	v4 =	vshrl.u32 v3, $0x3  }
0x23: {  	v4 =	vmul.u32 $0x18, v4  }
0x24: {  	v3 =	vand.u32 $0x7, v3  }
0x25: {  	v3 =	vor.u32 v3, v4  }
0x26: {  	v4 =	vperm.xlane v3, v0;
	_ =	sdelay $0x1  }
0x27: {  	v4 =	vadd.s32 v1, v4;
	_ =	sdelay $0x1  }
0x28: {  	v3 =	vperm.xlane v3, v2;
	_ =	sdelay $0x1  }
0x29: {  	v3 =	vadd.s32 v1, v3  }
0x2a: {  	[tilespmem:s13], [sflag:$0x1] =	stream.indirect_vreg.gather [hbm4b:s3+s2], $0x80, v4, vm0, $0xb8;
	[tilespmem:$0x1FA00] =	vst v63  }
0x2b: {  	s9 =	simm.s32 $0xA00  }
0x2c: {  	[tilespmem:s9], [sflag:$0x1] =	stream.indirect_vreg.gather [hbm4b:s6+s2], $0x80, v4, vm1, $0xb8;
	[tilespmem:$0x1FA00] =	vst v63  }
0x2d: {  	s11 =	simm.s32 $0xE00  }
0x2e: {  	[tilespmem:s11], [sflag:$0x1] =	stream.indirect_vreg.gather [hbm4b:s3+s2], $0x80, v3, vm0, $0xb8;
	[tilespmem:$0x1FA00] =	vst v63  }
0x2f: {  	s5 =	simm.s32 $0x1600  }
0x30: {  	[tilespmem:s5], [sflag:$0x1] =	stream.indirect_vreg.gather [hbm4b:s6+s2], $0x80, v3, vm1, $0xb8;
	[tilespmem:$0x1FA00] =	vst v63  }
0x31: {  	v3 =	vld [tilespmem:$0x10];
	_ =	sdelay $0x4  }
0x32: {  	v54 =	vshrl.u32 v3, $0x3  }
0x33: {  	v4 =	vmul.u32 $0x18, v54  }
0x34: {  	v3 =	vand.u32 $0x7, v3  }
0x35: {  	v3 =	vor.u32 v3, v4  }
0x36: {  	v4 =	vperm.xlane v3, v0;
	_ =	sdelay $0x1  }
0x37: {  	v4 =	vadd.s32 v1, v4;
	_ =	sdelay $0x1  }
0x38: {  	v3 =	vperm.xlane v3, v2;
	_ =	sdelay $0x1  }
0x39: {  	s9 =	simm.s32 $0x1A00;
	v3 =	vadd.s32 v1, v3  }
0x3a: {  	[tilespmem:s9], [sflag:$0x1] =	stream.indirect_vreg.gather [hbm4b:s3+s2], $0x80, v4, vm0, $0xb8;
	[tilespmem:$0x1FA00] =	vst v63  }
0x3b: {  	s11 =	simm.s32 $0x2200  }
0x3c: {  	[tilespmem:s11], [sflag:$0x1] =	stream.indirect_vreg.gather [hbm4b:s6+s2], $0x80, v4, vm1, $0xb8;
	[tilespmem:$0x1FA00] =	vst v63  }
0x3d: {  	s5 =	simm.s32 $0x2600  }
0x3e: {  	[tilespmem:s5], [sflag:$0x1] =	stream.indirect_vreg.gather [hbm4b:s3+s2], $0x80, v3, vm0, $0xb8;
	[tilespmem:$0x1FA00] =	vst v63  }
0x3f: {  	s9 =	simm.s32 $0x2E00  }
0x40: {  	[tilespmem:s9], [sflag:$0x1] =	stream.indirect_vreg.gather [hbm4b:s6+s2], $0x80, v3, vm1, $0xb8;
	[tilespmem:$0x1FA00] =	vst v63  }
0x41: {  	v3 =	vld [tilespmem:$0x20];
	_ =	sdelay $0x4  }
0x42: {  	v55 =	vshrl.u32 v3, $0x3  }
0x43: {  	v4 =	vmul.u32 $0x18, v55  }
0x44: {  	v3 =	vand.u32 $0x7, v3  }
0x45: {  	v3 =	vor.u32 v3, v4  }
0x46: {  	v4 =	vperm.xlane v3, v0;
	_ =	sdelay $0x1  }
0x47: {  	v4 =	vadd.s32 v1, v4;
	_ =	sdelay $0x1  }
0x48: {  	v3 =	vperm.xlane v3, v2;
	_ =	sdelay $0x1  }
0x49: {  	s11 =	simm.s32 $0x3200;
	v3 =	vadd.s32 v1, v3  }
0x4a: {  	[tilespmem:s11], [sflag:$0x1] =	stream.indirect_vreg.gather [hbm4b:s3+s2], $0x80, v4, vm0, $0xb8;
	[tilespmem:$0x1FA00] =	vst v63  }
0x4b: {  	s5 =	simm.s32 $0x3A00  }
0x4c: {  	[tilespmem:s5], [sflag:$0x1] =	stream.indirect_vreg.gather [hbm4b:s6+s2], $0x80, v4, vm1, $0xb8;
	[tilespmem:$0x1FA00] =	vst v63  }
0x4d: {  	s9 =	simm.s32 $0x3E00  }
0x4e: {  	[tilespmem:s9], [sflag:$0x1] =	stream.indirect_vreg.gather [hbm4b:s3+s2], $0x80, v3, vm0, $0xb8;
	[tilespmem:$0x1FA00] =	vst v63  }
0x4f: {  	s11 =	simm.s32 $0x4600  }
0x50: {  	[tilespmem:s11], [sflag:$0x1] =	stream.indirect_vreg.gather [hbm4b:s6+s2], $0x80, v3, vm1, $0xb8;
	[tilespmem:$0x1FA00] =	vst v63  }
0x51: {  	v3 =	vld [tilespmem:$0x30];
	_ =	sdelay $0x4  }
0x52: {  	v56 =	vshrl.u32 v3, $0x3  }
0x53: {  	v4 =	vmul.u32 $0x18, v56  }
0x54: {  	v3 =	vand.u32 $0x7, v3  }
0x55: {  	v3 =	vor.u32 v3, v4  }
0x56: {  	v4 =	vperm.xlane v3, v0;
	_ =	sdelay $0x1  }
0x57: {  	v4 =	vadd.s32 v1, v4;
	_ =	sdelay $0x1  }
0x58: {  	v3 =	vperm.xlane v3, v2;
	_ =	sdelay $0x1  }
0x59: {  	s5 =	simm.s32 $0x4A00;
	v3 =	vadd.s32 v1, v3  }
0x5a: {  	[tilespmem:s5], [sflag:$0x1] =	stream.indirect_vreg.gather [hbm4b:s3+s2], $0x80, v4, vm0, $0xb8;
	[tilespmem:$0x1FA00] =	vst v63  }
0x5b: {  	s9 =	simm.s32 $0x5200  }
0x5c: {  	[tilespmem:s9], [sflag:$0x1] =	stream.indirect_vreg.gather [hbm4b:s6+s2], $0x80, v4, vm1, $0xb8;
	[tilespmem:$0x1FA00] =	vst v63  }
0x5d: {  	s11 =	simm.s32 $0x5600  }
0x5e: {  	[tilespmem:s11], [sflag:$0x1] =	stream.indirect_vreg.gather [hbm4b:s3+s2], $0x80, v3, vm0, $0xb8;
	[tilespmem:$0x1FA00] =	vst v63  }
0x5f: {  	s5 =	simm.s32 $0x5E00  }
0x60: {  	[tilespmem:s5], [sflag:$0x1] =	stream.indirect_vreg.gather [hbm4b:s6+s2], $0x80, v3, vm1, $0xb8;
	[tilespmem:$0x1FA00] =	vst v63  }
0x61: {  	v3 =	vld [tilespmem:$0x40];
	_ =	sdelay $0x4  }
0x62: {  	v57 =	vshrl.u32 v3, $0x3  }
0x63: {  	v4 =	vmul.u32 $0x18, v57  }
0x64: {  	v3 =	vand.u32 $0x7, v3  }
0x65: {  	v3 =	vor.u32 v3, v4  }
0x66: {  	v4 =	vperm.xlane v3, v0;
	_ =	sdelay $0x1  }
0x67: {  	v4 =	vadd.s32 v1, v4;
	_ =	sdelay $0x1  }
0x68: {  	v3 =	vperm.xlane v3, v2;
	_ =	sdelay $0x1  }
0x69: {  	s9 =	simm.s32 $0x6200;
	v3 =	vadd.s32 v1, v3  }
0x6a: {  	[tilespmem:s9], [sflag:$0x1] =	stream.indirect_vreg.gather [hbm4b:s3+s2], $0x80, v4, vm0, $0xb8;
	[tilespmem:$0x1FA00] =	vst v63  }
0x6b: {  	s11 =	simm.s32 $0x6A00  }
0x6c: {  	[tilespmem:s11], [sflag:$0x1] =	stream.indirect_vreg.gather [hbm4b:s6+s2], $0x80, v4, vm1, $0xb8;
	[tilespmem:$0x1FA00] =	vst v63  }
0x6d: {  	s5 =	simm.s32 $0x6E00  }
0x6e: {  	[tilespmem:s5], [sflag:$0x1] =	stream.indirect_vreg.gather [hbm4b:s3+s2], $0x80, v3, vm0, $0xb8;
	[tilespmem:$0x1FA00] =	vst v63  }
0x6f: {  	s9 =	simm.s32 $0x7600  }
0x70: {  	[tilespmem:s9], [sflag:$0x1] =	stream.indirect_vreg.gather [hbm4b:s6+s2], $0x80, v3, vm1, $0xb8;
	[tilespmem:$0x1FA00] =	vst v63  }
0x71: {  	v3 =	vld [tilespmem:$0x50];
	_ =	sdelay $0x4  }
0x72: {  	v58 =	vshrl.u32 v3, $0x3  }
0x73: {  	v4 =	vmul.u32 $0x18, v58  }
0x74: {  	v3 =	vand.u32 $0x7, v3  }
0x75: {  	v3 =	vor.u32 v3, v4  }
0x76: {  	v4 =	vperm.xlane v3, v0;
	_ =	sdelay $0x1  }
0x77: {  	v4 =	vadd.s32 v1, v4;
	_ =	sdelay $0x1  }
0x78: {  	v3 =	vperm.xlane v3, v2;
	_ =	sdelay $0x1  }
0x79: {  	s11 =	simm.s32 $0x7A00;
	v3 =	vadd.s32 v1, v3  }
0x7a: {  	[tilespmem:s11], [sflag:$0x1] =	stream.indirect_vreg.gather [hbm4b:s3+s2], $0x80, v4, vm0, $0xb8;
	[tilespmem:$0x1FA00] =	vst v63  }
0x7b: {  	s5 =	simm.s32 $0x8200  }
0x7c: {  	[tilespmem:s5], [sflag:$0x1] =	stream.indirect_vreg.gather [hbm4b:s6+s2], $0x80, v4, vm1, $0xb8;
	[tilespmem:$0x1FA00] =	vst v63  }
0x7d: {  	s9 =	simm.s32 $0x8600  }
0x7e: {  	[tilespmem:s9], [sflag:$0x1] =	stream.indirect_vreg.gather [hbm4b:s3+s2], $0x80, v3, vm0, $0xb8;
	[tilespmem:$0x1FA00] =	vst v63  }
0x7f: {  	s11 =	simm.s32 $0x8E00  }
0x80: {  	[tilespmem:s11], [sflag:$0x1] =	stream.indirect_vreg.gather [hbm4b:s6+s2], $0x80, v3, vm1, $0xb8;
	[tilespmem:$0x1FA00] =	vst v63  }
0x81: {  	v3 =	vld [tilespmem:$0x60];
	_ =	sdelay $0x4  }
0x82: {  	v59 =	vshrl.u32 v3, $0x3  }
0x83: {  	v4 =	vmul.u32 $0x18, v59  }
0x84: {  	v3 =	vand.u32 $0x7, v3  }
0x85: {  	v3 =	vor.u32 v3, v4  }
0x86: {  	v4 =	vperm.xlane v3, v0;
	_ =	sdelay $0x1  }
0x87: {  	v4 =	vadd.s32 v1, v4;
	_ =	sdelay $0x1  }
0x88: {  	v3 =	vperm.xlane v3, v2;
	_ =	sdelay $0x1  }
0x89: {  	s5 =	simm.s32 $0x9200;
	v3 =	vadd.s32 v1, v3  }
0x8a: {  	[tilespmem:s5], [sflag:$0x1] =	stream.indirect_vreg.gather [hbm4b:s3+s2], $0x80, v4, vm0, $0xb8;
	[tilespmem:$0x1FA00] =	vst v63  }
0x8b: {  	s9 =	simm.s32 $0x9A00  }
0x8c: {  	[tilespmem:s9], [sflag:$0x1] =	stream.indirect_vreg.gather [hbm4b:s6+s2], $0x80, v4, vm1, $0xb8;
	[tilespmem:$0x1FA00] =	vst v63  }
0x8d: {  	s11 =	simm.s32 $0x9E00  }
0x8e: {  	[tilespmem:s11], [sflag:$0x1] =	stream.indirect_vreg.gather [hbm4b:s3+s2], $0x80, v3, vm0, $0xb8;
	[tilespmem:$0x1FA00] =	vst v63  }
0x8f: {  	s5 =	simm.s32 $0xA600  }
0x90: {  	[tilespmem:s5], [sflag:$0x1] =	stream.indirect_vreg.gather [hbm4b:s6+s2], $0x80, v3, vm1, $0xb8;
	[tilespmem:$0x1FA00] =	vst v63  }
0x91: {  	v3 =	vld [tilespmem:$0x70];
	_ =	sdelay $0x4  }
0x92: {  	v60 =	vshrl.u32 v3, $0x3  }
0x93: {  	v4 =	vmul.u32 $0x18, v60  }
0x94: {  	v3 =	vand.u32 $0x7, v3  }
0x95: {  	v3 =	vor.u32 v3, v4  }
0x96: {  	v4 =	vperm.xlane v3, v0;
	_ =	sdelay $0x1  }
0x97: {  	v4 =	vadd.s32 v1, v4;
	_ =	sdelay $0x1  }
0x98: {  	v3 =	vperm.xlane v3, v2;
	_ =	sdelay $0x1  }
0x99: {  	s9 =	simm.s32 $0xAA00;
	v3 =	vadd.s32 v1, v3  }
0x9a: {  	[tilespmem:s9], [sflag:$0x1] =	stream.indirect_vreg.gather [hbm4b:s3+s2], $0x80, v4, vm0, $0xb8;
	[tilespmem:$0x1FA00] =	vst v63  }
0x9b: {  	s11 =	simm.s32 $0xB200  }
0x9c: {  	[tilespmem:s11], [sflag:$0x1] =	stream.indirect_vreg.gather [hbm4b:s6+s2], $0x80, v4, vm1, $0xb8;
	[tilespmem:$0x1FA00] =	vst v63  }
0x9d: {  	s5 =	simm.s32 $0xB600  }
0x9e: {  	[tilespmem:s5], [sflag:$0x1] =	stream.indirect_vreg.gather [hbm4b:s3+s2], $0x80, v3, vm0, $0xb8;
	[tilespmem:$0x1FA00] =	vst v63  }
0x9f: {  	s9 =	simm.s32 $0xBE00  }
0xa0: {  	[tilespmem:s9], [sflag:$0x1] =	stream.indirect_vreg.gather [hbm4b:s6+s2], $0x80, v3, vm1, $0xb8;
	[tilespmem:$0x1FA00] =	vst v63  }
0xa1: {  	v3 =	vld [tilespmem:$0x80];
	_ =	sdelay $0x4  }
0xa2: {  	v61 =	vshrl.u32 v3, $0x3  }
0xa3: {  	v4 =	vmul.u32 $0x18, v61  }
0xa4: {  	v3 =	vand.u32 $0x7, v3  }
0xa5: {  	v3 =	vor.u32 v3, v4  }
0xa6: {  	v4 =	vperm.xlane v3, v0;
	_ =	sdelay $0x1  }
0xa7: {  	v4 =	vadd.s32 v1, v4;
	_ =	sdelay $0x1  }
0xa8: {  	v3 =	vperm.xlane v3, v2;
	_ =	sdelay $0x1  }
0xa9: {  	s11 =	simm.s32 $0xC200;
	v3 =	vadd.s32 v1, v3  }
0xaa: {  	[tilespmem:s11], [sflag:$0x1] =	stream.indirect_vreg.gather [hbm4b:s3+s2], $0x80, v4, vm0, $0xb8;
	[tilespmem:$0x1FA00] =	vst v63  }
0xab: {  	s5 =	simm.s32 $0xCA00  }
0xac: {  	[tilespmem:s5], [sflag:$0x1] =	stream.indirect_vreg.gather [hbm4b:s6+s2], $0x80, v4, vm1, $0xb8;
	[tilespmem:$0x1FA00] =	vst v63  }
0xad: {  	s9 =	simm.s32 $0xCE00  }
0xae: {  	[tilespmem:s9], [sflag:$0x1] =	stream.indirect_vreg.gather [hbm4b:s3+s2], $0x80, v3, vm0, $0xb8;
	[tilespmem:$0x1FA00] =	vst v63  }
0xaf: {  	s11 =	simm.s32 $0xD600  }
0xb0: {  	[tilespmem:s11], [sflag:$0x1] =	stream.indirect_vreg.gather [hbm4b:s6+s2], $0x80, v3, vm1, $0xb8;
	[tilespmem:$0x1FA00] =	vst v63  }
0xb1: {  	v3 =	vld [tilespmem:$0x90];
	_ =	sdelay $0x4  }
0xb2: {  	v62 =	vshrl.u32 v3, $0x3  }
0xb3: {  	v4 =	vmul.u32 $0x18, v62  }
0xb4: {  	v3 =	vand.u32 $0x7, v3  }
0xb5: {  	v3 =	vor.u32 v3, v4  }
0xb6: {  	v4 =	vperm.xlane v3, v0;
	_ =	sdelay $0x1  }
0xb7: {  	v4 =	vadd.s32 v1, v4;
	_ =	sdelay $0x1  }
0xb8: {  	v3 =	vperm.xlane v3, v2;
	_ =	sdelay $0x1  }
0xb9: {  	s5 =	simm.s32 $0xDA00;
	v3 =	vadd.s32 v1, v3  }
0xba: {  	[tilespmem:s5], [sflag:$0x1] =	stream.indirect_vreg.gather [hbm4b:s3+s2], $0x80, v4, vm0, $0xb8;
	[tilespmem:$0x1FA00] =	vst v63  }
0xbb: {  	s9 =	simm.s32 $0xE200  }
0xbc: {  	[tilespmem:s9], [sflag:$0x1] =	stream.indirect_vreg.gather [hbm4b:s6+s2], $0x80, v4, vm1, $0xb8;
	[tilespmem:$0x1FA00] =	vst v63  }
0xbd: {  	s11 =	simm.s32 $0xE600  }
0xbe: {  	[tilespmem:s11], [sflag:$0x1] =	stream.indirect_vreg.gather [hbm4b:s3+s2], $0x80, v3, vm0, $0xb8;
	[tilespmem:$0x1FA00] =	vst v63  }
0xbf: {  	s5 =	simm.s32 $0xEE00  }
0xc0: {  	[tilespmem:s5], [sflag:$0x1] =	stream.indirect_vreg.gather [hbm4b:s6+s2], $0x80, v3, vm1, $0xb8;
	[tilespmem:$0x1FA00] =	vst v63  }
0xc1: {  	v3 =	vld.msk [tilespmem:$0xA0], $0xff;
	_ =	sdelay $0x4  }
0xc2: {  	v63 =	vshrl.u32 v3, $0x3  }
0xc3: {  	v4 =	vmul.u32 $0x18, v63  }
0xc4: {  	v3 =	vand.u32 $0x7, v3  }
0xc5: {  	v3 =	vor.u32 v3, v4  }
0xc6: {  	v3 =	vperm.xlane v3, v0;
	_ =	sdelay $0x1  }
0xc7: {  	v3 =	vadd.s32 v1, v3;
	_ =	sdelay $0x2  }
.Ltmp2:
0xc8: {  	_ = 	snop;
	(pc) =	sbr.rel .LBB2_2-.Ltmp2, $4  }
0xc9: {  	s4 =	rddreg [dreg:$0x6];
	s9 =	simm.s32 $0xF200  }
0xca: {  	[tilespmem:s9], [sflag:$0x1] =	stream.indirect_vreg.gather [hbm4b:s3+s2], $0x80, v3, vm0, $0xb8;
	[tilespmem:$0x1FA00] =	vst v63  }
0xcb: {  	s11 =	simm.s32 $0xFA00;
	s5 =	rddreg [dreg:$0x5];
	s9 =	simm.s32 $0x0  }
0xcc: {  	[tilespmem:s11], [sflag:$0x1] =	stream.indirect_vreg.gather [hbm4b:s6+s2], $0x80, v3, vm1, $0xb8;
	[tilespmem:$0x1FA00] =	vst v63  }
.LBB2_4:
0xcd: {  	s11 =	sadd.s32 s9, s10;
	s9 =	sadd.s32 $0x3F00, s9  }
0xce: {  	p0 =	sne.s32 s9, $0x3F000  }
.Ltmp3:
0xcf: {  	_ = 	snop;
	(pc) =	sbr.rel @!p0 .LBB2_5-.Ltmp3, $4  }
0xd0: {  	[hbm4b:s11+s2] =	stream.linear.scatter [tilespmem:s7], [sflag:$0x3], $0xFC00, $0x38;
	[tilespmem:$0x1FA00] =	vst v63  }
0xd1: {  	_ =	swait.ge [sflag:s12], $0xFC00  }
0xd2: {  	[sflag:s12] =	ssyncset.done $0x0  }
0xd3: {  	s5 =	sadd.s32 $0x150, s5;
	s4 =	sadd.s32 $0x2A, s4;
	[sflag:s12] =	ssyncadd.s32 $0xFFFF0400  }
.LBB2_2:
0xd4: {  	_ =	swait.ge [sflag:s1], $0xFC00  }
0xd5: {  	[sflag:s1] =	ssyncset.done $0x0  }
0xd6: {  	[sflag:s1] =	ssyncadd.s32 $0xFFFF0400  }
0xd7: {  	[tilespmem:s14], [sflag:$0x3] =	stream.linear.gather [hbm4b:s4+s2], $0xA8, $0x38;
	[tilespmem:$0x1FA00] =	vst v63  }
0xd8: {  	_ =	swait.ge [sflag:s12], $0xA8  }
0xd9: {  	[sflag:s12] =	ssyncset.done $0x0  }
0xda: {  	[sflag:s12] =	ssyncadd.s32 $0xFFFFFF58  }
0xdb: {  	v3 =	vld [tilespmem:$0x100];
	_ =	sdelay $0x4  }
0xdc: {  	v4 =	vshrl.u32 v3, $0x3  }
0xdd: {  	v4 =	vmul.u32 $0x18, v4  }
0xde: {  	v3 =	vand.u32 $0x7, v3  }
0xdf: {  	v3 =	vor.u32 v3, v4  }
0xe0: {  	v4 =	vperm.xlane v3, v0;
	_ =	sdelay $0x1  }
0xe1: {  	v4 =	vadd.s32 v1, v4;
	_ =	sdelay $0x1  }
0xe2: {  	v3 =	vperm.xlane v3, v2;
	_ =	sdelay $0x1  }
0xe3: {  	v3 =	vadd.s32 v1, v3  }
0xe4: {  	[tilespmem:s7], [sflag:$0x2] =	stream.indirect_vreg.gather [hbm4b:s3+s2], $0x80, v4, vm0, $0xb8;
	[tilespmem:$0x1FA00] =	vst v63  }
0xe5: {  	s11 =	simm.s32 $0x10600  }
0xe6: {  	[tilespmem:s11], [sflag:$0x2] =	stream.indirect_vreg.gather [hbm4b:s6+s2], $0x80, v4, vm1, $0xb8;
	[tilespmem:$0x1FA00] =	vst v63  }
0xe7: {  	s11 =	simm.s32 $0x10A00  }
0xe8: {  	[tilespmem:s11], [sflag:$0x2] =	stream.indirect_vreg.gather [hbm4b:s3+s2], $0x80, v3, vm0, $0xb8;
	[tilespmem:$0x1FA00] =	vst v63  }
0xe9: {  	s11 =	simm.s32 $0x11200  }
0xea: {  	[tilespmem:s11], [sflag:$0x2] =	stream.indirect_vreg.gather [hbm4b:s6+s2], $0x80, v3, vm1, $0xb8;
	[tilespmem:$0x1FA00] =	vst v63  }
0xeb: {  	v3 =	vld [tilespmem:$0x110];
	_ =	sdelay $0x4  }
0xec: {  	v54 =	vshrl.u32 v3, $0x3  }
0xed: {  	v4 =	vmul.u32 $0x18, v54  }
0xee: {  	v3 =	vand.u32 $0x7, v3  }
0xef: {  	v3 =	vor.u32 v3, v4  }
0xf0: {  	v4 =	vperm.xlane v3, v0;
	_ =	sdelay $0x1  }
0xf1: {  	v4 =	vadd.s32 v1, v4;
	_ =	sdelay $0x1  }
0xf2: {  	v3 =	vperm.xlane v3, v2;
	_ =	sdelay $0x1  }
0xf3: {  	s11 =	simm.s32 $0x11600;
	v3 =	vadd.s32 v1, v3  }
0xf4: {  	[tilespmem:s11], [sflag:$0x2] =	stream.indirect_vreg.gather [hbm4b:s3+s2], $0x80, v4, vm0, $0xb8;
	[tilespmem:$0x1FA00] =	vst v63  }
0xf5: {  	s11 =	simm.s32 $0x11E00  }
0xf6: {  	[tilespmem:s11], [sflag:$0x2] =	stream.indirect_vreg.gather [hbm4b:s6+s2], $0x80, v4, vm1, $0xb8;
	[tilespmem:$0x1FA00] =	vst v63  }
0xf7: {  	s11 =	simm.s32 $0x12200  }
0xf8: {  	[tilespmem:s11], [sflag:$0x2] =	stream.indirect_vreg.gather [hbm4b:s3+s2], $0x80, v3, vm0, $0xb8;
	[tilespmem:$0x1FA00] =	vst v63  }
0xf9: {  	s11 =	simm.s32 $0x12A00  }
0xfa: {  	[tilespmem:s11], [sflag:$0x2] =	stream.indirect_vreg.gather [hbm4b:s6+s2], $0x80, v3, vm1, $0xb8;
	[tilespmem:$0x1FA00] =	vst v63  }
0xfb: {  	v3 =	vld [tilespmem:$0x120];
	_ =	sdelay $0x4  }
0xfc: {  	v55 =	vshrl.u32 v3, $0x3  }
0xfd: {  	v4 =	vmul.u32 $0x18, v55  }
0xfe: {  	v3 =	vand.u32 $0x7, v3  }
0xff: {  	v3 =	vor.u32 v3, v4  }
0x100: {  	v4 =	vperm.xlane v3, v0;
	_ =	sdelay $0x1  }
0x101: {  	v4 =	vadd.s32 v1, v4;
	_ =	sdelay $0x1  }
0x102: {  	v3 =	vperm.xlane v3, v2;
	_ =	sdelay $0x1  }
0x103: {  	s11 =	simm.s32 $0x12E00;
	v3 =	vadd.s32 v1, v3  }
0x104: {  	[tilespmem:s11], [sflag:$0x2] =	stream.indirect_vreg.gather [hbm4b:s3+s2], $0x80, v4, vm0, $0xb8;
	[tilespmem:$0x1FA00] =	vst v63  }
0x105: {  	s11 =	simm.s32 $0x13600  }
0x106: {  	[tilespmem:s11], [sflag:$0x2] =	stream.indirect_vreg.gather [hbm4b:s6+s2], $0x80, v4, vm1, $0xb8;
	[tilespmem:$0x1FA00] =	vst v63  }
0x107: {  	s11 =	simm.s32 $0x13A00  }
0x108: {  	[tilespmem:s11], [sflag:$0x2] =	stream.indirect_vreg.gather [hbm4b:s3+s2], $0x80, v3, vm0, $0xb8;
	[tilespmem:$0x1FA00] =	vst v63  }
0x109: {  	s11 =	simm.s32 $0x14200  }
0x10a: {  	[tilespmem:s11], [sflag:$0x2] =	stream.indirect_vreg.gather [hbm4b:s6+s2], $0x80, v3, vm1, $0xb8;
	[tilespmem:$0x1FA00] =	vst v63  }
0x10b: {  	v3 =	vld [tilespmem:$0x130];
	_ =	sdelay $0x4  }
0x10c: {  	v56 =	vshrl.u32 v3, $0x3  }
0x10d: {  	v4 =	vmul.u32 $0x18, v56  }
0x10e: {  	v3 =	vand.u32 $0x7, v3  }
0x10f: {  	v3 =	vor.u32 v3, v4  }
0x110: {  	v4 =	vperm.xlane v3, v0;
	_ =	sdelay $0x1  }
0x111: {  	v4 =	vadd.s32 v1, v4;
	_ =	sdelay $0x1  }
0x112: {  	v3 =	vperm.xlane v3, v2;
	_ =	sdelay $0x1  }
0x113: {  	s11 =	simm.s32 $0x14600;
	v3 =	vadd.s32 v1, v3  }
0x114: {  	[tilespmem:s11], [sflag:$0x2] =	stream.indirect_vreg.gather [hbm4b:s3+s2], $0x80, v4, vm0, $0xb8;
	[tilespmem:$0x1FA00] =	vst v63  }
0x115: {  	s11 =	simm.s32 $0x14E00  }
0x116: {  	[tilespmem:s11], [sflag:$0x2] =	stream.indirect_vreg.gather [hbm4b:s6+s2], $0x80, v4, vm1, $0xb8;
	[tilespmem:$0x1FA00] =	vst v63  }
0x117: {  	s11 =	simm.s32 $0x15200  }
0x118: {  	[tilespmem:s11], [sflag:$0x2] =	stream.indirect_vreg.gather [hbm4b:s3+s2], $0x80, v3, vm0, $0xb8;
	[tilespmem:$0x1FA00] =	vst v63  }
0x119: {  	s11 =	simm.s32 $0x15A00  }
0x11a: {  	[tilespmem:s11], [sflag:$0x2] =	stream.indirect_vreg.gather [hbm4b:s6+s2], $0x80, v3, vm1, $0xb8;
	[tilespmem:$0x1FA00] =	vst v63  }
0x11b: {  	v3 =	vld [tilespmem:$0x140];
	_ =	sdelay $0x4  }
0x11c: {  	v57 =	vshrl.u32 v3, $0x3  }
0x11d: {  	v4 =	vmul.u32 $0x18, v57  }
0x11e: {  	v3 =	vand.u32 $0x7, v3  }
0x11f: {  	v3 =	vor.u32 v3, v4  }
0x120: {  	v4 =	vperm.xlane v3, v0;
	_ =	sdelay $0x1  }
0x121: {  	v4 =	vadd.s32 v1, v4;
	_ =	sdelay $0x1  }
0x122: {  	v3 =	vperm.xlane v3, v2;
	_ =	sdelay $0x1  }
0x123: {  	s11 =	simm.s32 $0x15E00;
	v3 =	vadd.s32 v1, v3  }
0x124: {  	[tilespmem:s11], [sflag:$0x2] =	stream.indirect_vreg.gather [hbm4b:s3+s2], $0x80, v4, vm0, $0xb8;
	[tilespmem:$0x1FA00] =	vst v63  }
0x125: {  	s11 =	simm.s32 $0x16600  }
0x126: {  	[tilespmem:s11], [sflag:$0x2] =	stream.indirect_vreg.gather [hbm4b:s6+s2], $0x80, v4, vm1, $0xb8;
	[tilespmem:$0x1FA00] =	vst v63  }
0x127: {  	s11 =	simm.s32 $0x16A00  }
0x128: {  	[tilespmem:s11], [sflag:$0x2] =	stream.indirect_vreg.gather [hbm4b:s3+s2], $0x80, v3, vm0, $0xb8;
	[tilespmem:$0x1FA00] =	vst v63  }
0x129: {  	s11 =	simm.s32 $0x17200  }
0x12a: {  	[tilespmem:s11], [sflag:$0x2] =	stream.indirect_vreg.gather [hbm4b:s6+s2], $0x80, v3, vm1, $0xb8;
	[tilespmem:$0x1FA00] =	vst v63  }
0x12b: {  	v3 =	vld [tilespmem:$0x150];
	_ =	sdelay $0x4  }
0x12c: {  	v58 =	vshrl.u32 v3, $0x3  }
0x12d: {  	v4 =	vmul.u32 $0x18, v58  }
0x12e: {  	v3 =	vand.u32 $0x7, v3  }
0x12f: {  	v3 =	vor.u32 v3, v4  }
0x130: {  	v4 =	vperm.xlane v3, v0;
	_ =	sdelay $0x1  }
0x131: {  	v4 =	vadd.s32 v1, v4;
	_ =	sdelay $0x1  }
0x132: {  	v3 =	vperm.xlane v3, v2;
	_ =	sdelay $0x1  }
0x133: {  	s11 =	simm.s32 $0x17600;
	v3 =	vadd.s32 v1, v3  }
0x134: {  	[tilespmem:s11], [sflag:$0x2] =	stream.indirect_vreg.gather [hbm4b:s3+s2], $0x80, v4, vm0, $0xb8;
	[tilespmem:$0x1FA00] =	vst v63  }
0x135: {  	s11 =	simm.s32 $0x17E00  }
0x136: {  	[tilespmem:s11], [sflag:$0x2] =	stream.indirect_vreg.gather [hbm4b:s6+s2], $0x80, v4, vm1, $0xb8;
	[tilespmem:$0x1FA00] =	vst v63  }
0x137: {  	s11 =	simm.s32 $0x18200  }
0x138: {  	[tilespmem:s11], [sflag:$0x2] =	stream.indirect_vreg.gather [hbm4b:s3+s2], $0x80, v3, vm0, $0xb8;
	[tilespmem:$0x1FA00] =	vst v63  }
0x139: {  	s11 =	simm.s32 $0x18A00  }
0x13a: {  	[tilespmem:s11], [sflag:$0x2] =	stream.indirect_vreg.gather [hbm4b:s6+s2], $0x80, v3, vm1, $0xb8;
	[tilespmem:$0x1FA00] =	vst v63  }
0x13b: {  	v3 =	vld [tilespmem:$0x160];
	_ =	sdelay $0x4  }
0x13c: {  	v59 =	vshrl.u32 v3, $0x3  }
0x13d: {  	v4 =	vmul.u32 $0x18, v59  }
0x13e: {  	v3 =	vand.u32 $0x7, v3  }
0x13f: {  	v3 =	vor.u32 v3, v4  }
0x140: {  	v4 =	vperm.xlane v3, v0;
	_ =	sdelay $0x1  }
0x141: {  	v4 =	vadd.s32 v1, v4;
	_ =	sdelay $0x1  }
0x142: {  	v3 =	vperm.xlane v3, v2;
	_ =	sdelay $0x1  }
0x143: {  	s11 =	simm.s32 $0x18E00;
	v3 =	vadd.s32 v1, v3  }
0x144: {  	[tilespmem:s11], [sflag:$0x2] =	stream.indirect_vreg.gather [hbm4b:s3+s2], $0x80, v4, vm0, $0xb8;
	[tilespmem:$0x1FA00] =	vst v63  }
0x145: {  	s11 =	simm.s32 $0x19600  }
0x146: {  	[tilespmem:s11], [sflag:$0x2] =	stream.indirect_vreg.gather [hbm4b:s6+s2], $0x80, v4, vm1, $0xb8;
	[tilespmem:$0x1FA00] =	vst v63  }
0x147: {  	_ = 	snop  }
0x148: {  	[tilespmem:s15], [sflag:$0x2] =	stream.indirect_vreg.gather [hbm4b:s3+s2], $0x80, v3, vm0, $0xb8;
	[tilespmem:$0x1FA00] =	vst v63  }
0x149: {  	_ = 	snop  }
0x14a: {  	[tilespmem:s16], [sflag:$0x2] =	stream.indirect_vreg.gather [hbm4b:s6+s2], $0x80, v3, vm1, $0xb8;
	[tilespmem:$0x1FA00] =	vst v63  }
0x14b: {  	v3 =	vld [tilespmem:$0x170];
	_ =	sdelay $0x4  }
0x14c: {  	v60 =	vshrl.u32 v3, $0x3  }
0x14d: {  	v4 =	vmul.u32 $0x18, v60  }
0x14e: {  	v3 =	vand.u32 $0x7, v3  }
0x14f: {  	v3 =	vor.u32 v3, v4  }
0x150: {  	v4 =	vperm.xlane v3, v0;
	_ =	sdelay $0x1  }
0x151: {  	v4 =	vadd.s32 v1, v4;
	_ =	sdelay $0x1  }
0x152: {  	v3 =	vperm.xlane v3, v2;
	_ =	sdelay $0x1  }
0x153: {  	v3 =	vadd.s32 v1, v3  }
0x154: {  	[tilespmem:s17], [sflag:$0x2] =	stream.indirect_vreg.gather [hbm4b:s3+s2], $0x80, v4, vm0, $0xb8;
	[tilespmem:$0x1FA00] =	vst v63  }
0x155: {  	_ = 	snop  }
0x156: {  	[tilespmem:s18], [sflag:$0x2] =	stream.indirect_vreg.gather [hbm4b:s6+s2], $0x80, v4, vm1, $0xb8;
	[tilespmem:$0x1FA00] =	vst v63  }
0x157: {  	_ = 	snop  }
0x158: {  	[tilespmem:s19], [sflag:$0x2] =	stream.indirect_vreg.gather [hbm4b:s3+s2], $0x80, v3, vm0, $0xb8;
	[tilespmem:$0x1FA00] =	vst v63  }
0x159: {  	_ = 	snop  }
0x15a: {  	[tilespmem:s20], [sflag:$0x2] =	stream.indirect_vreg.gather [hbm4b:s6+s2], $0x80, v3, vm1, $0xb8;
	[tilespmem:$0x1FA00] =	vst v63  }
0x15b: {  	v3 =	vld [tilespmem:$0x180];
	_ =	sdelay $0x4  }
0x15c: {  	v61 =	vshrl.u32 v3, $0x3  }
0x15d: {  	v4 =	vmul.u32 $0x18, v61  }
0x15e: {  	v3 =	vand.u32 $0x7, v3  }
0x15f: {  	v3 =	vor.u32 v3, v4  }
0x160: {  	v4 =	vperm.xlane v3, v0;
	_ =	sdelay $0x1  }
0x161: {  	v4 =	vadd.s32 v1, v4;
	_ =	sdelay $0x1  }
0x162: {  	v3 =	vperm.xlane v3, v2;
	_ =	sdelay $0x1  }
0x163: {  	v3 =	vadd.s32 v1, v3  }
0x164: {  	[tilespmem:s21], [sflag:$0x2] =	stream.indirect_vreg.gather [hbm4b:s3+s2], $0x80, v4, vm0, $0xb8;
	[tilespmem:$0x1FA00] =	vst v63  }
0x165: {  	_ = 	snop  }
0x166: {  	[tilespmem:s22], [sflag:$0x2] =	stream.indirect_vreg.gather [hbm4b:s6+s2], $0x80, v4, vm1, $0xb8;
	[tilespmem:$0x1FA00] =	vst v63  }
0x167: {  	_ = 	snop  }
0x168: {  	[tilespmem:s23], [sflag:$0x2] =	stream.indirect_vreg.gather [hbm4b:s3+s2], $0x80, v3, vm0, $0xb8;
	[tilespmem:$0x1FA00] =	vst v63  }
0x169: {  	_ = 	snop  }
0x16a: {  	[tilespmem:s24], [sflag:$0x2] =	stream.indirect_vreg.gather [hbm4b:s6+s2], $0x80, v3, vm1, $0xb8;
	[tilespmem:$0x1FA00] =	vst v63  }
0x16b: {  	v3 =	vld [tilespmem:$0x190];
	_ =	sdelay $0x4  }
0x16c: {  	v62 =	vshrl.u32 v3, $0x3  }
0x16d: {  	v4 =	vmul.u32 $0x18, v62  }
0x16e: {  	v3 =	vand.u32 $0x7, v3  }
0x16f: {  	v3 =	vor.u32 v3, v4  }
0x170: {  	v4 =	vperm.xlane v3, v0;
	_ =	sdelay $0x1  }
0x171: {  	v4 =	vadd.s32 v1, v4;
	_ =	sdelay $0x1  }
0x172: {  	v3 =	vperm.xlane v3, v2;
	_ =	sdelay $0x1  }
0x173: {  	v3 =	vadd.s32 v1, v3  }
0x174: {  	[tilespmem:s25], [sflag:$0x2] =	stream.indirect_vreg.gather [hbm4b:s3+s2], $0x80, v4, vm0, $0xb8;
	[tilespmem:$0x1FA00] =	vst v63  }
0x175: {  	_ = 	snop  }
0x176: {  	[tilespmem:s26], [sflag:$0x2] =	stream.indirect_vreg.gather [hbm4b:s6+s2], $0x80, v4, vm1, $0xb8;
	[tilespmem:$0x1FA00] =	vst v63  }
0x177: {  	_ = 	snop  }
0x178: {  	[tilespmem:s28], [sflag:$0x2] =	stream.indirect_vreg.gather [hbm4b:s3+s2], $0x80, v3, vm0, $0xb8;
	[tilespmem:$0x1FA00] =	vst v63  }
0x179: {  	_ = 	snop  }
0x17a: {  	[tilespmem:s29], [sflag:$0x2] =	stream.indirect_vreg.gather [hbm4b:s6+s2], $0x80, v3, vm1, $0xb8;
	[tilespmem:$0x1FA00] =	vst v63  }
0x17b: {  	v3 =	vld.msk [tilespmem:$0x1A0], $0xff;
	_ =	sdelay $0x4  }
0x17c: {  	v63 =	vshrl.u32 v3, $0x3  }
0x17d: {  	v4 =	vmul.u32 $0x18, v63  }
0x17e: {  	v3 =	vand.u32 $0x7, v3  }
0x17f: {  	v3 =	vor.u32 v3, v4  }
0x180: {  	v3 =	vperm.xlane v3, v0;
	_ =	sdelay $0x1  }
0x181: {  	v3 =	vadd.s32 v1, v3;
	_ =	sdelay $0x4  }
0x182: {  	[tilespmem:s30], [sflag:$0x2] =	stream.indirect_vreg.gather [hbm4b:s3+s2], $0x80, v3, vm0, $0xb8;
	[tilespmem:$0x1FA00] =	vst v63  }
0x183: {  	_ = 	snop  }
0x184: {  	[tilespmem:s31], [sflag:$0x2] =	stream.indirect_vreg.gather [hbm4b:s6+s2], $0x80, v3, vm1, $0xb8;
	[tilespmem:$0x1FA00] =	vst v63  }
0x185: {  	s11 =	sadd.s32 s9, s8  }
0x186: {  	[hbm4b:s11+s2] =	stream.linear.scatter [tilespmem:s13], [sflag:$0x3], $0xFC00, $0x38;
	[tilespmem:$0x1FA00] =	vst v63  }
0x187: {  	p0 =	seq.s32 s9, $0x3B100;
	_ =	swait.ge [sflag:s12], $0xFC00  }
.Ltmp4:
0x188: {  	[sflag:s12] =	ssyncset.done $0x0;
	(pc) =	sbr.rel @p0 .LBB2_4-.Ltmp4, $4  }
0x189: {  	[sflag:s12] =	ssyncadd.s32 $0xFFFF0400  }
0x18a: {  	_ =	swait.ge [sflag:s0], $0xFC00  }
0x18b: {  	[sflag:s0] =	ssyncset.done $0x0  }
0x18c: {  	[sflag:s0] =	ssyncadd.s32 $0xFFFF0400  }
0x18d: {  	s11 =	sshrl.u32 s5, $0x3;
	s14 =	rddreg [dreg:$0x2]  }
0x18e: {  	s11 =	sadd.s32 s14, s11  }
0x18f: {  	[tilespmem:s2], [sflag:$0x3] =	stream.linear.gather [hbm4b:s11+s2], $0xA8, $0x38;
	[tilespmem:$0x1FA00] =	vst v63  }
0x190: {  	_ =	swait.ge [sflag:s12], $0xA8  }
0x191: {  	[sflag:s12] =	ssyncset.done $0x0  }
0x192: {  	[sflag:s12] =	ssyncadd.s32 $0xFFFFFF58  }
0x193: {  	v3 =	vld [tilespmem:$0x0];
	_ =	sdelay $0x4  }
0x194: {  	v4 =	vshrl.u32 v3, $0x3  }
0x195: {  	v4 =	vmul.u32 $0x18, v4  }
0x196: {  	v3 =	vand.u32 $0x7, v3  }
0x197: {  	v3 =	vor.u32 v3, v4  }
0x198: {  	v4 =	vperm.xlane v3, v0;
	_ =	sdelay $0x1  }
0x199: {  	v4 =	vadd.s32 v1, v4;
	_ =	sdelay $0x1  }
0x19a: {  	v3 =	vperm.xlane v3, v2;
	_ =	sdelay $0x1  }
0x19b: {  	v3 =	vadd.s32 v1, v3  }
0x19c: {  	[tilespmem:s13], [sflag:$0x1] =	stream.indirect_vreg.gather [hbm4b:s3+s2], $0x80, v4, vm0, $0xb8;
	[tilespmem:$0x1FA00] =	vst v63  }
0x19d: {  	s11 =	simm.s32 $0xA00  }
0x19e: {  	[tilespmem:s11], [sflag:$0x1] =	stream.indirect_vreg.gather [hbm4b:s6+s2], $0x80, v4, vm1, $0xb8;
	[tilespmem:$0x1FA00] =	vst v63  }
0x19f: {  	s11 =	simm.s32 $0xE00  }
0x1a0: {  	[tilespmem:s11], [sflag:$0x1] =	stream.indirect_vreg.gather [hbm4b:s3+s2], $0x80, v3, vm0, $0xb8;
	[tilespmem:$0x1FA00] =	vst v63  }
0x1a1: {  	s11 =	simm.s32 $0x1600  }
0x1a2: {  	[tilespmem:s11], [sflag:$0x1] =	stream.indirect_vreg.gather [hbm4b:s6+s2], $0x80, v3, vm1, $0xb8;
	[tilespmem:$0x1FA00] =	vst v63  }
0x1a3: {  	v3 =	vld [tilespmem:$0x10];
	_ =	sdelay $0x4  }
0x1a4: {  	v54 =	vshrl.u32 v3, $0x3  }
0x1a5: {  	v4 =	vmul.u32 $0x18, v54  }
0x1a6: {  	v3 =	vand.u32 $0x7, v3  }
0x1a7: {  	v3 =	vor.u32 v3, v4  }
0x1a8: {  	v4 =	vperm.xlane v3, v0;
	_ =	sdelay $0x1  }
0x1a9: {  	v4 =	vadd.s32 v1, v4;
	_ =	sdelay $0x1  }
0x1aa: {  	v3 =	vperm.xlane v3, v2;
	_ =	sdelay $0x1  }
0x1ab: {  	s11 =	simm.s32 $0x1A00;
	v3 =	vadd.s32 v1, v3  }
0x1ac: {  	[tilespmem:s11], [sflag:$0x1] =	stream.indirect_vreg.gather [hbm4b:s3+s2], $0x80, v4, vm0, $0xb8;
	[tilespmem:$0x1FA00] =	vst v63  }
0x1ad: {  	s11 =	simm.s32 $0x2200  }
0x1ae: {  	[tilespmem:s11], [sflag:$0x1] =	stream.indirect_vreg.gather [hbm4b:s6+s2], $0x80, v4, vm1, $0xb8;
	[tilespmem:$0x1FA00] =	vst v63  }
0x1af: {  	s11 =	simm.s32 $0x2600  }
0x1b0: {  	[tilespmem:s11], [sflag:$0x1] =	stream.indirect_vreg.gather [hbm4b:s3+s2], $0x80, v3, vm0, $0xb8;
	[tilespmem:$0x1FA00] =	vst v63  }
0x1b1: {  	s11 =	simm.s32 $0x2E00  }
0x1b2: {  	[tilespmem:s11], [sflag:$0x1] =	stream.indirect_vreg.gather [hbm4b:s6+s2], $0x80, v3, vm1, $0xb8;
	[tilespmem:$0x1FA00] =	vst v63  }
0x1b3: {  	v3 =	vld [tilespmem:$0x20];
	_ =	sdelay $0x4  }
0x1b4: {  	v55 =	vshrl.u32 v3, $0x3  }
0x1b5: {  	v4 =	vmul.u32 $0x18, v55  }
0x1b6: {  	v3 =	vand.u32 $0x7, v3  }
0x1b7: {  	v3 =	vor.u32 v3, v4  }
0x1b8: {  	v4 =	vperm.xlane v3, v0;
	_ =	sdelay $0x1  }
0x1b9: {  	v4 =	vadd.s32 v1, v4;
	_ =	sdelay $0x1  }
0x1ba: {  	v3 =	vperm.xlane v3, v2;
	_ =	sdelay $0x1  }
0x1bb: {  	s11 =	simm.s32 $0x3200;
	v3 =	vadd.s32 v1, v3  }
0x1bc: {  	[tilespmem:s11], [sflag:$0x1] =	stream.indirect_vreg.gather [hbm4b:s3+s2], $0x80, v4, vm0, $0xb8;
	[tilespmem:$0x1FA00] =	vst v63  }
0x1bd: {  	s11 =	simm.s32 $0x3A00  }
0x1be: {  	[tilespmem:s11], [sflag:$0x1] =	stream.indirect_vreg.gather [hbm4b:s6+s2], $0x80, v4, vm1, $0xb8;
	[tilespmem:$0x1FA00] =	vst v63  }
0x1bf: {  	s11 =	simm.s32 $0x3E00  }
0x1c0: {  	[tilespmem:s11], [sflag:$0x1] =	stream.indirect_vreg.gather [hbm4b:s3+s2], $0x80, v3, vm0, $0xb8;
	[tilespmem:$0x1FA00] =	vst v63  }
0x1c1: {  	s11 =	simm.s32 $0x4600  }
0x1c2: {  	[tilespmem:s11], [sflag:$0x1] =	stream.indirect_vreg.gather [hbm4b:s6+s2], $0x80, v3, vm1, $0xb8;
	[tilespmem:$0x1FA00] =	vst v63  }
0x1c3: {  	v3 =	vld [tilespmem:$0x30];
	_ =	sdelay $0x4  }
0x1c4: {  	v56 =	vshrl.u32 v3, $0x3  }
0x1c5: {  	v4 =	vmul.u32 $0x18, v56  }
0x1c6: {  	v3 =	vand.u32 $0x7, v3  }
0x1c7: {  	v3 =	vor.u32 v3, v4  }
0x1c8: {  	v4 =	vperm.xlane v3, v0;
	_ =	sdelay $0x1  }
0x1c9: {  	v4 =	vadd.s32 v1, v4;
	_ =	sdelay $0x1  }
0x1ca: {  	v3 =	vperm.xlane v3, v2;
	_ =	sdelay $0x1  }
0x1cb: {  	s11 =	simm.s32 $0x4A00;
	v3 =	vadd.s32 v1, v3  }
0x1cc: {  	[tilespmem:s11], [sflag:$0x1] =	stream.indirect_vreg.gather [hbm4b:s3+s2], $0x80, v4, vm0, $0xb8;
	[tilespmem:$0x1FA00] =	vst v63  }
0x1cd: {  	s11 =	simm.s32 $0x5200  }
0x1ce: {  	[tilespmem:s11], [sflag:$0x1] =	stream.indirect_vreg.gather [hbm4b:s6+s2], $0x80, v4, vm1, $0xb8;
	[tilespmem:$0x1FA00] =	vst v63  }
0x1cf: {  	s11 =	simm.s32 $0x5600  }
0x1d0: {  	[tilespmem:s11], [sflag:$0x1] =	stream.indirect_vreg.gather [hbm4b:s3+s2], $0x80, v3, vm0, $0xb8;
	[tilespmem:$0x1FA00] =	vst v63  }
0x1d1: {  	s11 =	simm.s32 $0x5E00  }
0x1d2: {  	[tilespmem:s11], [sflag:$0x1] =	stream.indirect_vreg.gather [hbm4b:s6+s2], $0x80, v3, vm1, $0xb8;
	[tilespmem:$0x1FA00] =	vst v63  }
0x1d3: {  	v3 =	vld [tilespmem:$0x40];
	_ =	sdelay $0x4  }
0x1d4: {  	v57 =	vshrl.u32 v3, $0x3  }
0x1d5: {  	v4 =	vmul.u32 $0x18, v57  }
0x1d6: {  	v3 =	vand.u32 $0x7, v3  }
0x1d7: {  	v3 =	vor.u32 v3, v4  }
0x1d8: {  	v4 =	vperm.xlane v3, v0;
	_ =	sdelay $0x1  }
0x1d9: {  	v4 =	vadd.s32 v1, v4;
	_ =	sdelay $0x1  }
0x1da: {  	v3 =	vperm.xlane v3, v2;
	_ =	sdelay $0x1  }
0x1db: {  	s11 =	simm.s32 $0x6200;
	v3 =	vadd.s32 v1, v3  }
0x1dc: {  	[tilespmem:s11], [sflag:$0x1] =	stream.indirect_vreg.gather [hbm4b:s3+s2], $0x80, v4, vm0, $0xb8;
	[tilespmem:$0x1FA00] =	vst v63  }
0x1dd: {  	s11 =	simm.s32 $0x6A00  }
0x1de: {  	[tilespmem:s11], [sflag:$0x1] =	stream.indirect_vreg.gather [hbm4b:s6+s2], $0x80, v4, vm1, $0xb8;
	[tilespmem:$0x1FA00] =	vst v63  }
0x1df: {  	s11 =	simm.s32 $0x6E00  }
0x1e0: {  	[tilespmem:s11], [sflag:$0x1] =	stream.indirect_vreg.gather [hbm4b:s3+s2], $0x80, v3, vm0, $0xb8;
	[tilespmem:$0x1FA00] =	vst v63  }
0x1e1: {  	s11 =	simm.s32 $0x7600  }
0x1e2: {  	[tilespmem:s11], [sflag:$0x1] =	stream.indirect_vreg.gather [hbm4b:s6+s2], $0x80, v3, vm1, $0xb8;
	[tilespmem:$0x1FA00] =	vst v63  }
0x1e3: {  	v3 =	vld [tilespmem:$0x50];
	_ =	sdelay $0x4  }
0x1e4: {  	v58 =	vshrl.u32 v3, $0x3  }
0x1e5: {  	v4 =	vmul.u32 $0x18, v58  }
0x1e6: {  	v3 =	vand.u32 $0x7, v3  }
0x1e7: {  	v3 =	vor.u32 v3, v4  }
0x1e8: {  	v4 =	vperm.xlane v3, v0;
	_ =	sdelay $0x1  }
0x1e9: {  	v4 =	vadd.s32 v1, v4;
	_ =	sdelay $0x1  }
0x1ea: {  	v3 =	vperm.xlane v3, v2;
	_ =	sdelay $0x1  }
0x1eb: {  	s11 =	simm.s32 $0x7A00;
	v3 =	vadd.s32 v1, v3  }
0x1ec: {  	[tilespmem:s11], [sflag:$0x1] =	stream.indirect_vreg.gather [hbm4b:s3+s2], $0x80, v4, vm0, $0xb8;
	[tilespmem:$0x1FA00] =	vst v63  }
0x1ed: {  	s11 =	simm.s32 $0x8200  }
0x1ee: {  	[tilespmem:s11], [sflag:$0x1] =	stream.indirect_vreg.gather [hbm4b:s6+s2], $0x80, v4, vm1, $0xb8;
	[tilespmem:$0x1FA00] =	vst v63  }
0x1ef: {  	s11 =	simm.s32 $0x8600  }
0x1f0: {  	[tilespmem:s11], [sflag:$0x1] =	stream.indirect_vreg.gather [hbm4b:s3+s2], $0x80, v3, vm0, $0xb8;
	[tilespmem:$0x1FA00] =	vst v63  }
0x1f1: {  	s11 =	simm.s32 $0x8E00  }
0x1f2: {  	[tilespmem:s11], [sflag:$0x1] =	stream.indirect_vreg.gather [hbm4b:s6+s2], $0x80, v3, vm1, $0xb8;
	[tilespmem:$0x1FA00] =	vst v63  }
0x1f3: {  	v3 =	vld [tilespmem:$0x60];
	_ =	sdelay $0x4  }
0x1f4: {  	v59 =	vshrl.u32 v3, $0x3  }
0x1f5: {  	v4 =	vmul.u32 $0x18, v59  }
0x1f6: {  	v3 =	vand.u32 $0x7, v3  }
0x1f7: {  	v3 =	vor.u32 v3, v4  }
0x1f8: {  	v4 =	vperm.xlane v3, v0;
	_ =	sdelay $0x1  }
0x1f9: {  	v4 =	vadd.s32 v1, v4;
	_ =	sdelay $0x1  }
0x1fa: {  	v3 =	vperm.xlane v3, v2;
	_ =	sdelay $0x1  }
0x1fb: {  	s11 =	simm.s32 $0x9200;
	v3 =	vadd.s32 v1, v3  }
0x1fc: {  	[tilespmem:s11], [sflag:$0x1] =	stream.indirect_vreg.gather [hbm4b:s3+s2], $0x80, v4, vm0, $0xb8;
	[tilespmem:$0x1FA00] =	vst v63  }
0x1fd: {  	s11 =	simm.s32 $0x9A00  }
0x1fe: {  	[tilespmem:s11], [sflag:$0x1] =	stream.indirect_vreg.gather [hbm4b:s6+s2], $0x80, v4, vm1, $0xb8;
	[tilespmem:$0x1FA00] =	vst v63  }
0x1ff: {  	s11 =	simm.s32 $0x9E00  }
0x200: {  	[tilespmem:s11], [sflag:$0x1] =	stream.indirect_vreg.gather [hbm4b:s3+s2], $0x80, v3, vm0, $0xb8;
	[tilespmem:$0x1FA00] =	vst v63  }
0x201: {  	s11 =	simm.s32 $0xA600  }
0x202: {  	[tilespmem:s11], [sflag:$0x1] =	stream.indirect_vreg.gather [hbm4b:s6+s2], $0x80, v3, vm1, $0xb8;
	[tilespmem:$0x1FA00] =	vst v63  }
0x203: {  	v3 =	vld [tilespmem:$0x70];
	_ =	sdelay $0x4  }
0x204: {  	v60 =	vshrl.u32 v3, $0x3  }
0x205: {  	v4 =	vmul.u32 $0x18, v60  }
0x206: {  	v3 =	vand.u32 $0x7, v3  }
0x207: {  	v3 =	vor.u32 v3, v4  }
0x208: {  	v4 =	vperm.xlane v3, v0;
	_ =	sdelay $0x1  }
0x209: {  	v4 =	vadd.s32 v1, v4;
	_ =	sdelay $0x1  }
0x20a: {  	v3 =	vperm.xlane v3, v2;
	_ =	sdelay $0x1  }
0x20b: {  	s11 =	simm.s32 $0xAA00;
	v3 =	vadd.s32 v1, v3  }
0x20c: {  	[tilespmem:s11], [sflag:$0x1] =	stream.indirect_vreg.gather [hbm4b:s3+s2], $0x80, v4, vm0, $0xb8;
	[tilespmem:$0x1FA00] =	vst v63  }
0x20d: {  	s11 =	simm.s32 $0xB200  }
0x20e: {  	[tilespmem:s11], [sflag:$0x1] =	stream.indirect_vreg.gather [hbm4b:s6+s2], $0x80, v4, vm1, $0xb8;
	[tilespmem:$0x1FA00] =	vst v63  }
0x20f: {  	s11 =	simm.s32 $0xB600  }
0x210: {  	[tilespmem:s11], [sflag:$0x1] =	stream.indirect_vreg.gather [hbm4b:s3+s2], $0x80, v3, vm0, $0xb8;
	[tilespmem:$0x1FA00] =	vst v63  }
0x211: {  	s11 =	simm.s32 $0xBE00  }
0x212: {  	[tilespmem:s11], [sflag:$0x1] =	stream.indirect_vreg.gather [hbm4b:s6+s2], $0x80, v3, vm1, $0xb8;
	[tilespmem:$0x1FA00] =	vst v63  }
0x213: {  	v3 =	vld [tilespmem:$0x80];
	_ =	sdelay $0x4  }
0x214: {  	v61 =	vshrl.u32 v3, $0x3  }
0x215: {  	v4 =	vmul.u32 $0x18, v61  }
0x216: {  	v3 =	vand.u32 $0x7, v3  }
0x217: {  	v3 =	vor.u32 v3, v4  }
0x218: {  	v4 =	vperm.xlane v3, v0;
	_ =	sdelay $0x1  }
0x219: {  	v4 =	vadd.s32 v1, v4;
	_ =	sdelay $0x1  }
0x21a: {  	v3 =	vperm.xlane v3, v2;
	_ =	sdelay $0x1  }
0x21b: {  	s11 =	simm.s32 $0xC200;
	v3 =	vadd.s32 v1, v3  }
0x21c: {  	[tilespmem:s11], [sflag:$0x1] =	stream.indirect_vreg.gather [hbm4b:s3+s2], $0x80, v4, vm0, $0xb8;
	[tilespmem:$0x1FA00] =	vst v63  }
0x21d: {  	s11 =	simm.s32 $0xCA00  }
0x21e: {  	[tilespmem:s11], [sflag:$0x1] =	stream.indirect_vreg.gather [hbm4b:s6+s2], $0x80, v4, vm1, $0xb8;
	[tilespmem:$0x1FA00] =	vst v63  }
0x21f: {  	s11 =	simm.s32 $0xCE00  }
0x220: {  	[tilespmem:s11], [sflag:$0x1] =	stream.indirect_vreg.gather [hbm4b:s3+s2], $0x80, v3, vm0, $0xb8;
	[tilespmem:$0x1FA00] =	vst v63  }
0x221: {  	s11 =	simm.s32 $0xD600  }
0x222: {  	[tilespmem:s11], [sflag:$0x1] =	stream.indirect_vreg.gather [hbm4b:s6+s2], $0x80, v3, vm1, $0xb8;
	[tilespmem:$0x1FA00] =	vst v63  }
0x223: {  	v3 =	vld [tilespmem:$0x90];
	_ =	sdelay $0x4  }
0x224: {  	v62 =	vshrl.u32 v3, $0x3  }
0x225: {  	v4 =	vmul.u32 $0x18, v62  }
0x226: {  	v3 =	vand.u32 $0x7, v3  }
0x227: {  	v3 =	vor.u32 v3, v4  }
0x228: {  	v4 =	vperm.xlane v3, v0;
	_ =	sdelay $0x1  }
0x229: {  	v4 =	vadd.s32 v1, v4;
	_ =	sdelay $0x1  }
0x22a: {  	v3 =	vperm.xlane v3, v2;
	_ =	sdelay $0x1  }
0x22b: {  	s11 =	simm.s32 $0xDA00;
	v3 =	vadd.s32 v1, v3  }
0x22c: {  	[tilespmem:s11], [sflag:$0x1] =	stream.indirect_vreg.gather [hbm4b:s3+s2], $0x80, v4, vm0, $0xb8;
	[tilespmem:$0x1FA00] =	vst v63  }
0x22d: {  	s11 =	simm.s32 $0xE200  }
0x22e: {  	[tilespmem:s11], [sflag:$0x1] =	stream.indirect_vreg.gather [hbm4b:s6+s2], $0x80, v4, vm1, $0xb8;
	[tilespmem:$0x1FA00] =	vst v63  }
0x22f: {  	s11 =	simm.s32 $0xE600  }
0x230: {  	[tilespmem:s11], [sflag:$0x1] =	stream.indirect_vreg.gather [hbm4b:s3+s2], $0x80, v3, vm0, $0xb8;
	[tilespmem:$0x1FA00] =	vst v63  }
0x231: {  	s11 =	simm.s32 $0xEE00  }
0x232: {  	[tilespmem:s11], [sflag:$0x1] =	stream.indirect_vreg.gather [hbm4b:s6+s2], $0x80, v3, vm1, $0xb8;
	[tilespmem:$0x1FA00] =	vst v63  }
0x233: {  	v3 =	vld.msk [tilespmem:$0xA0], $0xff;
	_ =	sdelay $0x4  }
0x234: {  	v63 =	vshrl.u32 v3, $0x3  }
0x235: {  	v4 =	vmul.u32 $0x18, v63  }
0x236: {  	v3 =	vand.u32 $0x7, v3  }
0x237: {  	v3 =	vor.u32 v3, v4  }
0x238: {  	v3 =	vperm.xlane v3, v0;
	_ =	sdelay $0x1  }
0x239: {  	v3 =	vadd.s32 v1, v3;
	_ =	sdelay $0x2  }
.Ltmp5:
0x23a: {  	_ = 	snop;
	(pc) =	sbr.rel .LBB2_4-.Ltmp5, $4  }
0x23b: {  	s11 =	simm.s32 $0xF200  }
0x23c: {  	[tilespmem:s11], [sflag:$0x1] =	stream.indirect_vreg.gather [hbm4b:s3+s2], $0x80, v3, vm0, $0xb8;
	[tilespmem:$0x1FA00] =	vst v63  }
0x23d: {  	s14 =	simm.s32 $0x100;
	s11 =	simm.s32 $0xFA00  }
0x23e: {  	[tilespmem:s11], [sflag:$0x1] =	stream.indirect_vreg.gather [hbm4b:s6+s2], $0x80, v3, vm1, $0xb8;
	[tilespmem:$0x1FA00] =	vst v63  }
.LBB2_6:
0x23f: {  	_ =	sfence.sel $0x180000  }
0x240: {  	[bflag:$0x0] =	sbarrier.arrive $0xFFFF  }
0x241: {  	_ =	strace $0x9000004D  }
0x242: {  	s0 =	stileid.u32;
	[bflag:$0x2] =	sbarrier.arrive $0xFFFF  }
0x243: {  	p0 =	sne.s32 s0, $0x0;
	s0 =	rddreg [dreg:$0x1]  }
0x244: {  	s0 =	sadd.s32 @!p0 $0x100000, s0  }
0x245: {  	[sflag:s0] =	ssyncadd.tile.s32 @!p0 $0x1;
	_ =	shalt  }
.Lfunc_end2:
_tile_overlayer_lowered:
.L_overlay_start_2:
0x246: {  	(tag) =	ssettag $0x2  }
0x247: {  	s0 =	rddreg [dreg:$0x0];
	s2 =	stileid.u32  }
0x248: {  	s1 =	rddreg [dreg:$0x1];
	p0 =	sne.s32 s2, $0x0  }
0x249: {  	s3 =	rddreg [dreg:$0x2];
	[bflag:$0x3] =	sbarrier.arrive $0xFFFF;
	s2 =	simm.s32 @!p0 $0x1C03  }
0x24a: {  	[timem:s3], [sflag:s2] =	dma.local @!p0 [hbm:s0], s1  }
0x24b: {  	s0 =	simm.s32 @!p0 $0x3  }
0x24c: {  	_ =	swait.ge @!p0 [sflag:s0], s1  }
0x24d: {  	s1 =	ssub.s32 @!p0 $0x0, s1;
	[sflag:s0] =	ssyncset.done @!p0 $0x0  }
0x24e: {  	[sflag:s0] =	ssyncadd.s32 @!p0 s1  }
0x24f: {  	[bflag:$0x3] =	sbarrier.arrive $0xFFFF  }
0x250: {  	_ =	shalt  }

// kernel: kernel.19.cloned.1.call-start
scs
__scs_entry_jumppad:
0x0: {  	(pc) =	sbr.rel $0x88, $3  }
0x1: {  	(tag) =	ssettag $0x0;
	lr =	simm.s32 $0x1  }
0x2: {  	[smem:$0x3F7B] =	sst lr;
	_ =	strace $0xD0000000  }
0x3: {  	_ = 	snop  }
0x4: {  	_ = 	snop  }
0x5: {  	_ = 	snop  }
0x6: {  	_ = 	snop  }
0x7: {  	_ = 	snop  }
__scs_overlays_trampoline_lowered:
0x8: {  	[smem:$0x3F8A] =	sst s0  }
0x9: {  	[smem:$0x3F8B] =	sst s1  }
0xa: {  	[smem:$0x3F8C] =	sst s2  }
0xb: {  	[smem:$0x3F8D] =	sst s3  }
0xc: {  	[smem:$0x3F8E] =	sst s4  }
0xd: {  	[smem:$0x3F8F] =	sst s5  }
0xe: {  	[smem:$0x3F90] =	sst s6  }
0xf: {  	[smem:$0x3F91] =	sst s7  }
0x10: {  	[smem:$0x3F92] =	sst s8  }
0x11: {  	[smem:$0x3F93] =	sst s9;
	s0 =	simm.s32 @!p0 $0x0  }
0x12: {  	s1 =	sld [smem:$0x3F79];
	s0 =	simm.s32 @p0 $0x1  }
0x13: {  	[smem:$0x3F94] =	sst s0;
	s0 =	simm.s32 @!p1 $0x0  }
0x14: {  	s2 =	sld [smem:$0x3F78];
	s0 =	simm.s32 @p1 $0x1  }
0x15: {  	[smem:$0x3F95] =	sst s0;
	s0 =	simm.s32 @!p2 $0x0  }
0x16: {  	s3 =	sld [smem:$0x3FDB];
	s0 =	simm.s32 @p2 $0x1  }
0x17: {  	s4 =	simm.s32 $0x1BF5;
	[smem:$0x3F97] =	sst s0  }
0x18: {  	s0 =	sld [smem:$0x3F7A];
	_ =	swait.ge [sflag:s4], $0x0  }
0x19: {  	s7 =	sld [smem:$0x3F7B]  }
0x1a: {  	s8 =	sadd.s32 $0xFFFFE003, lr  }
0x1b: {  	s9 =	sadd.s32 $0xFFFFFEF7, lr;
	s5 =	simm.s32 $0xFFFFFFFF;
	p2 =	slt.u32 s8, $0xFFFFF086  }
0x1c: {  	p1 =	slt.u32 s9, $0xF7A;
	s5 =	simm.s32 @!p2 $0x0  }
0x1d: {  	s5 =	simm.s32 @p1 $0x1;
	p0 =	seq.s32 s7, s2  }
0x1e: {  	s7 =	smul.u32 @!p0 $0xF7A, s2;
	p2 =	seq.s32 @!p0 s5, $0x0  }
0x1f: {  	s9 =	smul.u32 $0xF7A, s1;
	s8 =	simm.s32 @!p0 $0x1BF5;
	p2 =	por !p2, p0  }
0x20: {  	[sflag:s8] =	ssyncset.s32 @!p0 $0xFFFFF086;
	s6 =	sadd.s32 @!p0 s3, s7;
	s7 =	simm.s32 @!p0 $0x108  }
0x21: {  	s3 =	sadd.s32 s3, s9;
	s6 =	sadd.s32 @!p0 $0x88, s6;
	s7 =	simm.s32 @p2 $0x1082  }
0x22: {  	[simem:s7], [sflag:s8] =	dma.local @!p0 [hbm:s6], $0xF7A  }
0x23: {  	s9 =	sor.u32 $0xD0000000, s2;
	s6 =	simm.s32 $0x108;
	_ =	swait.ge @!p0 [sflag:s8], $0x0  }
0x24: {  	s3 =	sadd.s32 $0x88, s3;
	s6 =	simm.s32 @!p1 $0x1082;
	[sflag:s4] =	ssyncset.s32 $0xFFFFF086  }
0x25: {  	[simem:s6], [sflag:s4] =	dma.local [hbm:s3], $0xF7A  }
0x26: {  	[smem:$0x3F7B] =	sst s1;
	(tag) =	ssettag s2;
	_ =	strace s9  }
0x27: {  	s1 =	sld [smem:$0x3F8B]  }
0x28: {  	s2 =	sld [smem:$0x3F8C]  }
0x29: {  	s4 =	sld [smem:$0x3F8E]  }
0x2a: {  	p0 =	seq.s32 s5, $0x0;
	s5 =	sld [smem:$0x3F8F]  }
0x2b: {  	s6 =	sld [smem:$0x3F90]  }
0x2c: {  	s7 =	sld [smem:$0x3F91]  }
0x2d: {  	s3 =	simm.s32 $0x108;
	s8 =	sld [smem:$0x3F92]  }
0x2e: {  	s3 =	simm.s32 @!p0 $0x1082;
	s9 =	sld [smem:$0x3F93]  }
0x2f: {  	lr =	sadd.s32 s0, s3;
	s0 =	sld [smem:$0x3F8A]  }
0x30: {  	s3 =	sld [smem:$0x3F8D]  }
0x31: {  	[smem:$0x3F96] =	sst s10  }
0x32: {  	s10 =	sld [smem:$0x3F94];
	_ =	sdelay $0x3  }
0x33: {  	p0 =	seq.s32 s10, $0x1;
	s10 =	sld [smem:$0x3F96];
	_ =	sdelay $0x3  }
0x34: {  	[smem:$0x3F96] =	sst s10  }
0x35: {  	s10 =	sld [smem:$0x3F95];
	_ =	sdelay $0x3  }
0x36: {  	p1 =	seq.s32 s10, $0x1;
	s10 =	sld [smem:$0x3F96];
	_ =	sdelay $0x3  }
0x37: {  	[smem:$0x3F96] =	sst s10  }
0x38: {  	s10 =	sld [smem:$0x3F97]  }
0x39: {  	_ = 	snop;
	(pc) =	sbr.ind lr, $3  }
0x3a: {  	_ = 	snop  }
0x3b: {  	_ = 	snop  }
0x3c: {  	p2 =	seq.s32 s10, $0x1;
	s10 =	sld [smem:$0x3F96]  }
0x3d: {  	_ =	shalt  }
0x3e: {  	_ =	shalt  }
0x3f: {  	_ =	shalt  }
0x40: {  	_ =	shalt  }
0x41: {  	_ =	shalt  }
0x42: {  	_ =	shalt  }
0x43: {  	_ =	shalt  }
0x44: {  	_ =	shalt  }
0x45: {  	_ =	shalt  }
0x46: {  	_ =	shalt  }
0x47: {  	_ =	shalt  }
0x48: {  	_ =	shalt  }
0x49: {  	_ =	shalt  }
0x4a: {  	_ =	shalt  }
0x4b: {  	_ =	shalt  }
0x4c: {  	_ =	shalt  }
0x4d: {  	_ =	shalt  }
0x4e: {  	_ =	shalt  }
0x4f: {  	_ =	shalt  }
0x50: {  	_ =	shalt  }
0x51: {  	_ =	shalt  }
0x52: {  	_ =	shalt  }
0x53: {  	_ =	shalt  }
0x54: {  	_ =	shalt  }
0x55: {  	_ =	shalt  }
0x56: {  	_ =	shalt  }
0x57: {  	_ =	shalt  }
0x58: {  	_ =	shalt  }
0x59: {  	_ =	shalt  }
0x5a: {  	_ =	shalt  }
0x5b: {  	_ =	shalt  }
0x5c: {  	_ =	shalt  }
0x5d: {  	_ =	shalt  }
0x5e: {  	_ =	shalt  }
0x5f: {  	_ =	shalt  }
0x60: {  	_ =	shalt  }
0x61: {  	_ =	shalt  }
0x62: {  	_ =	shalt  }
0x63: {  	_ =	shalt  }
0x64: {  	_ =	shalt  }
0x65: {  	_ =	shalt  }
0x66: {  	_ =	shalt  }
0x67: {  	_ =	shalt  }
0x68: {  	_ =	shalt  }
0x69: {  	_ =	shalt  }
0x6a: {  	_ =	shalt  }
0x6b: {  	_ =	shalt  }
0x6c: {  	_ =	shalt  }
0x6d: {  	_ =	shalt  }
0x6e: {  	_ =	shalt  }
0x6f: {  	_ =	shalt  }
0x70: {  	_ =	shalt  }
0x71: {  	_ =	shalt  }
0x72: {  	_ =	shalt  }
0x73: {  	_ =	shalt  }
0x74: {  	_ =	shalt  }
0x75: {  	_ =	shalt  }
0x76: {  	_ =	shalt  }
0x77: {  	_ =	shalt  }
0x78: {  	_ =	shalt  }
0x79: {  	_ =	shalt  }
0x7a: {  	_ =	shalt  }
0x7b: {  	_ =	shalt  }
0x7c: {  	_ =	shalt  }
0x7d: {  	_ =	shalt  }
0x7e: {  	_ =	shalt  }
0x7f: {  	_ =	shalt  }
0x80: {  	_ =	shalt  }
0x81: {  	_ =	shalt  }
0x82: {  	_ =	shalt  }
0x83: {  	_ =	shalt  }
0x84: {  	_ =	shalt  }
0x85: {  	_ =	shalt  }
0x86: {  	_ =	shalt  }
0x87: {  	_ =	shalt  }
.Lfunc_end0:
.L_simem_size_0:
called_computation.3_lowered:
.L_overlay_start_0:
0x88: {  	s2 =	sld [smem:$0x3FD9]  }
0x89: {  	s3 =	sld [smem:$0x3FFE];
	_ =	sdelay $0x1  }
0x8a: {  	s1 =	srdreg.scid  }
0x8b: {  	s0 =	sand.u32 $0x1, s1  }
0x8c: {  	s16 =	sshll.u32 s0, $0xA;
	s2 =	sadd.s32 s3, s2  }
0x8d: {  	s2 =	sadd.s32 s2, s16  }
0x8e: {  	[smem:$0x3FA2] =	sst s2  }
0x8f: {  	_ = 	snop  }
0x90: {  	(tm) =	ssettm $0x1  }
0x91: {  	s17 =	sld [smem:$0x3FFB];
	_ =	sdelay $0x3  }
0x92: {  	_ =	strace s17  }
0x93: {  	s2 =	sld [smem:$0x3FFC];
	_ =	sdelay $0x3  }
0x94: {  	_ =	strace s2  }
0x95: {  	s2 =	sld [smem:$0x3FFD];
	_ =	sdelay $0x3  }
0x96: {  	_ =	strace s2  }
0x97: {  	_ =	strace $0x8FFFFFFF  }
0x98: {  	s18 =	sld [smem:$0x3FDB];
	_ =	sdelay $0x1  }
0x99: {  	s19 =	simm.s32 $_scs_section_size  }
0x9a: {  	s4 =	simm.s32 $_size__tile_overlayer_lowered;
	s5 =	simm.s32 $_tile_overlayer_lowered  }
0x9b: {  	s22 =	simm.s32 $0x1BFF;
	s21 =	sshll.u32 s5, $0x1;
	s2 =	sadd.s32 s19, s18  }
0x9c: {  	s6 =	simm.s32 $0x0;
	s20 =	sshll.u32 s4, $0x1;
	s4 =	sadd.s32 s21, s2  }
0x9d: {  	[timem:s6], [sflag:s22] =	dma.local [hbm:s4], s20  }
0x9e: {  	_ =	swait.ge [sflag:s22], s20  }
0x9f: {  	s3 =	ssub.s32 $0x0, s20;
	[sflag:s22] =	ssyncset.done $0x0  }
0xa0: {  	[sflag:s22] =	ssyncadd.s32 s3;
	_ =	sdelay $0x1  }
0xa1: {  	s23 =	simm.s32 $0x1B8B  }
0xa2: {  	_ =	swait.ge [sflag:s23], $0x1  }
0xa3: {  	[sflag:s23] =	ssyncset.done $0x0  }
0xa4: {  	s25 =	simm.s32 $0x1B8E;
	s24 =	sld [smem:$0x3FFE];
	[sflag:s23] =	ssyncadd.s32 $0xFFFFFFFF  }
0xa5: {  	s26 =	simm.s32 $execute0_lowered;
	[smem:$0x3FD2] =	sst s25  }
0xa6: {  	s4 =	sshll.u32 s26, $0x1;
	_ =	strace $0x8000004F;
	[dreg:$0x1] =	wrdreg $0xFFFFFFFF  }
0xa7: {  	s28 =	simm.s32 $_size_execute0_lowered;
	s2 =	sadd.s32 s2, s4;
	[dreg:$0x0] =	wrdreg $0x0  }
0xa8: {  	s4 =	sshll.u32 s28, $0x1;
	[dreg:$0x2] =	wrdreg s2  }
0xa9: {  	[dreg:$0x3] =	wrdreg s4  }
0xaa: {  	[dreg:$0x4] =	wrdreg $0xC0  }
0xab: {  	_ =	task [dreg:s6], $0x5FFFF  }
0xac: {  	[dreg:$0x1] =	wrdreg $0xFFFFFFFF  }
0xad: {  	[dreg:$0x0] =	wrdreg $0x60  }
0xae: {  	[dreg:$0x2] =	wrdreg s24  }
0xaf: {  	[dreg:$0x3] =	wrdreg $0x9  }
0xb0: {  	_ =	task.clear_ibuf [dreg:s6], $0x4FFFF;
	_ =	strace $0x9000004F  }
0xb1: {  	s29 =	simm.s32 $0x9;
	_ =	strace $0x80000051  }
0xb2: {  	_ =	swait.ge [sflag:s29], $0x1  }
0xb3: {  	[sflag:s29] =	ssyncadd.s32 $0xFFFFFFFF  }
0xb4: {  	_ =	strace $0x90000051  }
0xb5: {  	_ =	sfence  }
0xb6: {  	s30 =	sld [smem:$0x0];
	_ =	sdelay $0x2  }
0xb7: {  	s31 =	sshll.u32 s1, $0xD;
	s1 =	sshrl.u32 s1, $0x2  }
0xb8: {  	s3 =	sand.u32 $0x4000, s31;
	s1 =	sadd.s32 s1, s30  }
0xb9: {  	s0 =	sor.u32 s3, s0;
	s1 =	sshll.u32 s1, $0x11  }
0xba: {  	s0 =	sor.u32 s1, s0  }
0xbb: {  	s0 =	sadd.s32 $0x8F2B, s0  }
0xbc: {  	[sflag:s0] =	ssyncadd.remote.s32 $0x1  }
0xbd: {  	_ =	sfence.sel $0xFFFF  }
0xbe: {  	[dreg:$0x0] =	wrdreg $0xFFFFFFFF;
	(pc) =	sbr.abs _section_cstart, $3  }
0xbf: {  	[dreg:$0x1] =	wrdreg $0xFFFFFFFF  }
0xc0: {  	_ =	task.clear_ibuf [dreg:s6], $0x2FFFF;
	_ =	strace $0x9FFFFFFF  }
0xc1: {  	(tm) =	ssettm $0x7FFFFFFF  }
tec
execute0_lowered:
.L_overlay_start_1:
0x0: {  	(tag) =	ssettag $0x1  }
0x1: {  	s0 =	rddreg [dreg:$0x0];
	s2 =	simm.s32 $0x0  }
0x2: {  	s8 =	stileid.u32;
	s1 =	srdreg.scid;
	s11 =	simm.s32 $0x100  }
0x3: {  	s14 =	simm.s32 $0x1;
	s16 =	simm.s32 $0xE100;
	s28 =	simm.s32 $0x13900  }
0x4: {  	s29 =	simm.s32 $0x14100;
	s30 =	simm.s32 $0x14900;
	s31 =	simm.s32 $0x15100  }
0x5: {  	s12 =	simm.s32 $0x18900;
	s13 =	simm.s32 $0x19100;
	s15 =	simm.s32 $0x19900  }
0x6: {  	s17 =	simm.s32 $0x1A100;
	s18 =	simm.s32 $0x1A900;
	s19 =	simm.s32 $0x1B100  }
0x7: {  	s20 =	simm.s32 $0x1B900;
	s21 =	simm.s32 $0x2;
	[smem:$0x7FF] =	sst s2  }
0x8: {  	s1 =	sand.u32 $0x1, s1;
	s3 =	sshll.u32 s8, $0x1;
	s4 =	smul.u32 $0xA8000, s8  }
0x9: {  	s6 =	sadd.s32 $0xB9400, s0;
	s8 =	smul.u32 $0x2A00, s8;
	_ =	strace $0x80000050  }
0xa: {  	s5 =	sor.u32 s1, s3;
	s7 =	ssub.s32 $0x2, s1;
	s10 =	smul.u32 $0x1500, s1  }
0xb: {  	s3 =	sadd.s32 $0xBE800, s0;
	s1 =	smul.u32 $0x54000, s1;
	s9 =	sshrl.u32 s7, $0x1  }
0xc: {  	s5 =	smul.u32 $0x1500, s5;
	s4 =	sadd.s32 s4, s0;
	s7 =	ssub.s32 s7, s9  }
0xd: {  	s24 =	sadd.s32 s10, s8;
	s1 =	sadd.s32 s1, s4;
	s10 =	simm.s32 $0x3  }
0xe: {  	s4 =	simm.s32 $0x16900;
	s8 =	simm.s32 $0x17900;
	s9 =	simm.s32 $0x18100  }
0xf: {  	s5 =	sshrl.u32 s5, $0x3;
	s23 =	smax.u32 s7, $0x1;
	s25 =	sor.u32 $0xE0, s24  }
0x10: {  	s7 =	sadd.s32 $0x15E800, s1;
	s5 =	sadd.s32 s6, s5;
	[dreg:$0x3] =	wrdreg s23  }
.Ltmp0:
0x11: {  	s26 =	sshrl.u32 s25, $0x3;
	s23 =	simm.s32 $0x0;
	(pc) =	sbr.rel .LBB2_1-.Ltmp0, $4  }
0x12: {  	[dreg:$0x2] =	wrdreg s5;
	s5 =	sadd.s32 $0xBE900, s0;
	s0 =	sor.u32 $0x70, s24  }
0x13: {  	v2 =	vlaneseq.u32;
	s1 =	sadd.s32 s26, s6;
	s26 =	simm.s32 $0x80;
	s0 =	sshrl.u32 s0, $0x3  }
0x14: {  	vm0 =	vmmov $0xffff;
	v1 =	vshrl.u32 v2, $0x3;
	[dreg:$0x4] =	wrdreg s1;
	s1 =	simm.s32 $0x16100;
	s0 =	sadd.s32 s0, s6  }
0x15: {  	v0 =	vand.u32 $0x7, v2;
	v2 =	vor.u32 $0x8, v2;
	v1 =	vmul.u32 $0x8, v1;
	s6 =	simm.s32 $0x17100;
	[dreg:$0x5] =	wrdreg s0;
	s0 =	simm.s32 $0x15900  }
.LBB2_5:
0x16: {  	s23 =	rddreg [dreg:$0x6]  }
0x17: {  	s22 =	rddreg [dreg:$0x3];
	s23 =	sadd.s32 $0x1, s23  }
0x18: {  	p0 =	sne.s32 s23, s22  }
.Ltmp1:
0x19: {  	_ = 	snop;
	(pc) =	sbr.rel @!p0 .LBB2_6-.Ltmp1, $1  }
0x1a: {  	_ =	sdelay $0x3  }
.LBB2_1:
0x1b: {  	[dreg:$0x6] =	wrdreg s23  }
0x1c: {  	s22 =	rddreg [dreg:$0x2]  }
0x1d: {  	[tilespmem:s2], [sflag:$0x3] =	stream.linear.gather [hbm4b:s22+s2], $0x70, $0x38;
	[tilespmem:$0x1C100] =	vst v63  }
0x1e: {  	_ =	swait.ge [sflag:s10], $0x70  }
0x1f: {  	[sflag:s10] =	ssyncset.done $0x0  }
0x20: {  	[sflag:s10] =	ssyncadd.s32 $0xFFFFFF90  }
0x21: {  	v3 =	vld [tilespmem:$0x0];
	_ =	sdelay $0x4  }
0x22: {  	v4 =	vshll.u32 v3, $0x2  }
0x23: {  	v3 =	vand.u32 $0x7, v3;
	v4 =	vand.u32 $0xFFFFFFE0, v4  }
0x24: {  	v3 =	vor.u32 v3, v4  }
0x25: {  	v4 =	vperm.xlane v3, v0;
	_ =	sdelay $0x1  }
0x26: {  	v4 =	vadd.s32 v1, v4;
	_ =	sdelay $0x1  }
0x27: {  	v3 =	vperm.xlane v3, v2;
	_ =	sdelay $0x1  }
0x28: {  	v3 =	vadd.s32 v1, v3  }
0x29: {  	[tilespmem:s11], [sflag:$0x1] =	stream.indirect_vreg.gather [hbm4b:s3+s2], $0x80, v4, vm0, $0xb8;
	[tilespmem:$0x1C100] =	vst v63  }
0x2a: {  	s23 =	simm.s32 $0x900  }
0x2b: {  	[tilespmem:s23], [sflag:$0x1] =	stream.indirect_vreg.gather [hbm4b:s5+s2], $0x80, v4, vm0, $0xb8;
	[tilespmem:$0x1C100] =	vst v63  }
0x2c: {  	s24 =	simm.s32 $0x1100  }
0x2d: {  	[tilespmem:s24], [sflag:$0x1] =	stream.indirect_vreg.gather [hbm4b:s3+s2], $0x80, v3, vm0, $0xb8;
	[tilespmem:$0x1C100] =	vst v63  }
0x2e: {  	s25 =	simm.s32 $0x1900  }
0x2f: {  	[tilespmem:s25], [sflag:$0x1] =	stream.indirect_vreg.gather [hbm4b:s5+s2], $0x80, v3, vm0, $0xb8;
	[tilespmem:$0x1C100] =	vst v63  }
0x30: {  	v3 =	vld [tilespmem:$0x10];
	_ =	sdelay $0x4  }
0x31: {  	v58 =	vshll.u32 v3, $0x2  }
0x32: {  	v3 =	vand.u32 $0x7, v3;
	v4 =	vand.u32 $0xFFFFFFE0, v58  }
0x33: {  	v3 =	vor.u32 v3, v4  }
0x34: {  	v4 =	vperm.xlane v3, v0;
	_ =	sdelay $0x1  }
0x35: {  	v4 =	vadd.s32 v1, v4;
	_ =	sdelay $0x1  }
0x36: {  	v3 =	vperm.xlane v3, v2;
	_ =	sdelay $0x1  }
0x37: {  	s23 =	simm.s32 $0x2100;
	v3 =	vadd.s32 v1, v3  }
0x38: {  	[tilespmem:s23], [sflag:$0x1] =	stream.indirect_vreg.gather [hbm4b:s3+s2], $0x80, v4, vm0, $0xb8;
	[tilespmem:$0x1C100] =	vst v63  }
0x39: {  	s24 =	simm.s32 $0x2900  }
0x3a: {  	[tilespmem:s24], [sflag:$0x1] =	stream.indirect_vreg.gather [hbm4b:s5+s2], $0x80, v4, vm0, $0xb8;
	[tilespmem:$0x1C100] =	vst v63  }
0x3b: {  	s25 =	simm.s32 $0x3100  }
0x3c: {  	[tilespmem:s25], [sflag:$0x1] =	stream.indirect_vreg.gather [hbm4b:s3+s2], $0x80, v3, vm0, $0xb8;
	[tilespmem:$0x1C100] =	vst v63  }
0x3d: {  	s23 =	simm.s32 $0x3900  }
0x3e: {  	[tilespmem:s23], [sflag:$0x1] =	stream.indirect_vreg.gather [hbm4b:s5+s2], $0x80, v3, vm0, $0xb8;
	[tilespmem:$0x1C100] =	vst v63  }
0x3f: {  	v3 =	vld [tilespmem:$0x20];
	_ =	sdelay $0x4  }
0x40: {  	v59 =	vshll.u32 v3, $0x2  }
0x41: {  	v3 =	vand.u32 $0x7, v3;
	v4 =	vand.u32 $0xFFFFFFE0, v59  }
0x42: {  	v3 =	vor.u32 v3, v4  }
0x43: {  	v4 =	vperm.xlane v3, v0;
	_ =	sdelay $0x1  }
0x44: {  	v4 =	vadd.s32 v1, v4;
	_ =	sdelay $0x1  }
0x45: {  	v3 =	vperm.xlane v3, v2;
	_ =	sdelay $0x1  }
0x46: {  	s24 =	simm.s32 $0x4100;
	v3 =	vadd.s32 v1, v3  }
0x47: {  	[tilespmem:s24], [sflag:$0x1] =	stream.indirect_vreg.gather [hbm4b:s3+s2], $0x80, v4, vm0, $0xb8;
	[tilespmem:$0x1C100] =	vst v63  }
0x48: {  	s25 =	simm.s32 $0x4900  }
0x49: {  	[tilespmem:s25], [sflag:$0x1] =	stream.indirect_vreg.gather [hbm4b:s5+s2], $0x80, v4, vm0, $0xb8;
	[tilespmem:$0x1C100] =	vst v63  }
0x4a: {  	s23 =	simm.s32 $0x5100  }
0x4b: {  	[tilespmem:s23], [sflag:$0x1] =	stream.indirect_vreg.gather [hbm4b:s3+s2], $0x80, v3, vm0, $0xb8;
	[tilespmem:$0x1C100] =	vst v63  }
0x4c: {  	s24 =	simm.s32 $0x5900  }
0x4d: {  	[tilespmem:s24], [sflag:$0x1] =	stream.indirect_vreg.gather [hbm4b:s5+s2], $0x80, v3, vm0, $0xb8;
	[tilespmem:$0x1C100] =	vst v63  }
0x4e: {  	v3 =	vld [tilespmem:$0x30];
	_ =	sdelay $0x4  }
0x4f: {  	v60 =	vshll.u32 v3, $0x2  }
0x50: {  	v3 =	vand.u32 $0x7, v3;
	v4 =	vand.u32 $0xFFFFFFE0, v60  }
0x51: {  	v3 =	vor.u32 v3, v4  }
0x52: {  	v4 =	vperm.xlane v3, v0;
	_ =	sdelay $0x1  }
0x53: {  	v4 =	vadd.s32 v1, v4;
	_ =	sdelay $0x1  }
0x54: {  	v3 =	vperm.xlane v3, v2;
	_ =	sdelay $0x1  }
0x55: {  	s25 =	simm.s32 $0x6100;
	v3 =	vadd.s32 v1, v3  }
0x56: {  	[tilespmem:s25], [sflag:$0x1] =	stream.indirect_vreg.gather [hbm4b:s3+s2], $0x80, v4, vm0, $0xb8;
	[tilespmem:$0x1C100] =	vst v63  }
0x57: {  	s23 =	simm.s32 $0x6900  }
0x58: {  	[tilespmem:s23], [sflag:$0x1] =	stream.indirect_vreg.gather [hbm4b:s5+s2], $0x80, v4, vm0, $0xb8;
	[tilespmem:$0x1C100] =	vst v63  }
0x59: {  	s24 =	simm.s32 $0x7100  }
0x5a: {  	[tilespmem:s24], [sflag:$0x1] =	stream.indirect_vreg.gather [hbm4b:s3+s2], $0x80, v3, vm0, $0xb8;
	[tilespmem:$0x1C100] =	vst v63  }
0x5b: {  	s25 =	simm.s32 $0x7900  }
0x5c: {  	[tilespmem:s25], [sflag:$0x1] =	stream.indirect_vreg.gather [hbm4b:s5+s2], $0x80, v3, vm0, $0xb8;
	[tilespmem:$0x1C100] =	vst v63  }
0x5d: {  	v3 =	vld [tilespmem:$0x40];
	_ =	sdelay $0x4  }
0x5e: {  	v61 =	vshll.u32 v3, $0x2  }
0x5f: {  	v3 =	vand.u32 $0x7, v3;
	v4 =	vand.u32 $0xFFFFFFE0, v61  }
0x60: {  	v3 =	vor.u32 v3, v4  }
0x61: {  	v4 =	vperm.xlane v3, v0;
	_ =	sdelay $0x1  }
0x62: {  	v4 =	vadd.s32 v1, v4;
	_ =	sdelay $0x1  }
0x63: {  	v3 =	vperm.xlane v3, v2;
	_ =	sdelay $0x1  }
0x64: {  	s23 =	simm.s32 $0x8100;
	v3 =	vadd.s32 v1, v3  }
0x65: {  	[tilespmem:s23], [sflag:$0x1] =	stream.indirect_vreg.gather [hbm4b:s3+s2], $0x80, v4, vm0, $0xb8;
	[tilespmem:$0x1C100] =	vst v63  }
0x66: {  	s24 =	simm.s32 $0x8900  }
0x67: {  	[tilespmem:s24], [sflag:$0x1] =	stream.indirect_vreg.gather [hbm4b:s5+s2], $0x80, v4, vm0, $0xb8;
	[tilespmem:$0x1C100] =	vst v63  }
0x68: {  	s25 =	simm.s32 $0x9100  }
0x69: {  	[tilespmem:s25], [sflag:$0x1] =	stream.indirect_vreg.gather [hbm4b:s3+s2], $0x80, v3, vm0, $0xb8;
	[tilespmem:$0x1C100] =	vst v63  }
0x6a: {  	s23 =	simm.s32 $0x9900  }
0x6b: {  	[tilespmem:s23], [sflag:$0x1] =	stream.indirect_vreg.gather [hbm4b:s5+s2], $0x80, v3, vm0, $0xb8;
	[tilespmem:$0x1C100] =	vst v63  }
0x6c: {  	v3 =	vld [tilespmem:$0x50];
	_ =	sdelay $0x4  }
0x6d: {  	v62 =	vshll.u32 v3, $0x2  }
0x6e: {  	v3 =	vand.u32 $0x7, v3;
	v4 =	vand.u32 $0xFFFFFFE0, v62  }
0x6f: {  	v3 =	vor.u32 v3, v4  }
0x70: {  	v4 =	vperm.xlane v3, v0;
	_ =	sdelay $0x1  }
0x71: {  	v4 =	vadd.s32 v1, v4;
	_ =	sdelay $0x1  }
0x72: {  	v3 =	vperm.xlane v3, v2;
	_ =	sdelay $0x1  }
0x73: {  	s24 =	simm.s32 $0xA100;
	v3 =	vadd.s32 v1, v3  }
0x74: {  	[tilespmem:s24], [sflag:$0x1] =	stream.indirect_vreg.gather [hbm4b:s3+s2], $0x80, v4, vm0, $0xb8;
	[tilespmem:$0x1C100] =	vst v63  }
0x75: {  	s25 =	simm.s32 $0xA900  }
0x76: {  	[tilespmem:s25], [sflag:$0x1] =	stream.indirect_vreg.gather [hbm4b:s5+s2], $0x80, v4, vm0, $0xb8;
	[tilespmem:$0x1C100] =	vst v63  }
0x77: {  	s23 =	simm.s32 $0xB100  }
0x78: {  	[tilespmem:s23], [sflag:$0x1] =	stream.indirect_vreg.gather [hbm4b:s3+s2], $0x80, v3, vm0, $0xb8;
	[tilespmem:$0x1C100] =	vst v63  }
0x79: {  	s24 =	simm.s32 $0xB900  }
0x7a: {  	[tilespmem:s24], [sflag:$0x1] =	stream.indirect_vreg.gather [hbm4b:s5+s2], $0x80, v3, vm0, $0xb8;
	[tilespmem:$0x1C100] =	vst v63  }
0x7b: {  	v3 =	vld [tilespmem:$0x60];
	_ =	sdelay $0x4  }
0x7c: {  	v63 =	vshll.u32 v3, $0x2  }
0x7d: {  	v3 =	vand.u32 $0x7, v3;
	v4 =	vand.u32 $0xFFFFFFE0, v63  }
0x7e: {  	v3 =	vor.u32 v3, v4  }
0x7f: {  	v4 =	vperm.xlane v3, v0;
	_ =	sdelay $0x1  }
0x80: {  	v4 =	vadd.s32 v1, v4;
	_ =	sdelay $0x2  }
0x81: {  	v3 =	vperm.xlane v3, v2  }
0x82: {  	s25 =	simm.s32 $0xC100  }
0x83: {  	v3 =	vadd.s32 v1, v3;
	[tilespmem:s25], [sflag:$0x1] =	stream.indirect_vreg.gather [hbm4b:s3+s2], $0x80, v4, vm0, $0xb8;
	[tilespmem:$0x1C100] =	vst v63  }
0x84: {  	s23 =	simm.s32 $0xC900  }
0x85: {  	[tilespmem:s23], [sflag:$0x1] =	stream.indirect_vreg.gather [hbm4b:s5+s2], $0x80, v4, vm0, $0xb8;
	[tilespmem:$0x1C100] =	vst v63  }
.Ltmp2:
0x86: {  	_ = 	snop;
	(pc) =	sbr.rel .LBB2_2-.Ltmp2, $4  }
0x87: {  	s22 =	rddreg [dreg:$0x5];
	s24 =	simm.s32 $0xD100  }
0x88: {  	[tilespmem:s24], [sflag:$0x1] =	stream.indirect_vreg.gather [hbm4b:s3+s2], $0x80, v3, vm0, $0xb8;
	[tilespmem:$0x1C100] =	vst v63  }
0x89: {  	s25 =	simm.s32 $0xD900;
	s23 =	rddreg [dreg:$0x4];
	s24 =	simm.s32 $0x0  }
0x8a: {  	[tilespmem:s25], [sflag:$0x1] =	stream.indirect_vreg.gather [hbm4b:s5+s2], $0x80, v3, vm0, $0xb8;
	[tilespmem:$0x1C100] =	vst v63  }
.LBB2_4:
0x8b: {  	s24 =	sadd.s32 $0x3800, s24  }
0x8c: {  	p0 =	sne.s32 s24, $0x54000  }
.Ltmp3:
0x8d: {  	s25 =	sadd.s32 $0x1C00, s25;
	(pc) =	sbr.rel @!p0 .LBB2_5-.Ltmp3, $4  }
0x8e: {  	[hbm4b:s25+s2] =	stream.linear.scatter [tilespmem:s16], [sflag:$0x3], $0xE000, $0x38;
	[tilespmem:$0x1C100] =	vst v63  }
0x8f: {  	_ =	swait.ge [sflag:s10], $0xE000  }
0x90: {  	[sflag:s10] =	ssyncset.done $0x0  }
0x91: {  	s23 =	sadd.s32 $0x1C, s23;
	s22 =	sadd.s32 $0x1C, s22;
	[sflag:s10] =	ssyncadd.s32 $0xFFFF2000  }
.LBB2_2:
0x92: {  	_ =	swait.ge [sflag:s14], $0xE000  }
0x93: {  	[sflag:s14] =	ssyncset.done $0x0  }
0x94: {  	[sflag:s14] =	ssyncadd.s32 $0xFFFF2000  }
0x95: {  	[tilespmem:s26], [sflag:$0x3] =	stream.linear.gather [hbm4b:s22+s2], $0x70, $0x38;
	[tilespmem:$0x1C100] =	vst v63  }
0x96: {  	_ =	swait.ge [sflag:s10], $0x70  }
0x97: {  	[sflag:s10] =	ssyncset.done $0x0  }
0x98: {  	[sflag:s10] =	ssyncadd.s32 $0xFFFFFF90  }
0x99: {  	v3 =	vld [tilespmem:$0x80];
	_ =	sdelay $0x4  }
0x9a: {  	v4 =	vshll.u32 v3, $0x2  }
0x9b: {  	v3 =	vand.u32 $0x7, v3;
	v4 =	vand.u32 $0xFFFFFFE0, v4  }
0x9c: {  	v3 =	vor.u32 v3, v4  }
0x9d: {  	v4 =	vperm.xlane v3, v0;
	_ =	sdelay $0x1  }
0x9e: {  	v4 =	vadd.s32 v1, v4;
	_ =	sdelay $0x1  }
0x9f: {  	v3 =	vperm.xlane v3, v2;
	_ =	sdelay $0x1  }
0xa0: {  	v3 =	vadd.s32 v1, v3  }
0xa1: {  	[tilespmem:s16], [sflag:$0x2] =	stream.indirect_vreg.gather [hbm4b:s3+s2], $0x80, v4, vm0, $0xb8;
	[tilespmem:$0x1C100] =	vst v63  }
0xa2: {  	s25 =	simm.s32 $0xE900  }
0xa3: {  	[tilespmem:s25], [sflag:$0x2] =	stream.indirect_vreg.gather [hbm4b:s5+s2], $0x80, v4, vm0, $0xb8;
	[tilespmem:$0x1C100] =	vst v63  }
0xa4: {  	s25 =	simm.s32 $0xF100  }
0xa5: {  	[tilespmem:s25], [sflag:$0x2] =	stream.indirect_vreg.gather [hbm4b:s3+s2], $0x80, v3, vm0, $0xb8;
	[tilespmem:$0x1C100] =	vst v63  }
0xa6: {  	s25 =	simm.s32 $0xF900  }
0xa7: {  	[tilespmem:s25], [sflag:$0x2] =	stream.indirect_vreg.gather [hbm4b:s5+s2], $0x80, v3, vm0, $0xb8;
	[tilespmem:$0x1C100] =	vst v63  }
0xa8: {  	v3 =	vld [tilespmem:$0x90];
	_ =	sdelay $0x4  }
0xa9: {  	v58 =	vshll.u32 v3, $0x2  }
0xaa: {  	v3 =	vand.u32 $0x7, v3;
	v4 =	vand.u32 $0xFFFFFFE0, v58  }
0xab: {  	v3 =	vor.u32 v3, v4  }
0xac: {  	v4 =	vperm.xlane v3, v0;
	_ =	sdelay $0x1  }
0xad: {  	v4 =	vadd.s32 v1, v4;
	_ =	sdelay $0x1  }
0xae: {  	v3 =	vperm.xlane v3, v2;
	_ =	sdelay $0x1  }
0xaf: {  	s25 =	simm.s32 $0x10100;
	v3 =	vadd.s32 v1, v3  }
0xb0: {  	[tilespmem:s25], [sflag:$0x2] =	stream.indirect_vreg.gather [hbm4b:s3+s2], $0x80, v4, vm0, $0xb8;
	[tilespmem:$0x1C100] =	vst v63  }
0xb1: {  	s25 =	simm.s32 $0x10900  }
0xb2: {  	[tilespmem:s25], [sflag:$0x2] =	stream.indirect_vreg.gather [hbm4b:s5+s2], $0x80, v4, vm0, $0xb8;
	[tilespmem:$0x1C100] =	vst v63  }
0xb3: {  	s25 =	simm.s32 $0x11100  }
0xb4: {  	[tilespmem:s25], [sflag:$0x2] =	stream.indirect_vreg.gather [hbm4b:s3+s2], $0x80, v3, vm0, $0xb8;
	[tilespmem:$0x1C100] =	vst v63  }
0xb5: {  	s25 =	simm.s32 $0x11900  }
0xb6: {  	[tilespmem:s25], [sflag:$0x2] =	stream.indirect_vreg.gather [hbm4b:s5+s2], $0x80, v3, vm0, $0xb8;
	[tilespmem:$0x1C100] =	vst v63  }
0xb7: {  	v3 =	vld [tilespmem:$0xA0];
	_ =	sdelay $0x4  }
0xb8: {  	v59 =	vshll.u32 v3, $0x2  }
0xb9: {  	v3 =	vand.u32 $0x7, v3;
	v4 =	vand.u32 $0xFFFFFFE0, v59  }
0xba: {  	v3 =	vor.u32 v3, v4  }
0xbb: {  	v4 =	vperm.xlane v3, v0;
	_ =	sdelay $0x1  }
0xbc: {  	v4 =	vadd.s32 v1, v4;
	_ =	sdelay $0x1  }
0xbd: {  	v3 =	vperm.xlane v3, v2;
	_ =	sdelay $0x1  }
0xbe: {  	s25 =	simm.s32 $0x12100;
	v3 =	vadd.s32 v1, v3  }
0xbf: {  	[tilespmem:s25], [sflag:$0x2] =	stream.indirect_vreg.gather [hbm4b:s3+s2], $0x80, v4, vm0, $0xb8;
	[tilespmem:$0x1C100] =	vst v63  }
0xc0: {  	s25 =	simm.s32 $0x12900  }
0xc1: {  	[tilespmem:s25], [sflag:$0x2] =	stream.indirect_vreg.gather [hbm4b:s5+s2], $0x80, v4, vm0, $0xb8;
	[tilespmem:$0x1C100] =	vst v63  }
0xc2: {  	s25 =	simm.s32 $0x13100  }
0xc3: {  	[tilespmem:s25], [sflag:$0x2] =	stream.indirect_vreg.gather [hbm4b:s3+s2], $0x80, v3, vm0, $0xb8;
	[tilespmem:$0x1C100] =	vst v63  }
0xc4: {  	_ = 	snop  }
0xc5: {  	[tilespmem:s28], [sflag:$0x2] =	stream.indirect_vreg.gather [hbm4b:s5+s2], $0x80, v3, vm0, $0xb8;
	[tilespmem:$0x1C100] =	vst v63  }
0xc6: {  	v3 =	vld [tilespmem:$0xB0];
	_ =	sdelay $0x4  }
0xc7: {  	v60 =	vshll.u32 v3, $0x2  }
0xc8: {  	v3 =	vand.u32 $0x7, v3;
	v4 =	vand.u32 $0xFFFFFFE0, v60  }
0xc9: {  	v3 =	vor.u32 v3, v4  }
0xca: {  	v4 =	vperm.xlane v3, v0;
	_ =	sdelay $0x1  }
0xcb: {  	v4 =	vadd.s32 v1, v4;
	_ =	sdelay $0x1  }
0xcc: {  	v3 =	vperm.xlane v3, v2;
	_ =	sdelay $0x1  }
0xcd: {  	v3 =	vadd.s32 v1, v3  }
0xce: {  	[tilespmem:s29], [sflag:$0x2] =	stream.indirect_vreg.gather [hbm4b:s3+s2], $0x80, v4, vm0, $0xb8;
	[tilespmem:$0x1C100] =	vst v63  }
0xcf: {  	_ = 	snop  }
0xd0: {  	[tilespmem:s30], [sflag:$0x2] =	stream.indirect_vreg.gather [hbm4b:s5+s2], $0x80, v4, vm0, $0xb8;
	[tilespmem:$0x1C100] =	vst v63  }
0xd1: {  	_ = 	snop  }
0xd2: {  	[tilespmem:s31], [sflag:$0x2] =	stream.indirect_vreg.gather [hbm4b:s3+s2], $0x80, v3, vm0, $0xb8;
	[tilespmem:$0x1C100] =	vst v63  }
0xd3: {  	_ = 	snop  }
0xd4: {  	[tilespmem:s0], [sflag:$0x2] =	stream.indirect_vreg.gather [hbm4b:s5+s2], $0x80, v3, vm0, $0xb8;
	[tilespmem:$0x1C100] =	vst v63  }
0xd5: {  	v3 =	vld [tilespmem:$0xC0];
	_ =	sdelay $0x4  }
0xd6: {  	v61 =	vshll.u32 v3, $0x2  }
0xd7: {  	v3 =	vand.u32 $0x7, v3;
	v4 =	vand.u32 $0xFFFFFFE0, v61  }
0xd8: {  	v3 =	vor.u32 v3, v4  }
0xd9: {  	v4 =	vperm.xlane v3, v0;
	_ =	sdelay $0x1  }
0xda: {  	v4 =	vadd.s32 v1, v4;
	_ =	sdelay $0x1  }
0xdb: {  	v3 =	vperm.xlane v3, v2;
	_ =	sdelay $0x1  }
0xdc: {  	v3 =	vadd.s32 v1, v3  }
0xdd: {  	[tilespmem:s1], [sflag:$0x2] =	stream.indirect_vreg.gather [hbm4b:s3+s2], $0x80, v4, vm0, $0xb8;
	[tilespmem:$0x1C100] =	vst v63  }
0xde: {  	_ = 	snop  }
0xdf: {  	[tilespmem:s4], [sflag:$0x2] =	stream.indirect_vreg.gather [hbm4b:s5+s2], $0x80, v4, vm0, $0xb8;
	[tilespmem:$0x1C100] =	vst v63  }
0xe0: {  	_ = 	snop  }
0xe1: {  	[tilespmem:s6], [sflag:$0x2] =	stream.indirect_vreg.gather [hbm4b:s3+s2], $0x80, v3, vm0, $0xb8;
	[tilespmem:$0x1C100] =	vst v63  }
0xe2: {  	_ = 	snop  }
0xe3: {  	[tilespmem:s8], [sflag:$0x2] =	stream.indirect_vreg.gather [hbm4b:s5+s2], $0x80, v3, vm0, $0xb8;
	[tilespmem:$0x1C100] =	vst v63  }
0xe4: {  	v3 =	vld [tilespmem:$0xD0];
	_ =	sdelay $0x4  }
0xe5: {  	v62 =	vshll.u32 v3, $0x2  }
0xe6: {  	v3 =	vand.u32 $0x7, v3;
	v4 =	vand.u32 $0xFFFFFFE0, v62  }
0xe7: {  	v3 =	vor.u32 v3, v4  }
0xe8: {  	v4 =	vperm.xlane v3, v0;
	_ =	sdelay $0x1  }
0xe9: {  	v4 =	vadd.s32 v1, v4;
	_ =	sdelay $0x1  }
0xea: {  	v3 =	vperm.xlane v3, v2;
	_ =	sdelay $0x1  }
0xeb: {  	v3 =	vadd.s32 v1, v3  }
0xec: {  	[tilespmem:s9], [sflag:$0x2] =	stream.indirect_vreg.gather [hbm4b:s3+s2], $0x80, v4, vm0, $0xb8;
	[tilespmem:$0x1C100] =	vst v63  }
0xed: {  	_ = 	snop  }
0xee: {  	[tilespmem:s12], [sflag:$0x2] =	stream.indirect_vreg.gather [hbm4b:s5+s2], $0x80, v4, vm0, $0xb8;
	[tilespmem:$0x1C100] =	vst v63  }
0xef: {  	_ = 	snop  }
0xf0: {  	[tilespmem:s13], [sflag:$0x2] =	stream.indirect_vreg.gather [hbm4b:s3+s2], $0x80, v3, vm0, $0xb8;
	[tilespmem:$0x1C100] =	vst v63  }
0xf1: {  	_ = 	snop  }
0xf2: {  	[tilespmem:s15], [sflag:$0x2] =	stream.indirect_vreg.gather [hbm4b:s5+s2], $0x80, v3, vm0, $0xb8;
	[tilespmem:$0x1C100] =	vst v63  }
0xf3: {  	v3 =	vld [tilespmem:$0xE0];
	_ =	sdelay $0x4  }
0xf4: {  	v63 =	vshll.u32 v3, $0x2  }
0xf5: {  	v3 =	vand.u32 $0x7, v3;
	v4 =	vand.u32 $0xFFFFFFE0, v63  }
0xf6: {  	v3 =	vor.u32 v3, v4  }
0xf7: {  	v4 =	vperm.xlane v3, v0;
	_ =	sdelay $0x1  }
0xf8: {  	v4 =	vadd.s32 v1, v4;
	_ =	sdelay $0x1  }
0xf9: {  	v3 =	vperm.xlane v3, v2;
	_ =	sdelay $0x1  }
0xfa: {  	v3 =	vadd.s32 v1, v3  }
0xfb: {  	[tilespmem:s17], [sflag:$0x2] =	stream.indirect_vreg.gather [hbm4b:s3+s2], $0x80, v4, vm0, $0xb8;
	[tilespmem:$0x1C100] =	vst v63  }
0xfc: {  	_ = 	snop  }
0xfd: {  	[tilespmem:s18], [sflag:$0x2] =	stream.indirect_vreg.gather [hbm4b:s5+s2], $0x80, v4, vm0, $0xb8;
	[tilespmem:$0x1C100] =	vst v63  }
0xfe: {  	_ = 	snop  }
0xff: {  	[tilespmem:s19], [sflag:$0x2] =	stream.indirect_vreg.gather [hbm4b:s3+s2], $0x80, v3, vm0, $0xb8;
	[tilespmem:$0x1C100] =	vst v63  }
0x100: {  	_ = 	snop  }
0x101: {  	[tilespmem:s20], [sflag:$0x2] =	stream.indirect_vreg.gather [hbm4b:s5+s2], $0x80, v3, vm0, $0xb8;
	[tilespmem:$0x1C100] =	vst v63  }
0x102: {  	s25 =	sadd.s32 s24, s7  }
0x103: {  	[hbm4b:s25+s2] =	stream.linear.scatter [tilespmem:s11], [sflag:$0x3], $0xE000, $0x38;
	[tilespmem:$0x1C100] =	vst v63  }
0x104: {  	p0 =	seq.s32 s24, $0x50800;
	_ =	swait.ge [sflag:s10], $0xE000  }
.Ltmp4:
0x105: {  	[sflag:s10] =	ssyncset.done $0x0;
	(pc) =	sbr.rel @p0 .LBB2_4-.Ltmp4, $4  }
0x106: {  	[sflag:s10] =	ssyncadd.s32 $0xFFFF2000  }
0x107: {  	_ =	swait.ge [sflag:s21], $0xE000  }
0x108: {  	[sflag:s21] =	ssyncset.done $0x0  }
0x109: {  	[sflag:s21] =	ssyncadd.s32 $0xFFFF2000  }
0x10a: {  	[tilespmem:s2], [sflag:$0x3] =	stream.linear.gather [hbm4b:s23+s2], $0x70, $0x38;
	[tilespmem:$0x1C100] =	vst v63  }
0x10b: {  	_ =	swait.ge [sflag:s10], $0x70  }
0x10c: {  	[sflag:s10] =	ssyncset.done $0x0  }
0x10d: {  	[sflag:s10] =	ssyncadd.s32 $0xFFFFFF90  }
0x10e: {  	v3 =	vld [tilespmem:$0x0];
	_ =	sdelay $0x4  }
0x10f: {  	v4 =	vshll.u32 v3, $0x2  }
0x110: {  	v3 =	vand.u32 $0x7, v3;
	v4 =	vand.u32 $0xFFFFFFE0, v4  }
0x111: {  	v3 =	vor.u32 v3, v4  }
0x112: {  	v4 =	vperm.xlane v3, v0;
	_ =	sdelay $0x1  }
0x113: {  	v4 =	vadd.s32 v1, v4;
	_ =	sdelay $0x1  }
0x114: {  	v3 =	vperm.xlane v3, v2;
	_ =	sdelay $0x1  }
0x115: {  	v3 =	vadd.s32 v1, v3  }
0x116: {  	[tilespmem:s11], [sflag:$0x1] =	stream.indirect_vreg.gather [hbm4b:s3+s2], $0x80, v4, vm0, $0xb8;
	[tilespmem:$0x1C100] =	vst v63  }
0x117: {  	s26 =	simm.s32 $0x900  }
0x118: {  	[tilespmem:s26], [sflag:$0x1] =	stream.indirect_vreg.gather [hbm4b:s5+s2], $0x80, v4, vm0, $0xb8;
	[tilespmem:$0x1C100] =	vst v63  }
0x119: {  	s26 =	simm.s32 $0x1100  }
0x11a: {  	[tilespmem:s26], [sflag:$0x1] =	stream.indirect_vreg.gather [hbm4b:s3+s2], $0x80, v3, vm0, $0xb8;
	[tilespmem:$0x1C100] =	vst v63  }
0x11b: {  	s26 =	simm.s32 $0x1900  }
0x11c: {  	[tilespmem:s26], [sflag:$0x1] =	stream.indirect_vreg.gather [hbm4b:s5+s2], $0x80, v3, vm0, $0xb8;
	[tilespmem:$0x1C100] =	vst v63  }
0x11d: {  	v3 =	vld [tilespmem:$0x10];
	_ =	sdelay $0x4  }
0x11e: {  	v58 =	vshll.u32 v3, $0x2  }
0x11f: {  	v3 =	vand.u32 $0x7, v3;
	v4 =	vand.u32 $0xFFFFFFE0, v58  }
0x120: {  	v3 =	vor.u32 v3, v4  }
0x121: {  	v4 =	vperm.xlane v3, v0;
	_ =	sdelay $0x1  }
0x122: {  	v4 =	vadd.s32 v1, v4;
	_ =	sdelay $0x1  }
0x123: {  	v3 =	vperm.xlane v3, v2;
	_ =	sdelay $0x1  }
0x124: {  	s26 =	simm.s32 $0x2100;
	v3 =	vadd.s32 v1, v3  }
0x125: {  	[tilespmem:s26], [sflag:$0x1] =	stream.indirect_vreg.gather [hbm4b:s3+s2], $0x80, v4, vm0, $0xb8;
	[tilespmem:$0x1C100] =	vst v63  }
0x126: {  	s26 =	simm.s32 $0x2900  }
0x127: {  	[tilespmem:s26], [sflag:$0x1] =	stream.indirect_vreg.gather [hbm4b:s5+s2], $0x80, v4, vm0, $0xb8;
	[tilespmem:$0x1C100] =	vst v63  }
0x128: {  	s26 =	simm.s32 $0x3100  }
0x129: {  	[tilespmem:s26], [sflag:$0x1] =	stream.indirect_vreg.gather [hbm4b:s3+s2], $0x80, v3, vm0, $0xb8;
	[tilespmem:$0x1C100] =	vst v63  }
0x12a: {  	s26 =	simm.s32 $0x3900  }
0x12b: {  	[tilespmem:s26], [sflag:$0x1] =	stream.indirect_vreg.gather [hbm4b:s5+s2], $0x80, v3, vm0, $0xb8;
	[tilespmem:$0x1C100] =	vst v63  }
0x12c: {  	v3 =	vld [tilespmem:$0x20];
	_ =	sdelay $0x4  }
0x12d: {  	v59 =	vshll.u32 v3, $0x2  }
0x12e: {  	v3 =	vand.u32 $0x7, v3;
	v4 =	vand.u32 $0xFFFFFFE0, v59  }
0x12f: {  	v3 =	vor.u32 v3, v4  }
0x130: {  	v4 =	vperm.xlane v3, v0;
	_ =	sdelay $0x1  }
0x131: {  	v4 =	vadd.s32 v1, v4;
	_ =	sdelay $0x1  }
0x132: {  	v3 =	vperm.xlane v3, v2;
	_ =	sdelay $0x1  }
0x133: {  	s26 =	simm.s32 $0x4100;
	v3 =	vadd.s32 v1, v3  }
0x134: {  	[tilespmem:s26], [sflag:$0x1] =	stream.indirect_vreg.gather [hbm4b:s3+s2], $0x80, v4, vm0, $0xb8;
	[tilespmem:$0x1C100] =	vst v63  }
0x135: {  	s26 =	simm.s32 $0x4900  }
0x136: {  	[tilespmem:s26], [sflag:$0x1] =	stream.indirect_vreg.gather [hbm4b:s5+s2], $0x80, v4, vm0, $0xb8;
	[tilespmem:$0x1C100] =	vst v63  }
0x137: {  	s26 =	simm.s32 $0x5100  }
0x138: {  	[tilespmem:s26], [sflag:$0x1] =	stream.indirect_vreg.gather [hbm4b:s3+s2], $0x80, v3, vm0, $0xb8;
	[tilespmem:$0x1C100] =	vst v63  }
0x139: {  	s26 =	simm.s32 $0x5900  }
0x13a: {  	[tilespmem:s26], [sflag:$0x1] =	stream.indirect_vreg.gather [hbm4b:s5+s2], $0x80, v3, vm0, $0xb8;
	[tilespmem:$0x1C100] =	vst v63  }
0x13b: {  	v3 =	vld [tilespmem:$0x30];
	_ =	sdelay $0x4  }
0x13c: {  	v60 =	vshll.u32 v3, $0x2  }
0x13d: {  	v3 =	vand.u32 $0x7, v3;
	v4 =	vand.u32 $0xFFFFFFE0, v60  }
0x13e: {  	v3 =	vor.u32 v3, v4  }
0x13f: {  	v4 =	vperm.xlane v3, v0;
	_ =	sdelay $0x1  }
0x140: {  	v4 =	vadd.s32 v1, v4;
	_ =	sdelay $0x1  }
0x141: {  	v3 =	vperm.xlane v3, v2;
	_ =	sdelay $0x1  }
0x142: {  	s26 =	simm.s32 $0x6100;
	v3 =	vadd.s32 v1, v3  }
0x143: {  	[tilespmem:s26], [sflag:$0x1] =	stream.indirect_vreg.gather [hbm4b:s3+s2], $0x80, v4, vm0, $0xb8;
	[tilespmem:$0x1C100] =	vst v63  }
0x144: {  	s26 =	simm.s32 $0x6900  }
0x145: {  	[tilespmem:s26], [sflag:$0x1] =	stream.indirect_vreg.gather [hbm4b:s5+s2], $0x80, v4, vm0, $0xb8;
	[tilespmem:$0x1C100] =	vst v63  }
0x146: {  	s26 =	simm.s32 $0x7100  }
0x147: {  	[tilespmem:s26], [sflag:$0x1] =	stream.indirect_vreg.gather [hbm4b:s3+s2], $0x80, v3, vm0, $0xb8;
	[tilespmem:$0x1C100] =	vst v63  }
0x148: {  	s26 =	simm.s32 $0x7900  }
0x149: {  	[tilespmem:s26], [sflag:$0x1] =	stream.indirect_vreg.gather [hbm4b:s5+s2], $0x80, v3, vm0, $0xb8;
	[tilespmem:$0x1C100] =	vst v63  }
0x14a: {  	v3 =	vld [tilespmem:$0x40];
	_ =	sdelay $0x4  }
0x14b: {  	v61 =	vshll.u32 v3, $0x2  }
0x14c: {  	v3 =	vand.u32 $0x7, v3;
	v4 =	vand.u32 $0xFFFFFFE0, v61  }
0x14d: {  	v3 =	vor.u32 v3, v4  }
0x14e: {  	v4 =	vperm.xlane v3, v0;
	_ =	sdelay $0x1  }
0x14f: {  	v4 =	vadd.s32 v1, v4;
	_ =	sdelay $0x1  }
0x150: {  	v3 =	vperm.xlane v3, v2;
	_ =	sdelay $0x1  }
0x151: {  	s26 =	simm.s32 $0x8100;
	v3 =	vadd.s32 v1, v3  }
0x152: {  	[tilespmem:s26], [sflag:$0x1] =	stream.indirect_vreg.gather [hbm4b:s3+s2], $0x80, v4, vm0, $0xb8;
	[tilespmem:$0x1C100] =	vst v63  }
0x153: {  	s26 =	simm.s32 $0x8900  }
0x154: {  	[tilespmem:s26], [sflag:$0x1] =	stream.indirect_vreg.gather [hbm4b:s5+s2], $0x80, v4, vm0, $0xb8;
	[tilespmem:$0x1C100] =	vst v63  }
0x155: {  	s26 =	simm.s32 $0x9100  }
0x156: {  	[tilespmem:s26], [sflag:$0x1] =	stream.indirect_vreg.gather [hbm4b:s3+s2], $0x80, v3, vm0, $0xb8;
	[tilespmem:$0x1C100] =	vst v63  }
0x157: {  	s26 =	simm.s32 $0x9900  }
0x158: {  	[tilespmem:s26], [sflag:$0x1] =	stream.indirect_vreg.gather [hbm4b:s5+s2], $0x80, v3, vm0, $0xb8;
	[tilespmem:$0x1C100] =	vst v63  }
0x159: {  	v3 =	vld [tilespmem:$0x50];
	_ =	sdelay $0x4  }
0x15a: {  	v62 =	vshll.u32 v3, $0x2  }
0x15b: {  	v3 =	vand.u32 $0x7, v3;
	v4 =	vand.u32 $0xFFFFFFE0, v62  }
0x15c: {  	v3 =	vor.u32 v3, v4  }
0x15d: {  	v4 =	vperm.xlane v3, v0;
	_ =	sdelay $0x1  }
0x15e: {  	v4 =	vadd.s32 v1, v4;
	_ =	sdelay $0x1  }
0x15f: {  	v3 =	vperm.xlane v3, v2;
	_ =	sdelay $0x1  }
0x160: {  	s26 =	simm.s32 $0xA100;
	v3 =	vadd.s32 v1, v3  }
0x161: {  	[tilespmem:s26], [sflag:$0x1] =	stream.indirect_vreg.gather [hbm4b:s3+s2], $0x80, v4, vm0, $0xb8;
	[tilespmem:$0x1C100] =	vst v63  }
0x162: {  	s26 =	simm.s32 $0xA900  }
0x163: {  	[tilespmem:s26], [sflag:$0x1] =	stream.indirect_vreg.gather [hbm4b:s5+s2], $0x80, v4, vm0, $0xb8;
	[tilespmem:$0x1C100] =	vst v63  }
0x164: {  	s26 =	simm.s32 $0xB100  }
0x165: {  	[tilespmem:s26], [sflag:$0x1] =	stream.indirect_vreg.gather [hbm4b:s3+s2], $0x80, v3, vm0, $0xb8;
	[tilespmem:$0x1C100] =	vst v63  }
0x166: {  	s26 =	simm.s32 $0xB900  }
0x167: {  	[tilespmem:s26], [sflag:$0x1] =	stream.indirect_vreg.gather [hbm4b:s5+s2], $0x80, v3, vm0, $0xb8;
	[tilespmem:$0x1C100] =	vst v63  }
0x168: {  	v3 =	vld [tilespmem:$0x60];
	_ =	sdelay $0x4  }
0x169: {  	v63 =	vshll.u32 v3, $0x2  }
0x16a: {  	v3 =	vand.u32 $0x7, v3;
	v4 =	vand.u32 $0xFFFFFFE0, v63  }
0x16b: {  	v3 =	vor.u32 v3, v4  }
0x16c: {  	v4 =	vperm.xlane v3, v0;
	_ =	sdelay $0x1  }
0x16d: {  	v4 =	vadd.s32 v1, v4;
	_ =	sdelay $0x1  }
0x16e: {  	v3 =	vperm.xlane v3, v2;
	_ =	sdelay $0x1  }
0x16f: {  	s26 =	simm.s32 $0xC100;
	v3 =	vadd.s32 v1, v3  }
0x170: {  	[tilespmem:s26], [sflag:$0x1] =	stream.indirect_vreg.gather [hbm4b:s3+s2], $0x80, v4, vm0, $0xb8;
	[tilespmem:$0x1C100] =	vst v63  }
0x171: {  	s26 =	simm.s32 $0xC900  }
0x172: {  	[tilespmem:s26], [sflag:$0x1] =	stream.indirect_vreg.gather [hbm4b:s5+s2], $0x80, v4, vm0, $0xb8;
	[tilespmem:$0x1C100] =	vst v63  }
.Ltmp5:
0x173: {  	s26 =	simm.s32 $0xD100;
	(pc) =	sbr.rel .LBB2_4-.Ltmp5, $4  }
0x174: {  	[tilespmem:s26], [sflag:$0x1] =	stream.indirect_vreg.gather [hbm4b:s3+s2], $0x80, v3, vm0, $0xb8;
	[tilespmem:$0x1C100] =	vst v63  }
0x175: {  	s26 =	simm.s32 $0xD900  }
0x176: {  	[tilespmem:s26], [sflag:$0x1] =	stream.indirect_vreg.gather [hbm4b:s5+s2], $0x80, v3, vm0, $0xb8;
	[tilespmem:$0x1C100] =	vst v63  }
0x177: {  	s26 =	simm.s32 $0x80  }
.LBB2_6:
0x178: {  	_ =	sfence.sel $0x180000  }
0x179: {  	[bflag:$0x0] =	sbarrier.arrive $0xFFFF  }
0x17a: {  	_ =	strace $0x90000050  }
0x17b: {  	s0 =	stileid.u32;
	[bflag:$0x2] =	sbarrier.arrive $0xFFFF  }
0x17c: {  	p0 =	sne.s32 s0, $0x0;
	s0 =	rddreg [dreg:$0x1]  }
0x17d: {  	s0 =	sadd.s32 @!p0 $0x100000, s0  }
0x17e: {  	[sflag:s0] =	ssyncadd.tile.s32 @!p0 $0x1;
	_ =	shalt  }
.Lfunc_end2:
_tile_overlayer_lowered:
.L_overlay_start_2:
0x17f: {  	(tag) =	ssettag $0x2  }
0x180: {  	s0 =	rddreg [dreg:$0x0];
	s2 =	stileid.u32  }
0x181: {  	s1 =	rddreg [dreg:$0x1];
	p0 =	sne.s32 s2, $0x0  }
0x182: {  	s3 =	rddreg [dreg:$0x2];
	[bflag:$0x3] =	sbarrier.arrive $0xFFFF;
	s2 =	simm.s32 @!p0 $0x1C03  }
0x183: {  	[timem:s3], [sflag:s2] =	dma.local @!p0 [hbm:s0], s1  }
0x184: {  	s0 =	simm.s32 @!p0 $0x3  }
0x185: {  	_ =	swait.ge @!p0 [sflag:s0], s1  }
0x186: {  	s1 =	ssub.s32 @!p0 $0x0, s1;
	[sflag:s0] =	ssyncset.done @!p0 $0x0  }
0x187: {  	[sflag:s0] =	ssyncadd.s32 @!p0 s1  }
0x188: {  	[bflag:$0x3] =	sbarrier.arrive $0xFFFF  }
0x189: {  	_ =	shalt  }

// kernel: kernel.22.cloned.1.call-start
scs
__scs_entry_jumppad:
0x0: {  	(pc) =	sbr.rel $0x88, $3  }
0x1: {  	(tag) =	ssettag $0x0;
	lr =	simm.s32 $0x1  }
0x2: {  	[smem:$0x3F7B] =	sst lr;
	_ =	strace $0xD0000000  }
0x3: {  	_ = 	snop  }
0x4: {  	_ = 	snop  }
0x5: {  	_ = 	snop  }
0x6: {  	_ = 	snop  }
0x7: {  	_ = 	snop  }
__scs_overlays_trampoline_lowered:
0x8: {  	[smem:$0x3F8A] =	sst s0  }
0x9: {  	[smem:$0x3F8B] =	sst s1  }
0xa: {  	[smem:$0x3F8C] =	sst s2  }
0xb: {  	[smem:$0x3F8D] =	sst s3  }
0xc: {  	[smem:$0x3F8E] =	sst s4  }
0xd: {  	[smem:$0x3F8F] =	sst s5  }
0xe: {  	[smem:$0x3F90] =	sst s6  }
0xf: {  	[smem:$0x3F91] =	sst s7  }
0x10: {  	[smem:$0x3F92] =	sst s8  }
0x11: {  	[smem:$0x3F93] =	sst s9;
	s0 =	simm.s32 @!p0 $0x0  }
0x12: {  	s1 =	sld [smem:$0x3F79];
	s0 =	simm.s32 @p0 $0x1  }
0x13: {  	[smem:$0x3F94] =	sst s0;
	s0 =	simm.s32 @!p1 $0x0  }
0x14: {  	s2 =	sld [smem:$0x3F78];
	s0 =	simm.s32 @p1 $0x1  }
0x15: {  	[smem:$0x3F95] =	sst s0;
	s0 =	simm.s32 @!p2 $0x0  }
0x16: {  	s3 =	sld [smem:$0x3FDB];
	s0 =	simm.s32 @p2 $0x1  }
0x17: {  	s4 =	simm.s32 $0x1BF5;
	[smem:$0x3F97] =	sst s0  }
0x18: {  	s0 =	sld [smem:$0x3F7A];
	_ =	swait.ge [sflag:s4], $0x0  }
0x19: {  	s7 =	sld [smem:$0x3F7B]  }
0x1a: {  	s8 =	sadd.s32 $0xFFFFE003, lr  }
0x1b: {  	s9 =	sadd.s32 $0xFFFFFEF7, lr;
	s5 =	simm.s32 $0xFFFFFFFF;
	p2 =	slt.u32 s8, $0xFFFFF086  }
0x1c: {  	p1 =	slt.u32 s9, $0xF7A;
	s5 =	simm.s32 @!p2 $0x0  }
0x1d: {  	s5 =	simm.s32 @p1 $0x1;
	p0 =	seq.s32 s7, s2  }
0x1e: {  	s7 =	smul.u32 @!p0 $0xF7A, s2;
	p2 =	seq.s32 @!p0 s5, $0x0  }
0x1f: {  	s9 =	smul.u32 $0xF7A, s1;
	s8 =	simm.s32 @!p0 $0x1BF5;
	p2 =	por !p2, p0  }
0x20: {  	[sflag:s8] =	ssyncset.s32 @!p0 $0xFFFFF086;
	s6 =	sadd.s32 @!p0 s3, s7;
	s7 =	simm.s32 @!p0 $0x108  }
0x21: {  	s3 =	sadd.s32 s3, s9;
	s6 =	sadd.s32 @!p0 $0x88, s6;
	s7 =	simm.s32 @p2 $0x1082  }
0x22: {  	[simem:s7], [sflag:s8] =	dma.local @!p0 [hbm:s6], $0xF7A  }
0x23: {  	s9 =	sor.u32 $0xD0000000, s2;
	s6 =	simm.s32 $0x108;
	_ =	swait.ge @!p0 [sflag:s8], $0x0  }
0x24: {  	s3 =	sadd.s32 $0x88, s3;
	s6 =	simm.s32 @!p1 $0x1082;
	[sflag:s4] =	ssyncset.s32 $0xFFFFF086  }
0x25: {  	[simem:s6], [sflag:s4] =	dma.local [hbm:s3], $0xF7A  }
0x26: {  	[smem:$0x3F7B] =	sst s1;
	(tag) =	ssettag s2;
	_ =	strace s9  }
0x27: {  	s1 =	sld [smem:$0x3F8B]  }
0x28: {  	s2 =	sld [smem:$0x3F8C]  }
0x29: {  	s4 =	sld [smem:$0x3F8E]  }
0x2a: {  	p0 =	seq.s32 s5, $0x0;
	s5 =	sld [smem:$0x3F8F]  }
0x2b: {  	s6 =	sld [smem:$0x3F90]  }
0x2c: {  	s7 =	sld [smem:$0x3F91]  }
0x2d: {  	s3 =	simm.s32 $0x108;
	s8 =	sld [smem:$0x3F92]  }
0x2e: {  	s3 =	simm.s32 @!p0 $0x1082;
	s9 =	sld [smem:$0x3F93]  }
0x2f: {  	lr =	sadd.s32 s0, s3;
	s0 =	sld [smem:$0x3F8A]  }
0x30: {  	s3 =	sld [smem:$0x3F8D]  }
0x31: {  	[smem:$0x3F96] =	sst s10  }
0x32: {  	s10 =	sld [smem:$0x3F94];
	_ =	sdelay $0x3  }
0x33: {  	p0 =	seq.s32 s10, $0x1;
	s10 =	sld [smem:$0x3F96];
	_ =	sdelay $0x3  }
0x34: {  	[smem:$0x3F96] =	sst s10  }
0x35: {  	s10 =	sld [smem:$0x3F95];
	_ =	sdelay $0x3  }
0x36: {  	p1 =	seq.s32 s10, $0x1;
	s10 =	sld [smem:$0x3F96];
	_ =	sdelay $0x3  }
0x37: {  	[smem:$0x3F96] =	sst s10  }
0x38: {  	s10 =	sld [smem:$0x3F97]  }
0x39: {  	_ = 	snop;
	(pc) =	sbr.ind lr, $3  }
0x3a: {  	_ = 	snop  }
0x3b: {  	_ = 	snop  }
0x3c: {  	p2 =	seq.s32 s10, $0x1;
	s10 =	sld [smem:$0x3F96]  }
0x3d: {  	_ =	shalt  }
0x3e: {  	_ =	shalt  }
0x3f: {  	_ =	shalt  }
0x40: {  	_ =	shalt  }
0x41: {  	_ =	shalt  }
0x42: {  	_ =	shalt  }
0x43: {  	_ =	shalt  }
0x44: {  	_ =	shalt  }
0x45: {  	_ =	shalt  }
0x46: {  	_ =	shalt  }
0x47: {  	_ =	shalt  }
0x48: {  	_ =	shalt  }
0x49: {  	_ =	shalt  }
0x4a: {  	_ =	shalt  }
0x4b: {  	_ =	shalt  }
0x4c: {  	_ =	shalt  }
0x4d: {  	_ =	shalt  }
0x4e: {  	_ =	shalt  }
0x4f: {  	_ =	shalt  }
0x50: {  	_ =	shalt  }
0x51: {  	_ =	shalt  }
0x52: {  	_ =	shalt  }
0x53: {  	_ =	shalt  }
0x54: {  	_ =	shalt  }
0x55: {  	_ =	shalt  }
0x56: {  	_ =	shalt  }
0x57: {  	_ =	shalt  }
0x58: {  	_ =	shalt  }
0x59: {  	_ =	shalt  }
0x5a: {  	_ =	shalt  }
0x5b: {  	_ =	shalt  }
0x5c: {  	_ =	shalt  }
0x5d: {  	_ =	shalt  }
0x5e: {  	_ =	shalt  }
0x5f: {  	_ =	shalt  }
0x60: {  	_ =	shalt  }
0x61: {  	_ =	shalt  }
0x62: {  	_ =	shalt  }
0x63: {  	_ =	shalt  }
0x64: {  	_ =	shalt  }
0x65: {  	_ =	shalt  }
0x66: {  	_ =	shalt  }
0x67: {  	_ =	shalt  }
0x68: {  	_ =	shalt  }
0x69: {  	_ =	shalt  }
0x6a: {  	_ =	shalt  }
0x6b: {  	_ =	shalt  }
0x6c: {  	_ =	shalt  }
0x6d: {  	_ =	shalt  }
0x6e: {  	_ =	shalt  }
0x6f: {  	_ =	shalt  }
0x70: {  	_ =	shalt  }
0x71: {  	_ =	shalt  }
0x72: {  	_ =	shalt  }
0x73: {  	_ =	shalt  }
0x74: {  	_ =	shalt  }
0x75: {  	_ =	shalt  }
0x76: {  	_ =	shalt  }
0x77: {  	_ =	shalt  }
0x78: {  	_ =	shalt  }
0x79: {  	_ =	shalt  }
0x7a: {  	_ =	shalt  }
0x7b: {  	_ =	shalt  }
0x7c: {  	_ =	shalt  }
0x7d: {  	_ =	shalt  }
0x7e: {  	_ =	shalt  }
0x7f: {  	_ =	shalt  }
0x80: {  	_ =	shalt  }
0x81: {  	_ =	shalt  }
0x82: {  	_ =	shalt  }
0x83: {  	_ =	shalt  }
0x84: {  	_ =	shalt  }
0x85: {  	_ =	shalt  }
0x86: {  	_ =	shalt  }
0x87: {  	_ =	shalt  }
.Lfunc_end0:
.L_simem_size_0:
called_computation.4_lowered:
.L_overlay_start_0:
0x88: {  	s2 =	sld [smem:$0x3FD9]  }
0x89: {  	s3 =	sld [smem:$0x3FFE];
	_ =	sdelay $0x1  }
0x8a: {  	s1 =	srdreg.scid  }
0x8b: {  	s0 =	sand.u32 $0x1, s1  }
0x8c: {  	s16 =	sshll.u32 s0, $0xA;
	s2 =	sadd.s32 s3, s2  }
0x8d: {  	s2 =	sadd.s32 s2, s16  }
0x8e: {  	[smem:$0x3FA2] =	sst s2  }
0x8f: {  	_ = 	snop  }
0x90: {  	(tm) =	ssettm $0x1  }
0x91: {  	s17 =	sld [smem:$0x3FFB];
	_ =	sdelay $0x3  }
0x92: {  	_ =	strace s17  }
0x93: {  	s2 =	sld [smem:$0x3FFC];
	_ =	sdelay $0x3  }
0x94: {  	_ =	strace s2  }
0x95: {  	s2 =	sld [smem:$0x3FFD];
	_ =	sdelay $0x3  }
0x96: {  	_ =	strace s2  }
0x97: {  	_ =	strace $0x8FFFFFFF  }
0x98: {  	s18 =	sld [smem:$0x3FDB];
	_ =	sdelay $0x1  }
0x99: {  	s19 =	simm.s32 $_scs_section_size  }
0x9a: {  	s4 =	simm.s32 $_size__tile_overlayer_lowered;
	s5 =	simm.s32 $_tile_overlayer_lowered  }
0x9b: {  	s22 =	simm.s32 $0x1BFF;
	s21 =	sshll.u32 s5, $0x1;
	s2 =	sadd.s32 s19, s18  }
0x9c: {  	s6 =	simm.s32 $0x0;
	s20 =	sshll.u32 s4, $0x1;
	s4 =	sadd.s32 s21, s2  }
0x9d: {  	[timem:s6], [sflag:s22] =	dma.local [hbm:s4], s20  }
0x9e: {  	_ =	swait.ge [sflag:s22], s20  }
0x9f: {  	s3 =	ssub.s32 $0x0, s20;
	[sflag:s22] =	ssyncset.done $0x0  }
0xa0: {  	[sflag:s22] =	ssyncadd.s32 s3;
	_ =	sdelay $0x1  }
0xa1: {  	s23 =	simm.s32 $0x1B8B  }
0xa2: {  	_ =	swait.ge [sflag:s23], $0x1  }
0xa3: {  	[sflag:s23] =	ssyncset.done $0x0  }
0xa4: {  	s25 =	simm.s32 $0x1B8E;
	s24 =	sld [smem:$0x3FFE];
	[sflag:s23] =	ssyncadd.s32 $0xFFFFFFFF  }
0xa5: {  	s26 =	simm.s32 $execute0_lowered;
	[smem:$0x3FD2] =	sst s25  }
0xa6: {  	s4 =	sshll.u32 s26, $0x1;
	_ =	strace $0x80000052;
	[dreg:$0x1] =	wrdreg $0xFFFFFFFF  }
0xa7: {  	s28 =	simm.s32 $_size_execute0_lowered;
	s2 =	sadd.s32 s2, s4;
	[dreg:$0x0] =	wrdreg $0x0  }
0xa8: {  	s4 =	sshll.u32 s28, $0x1;
	[dreg:$0x2] =	wrdreg s2  }
0xa9: {  	[dreg:$0x3] =	wrdreg s4  }
0xaa: {  	[dreg:$0x4] =	wrdreg $0xC0  }
0xab: {  	_ =	task [dreg:s6], $0x5FFFF  }
0xac: {  	[dreg:$0x1] =	wrdreg $0xFFFFFFFF  }
0xad: {  	[dreg:$0x0] =	wrdreg $0x60  }
0xae: {  	[dreg:$0x2] =	wrdreg s24  }
0xaf: {  	[dreg:$0x3] =	wrdreg $0x9  }
0xb0: {  	_ =	task.clear_ibuf [dreg:s6], $0x4FFFF;
	_ =	strace $0x90000052  }
0xb1: {  	s29 =	simm.s32 $0x9;
	_ =	strace $0x80000054  }
0xb2: {  	_ =	swait.ge [sflag:s29], $0x1  }
0xb3: {  	[sflag:s29] =	ssyncadd.s32 $0xFFFFFFFF  }
0xb4: {  	_ =	strace $0x90000054  }
0xb5: {  	_ =	sfence  }
0xb6: {  	s30 =	sld [smem:$0x0];
	_ =	sdelay $0x2  }
0xb7: {  	s31 =	sshll.u32 s1, $0xD;
	s1 =	sshrl.u32 s1, $0x2  }
0xb8: {  	s3 =	sand.u32 $0x4000, s31;
	s1 =	sadd.s32 s1, s30  }
0xb9: {  	s0 =	sor.u32 s3, s0;
	s1 =	sshll.u32 s1, $0x11  }
0xba: {  	s0 =	sor.u32 s1, s0  }
0xbb: {  	s0 =	sadd.s32 $0x8F2B, s0  }
0xbc: {  	[sflag:s0] =	ssyncadd.remote.s32 $0x1  }
0xbd: {  	_ =	sfence.sel $0xFFFF  }
0xbe: {  	[dreg:$0x0] =	wrdreg $0xFFFFFFFF;
	(pc) =	sbr.abs _section_cstart, $3  }
0xbf: {  	[dreg:$0x1] =	wrdreg $0xFFFFFFFF  }
0xc0: {  	_ =	task.clear_ibuf [dreg:s6], $0x2FFFF;
	_ =	strace $0x9FFFFFFF  }
0xc1: {  	(tm) =	ssettm $0x7FFFFFFF  }
tec
execute0_lowered:
.L_overlay_start_1:
0x0: {  	(tag) =	ssettag $0x1  }
0x1: {  	s0 =	rddreg [dreg:$0x0];
	s2 =	simm.s32 $0x0  }
0x2: {  	s8 =	stileid.u32;
	s1 =	srdreg.scid;
	s11 =	simm.s32 $0x100  }
0x3: {  	s14 =	simm.s32 $0x1;
	s16 =	simm.s32 $0xE100;
	s28 =	simm.s32 $0x13900  }
0x4: {  	s29 =	simm.s32 $0x14100;
	s30 =	simm.s32 $0x14900;
	s31 =	simm.s32 $0x15100  }
0x5: {  	s12 =	simm.s32 $0x18900;
	s13 =	simm.s32 $0x19100;
	s15 =	simm.s32 $0x19900  }
0x6: {  	s17 =	simm.s32 $0x1A100;
	s18 =	simm.s32 $0x1A900;
	s19 =	simm.s32 $0x1B100  }
0x7: {  	s20 =	simm.s32 $0x1B900;
	s21 =	simm.s32 $0x2;
	[smem:$0x7FF] =	sst s2  }
0x8: {  	s1 =	sand.u32 $0x1, s1;
	s3 =	sshll.u32 s8, $0x1;
	s4 =	smul.u32 $0xA8000, s8  }
0x9: {  	s6 =	sadd.s32 $0xB9400, s0;
	s8 =	smul.u32 $0x2A00, s8;
	_ =	strace $0x80000053  }
0xa: {  	s5 =	sor.u32 s1, s3;
	s7 =	ssub.s32 $0x2, s1;
	s10 =	smul.u32 $0x1500, s1  }
0xb: {  	s3 =	sadd.s32 $0xBE800, s0;
	s1 =	smul.u32 $0x54000, s1;
	s9 =	sshrl.u32 s7, $0x1  }
0xc: {  	s5 =	smul.u32 $0x1500, s5;
	s4 =	sadd.s32 s4, s0;
	s7 =	ssub.s32 s7, s9  }
0xd: {  	s24 =	sadd.s32 s10, s8;
	s1 =	sadd.s32 s1, s4;
	s10 =	simm.s32 $0x3  }
0xe: {  	s4 =	simm.s32 $0x16900;
	s8 =	simm.s32 $0x17900;
	s9 =	simm.s32 $0x18100  }
0xf: {  	s5 =	sshrl.u32 s5, $0x3;
	s23 =	smax.u32 s7, $0x1;
	s25 =	sor.u32 $0xE0, s24  }
0x10: {  	s7 =	sadd.s32 $0x15E800, s1;
	s5 =	sadd.s32 s6, s5;
	[dreg:$0x3] =	wrdreg s23  }
.Ltmp0:
0x11: {  	s26 =	sshrl.u32 s25, $0x3;
	s23 =	simm.s32 $0x0;
	(pc) =	sbr.rel .LBB2_1-.Ltmp0, $4  }
0x12: {  	[dreg:$0x2] =	wrdreg s5;
	s5 =	sadd.s32 $0xBE900, s0;
	s0 =	sor.u32 $0x70, s24  }
0x13: {  	v2 =	vlaneseq.u32;
	s1 =	sadd.s32 s26, s6;
	s26 =	simm.s32 $0x80;
	s0 =	sshrl.u32 s0, $0x3  }
0x14: {  	vm0 =	vmmov $0xffff;
	v1 =	vshrl.u32 v2, $0x3;
	[dreg:$0x4] =	wrdreg s1;
	s1 =	simm.s32 $0x16100;
	s0 =	sadd.s32 s0, s6  }
0x15: {  	v0 =	vand.u32 $0x7, v2;
	v2 =	vor.u32 $0x8, v2;
	v1 =	vmul.u32 $0x8, v1;
	s6 =	simm.s32 $0x17100;
	[dreg:$0x5] =	wrdreg s0;
	s0 =	simm.s32 $0x15900  }
.LBB2_5:
0x16: {  	s23 =	rddreg [dreg:$0x6]  }
0x17: {  	s22 =	rddreg [dreg:$0x3];
	s23 =	sadd.s32 $0x1, s23  }
0x18: {  	p0 =	sne.s32 s23, s22  }
.Ltmp1:
0x19: {  	_ = 	snop;
	(pc) =	sbr.rel @!p0 .LBB2_6-.Ltmp1, $1  }
0x1a: {  	_ =	sdelay $0x3  }
.LBB2_1:
0x1b: {  	[dreg:$0x6] =	wrdreg s23  }
0x1c: {  	s22 =	rddreg [dreg:$0x2]  }
0x1d: {  	[tilespmem:s2], [sflag:$0x3] =	stream.linear.gather [hbm4b:s22+s2], $0x70, $0x38;
	[tilespmem:$0x1C100] =	vst v63  }
0x1e: {  	_ =	swait.ge [sflag:s10], $0x70  }
0x1f: {  	[sflag:s10] =	ssyncset.done $0x0  }
0x20: {  	[sflag:s10] =	ssyncadd.s32 $0xFFFFFF90  }
0x21: {  	v3 =	vld [tilespmem:$0x0];
	_ =	sdelay $0x4  }
0x22: {  	v4 =	vshll.u32 v3, $0x2  }
0x23: {  	v3 =	vand.u32 $0x7, v3;
	v4 =	vand.u32 $0xFFFFFFE0, v4  }
0x24: {  	v3 =	vor.u32 v3, v4  }
0x25: {  	v4 =	vperm.xlane v3, v0;
	_ =	sdelay $0x1  }
0x26: {  	v4 =	vadd.s32 v1, v4;
	_ =	sdelay $0x1  }
0x27: {  	v3 =	vperm.xlane v3, v2;
	_ =	sdelay $0x1  }
0x28: {  	v3 =	vadd.s32 v1, v3  }
0x29: {  	[tilespmem:s11], [sflag:$0x1] =	stream.indirect_vreg.gather [hbm4b:s3+s2], $0x80, v4, vm0, $0xb8;
	[tilespmem:$0x1C100] =	vst v63  }
0x2a: {  	s23 =	simm.s32 $0x900  }
0x2b: {  	[tilespmem:s23], [sflag:$0x1] =	stream.indirect_vreg.gather [hbm4b:s5+s2], $0x80, v4, vm0, $0xb8;
	[tilespmem:$0x1C100] =	vst v63  }
0x2c: {  	s24 =	simm.s32 $0x1100  }
0x2d: {  	[tilespmem:s24], [sflag:$0x1] =	stream.indirect_vreg.gather [hbm4b:s3+s2], $0x80, v3, vm0, $0xb8;
	[tilespmem:$0x1C100] =	vst v63  }
0x2e: {  	s25 =	simm.s32 $0x1900  }
0x2f: {  	[tilespmem:s25], [sflag:$0x1] =	stream.indirect_vreg.gather [hbm4b:s5+s2], $0x80, v3, vm0, $0xb8;
	[tilespmem:$0x1C100] =	vst v63  }
0x30: {  	v3 =	vld [tilespmem:$0x10];
	_ =	sdelay $0x4  }
0x31: {  	v58 =	vshll.u32 v3, $0x2  }
0x32: {  	v3 =	vand.u32 $0x7, v3;
	v4 =	vand.u32 $0xFFFFFFE0, v58  }
0x33: {  	v3 =	vor.u32 v3, v4  }
0x34: {  	v4 =	vperm.xlane v3, v0;
	_ =	sdelay $0x1  }
0x35: {  	v4 =	vadd.s32 v1, v4;
	_ =	sdelay $0x1  }
0x36: {  	v3 =	vperm.xlane v3, v2;
	_ =	sdelay $0x1  }
0x37: {  	s23 =	simm.s32 $0x2100;
	v3 =	vadd.s32 v1, v3  }
0x38: {  	[tilespmem:s23], [sflag:$0x1] =	stream.indirect_vreg.gather [hbm4b:s3+s2], $0x80, v4, vm0, $0xb8;
	[tilespmem:$0x1C100] =	vst v63  }
0x39: {  	s24 =	simm.s32 $0x2900  }
0x3a: {  	[tilespmem:s24], [sflag:$0x1] =	stream.indirect_vreg.gather [hbm4b:s5+s2], $0x80, v4, vm0, $0xb8;
	[tilespmem:$0x1C100] =	vst v63  }
0x3b: {  	s25 =	simm.s32 $0x3100  }
0x3c: {  	[tilespmem:s25], [sflag:$0x1] =	stream.indirect_vreg.gather [hbm4b:s3+s2], $0x80, v3, vm0, $0xb8;
	[tilespmem:$0x1C100] =	vst v63  }
0x3d: {  	s23 =	simm.s32 $0x3900  }
0x3e: {  	[tilespmem:s23], [sflag:$0x1] =	stream.indirect_vreg.gather [hbm4b:s5+s2], $0x80, v3, vm0, $0xb8;
	[tilespmem:$0x1C100] =	vst v63  }
0x3f: {  	v3 =	vld [tilespmem:$0x20];
	_ =	sdelay $0x4  }
0x40: {  	v59 =	vshll.u32 v3, $0x2  }
0x41: {  	v3 =	vand.u32 $0x7, v3;
	v4 =	vand.u32 $0xFFFFFFE0, v59  }
0x42: {  	v3 =	vor.u32 v3, v4  }
0x43: {  	v4 =	vperm.xlane v3, v0;
	_ =	sdelay $0x1  }
0x44: {  	v4 =	vadd.s32 v1, v4;
	_ =	sdelay $0x1  }
0x45: {  	v3 =	vperm.xlane v3, v2;
	_ =	sdelay $0x1  }
0x46: {  	s24 =	simm.s32 $0x4100;
	v3 =	vadd.s32 v1, v3  }
0x47: {  	[tilespmem:s24], [sflag:$0x1] =	stream.indirect_vreg.gather [hbm4b:s3+s2], $0x80, v4, vm0, $0xb8;
	[tilespmem:$0x1C100] =	vst v63  }
0x48: {  	s25 =	simm.s32 $0x4900  }
0x49: {  	[tilespmem:s25], [sflag:$0x1] =	stream.indirect_vreg.gather [hbm4b:s5+s2], $0x80, v4, vm0, $0xb8;
	[tilespmem:$0x1C100] =	vst v63  }
0x4a: {  	s23 =	simm.s32 $0x5100  }
0x4b: {  	[tilespmem:s23], [sflag:$0x1] =	stream.indirect_vreg.gather [hbm4b:s3+s2], $0x80, v3, vm0, $0xb8;
	[tilespmem:$0x1C100] =	vst v63  }
0x4c: {  	s24 =	simm.s32 $0x5900  }
0x4d: {  	[tilespmem:s24], [sflag:$0x1] =	stream.indirect_vreg.gather [hbm4b:s5+s2], $0x80, v3, vm0, $0xb8;
	[tilespmem:$0x1C100] =	vst v63  }
0x4e: {  	v3 =	vld [tilespmem:$0x30];
	_ =	sdelay $0x4  }
0x4f: {  	v60 =	vshll.u32 v3, $0x2  }
0x50: {  	v3 =	vand.u32 $0x7, v3;
	v4 =	vand.u32 $0xFFFFFFE0, v60  }
0x51: {  	v3 =	vor.u32 v3, v4  }
0x52: {  	v4 =	vperm.xlane v3, v0;
	_ =	sdelay $0x1  }
0x53: {  	v4 =	vadd.s32 v1, v4;
	_ =	sdelay $0x1  }
0x54: {  	v3 =	vperm.xlane v3, v2;
	_ =	sdelay $0x1  }
0x55: {  	s25 =	simm.s32 $0x6100;
	v3 =	vadd.s32 v1, v3  }
0x56: {  	[tilespmem:s25], [sflag:$0x1] =	stream.indirect_vreg.gather [hbm4b:s3+s2], $0x80, v4, vm0, $0xb8;
	[tilespmem:$0x1C100] =	vst v63  }
0x57: {  	s23 =	simm.s32 $0x6900  }
0x58: {  	[tilespmem:s23], [sflag:$0x1] =	stream.indirect_vreg.gather [hbm4b:s5+s2], $0x80, v4, vm0, $0xb8;
	[tilespmem:$0x1C100] =	vst v63  }
0x59: {  	s24 =	simm.s32 $0x7100  }
0x5a: {  	[tilespmem:s24], [sflag:$0x1] =	stream.indirect_vreg.gather [hbm4b:s3+s2], $0x80, v3, vm0, $0xb8;
	[tilespmem:$0x1C100] =	vst v63  }
0x5b: {  	s25 =	simm.s32 $0x7900  }
0x5c: {  	[tilespmem:s25], [sflag:$0x1] =	stream.indirect_vreg.gather [hbm4b:s5+s2], $0x80, v3, vm0, $0xb8;
	[tilespmem:$0x1C100] =	vst v63  }
0x5d: {  	v3 =	vld [tilespmem:$0x40];
	_ =	sdelay $0x4  }
0x5e: {  	v61 =	vshll.u32 v3, $0x2  }
0x5f: {  	v3 =	vand.u32 $0x7, v3;
	v4 =	vand.u32 $0xFFFFFFE0, v61  }
0x60: {  	v3 =	vor.u32 v3, v4  }
0x61: {  	v4 =	vperm.xlane v3, v0;
	_ =	sdelay $0x1  }
0x62: {  	v4 =	vadd.s32 v1, v4;
	_ =	sdelay $0x1  }
0x63: {  	v3 =	vperm.xlane v3, v2;
	_ =	sdelay $0x1  }
0x64: {  	s23 =	simm.s32 $0x8100;
	v3 =	vadd.s32 v1, v3  }
0x65: {  	[tilespmem:s23], [sflag:$0x1] =	stream.indirect_vreg.gather [hbm4b:s3+s2], $0x80, v4, vm0, $0xb8;
	[tilespmem:$0x1C100] =	vst v63  }
0x66: {  	s24 =	simm.s32 $0x8900  }
0x67: {  	[tilespmem:s24], [sflag:$0x1] =	stream.indirect_vreg.gather [hbm4b:s5+s2], $0x80, v4, vm0, $0xb8;
	[tilespmem:$0x1C100] =	vst v63  }
0x68: {  	s25 =	simm.s32 $0x9100  }
0x69: {  	[tilespmem:s25], [sflag:$0x1] =	stream.indirect_vreg.gather [hbm4b:s3+s2], $0x80, v3, vm0, $0xb8;
	[tilespmem:$0x1C100] =	vst v63  }
0x6a: {  	s23 =	simm.s32 $0x9900  }
0x6b: {  	[tilespmem:s23], [sflag:$0x1] =	stream.indirect_vreg.gather [hbm4b:s5+s2], $0x80, v3, vm0, $0xb8;
	[tilespmem:$0x1C100] =	vst v63  }
0x6c: {  	v3 =	vld [tilespmem:$0x50];
	_ =	sdelay $0x4  }
0x6d: {  	v62 =	vshll.u32 v3, $0x2  }
0x6e: {  	v3 =	vand.u32 $0x7, v3;
	v4 =	vand.u32 $0xFFFFFFE0, v62  }
0x6f: {  	v3 =	vor.u32 v3, v4  }
0x70: {  	v4 =	vperm.xlane v3, v0;
	_ =	sdelay $0x1  }
0x71: {  	v4 =	vadd.s32 v1, v4;
	_ =	sdelay $0x1  }
0x72: {  	v3 =	vperm.xlane v3, v2;
	_ =	sdelay $0x1  }
0x73: {  	s24 =	simm.s32 $0xA100;
	v3 =	vadd.s32 v1, v3  }
0x74: {  	[tilespmem:s24], [sflag:$0x1] =	stream.indirect_vreg.gather [hbm4b:s3+s2], $0x80, v4, vm0, $0xb8;
	[tilespmem:$0x1C100] =	vst v63  }
0x75: {  	s25 =	simm.s32 $0xA900  }
0x76: {  	[tilespmem:s25], [sflag:$0x1] =	stream.indirect_vreg.gather [hbm4b:s5+s2], $0x80, v4, vm0, $0xb8;
	[tilespmem:$0x1C100] =	vst v63  }
0x77: {  	s23 =	simm.s32 $0xB100  }
0x78: {  	[tilespmem:s23], [sflag:$0x1] =	stream.indirect_vreg.gather [hbm4b:s3+s2], $0x80, v3, vm0, $0xb8;
	[tilespmem:$0x1C100] =	vst v63  }
0x79: {  	s24 =	simm.s32 $0xB900  }
0x7a: {  	[tilespmem:s24], [sflag:$0x1] =	stream.indirect_vreg.gather [hbm4b:s5+s2], $0x80, v3, vm0, $0xb8;
	[tilespmem:$0x1C100] =	vst v63  }
0x7b: {  	v3 =	vld [tilespmem:$0x60];
	_ =	sdelay $0x4  }
0x7c: {  	v63 =	vshll.u32 v3, $0x2  }
0x7d: {  	v3 =	vand.u32 $0x7, v3;
	v4 =	vand.u32 $0xFFFFFFE0, v63  }
0x7e: {  	v3 =	vor.u32 v3, v4  }
0x7f: {  	v4 =	vperm.xlane v3, v0;
	_ =	sdelay $0x1  }
0x80: {  	v4 =	vadd.s32 v1, v4;
	_ =	sdelay $0x2  }
0x81: {  	v3 =	vperm.xlane v3, v2  }
0x82: {  	s25 =	simm.s32 $0xC100  }
0x83: {  	v3 =	vadd.s32 v1, v3;
	[tilespmem:s25], [sflag:$0x1] =	stream.indirect_vreg.gather [hbm4b:s3+s2], $0x80, v4, vm0, $0xb8;
	[tilespmem:$0x1C100] =	vst v63  }
0x84: {  	s23 =	simm.s32 $0xC900  }
0x85: {  	[tilespmem:s23], [sflag:$0x1] =	stream.indirect_vreg.gather [hbm4b:s5+s2], $0x80, v4, vm0, $0xb8;
	[tilespmem:$0x1C100] =	vst v63  }
.Ltmp2:
0x86: {  	_ = 	snop;
	(pc) =	sbr.rel .LBB2_2-.Ltmp2, $4  }
0x87: {  	s22 =	rddreg [dreg:$0x5];
	s24 =	simm.s32 $0xD100  }
0x88: {  	[tilespmem:s24], [sflag:$0x1] =	stream.indirect_vreg.gather [hbm4b:s3+s2], $0x80, v3, vm0, $0xb8;
	[tilespmem:$0x1C100] =	vst v63  }
0x89: {  	s25 =	simm.s32 $0xD900;
	s23 =	rddreg [dreg:$0x4];
	s24 =	simm.s32 $0x0  }
0x8a: {  	[tilespmem:s25], [sflag:$0x1] =	stream.indirect_vreg.gather [hbm4b:s5+s2], $0x80, v3, vm0, $0xb8;
	[tilespmem:$0x1C100] =	vst v63  }
.LBB2_4:
0x8b: {  	s24 =	sadd.s32 $0x3800, s24  }
0x8c: {  	p0 =	sne.s32 s24, $0x54000  }
.Ltmp3:
0x8d: {  	s25 =	sadd.s32 $0x1C00, s25;
	(pc) =	sbr.rel @!p0 .LBB2_5-.Ltmp3, $4  }
0x8e: {  	[hbm4b:s25+s2] =	stream.linear.scatter [tilespmem:s16], [sflag:$0x3], $0xE000, $0x38;
	[tilespmem:$0x1C100] =	vst v63  }
0x8f: {  	_ =	swait.ge [sflag:s10], $0xE000  }
0x90: {  	[sflag:s10] =	ssyncset.done $0x0  }
0x91: {  	s23 =	sadd.s32 $0x1C, s23;
	s22 =	sadd.s32 $0x1C, s22;
	[sflag:s10] =	ssyncadd.s32 $0xFFFF2000  }
.LBB2_2:
0x92: {  	_ =	swait.ge [sflag:s14], $0xE000  }
0x93: {  	[sflag:s14] =	ssyncset.done $0x0  }
0x94: {  	[sflag:s14] =	ssyncadd.s32 $0xFFFF2000  }
0x95: {  	[tilespmem:s26], [sflag:$0x3] =	stream.linear.gather [hbm4b:s22+s2], $0x70, $0x38;
	[tilespmem:$0x1C100] =	vst v63  }
0x96: {  	_ =	swait.ge [sflag:s10], $0x70  }
0x97: {  	[sflag:s10] =	ssyncset.done $0x0  }
0x98: {  	[sflag:s10] =	ssyncadd.s32 $0xFFFFFF90  }
0x99: {  	v3 =	vld [tilespmem:$0x80];
	_ =	sdelay $0x4  }
0x9a: {  	v4 =	vshll.u32 v3, $0x2  }
0x9b: {  	v3 =	vand.u32 $0x7, v3;
	v4 =	vand.u32 $0xFFFFFFE0, v4  }
0x9c: {  	v3 =	vor.u32 v3, v4  }
0x9d: {  	v4 =	vperm.xlane v3, v0;
	_ =	sdelay $0x1  }
0x9e: {  	v4 =	vadd.s32 v1, v4;
	_ =	sdelay $0x1  }
0x9f: {  	v3 =	vperm.xlane v3, v2;
	_ =	sdelay $0x1  }
0xa0: {  	v3 =	vadd.s32 v1, v3  }
0xa1: {  	[tilespmem:s16], [sflag:$0x2] =	stream.indirect_vreg.gather [hbm4b:s3+s2], $0x80, v4, vm0, $0xb8;
	[tilespmem:$0x1C100] =	vst v63  }
0xa2: {  	s25 =	simm.s32 $0xE900  }
0xa3: {  	[tilespmem:s25], [sflag:$0x2] =	stream.indirect_vreg.gather [hbm4b:s5+s2], $0x80, v4, vm0, $0xb8;
	[tilespmem:$0x1C100] =	vst v63  }
0xa4: {  	s25 =	simm.s32 $0xF100  }
0xa5: {  	[tilespmem:s25], [sflag:$0x2] =	stream.indirect_vreg.gather [hbm4b:s3+s2], $0x80, v3, vm0, $0xb8;
	[tilespmem:$0x1C100] =	vst v63  }
0xa6: {  	s25 =	simm.s32 $0xF900  }
0xa7: {  	[tilespmem:s25], [sflag:$0x2] =	stream.indirect_vreg.gather [hbm4b:s5+s2], $0x80, v3, vm0, $0xb8;
	[tilespmem:$0x1C100] =	vst v63  }
0xa8: {  	v3 =	vld [tilespmem:$0x90];
	_ =	sdelay $0x4  }
0xa9: {  	v58 =	vshll.u32 v3, $0x2  }
0xaa: {  	v3 =	vand.u32 $0x7, v3;
	v4 =	vand.u32 $0xFFFFFFE0, v58  }
0xab: {  	v3 =	vor.u32 v3, v4  }
0xac: {  	v4 =	vperm.xlane v3, v0;
	_ =	sdelay $0x1  }
0xad: {  	v4 =	vadd.s32 v1, v4;
	_ =	sdelay $0x1  }
0xae: {  	v3 =	vperm.xlane v3, v2;
	_ =	sdelay $0x1  }
0xaf: {  	s25 =	simm.s32 $0x10100;
	v3 =	vadd.s32 v1, v3  }
0xb0: {  	[tilespmem:s25], [sflag:$0x2] =	stream.indirect_vreg.gather [hbm4b:s3+s2], $0x80, v4, vm0, $0xb8;
	[tilespmem:$0x1C100] =	vst v63  }
0xb1: {  	s25 =	simm.s32 $0x10900  }
0xb2: {  	[tilespmem:s25], [sflag:$0x2] =	stream.indirect_vreg.gather [hbm4b:s5+s2], $0x80, v4, vm0, $0xb8;
	[tilespmem:$0x1C100] =	vst v63  }
0xb3: {  	s25 =	simm.s32 $0x11100  }
0xb4: {  	[tilespmem:s25], [sflag:$0x2] =	stream.indirect_vreg.gather [hbm4b:s3+s2], $0x80, v3, vm0, $0xb8;
	[tilespmem:$0x1C100] =	vst v63  }
0xb5: {  	s25 =	simm.s32 $0x11900  }
0xb6: {  	[tilespmem:s25], [sflag:$0x2] =	stream.indirect_vreg.gather [hbm4b:s5+s2], $0x80, v3, vm0, $0xb8;
	[tilespmem:$0x1C100] =	vst v63  }
0xb7: {  	v3 =	vld [tilespmem:$0xA0];
	_ =	sdelay $0x4  }
0xb8: {  	v59 =	vshll.u32 v3, $0x2  }
0xb9: {  	v3 =	vand.u32 $0x7, v3;
	v4 =	vand.u32 $0xFFFFFFE0, v59  }
0xba: {  	v3 =	vor.u32 v3, v4  }
0xbb: {  	v4 =	vperm.xlane v3, v0;
	_ =	sdelay $0x1  }
0xbc: {  	v4 =	vadd.s32 v1, v4;
	_ =	sdelay $0x1  }
0xbd: {  	v3 =	vperm.xlane v3, v2;
	_ =	sdelay $0x1  }
0xbe: {  	s25 =	simm.s32 $0x12100;
	v3 =	vadd.s32 v1, v3  }
0xbf: {  	[tilespmem:s25], [sflag:$0x2] =	stream.indirect_vreg.gather [hbm4b:s3+s2], $0x80, v4, vm0, $0xb8;
	[tilespmem:$0x1C100] =	vst v63  }
0xc0: {  	s25 =	simm.s32 $0x12900  }
0xc1: {  	[tilespmem:s25], [sflag:$0x2] =	stream.indirect_vreg.gather [hbm4b:s5+s2], $0x80, v4, vm0, $0xb8;
	[tilespmem:$0x1C100] =	vst v63  }
0xc2: {  	s25 =	simm.s32 $0x13100  }
0xc3: {  	[tilespmem:s25], [sflag:$0x2] =	stream.indirect_vreg.gather [hbm4b:s3+s2], $0x80, v3, vm0, $0xb8;
	[tilespmem:$0x1C100] =	vst v63  }
0xc4: {  	_ = 	snop  }
0xc5: {  	[tilespmem:s28], [sflag:$0x2] =	stream.indirect_vreg.gather [hbm4b:s5+s2], $0x80, v3, vm0, $0xb8;
	[tilespmem:$0x1C100] =	vst v63  }
0xc6: {  	v3 =	vld [tilespmem:$0xB0];
	_ =	sdelay $0x4  }
0xc7: {  	v60 =	vshll.u32 v3, $0x2  }
0xc8: {  	v3 =	vand.u32 $0x7, v3;
	v4 =	vand.u32 $0xFFFFFFE0, v60  }
0xc9: {  	v3 =	vor.u32 v3, v4  }
0xca: {  	v4 =	vperm.xlane v3, v0;
	_ =	sdelay $0x1  }
0xcb: {  	v4 =	vadd.s32 v1, v4;
	_ =	sdelay $0x1  }
0xcc: {  	v3 =	vperm.xlane v3, v2;
	_ =	sdelay $0x1  }
0xcd: {  	v3 =	vadd.s32 v1, v3  }
0xce: {  	[tilespmem:s29], [sflag:$0x2] =	stream.indirect_vreg.gather [hbm4b:s3+s2], $0x80, v4, vm0, $0xb8;
	[tilespmem:$0x1C100] =	vst v63  }
0xcf: {  	_ = 	snop  }
0xd0: {  	[tilespmem:s30], [sflag:$0x2] =	stream.indirect_vreg.gather [hbm4b:s5+s2], $0x80, v4, vm0, $0xb8;
	[tilespmem:$0x1C100] =	vst v63  }
0xd1: {  	_ = 	snop  }
0xd2: {  	[tilespmem:s31], [sflag:$0x2] =	stream.indirect_vreg.gather [hbm4b:s3+s2], $0x80, v3, vm0, $0xb8;
	[tilespmem:$0x1C100] =	vst v63  }
0xd3: {  	_ = 	snop  }
0xd4: {  	[tilespmem:s0], [sflag:$0x2] =	stream.indirect_vreg.gather [hbm4b:s5+s2], $0x80, v3, vm0, $0xb8;
	[tilespmem:$0x1C100] =	vst v63  }
0xd5: {  	v3 =	vld [tilespmem:$0xC0];
	_ =	sdelay $0x4  }
0xd6: {  	v61 =	vshll.u32 v3, $0x2  }
0xd7: {  	v3 =	vand.u32 $0x7, v3;
	v4 =	vand.u32 $0xFFFFFFE0, v61  }
0xd8: {  	v3 =	vor.u32 v3, v4  }
0xd9: {  	v4 =	vperm.xlane v3, v0;
	_ =	sdelay $0x1  }
0xda: {  	v4 =	vadd.s32 v1, v4;
	_ =	sdelay $0x1  }
0xdb: {  	v3 =	vperm.xlane v3, v2;
	_ =	sdelay $0x1  }
0xdc: {  	v3 =	vadd.s32 v1, v3  }
0xdd: {  	[tilespmem:s1], [sflag:$0x2] =	stream.indirect_vreg.gather [hbm4b:s3+s2], $0x80, v4, vm0, $0xb8;
	[tilespmem:$0x1C100] =	vst v63  }
0xde: {  	_ = 	snop  }
0xdf: {  	[tilespmem:s4], [sflag:$0x2] =	stream.indirect_vreg.gather [hbm4b:s5+s2], $0x80, v4, vm0, $0xb8;
	[tilespmem:$0x1C100] =	vst v63  }
0xe0: {  	_ = 	snop  }
0xe1: {  	[tilespmem:s6], [sflag:$0x2] =	stream.indirect_vreg.gather [hbm4b:s3+s2], $0x80, v3, vm0, $0xb8;
	[tilespmem:$0x1C100] =	vst v63  }
0xe2: {  	_ = 	snop  }
0xe3: {  	[tilespmem:s8], [sflag:$0x2] =	stream.indirect_vreg.gather [hbm4b:s5+s2], $0x80, v3, vm0, $0xb8;
	[tilespmem:$0x1C100] =	vst v63  }
0xe4: {  	v3 =	vld [tilespmem:$0xD0];
	_ =	sdelay $0x4  }
0xe5: {  	v62 =	vshll.u32 v3, $0x2  }
0xe6: {  	v3 =	vand.u32 $0x7, v3;
	v4 =	vand.u32 $0xFFFFFFE0, v62  }
0xe7: {  	v3 =	vor.u32 v3, v4  }
0xe8: {  	v4 =	vperm.xlane v3, v0;
	_ =	sdelay $0x1  }
0xe9: {  	v4 =	vadd.s32 v1, v4;
	_ =	sdelay $0x1  }
0xea: {  	v3 =	vperm.xlane v3, v2;
	_ =	sdelay $0x1  }
0xeb: {  	v3 =	vadd.s32 v1, v3  }
0xec: {  	[tilespmem:s9], [sflag:$0x2] =	stream.indirect_vreg.gather [hbm4b:s3+s2], $0x80, v4, vm0, $0xb8;
	[tilespmem:$0x1C100] =	vst v63  }
0xed: {  	_ = 	snop  }
0xee: {  	[tilespmem:s12], [sflag:$0x2] =	stream.indirect_vreg.gather [hbm4b:s5+s2], $0x80, v4, vm0, $0xb8;
	[tilespmem:$0x1C100] =	vst v63  }
0xef: {  	_ = 	snop  }
0xf0: {  	[tilespmem:s13], [sflag:$0x2] =	stream.indirect_vreg.gather [hbm4b:s3+s2], $0x80, v3, vm0, $0xb8;
	[tilespmem:$0x1C100] =	vst v63  }
0xf1: {  	_ = 	snop  }
0xf2: {  	[tilespmem:s15], [sflag:$0x2] =	stream.indirect_vreg.gather [hbm4b:s5+s2], $0x80, v3, vm0, $0xb8;
	[tilespmem:$0x1C100] =	vst v63  }
0xf3: {  	v3 =	vld [tilespmem:$0xE0];
	_ =	sdelay $0x4  }
0xf4: {  	v63 =	vshll.u32 v3, $0x2  }
0xf5: {  	v3 =	vand.u32 $0x7, v3;
	v4 =	vand.u32 $0xFFFFFFE0, v63  }
0xf6: {  	v3 =	vor.u32 v3, v4  }
0xf7: {  	v4 =	vperm.xlane v3, v0;
	_ =	sdelay $0x1  }
0xf8: {  	v4 =	vadd.s32 v1, v4;
	_ =	sdelay $0x1  }
0xf9: {  	v3 =	vperm.xlane v3, v2;
	_ =	sdelay $0x1  }
0xfa: {  	v3 =	vadd.s32 v1, v3  }
0xfb: {  	[tilespmem:s17], [sflag:$0x2] =	stream.indirect_vreg.gather [hbm4b:s3+s2], $0x80, v4, vm0, $0xb8;
	[tilespmem:$0x1C100] =	vst v63  }
0xfc: {  	_ = 	snop  }
0xfd: {  	[tilespmem:s18], [sflag:$0x2] =	stream.indirect_vreg.gather [hbm4b:s5+s2], $0x80, v4, vm0, $0xb8;
	[tilespmem:$0x1C100] =	vst v63  }
0xfe: {  	_ = 	snop  }
0xff: {  	[tilespmem:s19], [sflag:$0x2] =	stream.indirect_vreg.gather [hbm4b:s3+s2], $0x80, v3, vm0, $0xb8;
	[tilespmem:$0x1C100] =	vst v63  }
0x100: {  	_ = 	snop  }
0x101: {  	[tilespmem:s20], [sflag:$0x2] =	stream.indirect_vreg.gather [hbm4b:s5+s2], $0x80, v3, vm0, $0xb8;
	[tilespmem:$0x1C100] =	vst v63  }
0x102: {  	s25 =	sadd.s32 s24, s7  }
0x103: {  	[hbm4b:s25+s2] =	stream.linear.scatter [tilespmem:s11], [sflag:$0x3], $0xE000, $0x38;
	[tilespmem:$0x1C100] =	vst v63  }
0x104: {  	p0 =	seq.s32 s24, $0x50800;
	_ =	swait.ge [sflag:s10], $0xE000  }
.Ltmp4:
0x105: {  	[sflag:s10] =	ssyncset.done $0x0;
	(pc) =	sbr.rel @p0 .LBB2_4-.Ltmp4, $4  }
0x106: {  	[sflag:s10] =	ssyncadd.s32 $0xFFFF2000  }
0x107: {  	_ =	swait.ge [sflag:s21], $0xE000  }
0x108: {  	[sflag:s21] =	ssyncset.done $0x0  }
0x109: {  	[sflag:s21] =	ssyncadd.s32 $0xFFFF2000  }
0x10a: {  	[tilespmem:s2], [sflag:$0x3] =	stream.linear.gather [hbm4b:s23+s2], $0x70, $0x38;
	[tilespmem:$0x1C100] =	vst v63  }
0x10b: {  	_ =	swait.ge [sflag:s10], $0x70  }
0x10c: {  	[sflag:s10] =	ssyncset.done $0x0  }
0x10d: {  	[sflag:s10] =	ssyncadd.s32 $0xFFFFFF90  }
0x10e: {  	v3 =	vld [tilespmem:$0x0];
	_ =	sdelay $0x4  }
0x10f: {  	v4 =	vshll.u32 v3, $0x2  }
0x110: {  	v3 =	vand.u32 $0x7, v3;
	v4 =	vand.u32 $0xFFFFFFE0, v4  }
0x111: {  	v3 =	vor.u32 v3, v4  }
0x112: {  	v4 =	vperm.xlane v3, v0;
	_ =	sdelay $0x1  }
0x113: {  	v4 =	vadd.s32 v1, v4;
	_ =	sdelay $0x1  }
0x114: {  	v3 =	vperm.xlane v3, v2;
	_ =	sdelay $0x1  }
0x115: {  	v3 =	vadd.s32 v1, v3  }
0x116: {  	[tilespmem:s11], [sflag:$0x1] =	stream.indirect_vreg.gather [hbm4b:s3+s2], $0x80, v4, vm0, $0xb8;
	[tilespmem:$0x1C100] =	vst v63  }
0x117: {  	s26 =	simm.s32 $0x900  }
0x118: {  	[tilespmem:s26], [sflag:$0x1] =	stream.indirect_vreg.gather [hbm4b:s5+s2], $0x80, v4, vm0, $0xb8;
	[tilespmem:$0x1C100] =	vst v63  }
0x119: {  	s26 =	simm.s32 $0x1100  }
0x11a: {  	[tilespmem:s26], [sflag:$0x1] =	stream.indirect_vreg.gather [hbm4b:s3+s2], $0x80, v3, vm0, $0xb8;
	[tilespmem:$0x1C100] =	vst v63  }
0x11b: {  	s26 =	simm.s32 $0x1900  }
0x11c: {  	[tilespmem:s26], [sflag:$0x1] =	stream.indirect_vreg.gather [hbm4b:s5+s2], $0x80, v3, vm0, $0xb8;
	[tilespmem:$0x1C100] =	vst v63  }
0x11d: {  	v3 =	vld [tilespmem:$0x10];
	_ =	sdelay $0x4  }
0x11e: {  	v58 =	vshll.u32 v3, $0x2  }
0x11f: {  	v3 =	vand.u32 $0x7, v3;
	v4 =	vand.u32 $0xFFFFFFE0, v58  }
0x120: {  	v3 =	vor.u32 v3, v4  }
0x121: {  	v4 =	vperm.xlane v3, v0;
	_ =	sdelay $0x1  }
0x122: {  	v4 =	vadd.s32 v1, v4;
	_ =	sdelay $0x1  }
0x123: {  	v3 =	vperm.xlane v3, v2;
	_ =	sdelay $0x1  }
0x124: {  	s26 =	simm.s32 $0x2100;
	v3 =	vadd.s32 v1, v3  }
0x125: {  	[tilespmem:s26], [sflag:$0x1] =	stream.indirect_vreg.gather [hbm4b:s3+s2], $0x80, v4, vm0, $0xb8;
	[tilespmem:$0x1C100] =	vst v63  }
0x126: {  	s26 =	simm.s32 $0x2900  }
0x127: {  	[tilespmem:s26], [sflag:$0x1] =	stream.indirect_vreg.gather [hbm4b:s5+s2], $0x80, v4, vm0, $0xb8;
	[tilespmem:$0x1C100] =	vst v63  }
0x128: {  	s26 =	simm.s32 $0x3100  }
0x129: {  	[tilespmem:s26], [sflag:$0x1] =	stream.indirect_vreg.gather [hbm4b:s3+s2], $0x80, v3, vm0, $0xb8;
	[tilespmem:$0x1C100] =	vst v63  }
0x12a: {  	s26 =	simm.s32 $0x3900  }
0x12b: {  	[tilespmem:s26], [sflag:$0x1] =	stream.indirect_vreg.gather [hbm4b:s5+s2], $0x80, v3, vm0, $0xb8;
	[tilespmem:$0x1C100] =	vst v63  }
0x12c: {  	v3 =	vld [tilespmem:$0x20];
	_ =	sdelay $0x4  }
0x12d: {  	v59 =	vshll.u32 v3, $0x2  }
0x12e: {  	v3 =	vand.u32 $0x7, v3;
	v4 =	vand.u32 $0xFFFFFFE0, v59  }
0x12f: {  	v3 =	vor.u32 v3, v4  }
0x130: {  	v4 =	vperm.xlane v3, v0;
	_ =	sdelay $0x1  }
0x131: {  	v4 =	vadd.s32 v1, v4;
	_ =	sdelay $0x1  }
0x132: {  	v3 =	vperm.xlane v3, v2;
	_ =	sdelay $0x1  }
0x133: {  	s26 =	simm.s32 $0x4100;
	v3 =	vadd.s32 v1, v3  }
0x134: {  	[tilespmem:s26], [sflag:$0x1] =	stream.indirect_vreg.gather [hbm4b:s3+s2], $0x80, v4, vm0, $0xb8;
	[tilespmem:$0x1C100] =	vst v63  }
0x135: {  	s26 =	simm.s32 $0x4900  }
0x136: {  	[tilespmem:s26], [sflag:$0x1] =	stream.indirect_vreg.gather [hbm4b:s5+s2], $0x80, v4, vm0, $0xb8;
	[tilespmem:$0x1C100] =	vst v63  }
0x137: {  	s26 =	simm.s32 $0x5100  }
0x138: {  	[tilespmem:s26], [sflag:$0x1] =	stream.indirect_vreg.gather [hbm4b:s3+s2], $0x80, v3, vm0, $0xb8;
	[tilespmem:$0x1C100] =	vst v63  }
0x139: {  	s26 =	simm.s32 $0x5900  }
0x13a: {  	[tilespmem:s26], [sflag:$0x1] =	stream.indirect_vreg.gather [hbm4b:s5+s2], $0x80, v3, vm0, $0xb8;
	[tilespmem:$0x1C100] =	vst v63  }
0x13b: {  	v3 =	vld [tilespmem:$0x30];
	_ =	sdelay $0x4  }
0x13c: {  	v60 =	vshll.u32 v3, $0x2  }
0x13d: {  	v3 =	vand.u32 $0x7, v3;
	v4 =	vand.u32 $0xFFFFFFE0, v60  }
0x13e: {  	v3 =	vor.u32 v3, v4  }
0x13f: {  	v4 =	vperm.xlane v3, v0;
	_ =	sdelay $0x1  }
0x140: {  	v4 =	vadd.s32 v1, v4;
	_ =	sdelay $0x1  }
0x141: {  	v3 =	vperm.xlane v3, v2;
	_ =	sdelay $0x1  }
0x142: {  	s26 =	simm.s32 $0x6100;
	v3 =	vadd.s32 v1, v3  }
0x143: {  	[tilespmem:s26], [sflag:$0x1] =	stream.indirect_vreg.gather [hbm4b:s3+s2], $0x80, v4, vm0, $0xb8;
	[tilespmem:$0x1C100] =	vst v63  }
0x144: {  	s26 =	simm.s32 $0x6900  }
0x145: {  	[tilespmem:s26], [sflag:$0x1] =	stream.indirect_vreg.gather [hbm4b:s5+s2], $0x80, v4, vm0, $0xb8;
	[tilespmem:$0x1C100] =	vst v63  }
0x146: {  	s26 =	simm.s32 $0x7100  }
0x147: {  	[tilespmem:s26], [sflag:$0x1] =	stream.indirect_vreg.gather [hbm4b:s3+s2], $0x80, v3, vm0, $0xb8;
	[tilespmem:$0x1C100] =	vst v63  }
0x148: {  	s26 =	simm.s32 $0x7900  }
0x149: {  	[tilespmem:s26], [sflag:$0x1] =	stream.indirect_vreg.gather [hbm4b:s5+s2], $0x80, v3, vm0, $0xb8;
	[tilespmem:$0x1C100] =	vst v63  }
0x14a: {  	v3 =	vld [tilespmem:$0x40];
	_ =	sdelay $0x4  }
0x14b: {  	v61 =	vshll.u32 v3, $0x2  }
0x14c: {  	v3 =	vand.u32 $0x7, v3;
	v4 =	vand.u32 $0xFFFFFFE0, v61  }
0x14d: {  	v3 =	vor.u32 v3, v4  }
0x14e: {  	v4 =	vperm.xlane v3, v0;
	_ =	sdelay $0x1  }
0x14f: {  	v4 =	vadd.s32 v1, v4;
	_ =	sdelay $0x1  }
0x150: {  	v3 =	vperm.xlane v3, v2;
	_ =	sdelay $0x1  }
0x151: {  	s26 =	simm.s32 $0x8100;
	v3 =	vadd.s32 v1, v3  }
0x152: {  	[tilespmem:s26], [sflag:$0x1] =	stream.indirect_vreg.gather [hbm4b:s3+s2], $0x80, v4, vm0, $0xb8;
	[tilespmem:$0x1C100] =	vst v63  }
0x153: {  	s26 =	simm.s32 $0x8900  }
0x154: {  	[tilespmem:s26], [sflag:$0x1] =	stream.indirect_vreg.gather [hbm4b:s5+s2], $0x80, v4, vm0, $0xb8;
	[tilespmem:$0x1C100] =	vst v63  }
0x155: {  	s26 =	simm.s32 $0x9100  }
0x156: {  	[tilespmem:s26], [sflag:$0x1] =	stream.indirect_vreg.gather [hbm4b:s3+s2], $0x80, v3, vm0, $0xb8;
	[tilespmem:$0x1C100] =	vst v63  }
0x157: {  	s26 =	simm.s32 $0x9900  }
0x158: {  	[tilespmem:s26], [sflag:$0x1] =	stream.indirect_vreg.gather [hbm4b:s5+s2], $0x80, v3, vm0, $0xb8;
	[tilespmem:$0x1C100] =	vst v63  }
0x159: {  	v3 =	vld [tilespmem:$0x50];
	_ =	sdelay $0x4  }
0x15a: {  	v62 =	vshll.u32 v3, $0x2  }
0x15b: {  	v3 =	vand.u32 $0x7, v3;
	v4 =	vand.u32 $0xFFFFFFE0, v62  }
0x15c: {  	v3 =	vor.u32 v3, v4  }
0x15d: {  	v4 =	vperm.xlane v3, v0;
	_ =	sdelay $0x1  }
0x15e: {  	v4 =	vadd.s32 v1, v4;
	_ =	sdelay $0x1  }
0x15f: {  	v3 =	vperm.xlane v3, v2;
	_ =	sdelay $0x1  }
0x160: {  	s26 =	simm.s32 $0xA100;
	v3 =	vadd.s32 v1, v3  }
0x161: {  	[tilespmem:s26], [sflag:$0x1] =	stream.indirect_vreg.gather [hbm4b:s3+s2], $0x80, v4, vm0, $0xb8;
	[tilespmem:$0x1C100] =	vst v63  }
0x162: {  	s26 =	simm.s32 $0xA900  }
0x163: {  	[tilespmem:s26], [sflag:$0x1] =	stream.indirect_vreg.gather [hbm4b:s5+s2], $0x80, v4, vm0, $0xb8;
	[tilespmem:$0x1C100] =	vst v63  }
0x164: {  	s26 =	simm.s32 $0xB100  }
0x165: {  	[tilespmem:s26], [sflag:$0x1] =	stream.indirect_vreg.gather [hbm4b:s3+s2], $0x80, v3, vm0, $0xb8;
	[tilespmem:$0x1C100] =	vst v63  }
0x166: {  	s26 =	simm.s32 $0xB900  }
0x167: {  	[tilespmem:s26], [sflag:$0x1] =	stream.indirect_vreg.gather [hbm4b:s5+s2], $0x80, v3, vm0, $0xb8;
	[tilespmem:$0x1C100] =	vst v63  }
0x168: {  	v3 =	vld [tilespmem:$0x60];
	_ =	sdelay $0x4  }
0x169: {  	v63 =	vshll.u32 v3, $0x2  }
0x16a: {  	v3 =	vand.u32 $0x7, v3;
	v4 =	vand.u32 $0xFFFFFFE0, v63  }
0x16b: {  	v3 =	vor.u32 v3, v4  }
0x16c: {  	v4 =	vperm.xlane v3, v0;
	_ =	sdelay $0x1  }
0x16d: {  	v4 =	vadd.s32 v1, v4;
	_ =	sdelay $0x1  }
0x16e: {  	v3 =	vperm.xlane v3, v2;
	_ =	sdelay $0x1  }
0x16f: {  	s26 =	simm.s32 $0xC100;
	v3 =	vadd.s32 v1, v3  }
0x170: {  	[tilespmem:s26], [sflag:$0x1] =	stream.indirect_vreg.gather [hbm4b:s3+s2], $0x80, v4, vm0, $0xb8;
	[tilespmem:$0x1C100] =	vst v63  }
0x171: {  	s26 =	simm.s32 $0xC900  }
0x172: {  	[tilespmem:s26], [sflag:$0x1] =	stream.indirect_vreg.gather [hbm4b:s5+s2], $0x80, v4, vm0, $0xb8;
	[tilespmem:$0x1C100] =	vst v63  }
.Ltmp5:
0x173: {  	s26 =	simm.s32 $0xD100;
	(pc) =	sbr.rel .LBB2_4-.Ltmp5, $4  }
0x174: {  	[tilespmem:s26], [sflag:$0x1] =	stream.indirect_vreg.gather [hbm4b:s3+s2], $0x80, v3, vm0, $0xb8;
	[tilespmem:$0x1C100] =	vst v63  }
0x175: {  	s26 =	simm.s32 $0xD900  }
0x176: {  	[tilespmem:s26], [sflag:$0x1] =	stream.indirect_vreg.gather [hbm4b:s5+s2], $0x80, v3, vm0, $0xb8;
	[tilespmem:$0x1C100] =	vst v63  }
0x177: {  	s26 =	simm.s32 $0x80  }
.LBB2_6:
0x178: {  	_ =	sfence.sel $0x180000  }
0x179: {  	[bflag:$0x0] =	sbarrier.arrive $0xFFFF  }
0x17a: {  	_ =	strace $0x90000053  }
0x17b: {  	s0 =	stileid.u32;
	[bflag:$0x2] =	sbarrier.arrive $0xFFFF  }
0x17c: {  	p0 =	sne.s32 s0, $0x0;
	s0 =	rddreg [dreg:$0x1]  }
0x17d: {  	s0 =	sadd.s32 @!p0 $0x100000, s0  }
0x17e: {  	[sflag:s0] =	ssyncadd.tile.s32 @!p0 $0x1;
	_ =	shalt  }
.Lfunc_end2:
_tile_overlayer_lowered:
.L_overlay_start_2:
0x17f: {  	(tag) =	ssettag $0x2  }
0x180: {  	s0 =	rddreg [dreg:$0x0];
	s2 =	stileid.u32  }
0x181: {  	s1 =	rddreg [dreg:$0x1];
	p0 =	sne.s32 s2, $0x0  }
0x182: {  	s3 =	rddreg [dreg:$0x2];
	[bflag:$0x3] =	sbarrier.arrive $0xFFFF;
	s2 =	simm.s32 @!p0 $0x1C03  }
0x183: {  	[timem:s3], [sflag:s2] =	dma.local @!p0 [hbm:s0], s1  }
0x184: {  	s0 =	simm.s32 @!p0 $0x3  }
0x185: {  	_ =	swait.ge @!p0 [sflag:s0], s1  }
0x186: {  	s1 =	ssub.s32 @!p0 $0x0, s1;
	[sflag:s0] =	ssyncset.done @!p0 $0x0  }
0x187: {  	[sflag:s0] =	ssyncadd.s32 @!p0 s1  }
0x188: {  	[bflag:$0x3] =	sbarrier.arrive $0xFFFF  }
0x189: {  	_ =	shalt  }

// kernel: kernel.25.cloned.1.call-start
scs
__scs_entry_jumppad:
0x0: {  	(pc) =	sbr.rel $0x88, $3  }
0x1: {  	(tag) =	ssettag $0x0;
	lr =	simm.s32 $0x1  }
0x2: {  	[smem:$0x3F7B] =	sst lr;
	_ =	strace $0xD0000000  }
0x3: {  	_ = 	snop  }
0x4: {  	_ = 	snop  }
0x5: {  	_ = 	snop  }
0x6: {  	_ = 	snop  }
0x7: {  	_ = 	snop  }
__scs_overlays_trampoline_lowered:
0x8: {  	[smem:$0x3F8A] =	sst s0  }
0x9: {  	[smem:$0x3F8B] =	sst s1  }
0xa: {  	[smem:$0x3F8C] =	sst s2  }
0xb: {  	[smem:$0x3F8D] =	sst s3  }
0xc: {  	[smem:$0x3F8E] =	sst s4  }
0xd: {  	[smem:$0x3F8F] =	sst s5  }
0xe: {  	[smem:$0x3F90] =	sst s6  }
0xf: {  	[smem:$0x3F91] =	sst s7  }
0x10: {  	[smem:$0x3F92] =	sst s8  }
0x11: {  	[smem:$0x3F93] =	sst s9;
	s0 =	simm.s32 @!p0 $0x0  }
0x12: {  	s1 =	sld [smem:$0x3F79];
	s0 =	simm.s32 @p0 $0x1  }
0x13: {  	[smem:$0x3F94] =	sst s0;
	s0 =	simm.s32 @!p1 $0x0  }
0x14: {  	s2 =	sld [smem:$0x3F78];
	s0 =	simm.s32 @p1 $0x1  }
0x15: {  	[smem:$0x3F95] =	sst s0;
	s0 =	simm.s32 @!p2 $0x0  }
0x16: {  	s3 =	sld [smem:$0x3FDB];
	s0 =	simm.s32 @p2 $0x1  }
0x17: {  	s4 =	simm.s32 $0x1BF5;
	[smem:$0x3F97] =	sst s0  }
0x18: {  	s0 =	sld [smem:$0x3F7A];
	_ =	swait.ge [sflag:s4], $0x0  }
0x19: {  	s7 =	sld [smem:$0x3F7B]  }
0x1a: {  	s8 =	sadd.s32 $0xFFFFE003, lr  }
0x1b: {  	s9 =	sadd.s32 $0xFFFFFEF7, lr;
	s5 =	simm.s32 $0xFFFFFFFF;
	p2 =	slt.u32 s8, $0xFFFFF086  }
0x1c: {  	p1 =	slt.u32 s9, $0xF7A;
	s5 =	simm.s32 @!p2 $0x0  }
0x1d: {  	s5 =	simm.s32 @p1 $0x1;
	p0 =	seq.s32 s7, s2  }
0x1e: {  	s7 =	smul.u32 @!p0 $0xF7A, s2;
	p2 =	seq.s32 @!p0 s5, $0x0  }
0x1f: {  	s9 =	smul.u32 $0xF7A, s1;
	s8 =	simm.s32 @!p0 $0x1BF5;
	p2 =	por !p2, p0  }
0x20: {  	[sflag:s8] =	ssyncset.s32 @!p0 $0xFFFFF086;
	s6 =	sadd.s32 @!p0 s3, s7;
	s7 =	simm.s32 @!p0 $0x108  }
0x21: {  	s3 =	sadd.s32 s3, s9;
	s6 =	sadd.s32 @!p0 $0x88, s6;
	s7 =	simm.s32 @p2 $0x1082  }
0x22: {  	[simem:s7], [sflag:s8] =	dma.local @!p0 [hbm:s6], $0xF7A  }
0x23: {  	s9 =	sor.u32 $0xD0000000, s2;
	s6 =	simm.s32 $0x108;
	_ =	swait.ge @!p0 [sflag:s8], $0x0  }
0x24: {  	s3 =	sadd.s32 $0x88, s3;
	s6 =	simm.s32 @!p1 $0x1082;
	[sflag:s4] =	ssyncset.s32 $0xFFFFF086  }
0x25: {  	[simem:s6], [sflag:s4] =	dma.local [hbm:s3], $0xF7A  }
0x26: {  	[smem:$0x3F7B] =	sst s1;
	(tag) =	ssettag s2;
	_ =	strace s9  }
0x27: {  	s1 =	sld [smem:$0x3F8B]  }
0x28: {  	s2 =	sld [smem:$0x3F8C]  }
0x29: {  	s4 =	sld [smem:$0x3F8E]  }
0x2a: {  	p0 =	seq.s32 s5, $0x0;
	s5 =	sld [smem:$0x3F8F]  }
0x2b: {  	s6 =	sld [smem:$0x3F90]  }
0x2c: {  	s7 =	sld [smem:$0x3F91]  }
0x2d: {  	s3 =	simm.s32 $0x108;
	s8 =	sld [smem:$0x3F92]  }
0x2e: {  	s3 =	simm.s32 @!p0 $0x1082;
	s9 =	sld [smem:$0x3F93]  }
0x2f: {  	lr =	sadd.s32 s0, s3;
	s0 =	sld [smem:$0x3F8A]  }
0x30: {  	s3 =	sld [smem:$0x3F8D]  }
0x31: {  	[smem:$0x3F96] =	sst s10  }
0x32: {  	s10 =	sld [smem:$0x3F94];
	_ =	sdelay $0x3  }
0x33: {  	p0 =	seq.s32 s10, $0x1;
	s10 =	sld [smem:$0x3F96];
	_ =	sdelay $0x3  }
0x34: {  	[smem:$0x3F96] =	sst s10  }
0x35: {  	s10 =	sld [smem:$0x3F95];
	_ =	sdelay $0x3  }
0x36: {  	p1 =	seq.s32 s10, $0x1;
	s10 =	sld [smem:$0x3F96];
	_ =	sdelay $0x3  }
0x37: {  	[smem:$0x3F96] =	sst s10  }
0x38: {  	s10 =	sld [smem:$0x3F97]  }
0x39: {  	_ = 	snop;
	(pc) =	sbr.ind lr, $3  }
0x3a: {  	_ = 	snop  }
0x3b: {  	_ = 	snop  }
0x3c: {  	p2 =	seq.s32 s10, $0x1;
	s10 =	sld [smem:$0x3F96]  }
0x3d: {  	_ =	shalt  }
0x3e: {  	_ =	shalt  }
0x3f: {  	_ =	shalt  }
0x40: {  	_ =	shalt  }
0x41: {  	_ =	shalt  }
0x42: {  	_ =	shalt  }
0x43: {  	_ =	shalt  }
0x44: {  	_ =	shalt  }
0x45: {  	_ =	shalt  }
0x46: {  	_ =	shalt  }
0x47: {  	_ =	shalt  }
0x48: {  	_ =	shalt  }
0x49: {  	_ =	shalt  }
0x4a: {  	_ =	shalt  }
0x4b: {  	_ =	shalt  }
0x4c: {  	_ =	shalt  }
0x4d: {  	_ =	shalt  }
0x4e: {  	_ =	shalt  }
0x4f: {  	_ =	shalt  }
0x50: {  	_ =	shalt  }
0x51: {  	_ =	shalt  }
0x52: {  	_ =	shalt  }
0x53: {  	_ =	shalt  }
0x54: {  	_ =	shalt  }
0x55: {  	_ =	shalt  }
0x56: {  	_ =	shalt  }
0x57: {  	_ =	shalt  }
0x58: {  	_ =	shalt  }
0x59: {  	_ =	shalt  }
0x5a: {  	_ =	shalt  }
0x5b: {  	_ =	shalt  }
0x5c: {  	_ =	shalt  }
0x5d: {  	_ =	shalt  }
0x5e: {  	_ =	shalt  }
0x5f: {  	_ =	shalt  }
0x60: {  	_ =	shalt  }
0x61: {  	_ =	shalt  }
0x62: {  	_ =	shalt  }
0x63: {  	_ =	shalt  }
0x64: {  	_ =	shalt  }
0x65: {  	_ =	shalt  }
0x66: {  	_ =	shalt  }
0x67: {  	_ =	shalt  }
0x68: {  	_ =	shalt  }
0x69: {  	_ =	shalt  }
0x6a: {  	_ =	shalt  }
0x6b: {  	_ =	shalt  }
0x6c: {  	_ =	shalt  }
0x6d: {  	_ =	shalt  }
0x6e: {  	_ =	shalt  }
0x6f: {  	_ =	shalt  }
0x70: {  	_ =	shalt  }
0x71: {  	_ =	shalt  }
0x72: {  	_ =	shalt  }
0x73: {  	_ =	shalt  }
0x74: {  	_ =	shalt  }
0x75: {  	_ =	shalt  }
0x76: {  	_ =	shalt  }
0x77: {  	_ =	shalt  }
0x78: {  	_ =	shalt  }
0x79: {  	_ =	shalt  }
0x7a: {  	_ =	shalt  }
0x7b: {  	_ =	shalt  }
0x7c: {  	_ =	shalt  }
0x7d: {  	_ =	shalt  }
0x7e: {  	_ =	shalt  }
0x7f: {  	_ =	shalt  }
0x80: {  	_ =	shalt  }
0x81: {  	_ =	shalt  }
0x82: {  	_ =	shalt  }
0x83: {  	_ =	shalt  }
0x84: {  	_ =	shalt  }
0x85: {  	_ =	shalt  }
0x86: {  	_ =	shalt  }
0x87: {  	_ =	shalt  }
.Lfunc_end0:
.L_simem_size_0:
called_computation.5_lowered:
.L_overlay_start_0:
0x88: {  	s2 =	sld [smem:$0x3FD9]  }
0x89: {  	s3 =	sld [smem:$0x3FFE];
	_ =	sdelay $0x1  }
0x8a: {  	s1 =	srdreg.scid  }
0x8b: {  	s0 =	sand.u32 $0x1, s1  }
0x8c: {  	s16 =	sshll.u32 s0, $0xA;
	s2 =	sadd.s32 s3, s2  }
0x8d: {  	s2 =	sadd.s32 s2, s16  }
0x8e: {  	[smem:$0x3FA2] =	sst s2  }
0x8f: {  	_ = 	snop  }
0x90: {  	(tm) =	ssettm $0x1  }
0x91: {  	s17 =	sld [smem:$0x3FFB];
	_ =	sdelay $0x3  }
0x92: {  	_ =	strace s17  }
0x93: {  	s2 =	sld [smem:$0x3FFC];
	_ =	sdelay $0x3  }
0x94: {  	_ =	strace s2  }
0x95: {  	s2 =	sld [smem:$0x3FFD];
	_ =	sdelay $0x3  }
0x96: {  	_ =	strace s2  }
0x97: {  	_ =	strace $0x8FFFFFFF  }
0x98: {  	s18 =	sld [smem:$0x3FDB];
	_ =	sdelay $0x1  }
0x99: {  	s19 =	simm.s32 $_scs_section_size  }
0x9a: {  	s4 =	simm.s32 $_size__tile_overlayer_lowered;
	s5 =	simm.s32 $_tile_overlayer_lowered  }
0x9b: {  	s22 =	simm.s32 $0x1BFF;
	s21 =	sshll.u32 s5, $0x1;
	s2 =	sadd.s32 s19, s18  }
0x9c: {  	s6 =	simm.s32 $0x0;
	s20 =	sshll.u32 s4, $0x1;
	s4 =	sadd.s32 s21, s2  }
0x9d: {  	[timem:s6], [sflag:s22] =	dma.local [hbm:s4], s20  }
0x9e: {  	_ =	swait.ge [sflag:s22], s20  }
0x9f: {  	s3 =	ssub.s32 $0x0, s20;
	[sflag:s22] =	ssyncset.done $0x0  }
0xa0: {  	[sflag:s22] =	ssyncadd.s32 s3;
	_ =	sdelay $0x1  }
0xa1: {  	s23 =	simm.s32 $0x1B8B  }
0xa2: {  	_ =	swait.ge [sflag:s23], $0x1  }
0xa3: {  	[sflag:s23] =	ssyncset.done $0x0  }
0xa4: {  	s25 =	simm.s32 $0x1B8E;
	s24 =	sld [smem:$0x3FFE];
	[sflag:s23] =	ssyncadd.s32 $0xFFFFFFFF  }
0xa5: {  	s26 =	simm.s32 $execute0_lowered;
	[smem:$0x3FD2] =	sst s25  }
0xa6: {  	s4 =	sshll.u32 s26, $0x1;
	_ =	strace $0x80000055;
	[dreg:$0x1] =	wrdreg $0xFFFFFFFF  }
0xa7: {  	s28 =	simm.s32 $_size_execute0_lowered;
	s2 =	sadd.s32 s2, s4;
	[dreg:$0x0] =	wrdreg $0x0  }
0xa8: {  	s4 =	sshll.u32 s28, $0x1;
	[dreg:$0x2] =	wrdreg s2  }
0xa9: {  	[dreg:$0x3] =	wrdreg s4  }
0xaa: {  	[dreg:$0x4] =	wrdreg $0xC0  }
0xab: {  	_ =	task [dreg:s6], $0x5FFFF  }
0xac: {  	[dreg:$0x1] =	wrdreg $0xFFFFFFFF  }
0xad: {  	[dreg:$0x0] =	wrdreg $0x60  }
0xae: {  	[dreg:$0x2] =	wrdreg s24  }
0xaf: {  	[dreg:$0x3] =	wrdreg $0x9  }
0xb0: {  	_ =	task.clear_ibuf [dreg:s6], $0x4FFFF;
	_ =	strace $0x90000055  }
0xb1: {  	s29 =	simm.s32 $0x9;
	_ =	strace $0x80000057  }
0xb2: {  	_ =	swait.ge [sflag:s29], $0x1  }
0xb3: {  	[sflag:s29] =	ssyncadd.s32 $0xFFFFFFFF  }
0xb4: {  	_ =	strace $0x90000057  }
0xb5: {  	_ =	sfence  }
0xb6: {  	s30 =	sld [smem:$0x0];
	_ =	sdelay $0x2  }
0xb7: {  	s31 =	sshll.u32 s1, $0xD;
	s1 =	sshrl.u32 s1, $0x2  }
0xb8: {  	s3 =	sand.u32 $0x4000, s31;
	s1 =	sadd.s32 s1, s30  }
0xb9: {  	s0 =	sor.u32 s3, s0;
	s1 =	sshll.u32 s1, $0x11  }
0xba: {  	s0 =	sor.u32 s1, s0  }
0xbb: {  	s0 =	sadd.s32 $0x8F2B, s0  }
0xbc: {  	[sflag:s0] =	ssyncadd.remote.s32 $0x1  }
0xbd: {  	_ =	sfence.sel $0xFFFF  }
0xbe: {  	[dreg:$0x0] =	wrdreg $0xFFFFFFFF;
	(pc) =	sbr.abs _section_cstart, $3  }
0xbf: {  	[dreg:$0x1] =	wrdreg $0xFFFFFFFF  }
0xc0: {  	_ =	task.clear_ibuf [dreg:s6], $0x2FFFF;
	_ =	strace $0x9FFFFFFF  }
0xc1: {  	(tm) =	ssettm $0x7FFFFFFF  }
tec
execute0_lowered:
.L_overlay_start_1:
0x0: {  	(tag) =	ssettag $0x1  }
0x1: {  	s5 =	rddreg [dreg:$0x0]  }
0x2: {  	s0 =	rddreg [dreg:$0x1]  }
0x3: {  	s3 =	srdreg.scid;
	s1 =	stileid.u32;
	s2 =	simm.s32 $0x0  }
0x4: {  	s16 =	simm.s32 $0x1;
	s17 =	simm.s32 $0x200;
	s18 =	simm.s32 $0xE400  }
0x5: {  	s19 =	simm.s32 $0x2;
	s20 =	simm.s32 $0x0;
	s9 =	sand.u32 $0x1, s3  }
0x6: {  	s25 =	sshll.u32 s1, $0x1;
	[smem:$0x7FF] =	sst s2;
	s13 =	smul.u32 $0x2A00, s1  }
0x7: {  	s3 =	sadd.s32 $0x6800, s5;
	s4 =	sadd.s32 $0xB9400, s5;
	s14 =	smul.u32 $0x2A000, s1  }
0x8: {  	s6 =	sor.u32 s9, s25;
	s8 =	ssub.s32 $0x2, s9;
	s30 =	smul.u32 $0x1500, s9  }
0x9: {  	s10 =	sadd.s32 $0xBE800, s5;
	s7 =	smul.u32 $0x1500, s6;
	s26 =	sshrl.u32 s8, $0x1  }
0xa: {  	_ =	strace $0x80000056;
	s28 =	smul.u32 $0x15000, s6;
	s8 =	ssub.s32 s8, s26  }
0xb: {  	s15 =	smul.u32 $0x15000, s9;
	s11 =	sshrl.u32 s7, $0x3;
	s6 =	smax.u32 s8, $0x1  }
0xc: {  	s12 =	sadd.s32 $0x1340, s7;
	s29 =	sadd.s32 s10, s28;
	s5 =	sadd.s32 s4, s11  }
0xd: {  	s7 =	sshrl.u32 s12, $0x3;
	s8 =	sadd.s32 $0x11800, s29;
	s12 =	sshll.u32 s12, $0x4  }
0xe: {  	s11 =	sadd.s32 s30, s13;
	s13 =	simm.s32 $0x3;
	s7 =	sadd.s32 s4, s7  }
0xf: {  	s9 =	sadd.s32 s10, s12;
	s10 =	sadd.s32 s14, s10;
	s31 =	sadd.s32 $0x1C0, s11  }
0x10: {  	s11 =	sadd.s32 $0x380, s11;
	s14 =	simm.s32 $0x1C0;
	s12 =	sshrl.u32 s31, $0x3  }
0x11: {  	s10 =	sadd.s32 s15, s10;
	s15 =	simm.s32 $0x400;
	s12 =	sadd.s32 s12, s4  }
.LBB2_1:
0x12: {  	[tilespmem:s2], [sflag:$0x3] =	stream.linear.gather [hbm4b:s5+s2], $0x1C0, $0x38;
	[tilespmem:$0x1C400] =	vst v63  }
0x13: {  	_ =	swait.ge [sflag:s13], $0x1C0  }
0x14: {  	[sflag:s13] =	ssyncset.done $0x0  }
0x15: {  	[sflag:s13] =	ssyncadd.s32 $0xFFFFFE40  }
0x16: {  	[tilespmem:s15], [sflag:$0x1] =	stream.indirect.gather [hbm4b:s3+s14], $0x80, s2, s14, $0xb8;
	[tilespmem:$0x1C400] =	vst v63  }
0x17: {  	_ =	swait.ge [sflag:s16], $0xE000  }
0x18: {  	[sflag:s16] =	ssyncset.done $0x0  }
0x19: {  	s21 =	sadd.s32 $0x0, s12;
	[sflag:s16] =	ssyncadd.s32 $0xFFFF2000  }
0x1a: {  	[tilespmem:s17], [sflag:$0x3] =	stream.linear.gather [hbm4b:s21+s2], $0x1C0, $0x38;
	[tilespmem:$0x1C400] =	vst v63  }
0x1b: {  	_ =	swait.ge [sflag:s13], $0x1C0  }
0x1c: {  	[sflag:s13] =	ssyncset.done $0x0  }
0x1d: {  	[sflag:s13] =	ssyncadd.s32 $0xFFFFFE40  }
0x1e: {  	[tilespmem:s18], [sflag:$0x2] =	stream.indirect.gather [hbm4b:s3+s14], $0x80, s17, s14, $0xb8;
	[tilespmem:$0x1C400] =	vst v63  }
0x1f: {  	_ = 	snop  }
0x20: {  	[hbm4b:s10+s2] =	stream.linear.scatter [tilespmem:s15], [sflag:$0x3], $0xE000, $0x38;
	[tilespmem:$0x1C400] =	vst v63  }
0x21: {  	_ =	swait.ge [sflag:s13], $0xE000  }
0x22: {  	[sflag:s13] =	ssyncset.done $0x0  }
0x23: {  	[sflag:s13] =	ssyncadd.s32 $0xFFFF2000  }
0x24: {  	_ =	swait.ge [sflag:s19], $0xE000  }
0x25: {  	s30 =	sshrl.u32 s11, $0x3;
	[sflag:s19] =	ssyncset.done $0x0  }
0x26: {  	s21 =	sadd.s32 s4, s30;
	[sflag:s19] =	ssyncadd.s32 $0xFFFF2000  }
0x27: {  	[tilespmem:s2], [sflag:$0x3] =	stream.linear.gather [hbm4b:s21+s2], $0x1C0, $0x38;
	[tilespmem:$0x1C400] =	vst v63  }
0x28: {  	_ =	swait.ge [sflag:s13], $0x1C0  }
0x29: {  	[sflag:s13] =	ssyncset.done $0x0  }
0x2a: {  	[sflag:s13] =	ssyncadd.s32 $0xFFFFFE40  }
0x2b: {  	[tilespmem:s15], [sflag:$0x1] =	stream.indirect.gather [hbm4b:s3+s14], $0x80, s2, s14, $0xb8;
	[tilespmem:$0x1C400] =	vst v63  }
0x2c: {  	s31 =	sadd.s32 $0x1C00, s10  }
0x2d: {  	[hbm4b:s31+s2] =	stream.linear.scatter [tilespmem:s18], [sflag:$0x3], $0xE000, $0x38;
	[tilespmem:$0x1C400] =	vst v63  }
0x2e: {  	s22 =	smov.u32 s10;
	_ =	swait.ge [sflag:s13], $0xE000  }
0x2f: {  	s23 =	smov.u32 s11;
	s21 =	simm.s32 $0x70;
	[sflag:s13] =	ssyncset.done $0x0  }
.LBB2_2:
0x30: {  	[sflag:s13] =	ssyncadd.s32 $0xFFFF2000;
	s22 =	sadd.s32 $0x3800, s22;
	s23 =	sadd.s32 $0x380, s23  }
0x31: {  	p0 =	sne.s32 s21, $0x1C0;
	s24 =	smov.u32 s21;
	s21 =	sadd.s32 $0x70, s21  }
0x32: {  	_ =	swait.ge [sflag:s16], $0xE000  }
0x33: {  	[sflag:s16] =	ssyncset.done $0x0  }
0x34: {  	s24 =	sadd.s32 s24, s12;
	[sflag:s16] =	ssyncadd.s32 $0xFFFF2000  }
0x35: {  	[tilespmem:s17], [sflag:$0x3] =	stream.linear.gather [hbm4b:s24+s2], $0x1C0, $0x38;
	[tilespmem:$0x1C400] =	vst v63  }
0x36: {  	_ =	swait.ge [sflag:s13], $0x1C0  }
0x37: {  	[sflag:s13] =	ssyncset.done $0x0  }
0x38: {  	[sflag:s13] =	ssyncadd.s32 $0xFFFFFE40  }
0x39: {  	[tilespmem:s18], [sflag:$0x2] =	stream.indirect.gather [hbm4b:s3+s14], $0x80, s17, s14, $0xb8;
	[tilespmem:$0x1C400] =	vst v63  }
0x3a: {  	_ = 	snop  }
0x3b: {  	[hbm4b:s22+s2] =	stream.linear.scatter [tilespmem:s15], [sflag:$0x3], $0xE000, $0x38;
	[tilespmem:$0x1C400] =	vst v63  }
0x3c: {  	_ =	swait.ge [sflag:s13], $0xE000  }
0x3d: {  	[sflag:s13] =	ssyncset.done $0x0  }
0x3e: {  	[sflag:s13] =	ssyncadd.s32 $0xFFFF2000  }
0x3f: {  	_ =	swait.ge [sflag:s19], $0xE000  }
0x40: {  	s24 =	sshrl.u32 s23, $0x3;
	[sflag:s19] =	ssyncset.done $0x0  }
0x41: {  	s24 =	sadd.s32 s4, s24;
	[sflag:s19] =	ssyncadd.s32 $0xFFFF2000  }
0x42: {  	[tilespmem:s2], [sflag:$0x3] =	stream.linear.gather [hbm4b:s24+s2], $0x1C0, $0x38;
	[tilespmem:$0x1C400] =	vst v63  }
0x43: {  	_ =	swait.ge [sflag:s13], $0x1C0  }
0x44: {  	[sflag:s13] =	ssyncset.done $0x0  }
0x45: {  	[sflag:s13] =	ssyncadd.s32 $0xFFFFFE40  }
0x46: {  	[tilespmem:s15], [sflag:$0x1] =	stream.indirect.gather [hbm4b:s3+s14], $0x80, s2, s14, $0xb8;
	[tilespmem:$0x1C400] =	vst v63  }
.Ltmp0:
0x47: {  	_ = 	snop;
	(pc) =	sbr.rel @p0 .LBB2_2-.Ltmp0, $4  }
0x48: {  	s24 =	sadd.s32 $0x1C00, s22  }
0x49: {  	[hbm4b:s24+s2] =	stream.linear.scatter [tilespmem:s18], [sflag:$0x3], $0xE000, $0x38;
	[tilespmem:$0x1C400] =	vst v63  }
0x4a: {  	_ =	swait.ge [sflag:s13], $0xE000  }
0x4b: {  	[sflag:s13] =	ssyncset.done $0x0  }
0x4c: {  	[sflag:s13] =	ssyncadd.s32 $0xFFFF2000  }
0x4d: {  	_ =	swait.ge [sflag:s16], $0xE000  }
0x4e: {  	[sflag:s16] =	ssyncset.done $0x0  }
0x4f: {  	[sflag:s16] =	ssyncadd.s32 $0xFFFF2000  }
0x50: {  	[tilespmem:s17], [sflag:$0x3] =	stream.linear.gather [hbm4b:s7+s2], $0x1C0, $0x38;
	[tilespmem:$0x1C400] =	vst v63  }
0x51: {  	_ =	swait.ge [sflag:s13], $0x1C0  }
0x52: {  	[sflag:s13] =	ssyncset.done $0x0  }
0x53: {  	[sflag:s13] =	ssyncadd.s32 $0xFFFFFE40  }
0x54: {  	[tilespmem:s18], [sflag:$0x2] =	stream.indirect.gather [hbm4b:s3+s14], $0x80, s17, s14, $0xb8;
	[tilespmem:$0x1C400] =	vst v63  }
0x55: {  	_ = 	snop  }
0x56: {  	[hbm4b:s8+s2] =	stream.linear.scatter [tilespmem:s15], [sflag:$0x3], $0xE000, $0x38;
	[tilespmem:$0x1C400] =	vst v63  }
0x57: {  	_ =	swait.ge [sflag:s13], $0xE000  }
0x58: {  	[sflag:s13] =	ssyncset.done $0x0  }
0x59: {  	[sflag:s13] =	ssyncadd.s32 $0xFFFF2000  }
0x5a: {  	s20 =	sadd.s32 $0x1, s20;
	_ =	swait.ge [sflag:s19], $0xE000  }
0x5b: {  	p0 =	sne.s32 s20, s6;
	[sflag:s19] =	ssyncset.done $0x0  }
.Ltmp1:
0x5c: {  	[sflag:s19] =	ssyncadd.s32 $0xFFFF2000;
	(pc) =	sbr.rel @p0 .LBB2_1-.Ltmp1, $4  }
0x5d: {  	[hbm4b:s9+s2] =	stream.linear.scatter [tilespmem:s18], [sflag:$0x3], $0xE000, $0x38;
	[tilespmem:$0x1C400] =	vst v63  }
0x5e: {  	_ =	swait.ge [sflag:s13], $0xE000  }
0x5f: {  	[sflag:s13] =	ssyncset.done $0x0  }
0x60: {  	[sflag:s13] =	ssyncadd.s32 $0xFFFF2000  }
0x61: {  	_ =	sfence.sel $0x180000  }
0x62: {  	[bflag:$0x0] =	sbarrier.arrive $0xFFFF  }
0x63: {  	p0 =	sne.s32 s1, $0x0;
	_ =	strace $0x90000056  }
0x64: {  	s0 =	sadd.s32 @!p0 $0x100000, s0;
	[bflag:$0x2] =	sbarrier.arrive $0xFFFF  }
0x65: {  	[sflag:s0] =	ssyncadd.tile.s32 @!p0 $0x1;
	_ =	shalt  }
.Lfunc_end2:
_tile_overlayer_lowered:
.L_overlay_start_2:
0x66: {  	(tag) =	ssettag $0x2  }
0x67: {  	s0 =	rddreg [dreg:$0x0];
	s2 =	stileid.u32  }
0x68: {  	s1 =	rddreg [dreg:$0x1];
	p0 =	sne.s32 s2, $0x0  }
0x69: {  	s3 =	rddreg [dreg:$0x2];
	[bflag:$0x3] =	sbarrier.arrive $0xFFFF;
	s2 =	simm.s32 @!p0 $0x1C03  }
0x6a: {  	[timem:s3], [sflag:s2] =	dma.local @!p0 [hbm:s0], s1  }
0x6b: {  	s0 =	simm.s32 @!p0 $0x3  }
0x6c: {  	_ =	swait.ge @!p0 [sflag:s0], s1  }
0x6d: {  	s1 =	ssub.s32 @!p0 $0x0, s1;
	[sflag:s0] =	ssyncset.done @!p0 $0x0  }
0x6e: {  	[sflag:s0] =	ssyncadd.s32 @!p0 s1  }
0x6f: {  	[bflag:$0x3] =	sbarrier.arrive $0xFFFF  }
0x70: {  	_ =	shalt  }

</sc_bundles>
